<compile_context>
chip_gen: v7x
topology: tpu7x:2x2x1
jax: 0.10.2.dev20260603
libtpu: 0.0.44.dev20260713+nightly
codegen_flags: <defaults>
</compile_context>

<pallas_src>
import functools

import jax
import jax.numpy as jnp
from jax.experimental import pallas as pl
from jax.experimental.pallas import tpu as pltpu
from jax.experimental.pallas import tpu_sc as plsc

TOPK = 2


def _sc_row_gather(table, idx):
    B = idx.shape[0]
    _, D = table.shape
    info = plsc.get_sparse_core_info()
    NW = info.num_cores * info.num_subcores
    b_per_w = B // NW
    CH = min(64, b_per_w)
    n_ch = b_per_w // CH
    mesh = plsc.VectorSubcoreMesh(core_axis_name="c", subcore_axis_name="s")

    @functools.partial(
        pl.kernel, mesh=mesh,
        out_type=jax.ShapeDtypeStruct((B, D), table.dtype),
        scratch_types=[
            pltpu.VMEM((2, CH), jnp.int32),
            pltpu.VMEM((2, CH, D), table.dtype),
            pltpu.SemaphoreType.DMA,
            pltpu.SemaphoreType.DMA,
        ],
    )
    def k(table_hbm, idx_hbm, out_hbm, idx_v, rows_v, sem0, sem1):
        wid = jax.lax.axis_index("s") * info.num_cores + jax.lax.axis_index("c")
        base = wid * b_per_w
        sems = (sem0, sem1)
        pltpu.sync_copy(idx_hbm.at[pl.ds(base, CH)], idx_v.at[0])
        pending = [pltpu.async_copy(table_hbm.at[idx_v.at[0]], rows_v.at[0],
                                    sems[0])]
        for c in range(n_ch):
            cur = c % 2
            if c + 1 < n_ch:
                nxt = (c + 1) % 2
                o2 = base + (c + 1) * CH
                pltpu.sync_copy(idx_hbm.at[pl.ds(o2, CH)], idx_v.at[nxt])
                pending.append(pltpu.async_copy(table_hbm.at[idx_v.at[nxt]],
                                                rows_v.at[nxt], sems[nxt]))
            pending[c].wait()
            pltpu.sync_copy(rows_v.at[cur], out_hbm.at[pl.ds(base + c * CH, CH)])

    return k(table, idx)


def _gate_kernel(x_ref, gwT_ref, gb_ref, i1_ref, i2_ref, w1_ref, w2_ref):
    xb = x_ref[...]
    gb = gb_ref[0, :]
    logits = jnp.dot(xb, gwT_ref[...], preferred_element_type=jnp.float32)
    logits = logits + gb[None, :]
    orig = jax.nn.sigmoid(logits)
    scores = orig + gb[None, :]
    E = scores.shape[1]
    iotaE = jax.lax.broadcasted_iota(jnp.int32, scores.shape, 1)
    m1 = jnp.max(scores, axis=1, keepdims=True)
    i1 = jnp.min(jnp.where(scores == m1, iotaE, E), axis=1)
    oh1 = iotaE == i1[:, None]
    v1 = jnp.sum(jnp.where(oh1, orig, 0.0), axis=1)
    scores2 = jnp.where(oh1, -jnp.inf, scores)
    m2 = jnp.max(scores2, axis=1, keepdims=True)
    i2 = jnp.min(jnp.where(scores2 == m2, iotaE, E), axis=1)
    oh2 = iotaE == i2[:, None]
    v2 = jnp.sum(jnp.where(oh2, orig, 0.0), axis=1)
    s = v1 + v2
    i1_ref[0, 0, :] = i1.astype(jnp.int32)
    i2_ref[0, 0, :] = i2.astype(jnp.int32)
    w1_ref[0, 0, :] = v1 / s
    w2_ref[0, 0, :] = v2 / s


def _moe_kernel(bids_ref, gids_ref, rs_ref, re_ref, init_ref,
                xs_ref, w_ref, W1_ref, B1_ref, W3_ref, B3_ref, W2_ref, B2_ref,
                out_ref, *, blk):
    t = pl.program_id(0)
    rs = rs_ref[t]
    re_ = re_ref[t]

    @pl.when(re_ > rs)
    def _():
        xb = xs_ref[...].astype(jnp.bfloat16)
        gr = bids_ref[t] * blk + jax.lax.broadcasted_iota(jnp.int32, (blk, 1), 0)
        mask = (gr >= rs) & (gr < re_)
        wv = w_ref[0, 0, :].reshape(blk, 1) * mask.astype(jnp.float32)
        h1 = jnp.dot(xb, W1_ref[0].astype(jnp.bfloat16),
                     preferred_element_type=jnp.float32) + B1_ref[0]
        h3 = jnp.dot(xb, W3_ref[0].astype(jnp.bfloat16),
                     preferred_element_type=jnp.float32) + B3_ref[0]
        h = (jax.nn.silu(h1) * h3 * wv).astype(jnp.bfloat16)
        contrib = jnp.dot(h, W2_ref[0].astype(jnp.bfloat16),
                          preferred_element_type=jnp.float32)
        contrib = contrib + wv * B2_ref[0]

        @pl.when(init_ref[t] == 1)
        def _():
            out_ref[...] = contrib

        @pl.when(init_ref[t] == 0)
        def _():
            out_ref[...] += contrib


def _shared_kernel(x_ref, sw1_ref, sb1_ref, sw3_ref, sb3_ref,
                   sw2_ref, sb2_ref, o_ref):
    xb = x_ref[...]
    xb16 = xb.astype(jnp.bfloat16)
    h1 = jnp.dot(xb16, sw1_ref[...].astype(jnp.bfloat16),
                 preferred_element_type=jnp.float32) + sb1_ref[0, :][None, :]
    h3 = jnp.dot(xb16, sw3_ref[...].astype(jnp.bfloat16),
                 preferred_element_type=jnp.float32) + sb3_ref[0, :][None, :]
    h = (jax.nn.silu(h1) * h3).astype(jnp.bfloat16)
    z = jnp.dot(h, sw2_ref[...].astype(jnp.bfloat16),
                preferred_element_type=jnp.float32) + sb2_ref[0, :][None, :]
    o_ref[...] = z + xb


def _combine_kernel(zx_ref, y2_ref, o_ref):
    sb, d = o_ref.shape
    y2b = y2_ref[...].reshape(sb, 2, d).astype(jnp.float32)
    o_ref[...] = zx_ref[...] + y2b[:, 0, :] + y2b[:, 1, :]


def kernel(x, gate_w, gate_b, W1, B1, W2, B2, W3, B3, SW1, SB1, SW2, SB2, SW3, SB3):
    TOK, DIM = x.shape
    E, _, INTER = W1.shape
    TOKF = TOK * TOPK
    BLK = 256
    NB = TOKF // BLK
    NT = NB + E
    GB = min(2048, TOK)
    SB = min(1024, TOK)

    n_gb = TOK // GB
    gwT = gate_w.T
    gb2 = gate_b.reshape(1, E)
    i1, i2, w1, w2 = pl.pallas_call(
        _gate_kernel,
        grid=(n_gb,),
        in_specs=[
            pl.BlockSpec((GB, DIM), lambda i: (i, 0)),
            pl.BlockSpec((DIM, E), lambda i: (0, 0)),
            pl.BlockSpec((1, E), lambda i: (0, 0)),
        ],
        out_specs=[
            pl.BlockSpec((1, 1, GB), lambda i: (i, 0, 0)),
            pl.BlockSpec((1, 1, GB), lambda i: (i, 0, 0)),
            pl.BlockSpec((1, 1, GB), lambda i: (i, 0, 0)),
            pl.BlockSpec((1, 1, GB), lambda i: (i, 0, 0)),
        ],
        out_shape=[
            jax.ShapeDtypeStruct((n_gb, 1, GB), jnp.int32),
            jax.ShapeDtypeStruct((n_gb, 1, GB), jnp.int32),
            jax.ShapeDtypeStruct((n_gb, 1, GB), jnp.float32),
            jax.ShapeDtypeStruct((n_gb, 1, GB), jnp.float32),
        ],
    )(x, gwT, gb2)
    i1 = i1.reshape(TOK)
    i2 = i2.reshape(TOK)
    w1 = w1.reshape(TOK)
    w2 = w2.reshape(TOK)

    e_flat = jnp.stack([i1, i2], axis=1).reshape(-1)
    w_flat = jnp.stack([w1, w2], axis=1).reshape(-1)

    flat_ids = jnp.arange(TOKF, dtype=jnp.int32)
    order = jnp.argsort(e_flat).astype(jnp.int32)
    sorted_tok = order // TOPK
    sorted_w = jnp.take(w_flat, order)
    del flat_ids
    pos = jnp.argsort(order).astype(jnp.int32)
    counts = jnp.bincount(e_flat, length=E).astype(jnp.int32)
    off = jnp.concatenate([jnp.zeros(1, jnp.int32),
                           jnp.cumsum(counts)]).astype(jnp.int32)
    xs = _sc_row_gather(x, sorted_tok)

    fb = off[:-1] // BLK
    lb = jnp.where(counts > 0, (off[1:] - 1) // BLK, 0)
    tiles_per = jnp.where(counts > 0, lb - fb + 1, 0).astype(jnp.int32)
    tile_off = jnp.concatenate([jnp.zeros(1, jnp.int32),
                                jnp.cumsum(tiles_per)]).astype(jnp.int32)
    T = tile_off[-1]
    gids = jnp.repeat(jnp.arange(E, dtype=jnp.int32), tiles_per,
                      total_repeat_length=NT)
    valid = jnp.arange(NT, dtype=jnp.int32) < T
    last_gid = jnp.take(gids, T - 1)
    gids = jnp.where(valid, gids, last_gid)
    j = jnp.arange(NT, dtype=jnp.int32) - tile_off[gids]
    bids = jnp.where(valid, fb[gids] + j, NB - 1).astype(jnp.int32)
    row_start = jnp.where(valid, off[gids], 0).astype(jnp.int32)
    row_end = jnp.where(valid, off[gids + 1], 0).astype(jnp.int32)
    init = jnp.concatenate([jnp.ones(1, jnp.int32),
                            (bids[1:] != bids[:-1]).astype(jnp.int32)])

    sw3d = sorted_w.reshape(NB, 1, BLK)

    grid_spec = pltpu.PrefetchScalarGridSpec(
        num_scalar_prefetch=5,
        grid=(NT,),
        in_specs=[
            pl.BlockSpec((BLK, DIM), lambda t, b, g, rs, re, it: (b[t], 0)),
            pl.BlockSpec((1, 1, BLK), lambda t, b, g, rs, re, it: (b[t], 0, 0)),
            pl.BlockSpec((1, DIM, INTER), lambda t, b, g, rs, re, it: (g[t], 0, 0)),
            pl.BlockSpec((1, 1, INTER), lambda t, b, g, rs, re, it: (g[t], 0, 0)),
            pl.BlockSpec((1, DIM, INTER), lambda t, b, g, rs, re, it: (g[t], 0, 0)),
            pl.BlockSpec((1, 1, INTER), lambda t, b, g, rs, re, it: (g[t], 0, 0)),
            pl.BlockSpec((1, INTER, DIM), lambda t, b, g, rs, re, it: (g[t], 0, 0)),
            pl.BlockSpec((1, 1, DIM), lambda t, b, g, rs, re, it: (g[t], 0, 0)),
        ],
        out_specs=pl.BlockSpec((BLK, DIM), lambda t, b, g, rs, re, it: (b[t], 0)),
    )
    outs = pl.pallas_call(
        functools.partial(_moe_kernel, blk=BLK),
        grid_spec=grid_spec,
        out_shape=jax.ShapeDtypeStruct((TOKF, DIM), jnp.float32),
    )(bids, gids, row_start, row_end, init,
      xs, sw3d, W1, B1.reshape(E, 1, INTER), W3, B3.reshape(E, 1, INTER),
      W2, B2.reshape(E, 1, DIM))

    y2 = _sc_row_gather(outs, pos)

    n_sb = TOK // SB
    zx = pl.pallas_call(
        _shared_kernel,
        grid=(n_sb,),
        in_specs=[
            pl.BlockSpec((SB, DIM), lambda i: (i, 0)),
            pl.BlockSpec((DIM, SW1.shape[1]), lambda i: (0, 0)),
            pl.BlockSpec((1, SW1.shape[1]), lambda i: (0, 0)),
            pl.BlockSpec((DIM, SW1.shape[1]), lambda i: (0, 0)),
            pl.BlockSpec((1, SW1.shape[1]), lambda i: (0, 0)),
            pl.BlockSpec((SW1.shape[1], DIM), lambda i: (0, 0)),
            pl.BlockSpec((1, DIM), lambda i: (0, 0)),
        ],
        out_specs=pl.BlockSpec((SB, DIM), lambda i: (i, 0)),
        out_shape=jax.ShapeDtypeStruct((TOK, DIM), jnp.float32),
    )(x, SW1, SB1.reshape(1, -1), SW3, SB3.reshape(1, -1),
      SW2, SB2.reshape(1, -1))

    out = pl.pallas_call(
        _combine_kernel,
        grid=(n_sb,),
        in_specs=[
            pl.BlockSpec((SB, DIM), lambda i: (i, 0)),
            pl.BlockSpec((TOPK * SB, DIM), lambda i: (i, 0)),
        ],
        out_specs=pl.BlockSpec((SB, DIM), lambda i: (i, 0)),
        out_shape=jax.ShapeDtypeStruct((TOK, DIM), jnp.float32),
    )(zx, y2)
    return out

# --- scband reference (transcript-rebuilt; emitter-appended) ---
"""Pipeline reference for scband-mo-e-8469675508073 (READ-ONLY COPY).

The authoritative reference and input builder live on the scoring server;
editing this copy changes nothing except your own understanding.
"""

import jax, jax.numpy as jnp
import numpy as np

DIM = 768
INTER = 384
E = 64
TOPK = 2
N_SHARED = 2
ROUTE_SCALE = 1.0
TOK = 8192
SH_INTER = N_SHARED * INTER


def setup_inputs(seed: int = 0) -> dict:
    key = jax.random.key(seed)
    ks = jax.random.split(key, 16)
    s = 0.02
    inp = {
        "x": jax.random.normal(ks[0], (TOK, DIM), dtype=jnp.float32),
        "gate_w": jax.random.normal(ks[1], (E, DIM), dtype=jnp.float32) * s,
        "gate_b": jax.random.normal(ks[2], (E,), dtype=jnp.float32) * s,
        "W1": jax.random.normal(ks[3], (E, DIM, INTER), dtype=jnp.float32) * s,
        "B1": jnp.zeros((E, INTER), dtype=jnp.float32),
        "W2": jax.random.normal(ks[4], (E, INTER, DIM), dtype=jnp.float32) * s,
        "B2": jnp.zeros((E, DIM), dtype=jnp.float32),
        "W3": jax.random.normal(ks[5], (E, DIM, INTER), dtype=jnp.float32) * s,
        "B3": jnp.zeros((E, INTER), dtype=jnp.float32),
        "SW1": jax.random.normal(ks[6], (DIM, SH_INTER), dtype=jnp.float32) * s,
        "SB1": jnp.zeros((SH_INTER,), dtype=jnp.float32),
        "SW2": jax.random.normal(ks[7], (SH_INTER, DIM), dtype=jnp.float32) * s,
        "SB2": jnp.zeros((DIM,), dtype=jnp.float32),
        "SW3": jax.random.normal(ks[8], (DIM, SH_INTER), dtype=jnp.float32) * s,
        "SB3": jnp.zeros((SH_INTER,), dtype=jnp.float32),
    }
    return inp


def reference(x, gate_w, gate_b, W1, B1, W2, B2, W3, B3, SW1, SB1, SW2, SB2, SW3, SB3):
    # Gate: linear -> sigmoid -> (+bias) -> topk -> gather original scores -> normalize
    logits = x @ gate_w.T + gate_b
    original_scores = jax.nn.sigmoid(logits)
    scores = original_scores + gate_b  # bias added post-activation as in reference
    _, indices = jax.lax.top_k(scores, TOPK)
    weights = jnp.take_along_axis(original_scores, indices, axis=1)
    weights = weights / weights.sum(axis=-1, keepdims=True)
    weights = weights * ROUTE_SCALE

    # Routed experts: dense masked routing, SwiGLU MLP, weighted accumulate
    y = jnp.zeros_like(x)
    for i in range(E):
        wi = jnp.sum(jnp.where(indices == i, weights, 0.0), axis=1)
        h = jax.nn.silu(x @ W1[i] + B1[i]) * (x @ W3[i] + B3[i])
        out = h @ W2[i] + B2[i]
        y = y + out * wi[:, None]

    # Shared expert (runs on all tokens)
    z = (jax.nn.silu(x @ SW1 + SB1) * (x @ SW3 + SB3)) @ SW2 + SB2
    return y + z + x

if __name__ == "__main__":
    import jax
    _d = setup_inputs()
    print(jax.jit(kernel)(*tuple(_d.values())))

</pallas_src>

<mosaic_0001>
#map = affine_map<(d0, d1) -> (0, 0)>
#map1 = affine_map<(d0, d1) -> (0)>
module attributes {stable_mosaic.version = 14 : i64} {
  func.func @k(%arg0: i32, %arg1: i32, %arg2: memref<8192x768xf32, #tpu.memory_space<hbm>>, %arg3: memref<16384xi32, #tpu.memory_space<hbm>>, %arg4: memref<16384x768xf32, #tpu.memory_space<hbm>>, %arg5: memref<2x64xi32, #tpu.memory_space<vmem>>, %arg6: memref<2x64x768xf32, #tpu.memory_space<vmem>>, %arg7: memref<!tpu.dma_semaphore, #tpu.memory_space<semaphore_mem>>, %arg8: memref<!tpu.dma_semaphore, #tpu.memory_space<semaphore_mem>>) attributes {dimension_semantics = [#tpu.dimension_semantics<core_parallel>, #tpu.dimension_semantics<subcore_parallel>], iteration_bounds = array<i64: 2, 16>, scalar_prefetch = 0 : i64, scratch_operands = 4 : i64, tpu.core_type = #tpu.core_type<sc_vector_subcore>, window_params = [{transform_indices = #map}, {transform_indices = #map1}, {transform_indices = #map}]} {
    %mul3A = arith.constant 2 : i32
    %mul3A_0 = arith.muli %arg1, %mul3A : i32
    %add3A = arith.addi %mul3A_0, %arg0 : i32
    %mul3A_1 = arith.constant 512 : i32
    %mul3A_2 = arith.muli %add3A, %mul3A_1 : i32
    %run_scoped3A = arith.constant 0 : i32
    "tpu.region"() ({
      %run_scoped3A_238 = tpu.sem_alloc : memref<!tpu.dma_semaphore, #tpu.memory_space<semaphore_mem>>
      %dma_start3A_239 = arith.constant 0 : i32
      %dma_start3A_240 = tpu.memref_slice %arg5[%run_scoped3A, %dma_start3A_239] : memref<2x64xi32, #tpu.memory_space<vmem>> -> memref<1x64xi32, #tpu.memory_space<vmem>>
      %dma_start3A_241 = tpu.memref_squeeze %dma_start3A_240 : memref<1x64xi32, #tpu.memory_space<vmem>> -> memref<64xi32, #tpu.memory_space<vmem>>
      %dma_start3A_242 = tpu.memref_slice %arg3[%mul3A_2] : memref<16384xi32, #tpu.memory_space<hbm>> -> memref<64xi32, #tpu.memory_space<hbm>>
      %dma_start3A_243 = arith.constant 0 : i32
      %dma_start3A_244 = tpu.memref_slice %arg5[%run_scoped3A, %dma_start3A_243] : memref<2x64xi32, #tpu.memory_space<vmem>> -> memref<1x64xi32, #tpu.memory_space<vmem>>
      %dma_start3A_245 = tpu.memref_squeeze %dma_start3A_244 : memref<1x64xi32, #tpu.memory_space<vmem>> -> memref<64xi32, #tpu.memory_space<vmem>>
      %dma_start3A_246 = tpu.memref_slice %arg3[%mul3A_2] : memref<16384xi32, #tpu.memory_space<hbm>> -> memref<64xi32, #tpu.memory_space<hbm>>
      tpu.enqueue_dma source(%dma_start3A_246 : memref<64xi32, #tpu.memory_space<hbm>>) target(%dma_start3A_245 : memref<64xi32, #tpu.memory_space<vmem>>) target_semaphore(%run_scoped3A_238 : memref<!tpu.dma_semaphore, #tpu.memory_space<semaphore_mem>>)
      %dma_wait3A_247 = arith.constant 0 : i32
      %dma_wait3A_248 = tpu.memref_slice %arg5[%run_scoped3A, %dma_wait3A_247] : memref<2x64xi32, #tpu.memory_space<vmem>> -> memref<1x64xi32, #tpu.memory_space<vmem>>
      %dma_wait3A_249 = tpu.memref_squeeze %dma_wait3A_248 : memref<1x64xi32, #tpu.memory_space<vmem>> -> memref<64xi32, #tpu.memory_space<vmem>>
      %dma_wait3A_250 = tpu.memref_slice %arg3[%mul3A_2] : memref<16384xi32, #tpu.memory_space<hbm>> -> memref<64xi32, #tpu.memory_space<hbm>>
      %dma_wait3A_251 = arith.constant 0 : i32
      %dma_wait3A_252 = tpu.memref_slice %arg5[%run_scoped3A, %dma_wait3A_251] : memref<2x64xi32, #tpu.memory_space<vmem>> -> memref<1x64xi32, #tpu.memory_space<vmem>>
      %dma_wait3A_253 = tpu.memref_squeeze %dma_wait3A_252 : memref<1x64xi32, #tpu.memory_space<vmem>> -> memref<64xi32, #tpu.memory_space<vmem>>
      %dma_wait3A_254 = tpu.memref_slice %arg3[%mul3A_2] : memref<16384xi32, #tpu.memory_space<hbm>> -> memref<64xi32, #tpu.memory_space<hbm>>
      tpu.wait_dma2 semaphore(%run_scoped3A_238 : memref<!tpu.dma_semaphore, #tpu.memory_space<semaphore_mem>>) src(%dma_wait3A_254 : memref<64xi32, #tpu.memory_space<hbm>>) dst(%dma_wait3A_253 : memref<64xi32, #tpu.memory_space<vmem>>)
      tpu.yield
    }) : () -> ()
    %dma_start3A = arith.constant 0 : i32
    %dma_start3A_3 = arith.constant 0 : i32
    %dma_start3A_4 = arith.constant 0 : i32
    %dma_start3A_5 = arith.constant 0 : i32
    %dma_start3A_6 = tpu.memref_slice %arg6[%dma_start3A_3, %dma_start3A_4, %dma_start3A_5] : memref<2x64x768xf32, #tpu.memory_space<vmem>> -> memref<1x64x768xf32, #tpu.memory_space<vmem>>
    %dma_start3A_7 = tpu.memref_squeeze %dma_start3A_6 : memref<1x64x768xf32, #tpu.memory_space<vmem>> -> memref<64x768xf32, #tpu.memory_space<vmem>>
    %dma_start3A_8 = arith.constant 0 : i32
    %dma_start3A_9 = tpu.memref_slice %arg5[%dma_start3A, %dma_start3A_8] : memref<2x64xi32, #tpu.memory_space<vmem>> -> memref<1x64xi32, #tpu.memory_space<vmem>>
    %dma_start3A_10 = tpu.memref_squeeze %dma_start3A_9 : memref<1x64xi32, #tpu.memory_space<vmem>> -> memref<64xi32, #tpu.memory_space<vmem>>
    %dma_start3A_11 = arith.constant 0 : i32
    %dma_start3A_12 = arith.constant 0 : i32
    %dma_start3A_13 = tpu.memref_slice %arg2[%dma_start3A_11, %dma_start3A_12] : memref<8192x768xf32, #tpu.memory_space<hbm>> -> memref<8192x768xf32, #tpu.memory_space<hbm>>
    tpu.enqueue_indirect_dma source(%dma_start3A_13 : memref<8192x768xf32, #tpu.memory_space<hbm>>) target(%dma_start3A_7 : memref<64x768xf32, #tpu.memory_space<vmem>>) offsets(%dma_start3A_10 : memref<64xi32, #tpu.memory_space<vmem>>) semaphore(%arg7 : memref<!tpu.dma_semaphore, #tpu.memory_space<semaphore_mem>>)
    %add3A_14 = arith.constant 64 : i32
    %add3A_15 = arith.addi %mul3A_2, %add3A_14 : i32
    %run_scoped3A_16 = arith.constant 1 : i32
    "tpu.region"() ({
      %run_scoped3A_238 = tpu.sem_alloc : memref<!tpu.dma_semaphore, #tpu.memory_space<semaphore_mem>>
      %dma_start3A_239 = arith.constant 0 : i32
      %dma_start3A_240 = tpu.memref_slice %arg5[%run_scoped3A_16, %dma_start3A_239] : memref<2x64xi32, #tpu.memory_space<vmem>> -> memref<1x64xi32, #tpu.memory_space<vmem>>
      %dma_start3A_241 = tpu.memref_squeeze %dma_start3A_240 : memref<1x64xi32, #tpu.memory_space<vmem>> -> memref<64xi32, #tpu.memory_space<vmem>>
      %dma_start3A_242 = tpu.memref_slice %arg3[%add3A_15] : memref<16384xi32, #tpu.memory_space<hbm>> -> memref<64xi32, #tpu.memory_space<hbm>>
      %dma_start3A_243 = arith.constant 0 : i32
      %dma_start3A_244 = tpu.memref_slice %arg5[%run_scoped3A_16, %dma_start3A_243] : memref<2x64xi32, #tpu.memory_space<vmem>> -> memref<1x64xi32, #tpu.memory_space<vmem>>
      %dma_start3A_245 = tpu.memref_squeeze %dma_start3A_244 : memref<1x64xi32, #tpu.memory_space<vmem>> -> memref<64xi32, #tpu.memory_space<vmem>>
      %dma_start3A_246 = tpu.memref_slice %arg3[%add3A_15] : memref<16384xi32, #tpu.memory_space<hbm>> -> memref<64xi32, #tpu.memory_space<hbm>>
      tpu.enqueue_dma source(%dma_start3A_246 : memref<64xi32, #tpu.memory_space<hbm>>) target(%dma_start3A_245 : memref<64xi32, #tpu.memory_space<vmem>>) target_semaphore(%run_scoped3A_238 : memref<!tpu.dma_semaphore, #tpu.memory_space<semaphore_mem>>)
      %dma_wait3A_247 = arith.constant 0 : i32
      %dma_wait3A_248 = tpu.memref_slice %arg5[%run_scoped3A_16, %dma_wait3A_247] : memref<2x64xi32, #tpu.memory_space<vmem>> -> memref<1x64xi32, #tpu.memory_space<vmem>>
      %dma_wait3A_249 = tpu.memref_squeeze %dma_wait3A_248 : memref<1x64xi32, #tpu.memory_space<vmem>> -> memref<64xi32, #tpu.memory_space<vmem>>
      %dma_wait3A_250 = tpu.memref_slice %arg3[%add3A_15] : memref<16384xi32, #tpu.memory_space<hbm>> -> memref<64xi32, #tpu.memory_space<hbm>>
      %dma_wait3A_251 = arith.constant 0 : i32
      %dma_wait3A_252 = tpu.memref_slice %arg5[%run_scoped3A_16, %dma_wait3A_251] : memref<2x64xi32, #tpu.memory_space<vmem>> -> memref<1x64xi32, #tpu.memory_space<vmem>>
      %dma_wait3A_253 = tpu.memref_squeeze %dma_wait3A_252 : memref<1x64xi32, #tpu.memory_space<vmem>> -> memref<64xi32, #tpu.memory_space<vmem>>
      %dma_wait3A_254 = tpu.memref_slice %arg3[%add3A_15] : memref<16384xi32, #tpu.memory_space<hbm>> -> memref<64xi32, #tpu.memory_space<hbm>>
      tpu.wait_dma2 semaphore(%run_scoped3A_238 : memref<!tpu.dma_semaphore, #tpu.memory_space<semaphore_mem>>) src(%dma_wait3A_254 : memref<64xi32, #tpu.memory_space<hbm>>) dst(%dma_wait3A_253 : memref<64xi32, #tpu.memory_space<vmem>>)
      tpu.yield
    }) : () -> ()
    %dma_start3A_17 = arith.constant 1 : i32
    %dma_start3A_18 = arith.constant 1 : i32
    %dma_start3A_19 = arith.constant 0 : i32
    %dma_start3A_20 = arith.constant 0 : i32
    %dma_start3A_21 = tpu.memref_slice %arg6[%dma_start3A_18, %dma_start3A_19, %dma_start3A_20] : memref<2x64x768xf32, #tpu.memory_space<vmem>> -> memref<1x64x768xf32, #tpu.memory_space<vmem>>
    %dma_start3A_22 = tpu.memref_squeeze %dma_start3A_21 : memref<1x64x768xf32, #tpu.memory_space<vmem>> -> memref<64x768xf32, #tpu.memory_space<vmem>>
    %dma_start3A_23 = arith.constant 0 : i32
    %dma_start3A_24 = tpu.memref_slice %arg5[%dma_start3A_17, %dma_start3A_23] : memref<2x64xi32, #tpu.memory_space<vmem>> -> memref<1x64xi32, #tpu.memory_space<vmem>>
    %dma_start3A_25 = tpu.memref_squeeze %dma_start3A_24 : memref<1x64xi32, #tpu.memory_space<vmem>> -> memref<64xi32, #tpu.memory_space<vmem>>
    %dma_start3A_26 = arith.constant 0 : i32
    %dma_start3A_27 = arith.constant 0 : i32
    %dma_start3A_28 = tpu.memref_slice %arg2[%dma_start3A_26, %dma_start3A_27] : memref<8192x768xf32, #tpu.memory_space<hbm>> -> memref<8192x768xf32, #tpu.memory_space<hbm>>
    tpu.enqueue_indirect_dma source(%dma_start3A_28 : memref<8192x768xf32, #tpu.memory_space<hbm>>) target(%dma_start3A_22 : memref<64x768xf32, #tpu.memory_space<vmem>>) offsets(%dma_start3A_25 : memref<64xi32, #tpu.memory_space<vmem>>) semaphore(%arg8 : memref<!tpu.dma_semaphore, #tpu.memory_space<semaphore_mem>>)
    %dma_wait3A = arith.constant 0 : i32
    %dma_wait3A_29 = arith.constant 0 : i32
    %dma_wait3A_30 = arith.constant 0 : i32
    %dma_wait3A_31 = arith.constant 0 : i32
    %dma_wait3A_32 = tpu.memref_slice %arg6[%dma_wait3A_29, %dma_wait3A_30, %dma_wait3A_31] : memref<2x64x768xf32, #tpu.memory_space<vmem>> -> memref<1x64x768xf32, #tpu.memory_space<vmem>>
    %dma_wait3A_33 = tpu.memref_squeeze %dma_wait3A_32 : memref<1x64x768xf32, #tpu.memory_space<vmem>> -> memref<64x768xf32, #tpu.memory_space<vmem>>
    %dma_wait3A_34 = arith.constant 0 : i32
    %dma_wait3A_35 = tpu.memref_slice %arg5[%dma_wait3A, %dma_wait3A_34] : memref<2x64xi32, #tpu.memory_space<vmem>> -> memref<1x64xi32, #tpu.memory_space<vmem>>
    %dma_wait3A_36 = tpu.memref_squeeze %dma_wait3A_35 : memref<1x64xi32, #tpu.memory_space<vmem>> -> memref<64xi32, #tpu.memory_space<vmem>>
    %dma_wait3A_37 = arith.constant 0 : i32
    %dma_wait3A_38 = arith.constant 0 : i32
    %dma_wait3A_39 = tpu.memref_slice %arg2[%dma_wait3A_37, %dma_wait3A_38] : memref<8192x768xf32, #tpu.memory_space<hbm>> -> memref<8192x768xf32, #tpu.memory_space<hbm>>
    tpu.wait_indirect_dma semaphore(%arg7 : memref<!tpu.dma_semaphore, #tpu.memory_space<semaphore_mem>>) src(%dma_wait3A_39 : memref<8192x768xf32, #tpu.memory_space<hbm>>) dst(%dma_wait3A_33 : memref<64x768xf32, #tpu.memory_space<vmem>>)
    %add3A_40 = arith.constant 0 : i32
    %add3A_41 = arith.addi %mul3A_2, %add3A_40 : i32
    %run_scoped3A_42 = arith.constant 0 : i32
    "tpu.region"() ({
      %run_scoped3A_238 = tpu.sem_alloc : memref<!tpu.dma_semaphore, #tpu.memory_space<semaphore_mem>>
      %dma_start3A_239 = arith.constant 0 : i32
      %dma_start3A_240 = arith.constant 0 : i32
      %dma_start3A_241 = tpu.memref_slice %arg6[%run_scoped3A_42, %dma_start3A_239, %dma_start3A_240] : memref<2x64x768xf32, #tpu.memory_space<vmem>> -> memref<1x64x768xf32, #tpu.memory_space<vmem>>
      %dma_start3A_242 = tpu.memref_squeeze %dma_start3A_241 : memref<1x64x768xf32, #tpu.memory_space<vmem>> -> memref<64x768xf32, #tpu.memory_space<vmem>>
      %dma_start3A_243 = arith.constant 0 : i32
      %dma_start3A_244 = tpu.memref_slice %arg4[%add3A_41, %dma_start3A_243] : memref<16384x768xf32, #tpu.memory_space<hbm>> -> memref<64x768xf32, #tpu.memory_space<hbm>>
      %dma_start3A_245 = arith.constant 0 : i32
      %dma_start3A_246 = tpu.memref_slice %arg4[%add3A_41, %dma_start3A_245] : memref<16384x768xf32, #tpu.memory_space<hbm>> -> memref<64x768xf32, #tpu.memory_space<hbm>>
      %dma_start3A_247 = arith.constant 0 : i32
      %dma_start3A_248 = arith.constant 0 : i32
      %dma_start3A_249 = tpu.memref_slice %arg6[%run_scoped3A_42, %dma_start3A_247, %dma_start3A_248] : memref<2x64x768xf32, #tpu.memory_space<vmem>> -> memref<1x64x768xf32, #tpu.memory_space<vmem>>
      %dma_start3A_250 = tpu.memref_squeeze %dma_start3A_249 : memref<1x64x768xf32, #tpu.memory_space<vmem>> -> memref<64x768xf32, #tpu.memory_space<vmem>>
      tpu.enqueue_dma source(%dma_start3A_250 : memref<64x768xf32, #tpu.memory_space<vmem>>) target(%dma_start3A_246 : memref<64x768xf32, #tpu.memory_space<hbm>>) target_semaphore(%run_scoped3A_238 : memref<!tpu.dma_semaphore, #tpu.memory_space<semaphore_mem>>)
      %dma_wait3A_251 = arith.constant 0 : i32
      %dma_wait3A_252 = arith.constant 0 : i32
      %dma_wait3A_253 = tpu.memref_slice %arg6[%run_scoped3A_42, %dma_wait3A_251, %dma_wait3A_252] : memref<2x64x768xf32, #tpu.memory_space<vmem>> -> memref<1x64x768xf32, #tpu.memory_space<vmem>>
      %dma_wait3A_254 = tpu.memref_squeeze %dma_wait3A_253 : memref<1x64x768xf32, #tpu.memory_space<vmem>> -> memref<64x768xf32, #tpu.memory_space<vmem>>
      %dma_wait3A_255 = arith.constant 0 : i32
      %dma_wait3A_256 = tpu.memref_slice %arg4[%add3A_41, %dma_wait3A_255] : memref<16384x768xf32, #tpu.memory_space<hbm>> -> memref<64x768xf32, #tpu.memory_space<hbm>>
      %dma_wait3A_257 = arith.constant 0 : i32
      %dma_wait3A_258 = tpu.memref_slice %arg4[%add3A_41, %dma_wait3A_257] : memref<16384x768xf32, #tpu.memory_space<hbm>> -> memref<64x768xf32, #tpu.memory_space<hbm>>
      %dma_wait3A_259 = arith.constant 0 : i32
      %dma_wait3A_260 = arith.constant 0 : i32
      %dma_wait3A_261 = tpu.memref_slice %arg6[%run_scoped3A_42, %dma_wait3A_259, %dma_wait3A_260] : memref<2x64x768xf32, #tpu.memory_space<vmem>> -> memref<1x64x768xf32, #tpu.memory_space<vmem>>
      %dma_wait3A_262 = tpu.memref_squeeze %dma_wait3A_261 : memref<1x64x768xf32, #tpu.memory_space<vmem>> -> memref<64x768xf32, #tpu.memory_space<vmem>>
      tpu.wait_dma2 semaphore(%run_scoped3A_238 : memref<!tpu.dma_semaphore, #tpu.memory_space<semaphore_mem>>) src(%dma_wait3A_262 : memref<64x768xf32, #tpu.memory_space<vmem>>) dst(%dma_wait3A_258 : memref<64x768xf32, #tpu.memory_space<hbm>>)
      tpu.yield
    }) : () -> ()
    %add3A_43 = arith.constant 128 : i32
    %add3A_44 = arith.addi %mul3A_2, %add3A_43 : i32
    %run_scoped3A_45 = arith.constant 0 : i32
    "tpu.region"() ({
      %run_scoped3A_238 = tpu.sem_alloc : memref<!tpu.dma_semaphore, #tpu.memory_space<semaphore_mem>>
      %dma_start3A_239 = arith.constant 0 : i32
      %dma_start3A_240 = tpu.memref_slice %arg5[%run_scoped3A_45, %dma_start3A_239] : memref<2x64xi32, #tpu.memory_space<vmem>> -> memref<1x64xi32, #tpu.memory_space<vmem>>
      %dma_start3A_241 = tpu.memref_squeeze %dma_start3A_240 : memref<1x64xi32, #tpu.memory_space<vmem>> -> memref<64xi32, #tpu.memory_space<vmem>>
      %dma_start3A_242 = tpu.memref_slice %arg3[%add3A_44] : memref<16384xi32, #tpu.memory_space<hbm>> -> memref<64xi32, #tpu.memory_space<hbm>>
      %dma_start3A_243 = arith.constant 0 : i32
      %dma_start3A_244 = tpu.memref_slice %arg5[%run_scoped3A_45, %dma_start3A_243] : memref<2x64xi32, #tpu.memory_space<vmem>> -> memref<1x64xi32, #tpu.memory_space<vmem>>
      %dma_start3A_245 = tpu.memref_squeeze %dma_start3A_244 : memref<1x64xi32, #tpu.memory_space<vmem>> -> memref<64xi32, #tpu.memory_space<vmem>>
      %dma_start3A_246 = tpu.memref_slice %arg3[%add3A_44] : memref<16384xi32, #tpu.memory_space<hbm>> -> memref<64xi32, #tpu.memory_space<hbm>>
      tpu.enqueue_dma source(%dma_start3A_246 : memref<64xi32, #tpu.memory_space<hbm>>) target(%dma_start3A_245 : memref<64xi32, #tpu.memory_space<vmem>>) target_semaphore(%run_scoped3A_238 : memref<!tpu.dma_semaphore, #tpu.memory_space<semaphore_mem>>)
      %dma_wait3A_247 = arith.constant 0 : i32
      %dma_wait3A_248 = tpu.memref_slice %arg5[%run_scoped3A_45, %dma_wait3A_247] : memref<2x64xi32, #tpu.memory_space<vmem>> -> memref<1x64xi32, #tpu.memory_space<vmem>>
      %dma_wait3A_249 = tpu.memref_squeeze %dma_wait3A_248 : memref<1x64xi32, #tpu.memory_space<vmem>> -> memref<64xi32, #tpu.memory_space<vmem>>
      %dma_wait3A_250 = tpu.memref_slice %arg3[%add3A_44] : memref<16384xi32, #tpu.memory_space<hbm>> -> memref<64xi32, #tpu.memory_space<hbm>>
      %dma_wait3A_251 = arith.constant 0 : i32
      %dma_wait3A_252 = tpu.memref_slice %arg5[%run_scoped3A_45, %dma_wait3A_251] : memref<2x64xi32, #tpu.memory_space<vmem>> -> memref<1x64xi32, #tpu.memory_space<vmem>>
      %dma_wait3A_253 = tpu.memref_squeeze %dma_wait3A_252 : memref<1x64xi32, #tpu.memory_space<vmem>> -> memref<64xi32, #tpu.memory_space<vmem>>
      %dma_wait3A_254 = tpu.memref_slice %arg3[%add3A_44] : memref<16384xi32, #tpu.memory_space<hbm>> -> memref<64xi32, #tpu.memory_space<hbm>>
      tpu.wait_dma2 semaphore(%run_scoped3A_238 : memref<!tpu.dma_semaphore, #tpu.memory_space<semaphore_mem>>) src(%dma_wait3A_254 : memref<64xi32, #tpu.memory_space<hbm>>) dst(%dma_wait3A_253 : memref<64xi32, #tpu.memory_space<vmem>>)
      tpu.yield
    }) : () -> ()
    %dma_start3A_46 = arith.constant 0 : i32
    %dma_start3A_47 = arith.constant 0 : i32
    %dma_start3A_48 = arith.constant 0 : i32
    %dma_start3A_49 = arith.constant 0 : i32
    %dma_start3A_50 = tpu.memref_slice %arg6[%dma_start3A_47, %dma_start3A_48, %dma_start3A_49] : memref<2x64x768xf32, #tpu.memory_space<vmem>> -> memref<1x64x768xf32, #tpu.memory_space<vmem>>
    %dma_start3A_51 = tpu.memref_squeeze %dma_start3A_50 : memref<1x64x768xf32, #tpu.memory_space<vmem>> -> memref<64x768xf32, #tpu.memory_space<vmem>>
    %dma_start3A_52 = arith.constant 0 : i32
    %dma_start3A_53 = tpu.memref_slice %arg5[%dma_start3A_46, %dma_start3A_52] : memref<2x64xi32, #tpu.memory_space<vmem>> -> memref<1x64xi32, #tpu.memory_space<vmem>>
    %dma_start3A_54 = tpu.memref_squeeze %dma_start3A_53 : memref<1x64xi32, #tpu.memory_space<vmem>> -> memref<64xi32, #tpu.memory_space<vmem>>
    %dma_start3A_55 = arith.constant 0 : i32
    %dma_start3A_56 = arith.constant 0 : i32
    %dma_start3A_57 = tpu.memref_slice %arg2[%dma_start3A_55, %dma_start3A_56] : memref<8192x768xf32, #tpu.memory_space<hbm>> -> memref<8192x768xf32, #tpu.memory_space<hbm>>
    tpu.enqueue_indirect_dma source(%dma_start3A_57 : memref<8192x768xf32, #tpu.memory_space<hbm>>) target(%dma_start3A_51 : memref<64x768xf32, #tpu.memory_space<vmem>>) offsets(%dma_start3A_54 : memref<64xi32, #tpu.memory_space<vmem>>) semaphore(%arg7 : memref<!tpu.dma_semaphore, #tpu.memory_space<semaphore_mem>>)
    %dma_wait3A_58 = arith.constant 1 : i32
    %dma_wait3A_59 = arith.constant 1 : i32
    %dma_wait3A_60 = arith.constant 0 : i32
    %dma_wait3A_61 = arith.constant 0 : i32
    %dma_wait3A_62 = tpu.memref_slice %arg6[%dma_wait3A_59, %dma_wait3A_60, %dma_wait3A_61] : memref<2x64x768xf32, #tpu.memory_space<vmem>> -> memref<1x64x768xf32, #tpu.memory_space<vmem>>
    %dma_wait3A_63 = tpu.memref_squeeze %dma_wait3A_62 : memref<1x64x768xf32, #tpu.memory_space<vmem>> -> memref<64x768xf32, #tpu.memory_space<vmem>>
    %dma_wait3A_64 = arith.constant 0 : i32
    %dma_wait3A_65 = tpu.memref_slice %arg5[%dma_wait3A_58, %dma_wait3A_64] : memref<2x64xi32, #tpu.memory_space<vmem>> -> memref<1x64xi32, #tpu.memory_space<vmem>>
    %dma_wait3A_66 = tpu.memref_squeeze %dma_wait3A_65 : memref<1x64xi32, #tpu.memory_space<vmem>> -> memref<64xi32, #tpu.memory_space<vmem>>
    %dma_wait3A_67 = arith.constant 0 : i32
    %dma_wait3A_68 = arith.constant 0 : i32
    %dma_wait3A_69 = tpu.memref_slice %arg2[%dma_wait3A_67, %dma_wait3A_68] : memref<8192x768xf32, #tpu.memory_space<hbm>> -> memref<8192x768xf32, #tpu.memory_space<hbm>>
    tpu.wait_indirect_dma semaphore(%arg8 : memref<!tpu.dma_semaphore, #tpu.memory_space<semaphore_mem>>) src(%dma_wait3A_69 : memref<8192x768xf32, #tpu.memory_space<hbm>>) dst(%dma_wait3A_63 : memref<64x768xf32, #tpu.memory_space<vmem>>)
    %add3A_70 = arith.constant 64 : i32
    %add3A_71 = arith.addi %mul3A_2, %add3A_70 : i32
    %run_scoped3A_72 = arith.constant 1 : i32
    "tpu.region"() ({
      %run_scoped3A_238 = tpu.sem_alloc : memref<!tpu.dma_semaphore, #tpu.memory_space<semaphore_mem>>
      %dma_start3A_239 = arith.constant 0 : i32
      %dma_start3A_240 = arith.constant 0 : i32
      %dma_start3A_241 = tpu.memref_slice %arg6[%run_scoped3A_72, %dma_start3A_239, %dma_start3A_240] : memref<2x64x768xf32, #tpu.memory_space<vmem>> -> memref<1x64x768xf32, #tpu.memory_space<vmem>>
      %dma_start3A_242 = tpu.memref_squeeze %dma_start3A_241 : memref<1x64x768xf32, #tpu.memory_space<vmem>> -> memref<64x768xf32, #tpu.memory_space<vmem>>
      %dma_start3A_243 = arith.constant 0 : i32
      %dma_start3A_244 = tpu.memref_slice %arg4[%add3A_71, %dma_start3A_243] : memref<16384x768xf32, #tpu.memory_space<hbm>> -> memref<64x768xf32, #tpu.memory_space<hbm>>
      %dma_start3A_245 = arith.constant 0 : i32
      %dma_start3A_246 = tpu.memref_slice %arg4[%add3A_71, %dma_start3A_245] : memref<16384x768xf32, #tpu.memory_space<hbm>> -> memref<64x768xf32, #tpu.memory_space<hbm>>
      %dma_start3A_247 = arith.constant 0 : i32
      %dma_start3A_248 = arith.constant 0 : i32
      %dma_start3A_249 = tpu.memref_slice %arg6[%run_scoped3A_72, %dma_start3A_247, %dma_start3A_248] : memref<2x64x768xf32, #tpu.memory_space<vmem>> -> memref<1x64x768xf32, #tpu.memory_space<vmem>>
      %dma_start3A_250 = tpu.memref_squeeze %dma_start3A_249 : memref<1x64x768xf32, #tpu.memory_space<vmem>> -> memref<64x768xf32, #tpu.memory_space<vmem>>
      tpu.enqueue_dma source(%dma_start3A_250 : memref<64x768xf32, #tpu.memory_space<vmem>>) target(%dma_start3A_246 : memref<64x768xf32, #tpu.memory_space<hbm>>) target_semaphore(%run_scoped3A_238 : memref<!tpu.dma_semaphore, #tpu.memory_space<semaphore_mem>>)
      %dma_wait3A_251 = arith.constant 0 : i32
      %dma_wait3A_252 = arith.constant 0 : i32
      %dma_wait3A_253 = tpu.memref_slice %arg6[%run_scoped3A_72, %dma_wait3A_251, %dma_wait3A_252] : memref<2x64x768xf32, #tpu.memory_space<vmem>> -> memref<1x64x768xf32, #tpu.memory_space<vmem>>
      %dma_wait3A_254 = tpu.memref_squeeze %dma_wait3A_253 : memref<1x64x768xf32, #tpu.memory_space<vmem>> -> memref<64x768xf32, #tpu.memory_space<vmem>>
      %dma_wait3A_255 = arith.constant 0 : i32
      %dma_wait3A_256 = tpu.memref_slice %arg4[%add3A_71, %dma_wait3A_255] : memref<16384x768xf32, #tpu.memory_space<hbm>> -> memref<64x768xf32, #tpu.memory_space<hbm>>
      %dma_wait3A_257 = arith.constant 0 : i32
      %dma_wait3A_258 = tpu.memref_slice %arg4[%add3A_71, %dma_wait3A_257] : memref<16384x768xf32, #tpu.memory_space<hbm>> -> memref<64x768xf32, #tpu.memory_space<hbm>>
      %dma_wait3A_259 = arith.constant 0 : i32
      %dma_wait3A_260 = arith.constant 0 : i32
      %dma_wait3A_261 = tpu.memref_slice %arg6[%run_scoped3A_72, %dma_wait3A_259, %dma_wait3A_260] : memref<2x64x768xf32, #tpu.memory_space<vmem>> -> memref<1x64x768xf32, #tpu.memory_space<vmem>>
      %dma_wait3A_262 = tpu.memref_squeeze %dma_wait3A_261 : memref<1x64x768xf32, #tpu.memory_space<vmem>> -> memref<64x768xf32, #tpu.memory_space<vmem>>
      tpu.wait_dma2 semaphore(%run_scoped3A_238 : memref<!tpu.dma_semaphore, #tpu.memory_space<semaphore_mem>>) src(%dma_wait3A_262 : memref<64x768xf32, #tpu.memory_space<vmem>>) dst(%dma_wait3A_258 : memref<64x768xf32, #tpu.memory_space<hbm>>)
      tpu.yield
    }) : () -> ()
    %add3A_73 = arith.constant 192 : i32
    %add3A_74 = arith.addi %mul3A_2, %add3A_73 : i32
    %run_scoped3A_75 = arith.constant 1 : i32
    "tpu.region"() ({
      %run_scoped3A_238 = tpu.sem_alloc : memref<!tpu.dma_semaphore, #tpu.memory_space<semaphore_mem>>
      %dma_start3A_239 = arith.constant 0 : i32
      %dma_start3A_240 = tpu.memref_slice %arg5[%run_scoped3A_75, %dma_start3A_239] : memref<2x64xi32, #tpu.memory_space<vmem>> -> memref<1x64xi32, #tpu.memory_space<vmem>>
      %dma_start3A_241 = tpu.memref_squeeze %dma_start3A_240 : memref<1x64xi32, #tpu.memory_space<vmem>> -> memref<64xi32, #tpu.memory_space<vmem>>
      %dma_start3A_242 = tpu.memref_slice %arg3[%add3A_74] : memref<16384xi32, #tpu.memory_space<hbm>> -> memref<64xi32, #tpu.memory_space<hbm>>
      %dma_start3A_243 = arith.constant 0 : i32
      %dma_start3A_244 = tpu.memref_slice %arg5[%run_scoped3A_75, %dma_start3A_243] : memref<2x64xi32, #tpu.memory_space<vmem>> -> memref<1x64xi32, #tpu.memory_space<vmem>>
      %dma_start3A_245 = tpu.memref_squeeze %dma_start3A_244 : memref<1x64xi32, #tpu.memory_space<vmem>> -> memref<64xi32, #tpu.memory_space<vmem>>
      %dma_start3A_246 = tpu.memref_slice %arg3[%add3A_74] : memref<16384xi32, #tpu.memory_space<hbm>> -> memref<64xi32, #tpu.memory_space<hbm>>
      tpu.enqueue_dma source(%dma_start3A_246 : memref<64xi32, #tpu.memory_space<hbm>>) target(%dma_start3A_245 : memref<64xi32, #tpu.memory_space<vmem>>) target_semaphore(%run_scoped3A_238 : memref<!tpu.dma_semaphore, #tpu.memory_space<semaphore_mem>>)
      %dma_wait3A_247 = arith.constant 0 : i32
      %dma_wait3A_248 = tpu.memref_slice %arg5[%run_scoped3A_75, %dma_wait3A_247] : memref<2x64xi32, #tpu.memory_space<vmem>> -> memref<1x64xi32, #tpu.memory_space<vmem>>
      %dma_wait3A_249 = tpu.memref_squeeze %dma_wait3A_248 : memref<1x64xi32, #tpu.memory_space<vmem>> -> memref<64xi32, #tpu.memory_space<vmem>>
      %dma_wait3A_250 = tpu.memref_slice %arg3[%add3A_74] : memref<16384xi32, #tpu.memory_space<hbm>> -> memref<64xi32, #tpu.memory_space<hbm>>
      %dma_wait3A_251 = arith.constant 0 : i32
      %dma_wait3A_252 = tpu.memref_slice %arg5[%run_scoped3A_75, %dma_wait3A_251] : memref<2x64xi32, #tpu.memory_space<vmem>> -> memref<1x64xi32, #tpu.memory_space<vmem>>
      %dma_wait3A_253 = tpu.memref_squeeze %dma_wait3A_252 : memref<1x64xi32, #tpu.memory_space<vmem>> -> memref<64xi32, #tpu.memory_space<vmem>>
      %dma_wait3A_254 = tpu.memref_slice %arg3[%add3A_74] : memref<16384xi32, #tpu.memory_space<hbm>> -> memref<64xi32, #tpu.memory_space<hbm>>
      tpu.wait_dma2 semaphore(%run_scoped3A_238 : memref<!tpu.dma_semaphore, #tpu.memory_space<semaphore_mem>>) src(%dma_wait3A_254 : memref<64xi32, #tpu.memory_space<hbm>>) dst(%dma_wait3A_253 : memref<64xi32, #tpu.memory_space<vmem>>)
      tpu.yield
    }) : () -> ()
    %dma_start3A_76 = arith.constant 1 : i32
    %dma_start3A_77 = arith.constant 1 : i32
    %dma_start3A_78 = arith.constant 0 : i32
    %dma_start3A_79 = arith.constant 0 : i32
    %dma_start3A_80 = tpu.memref_slice %arg6[%dma_start3A_77, %dma_start3A_78, %dma_start3A_79] : memref<2x64x768xf32, #tpu.memory_space<vmem>> -> memref<1x64x768xf32, #tpu.memory_space<vmem>>
    %dma_start3A_81 = tpu.memref_squeeze %dma_start3A_80 : memref<1x64x768xf32, #tpu.memory_space<vmem>> -> memref<64x768xf32, #tpu.memory_space<vmem>>
    %dma_start3A_82 = arith.constant 0 : i32
    %dma_start3A_83 = tpu.memref_slice %arg5[%dma_start3A_76, %dma_start3A_82] : memref<2x64xi32, #tpu.memory_space<vmem>> -> memref<1x64xi32, #tpu.memory_space<vmem>>
    %dma_start3A_84 = tpu.memref_squeeze %dma_start3A_83 : memref<1x64xi32, #tpu.memory_space<vmem>> -> memref<64xi32, #tpu.memory_space<vmem>>
    %dma_start3A_85 = arith.constant 0 : i32
    %dma_start3A_86 = arith.constant 0 : i32
    %dma_start3A_87 = tpu.memref_slice %arg2[%dma_start3A_85, %dma_start3A_86] : memref<8192x768xf32, #tpu.memory_space<hbm>> -> memref<8192x768xf32, #tpu.memory_space<hbm>>
    tpu.enqueue_indirect_dma source(%dma_start3A_87 : memref<8192x768xf32, #tpu.memory_space<hbm>>) target(%dma_start3A_81 : memref<64x768xf32, #tpu.memory_space<vmem>>) offsets(%dma_start3A_84 : memref<64xi32, #tpu.memory_space<vmem>>) semaphore(%arg8 : memref<!tpu.dma_semaphore, #tpu.memory_space<semaphore_mem>>)
    %dma_wait3A_88 = arith.constant 0 : i32
    %dma_wait3A_89 = arith.constant 0 : i32
    %dma_wait3A_90 = arith.constant 0 : i32
    %dma_wait3A_91 = arith.constant 0 : i32
    %dma_wait3A_92 = tpu.memref_slice %arg6[%dma_wait3A_89, %dma_wait3A_90, %dma_wait3A_91] : memref<2x64x768xf32, #tpu.memory_space<vmem>> -> memref<1x64x768xf32, #tpu.memory_space<vmem>>
    %dma_wait3A_93 = tpu.memref_squeeze %dma_wait3A_92 : memref<1x64x768xf32, #tpu.memory_space<vmem>> -> memref<64x768xf32, #tpu.memory_space<vmem>>
    %dma_wait3A_94 = arith.constant 0 : i32
    %dma_wait3A_95 = tpu.memref_slice %arg5[%dma_wait3A_88, %dma_wait3A_94] : memref<2x64xi32, #tpu.memory_space<vmem>> -> memref<1x64xi32, #tpu.memory_space<vmem>>
    %dma_wait3A_96 = tpu.memref_squeeze %dma_wait3A_95 : memref<1x64xi32, #tpu.memory_space<vmem>> -> memref<64xi32, #tpu.memory_space<vmem>>
    %dma_wait3A_97 = arith.constant 0 : i32
    %dma_wait3A_98 = arith.constant 0 : i32
    %dma_wait3A_99 = tpu.memref_slice %arg2[%dma_wait3A_97, %dma_wait3A_98] : memref<8192x768xf32, #tpu.memory_space<hbm>> -> memref<8192x768xf32, #tpu.memory_space<hbm>>
    tpu.wait_indirect_dma semaphore(%arg7 : memref<!tpu.dma_semaphore, #tpu.memory_space<semaphore_mem>>) src(%dma_wait3A_99 : memref<8192x768xf32, #tpu.memory_space<hbm>>) dst(%dma_wait3A_93 : memref<64x768xf32, #tpu.memory_space<vmem>>)
    %add3A_100 = arith.constant 128 : i32
    %add3A_101 = arith.addi %mul3A_2, %add3A_100 : i32
    %run_scoped3A_102 = arith.constant 0 : i32
    "tpu.region"() ({
      %run_scoped3A_238 = tpu.sem_alloc : memref<!tpu.dma_semaphore, #tpu.memory_space<semaphore_mem>>
      %dma_start3A_239 = arith.constant 0 : i32
      %dma_start3A_240 = arith.constant 0 : i32
      %dma_start3A_241 = tpu.memref_slice %arg6[%run_scoped3A_102, %dma_start3A_239, %dma_start3A_240] : memref<2x64x768xf32, #tpu.memory_space<vmem>> -> memref<1x64x768xf32, #tpu.memory_space<vmem>>
      %dma_start3A_242 = tpu.memref_squeeze %dma_start3A_241 : memref<1x64x768xf32, #tpu.memory_space<vmem>> -> memref<64x768xf32, #tpu.memory_space<vmem>>
      %dma_start3A_243 = arith.constant 0 : i32
      %dma_start3A_244 = tpu.memref_slice %arg4[%add3A_101, %dma_start3A_243] : memref<16384x768xf32, #tpu.memory_space<hbm>> -> memref<64x768xf32, #tpu.memory_space<hbm>>
      %dma_start3A_245 = arith.constant 0 : i32
      %dma_start3A_246 = tpu.memref_slice %arg4[%add3A_101, %dma_start3A_245] : memref<16384x768xf32, #tpu.memory_space<hbm>> -> memref<64x768xf32, #tpu.memory_space<hbm>>
      %dma_start3A_247 = arith.constant 0 : i32
      %dma_start3A_248 = arith.constant 0 : i32
      %dma_start3A_249 = tpu.memref_slice %arg6[%run_scoped3A_102, %dma_start3A_247, %dma_start3A_248] : memref<2x64x768xf32, #tpu.memory_space<vmem>> -> memref<1x64x768xf32, #tpu.memory_space<vmem>>
      %dma_start3A_250 = tpu.memref_squeeze %dma_start3A_249 : memref<1x64x768xf32, #tpu.memory_space<vmem>> -> memref<64x768xf32, #tpu.memory_space<vmem>>
      tpu.enqueue_dma source(%dma_start3A_250 : memref<64x768xf32, #tpu.memory_space<vmem>>) target(%dma_start3A_246 : memref<64x768xf32, #tpu.memory_space<hbm>>) target_semaphore(%run_scoped3A_238 : memref<!tpu.dma_semaphore, #tpu.memory_space<semaphore_mem>>)
      %dma_wait3A_251 = arith.constant 0 : i32
      %dma_wait3A_252 = arith.constant 0 : i32
      %dma_wait3A_253 = tpu.memref_slice %arg6[%run_scoped3A_102, %dma_wait3A_251, %dma_wait3A_252] : memref<2x64x768xf32, #tpu.memory_space<vmem>> -> memref<1x64x768xf32, #tpu.memory_space<vmem>>
      %dma_wait3A_254 = tpu.memref_squeeze %dma_wait3A_253 : memref<1x64x768xf32, #tpu.memory_space<vmem>> -> memref<64x768xf32, #tpu.memory_space<vmem>>
      %dma_wait3A_255 = arith.constant 0 : i32
      %dma_wait3A_256 = tpu.memref_slice %arg4[%add3A_101, %dma_wait3A_255] : memref<16384x768xf32, #tpu.memory_space<hbm>> -> memref<64x768xf32, #tpu.memory_space<hbm>>
      %dma_wait3A_257 = arith.constant 0 : i32
      %dma_wait3A_258 = tpu.memref_slice %arg4[%add3A_101, %dma_wait3A_257] : memref<16384x768xf32, #tpu.memory_space<hbm>> -> memref<64x768xf32, #tpu.memory_space<hbm>>
      %dma_wait3A_259 = arith.constant 0 : i32
      %dma_wait3A_260 = arith.constant 0 : i32
      %dma_wait3A_261 = tpu.memref_slice %arg6[%run_scoped3A_102, %dma_wait3A_259, %dma_wait3A_260] : memref<2x64x768xf32, #tpu.memory_space<vmem>> -> memref<1x64x768xf32, #tpu.memory_space<vmem>>
      %dma_wait3A_262 = tpu.memref_squeeze %dma_wait3A_261 : memref<1x64x768xf32, #tpu.memory_space<vmem>> -> memref<64x768xf32, #tpu.memory_space<vmem>>
      tpu.wait_dma2 semaphore(%run_scoped3A_238 : memref<!tpu.dma_semaphore, #tpu.memory_space<semaphore_mem>>) src(%dma_wait3A_262 : memref<64x768xf32, #tpu.memory_space<vmem>>) dst(%dma_wait3A_258 : memref<64x768xf32, #tpu.memory_space<hbm>>)
      tpu.yield
    }) : () -> ()
    %add3A_103 = arith.constant 256 : i32
    %add3A_104 = arith.addi %mul3A_2, %add3A_103 : i32
    %run_scoped3A_105 = arith.constant 0 : i32
    "tpu.region"() ({
      %run_scoped3A_238 = tpu.sem_alloc : memref<!tpu.dma_semaphore, #tpu.memory_space<semaphore_mem>>
      %dma_start3A_239 = arith.constant 0 : i32
      %dma_start3A_240 = tpu.memref_slice %arg5[%run_scoped3A_105, %dma_start3A_239] : memref<2x64xi32, #tpu.memory_space<vmem>> -> memref<1x64xi32, #tpu.memory_space<vmem>>
      %dma_start3A_241 = tpu.memref_squeeze %dma_start3A_240 : memref<1x64xi32, #tpu.memory_space<vmem>> -> memref<64xi32, #tpu.memory_space<vmem>>
      %dma_start3A_242 = tpu.memref_slice %arg3[%add3A_104] : memref<16384xi32, #tpu.memory_space<hbm>> -> memref<64xi32, #tpu.memory_space<hbm>>
      %dma_start3A_243 = arith.constant 0 : i32
      %dma_start3A_244 = tpu.memref_slice %arg5[%run_scoped3A_105, %dma_start3A_243] : memref<2x64xi32, #tpu.memory_space<vmem>> -> memref<1x64xi32, #tpu.memory_space<vmem>>
      %dma_start3A_245 = tpu.memref_squeeze %dma_start3A_244 : memref<1x64xi32, #tpu.memory_space<vmem>> -> memref<64xi32, #tpu.memory_space<vmem>>
      %dma_start3A_246 = tpu.memref_slice %arg3[%add3A_104] : memref<16384xi32, #tpu.memory_space<hbm>> -> memref<64xi32, #tpu.memory_space<hbm>>
      tpu.enqueue_dma source(%dma_start3A_246 : memref<64xi32, #tpu.memory_space<hbm>>) target(%dma_start3A_245 : memref<64xi32, #tpu.memory_space<vmem>>) target_semaphore(%run_scoped3A_238 : memref<!tpu.dma_semaphore, #tpu.memory_space<semaphore_mem>>)
      %dma_wait3A_247 = arith.constant 0 : i32
      %dma_wait3A_248 = tpu.memref_slice %arg5[%run_scoped3A_105, %dma_wait3A_247] : memref<2x64xi32, #tpu.memory_space<vmem>> -> memref<1x64xi32, #tpu.memory_space<vmem>>
      %dma_wait3A_249 = tpu.memref_squeeze %dma_wait3A_248 : memref<1x64xi32, #tpu.memory_space<vmem>> -> memref<64xi32, #tpu.memory_space<vmem>>
      %dma_wait3A_250 = tpu.memref_slice %arg3[%add3A_104] : memref<16384xi32, #tpu.memory_space<hbm>> -> memref<64xi32, #tpu.memory_space<hbm>>
      %dma_wait3A_251 = arith.constant 0 : i32
      %dma_wait3A_252 = tpu.memref_slice %arg5[%run_scoped3A_105, %dma_wait3A_251] : memref<2x64xi32, #tpu.memory_space<vmem>> -> memref<1x64xi32, #tpu.memory_space<vmem>>
      %dma_wait3A_253 = tpu.memref_squeeze %dma_wait3A_252 : memref<1x64xi32, #tpu.memory_space<vmem>> -> memref<64xi32, #tpu.memory_space<vmem>>
      %dma_wait3A_254 = tpu.memref_slice %arg3[%add3A_104] : memref<16384xi32, #tpu.memory_space<hbm>> -> memref<64xi32, #tpu.memory_space<hbm>>
      tpu.wait_dma2 semaphore(%run_scoped3A_238 : memref<!tpu.dma_semaphore, #tpu.memory_space<semaphore_mem>>) src(%dma_wait3A_254 : memref<64xi32, #tpu.memory_space<hbm>>) dst(%dma_wait3A_253 : memref<64xi32, #tpu.memory_space<vmem>>)
      tpu.yield
    }) : () -> ()
    %dma_start3A_106 = arith.constant 0 : i32
    %dma_start3A_107 = arith.constant 0 : i32
    %dma_start3A_108 = arith.constant 0 : i32
    %dma_start3A_109 = arith.constant 0 : i32
    %dma_start3A_110 = tpu.memref_slice %arg6[%dma_start3A_107, %dma_start3A_108, %dma_start3A_109] : memref<2x64x768xf32, #tpu.memory_space<vmem>> -> memref<1x64x768xf32, #tpu.memory_space<vmem>>
    %dma_start3A_111 = tpu.memref_squeeze %dma_start3A_110 : memref<1x64x768xf32, #tpu.memory_space<vmem>> -> memref<64x768xf32, #tpu.memory_space<vmem>>
    %dma_start3A_112 = arith.constant 0 : i32
    %dma_start3A_113 = tpu.memref_slice %arg5[%dma_start3A_106, %dma_start3A_112] : memref<2x64xi32, #tpu.memory_space<vmem>> -> memref<1x64xi32, #tpu.memory_space<vmem>>
    %dma_start3A_114 = tpu.memref_squeeze %dma_start3A_113 : memref<1x64xi32, #tpu.memory_space<vmem>> -> memref<64xi32, #tpu.memory_space<vmem>>
    %dma_start3A_115 = arith.constant 0 : i32
    %dma_start3A_116 = arith.constant 0 : i32
    %dma_start3A_117 = tpu.memref_slice %arg2[%dma_start3A_115, %dma_start3A_116] : memref<8192x768xf32, #tpu.memory_space<hbm>> -> memref<8192x768xf32, #tpu.memory_space<hbm>>
    tpu.enqueue_indirect_dma source(%dma_start3A_117 : memref<8192x768xf32, #tpu.memory_space<hbm>>) target(%dma_start3A_111 : memref<64x768xf32, #tpu.memory_space<vmem>>) offsets(%dma_start3A_114 : memref<64xi32, #tpu.memory_space<vmem>>) semaphore(%arg7 : memref<!tpu.dma_semaphore, #tpu.memory_space<semaphore_mem>>)
    %dma_wait3A_118 = arith.constant 1 : i32
    %dma_wait3A_119 = arith.constant 1 : i32
    %dma_wait3A_120 = arith.constant 0 : i32
    %dma_wait3A_121 = arith.constant 0 : i32
    %dma_wait3A_122 = tpu.memref_slice %arg6[%dma_wait3A_119, %dma_wait3A_120, %dma_wait3A_121] : memref<2x64x768xf32, #tpu.memory_space<vmem>> -> memref<1x64x768xf32, #tpu.memory_space<vmem>>
    %dma_wait3A_123 = tpu.memref_squeeze %dma_wait3A_122 : memref<1x64x768xf32, #tpu.memory_space<vmem>> -> memref<64x768xf32, #tpu.memory_space<vmem>>
    %dma_wait3A_124 = arith.constant 0 : i32
    %dma_wait3A_125 = tpu.memref_slice %arg5[%dma_wait3A_118, %dma_wait3A_124] : memref<2x64xi32, #tpu.memory_space<vmem>> -> memref<1x64xi32, #tpu.memory_space<vmem>>
    %dma_wait3A_126 = tpu.memref_squeeze %dma_wait3A_125 : memref<1x64xi32, #tpu.memory_space<vmem>> -> memref<64xi32, #tpu.memory_space<vmem>>
    %dma_wait3A_127 = arith.constant 0 : i32
    %dma_wait3A_128 = arith.constant 0 : i32
    %dma_wait3A_129 = tpu.memref_slice %arg2[%dma_wait3A_127, %dma_wait3A_128] : memref<8192x768xf32, #tpu.memory_space<hbm>> -> memref<8192x768xf32, #tpu.memory_space<hbm>>
    tpu.wait_indirect_dma semaphore(%arg8 : memref<!tpu.dma_semaphore, #tpu.memory_space<semaphore_mem>>) src(%dma_wait3A_129 : memref<8192x768xf32, #tpu.memory_space<hbm>>) dst(%dma_wait3A_123 : memref<64x768xf32, #tpu.memory_space<vmem>>)
    %add3A_130 = arith.constant 192 : i32
    %add3A_131 = arith.addi %mul3A_2, %add3A_130 : i32
    %run_scoped3A_132 = arith.constant 1 : i32
    "tpu.region"() ({
      %run_scoped3A_238 = tpu.sem_alloc : memref<!tpu.dma_semaphore, #tpu.memory_space<semaphore_mem>>
      %dma_start3A_239 = arith.constant 0 : i32
      %dma_start3A_240 = arith.constant 0 : i32
      %dma_start3A_241 = tpu.memref_slice %arg6[%run_scoped3A_132, %dma_start3A_239, %dma_start3A_240] : memref<2x64x768xf32, #tpu.memory_space<vmem>> -> memref<1x64x768xf32, #tpu.memory_space<vmem>>
      %dma_start3A_242 = tpu.memref_squeeze %dma_start3A_241 : memref<1x64x768xf32, #tpu.memory_space<vmem>> -> memref<64x768xf32, #tpu.memory_space<vmem>>
      %dma_start3A_243 = arith.constant 0 : i32
      %dma_start3A_244 = tpu.memref_slice %arg4[%add3A_131, %dma_start3A_243] : memref<16384x768xf32, #tpu.memory_space<hbm>> -> memref<64x768xf32, #tpu.memory_space<hbm>>
      %dma_start3A_245 = arith.constant 0 : i32
      %dma_start3A_246 = tpu.memref_slice %arg4[%add3A_131, %dma_start3A_245] : memref<16384x768xf32, #tpu.memory_space<hbm>> -> memref<64x768xf32, #tpu.memory_space<hbm>>
      %dma_start3A_247 = arith.constant 0 : i32
      %dma_start3A_248 = arith.constant 0 : i32
      %dma_start3A_249 = tpu.memref_slice %arg6[%run_scoped3A_132, %dma_start3A_247, %dma_start3A_248] : memref<2x64x768xf32, #tpu.memory_space<vmem>> -> memref<1x64x768xf32, #tpu.memory_space<vmem>>
      %dma_start3A_250 = tpu.memref_squeeze %dma_start3A_249 : memref<1x64x768xf32, #tpu.memory_space<vmem>> -> memref<64x768xf32, #tpu.memory_space<vmem>>
      tpu.enqueue_dma source(%dma_start3A_250 : memref<64x768xf32, #tpu.memory_space<vmem>>) target(%dma_start3A_246 : memref<64x768xf32, #tpu.memory_space<hbm>>) target_semaphore(%run_scoped3A_238 : memref<!tpu.dma_semaphore, #tpu.memory_space<semaphore_mem>>)
      %dma_wait3A_251 = arith.constant 0 : i32
      %dma_wait3A_252 = arith.constant 0 : i32
      %dma_wait3A_253 = tpu.memref_slice %arg6[%run_scoped3A_132, %dma_wait3A_251, %dma_wait3A_252] : memref<2x64x768xf32, #tpu.memory_space<vmem>> -> memref<1x64x768xf32, #tpu.memory_space<vmem>>
      %dma_wait3A_254 = tpu.memref_squeeze %dma_wait3A_253 : memref<1x64x768xf32, #tpu.memory_space<vmem>> -> memref<64x768xf32, #tpu.memory_space<vmem>>
      %dma_wait3A_255 = arith.constant 0 : i32
      %dma_wait3A_256 = tpu.memref_slice %arg4[%add3A_131, %dma_wait3A_255] : memref<16384x768xf32, #tpu.memory_space<hbm>> -> memref<64x768xf32, #tpu.memory_space<hbm>>
      %dma_wait3A_257 = arith.constant 0 : i32
      %dma_wait3A_258 = tpu.memref_slice %arg4[%add3A_131, %dma_wait3A_257] : memref<16384x768xf32, #tpu.memory_space<hbm>> -> memref<64x768xf32, #tpu.memory_space<hbm>>
      %dma_wait3A_259 = arith.constant 0 : i32
      %dma_wait3A_260 = arith.constant 0 : i32
      %dma_wait3A_261 = tpu.memref_slice %arg6[%run_scoped3A_132, %dma_wait3A_259, %dma_wait3A_260] : memref<2x64x768xf32, #tpu.memory_space<vmem>> -> memref<1x64x768xf32, #tpu.memory_space<vmem>>
      %dma_wait3A_262 = tpu.memref_squeeze %dma_wait3A_261 : memref<1x64x768xf32, #tpu.memory_space<vmem>> -> memref<64x768xf32, #tpu.memory_space<vmem>>
      tpu.wait_dma2 semaphore(%run_scoped3A_238 : memref<!tpu.dma_semaphore, #tpu.memory_space<semaphore_mem>>) src(%dma_wait3A_262 : memref<64x768xf32, #tpu.memory_space<vmem>>) dst(%dma_wait3A_258 : memref<64x768xf32, #tpu.memory_space<hbm>>)
      tpu.yield
    }) : () -> ()
    %add3A_133 = arith.constant 320 : i32
    %add3A_134 = arith.addi %mul3A_2, %add3A_133 : i32
    %run_scoped3A_135 = arith.constant 1 : i32
    "tpu.region"() ({
      %run_scoped3A_238 = tpu.sem_alloc : memref<!tpu.dma_semaphore, #tpu.memory_space<semaphore_mem>>
      %dma_start3A_239 = arith.constant 0 : i32
      %dma_start3A_240 = tpu.memref_slice %arg5[%run_scoped3A_135, %dma_start3A_239] : memref<2x64xi32, #tpu.memory_space<vmem>> -> memref<1x64xi32, #tpu.memory_space<vmem>>
      %dma_start3A_241 = tpu.memref_squeeze %dma_start3A_240 : memref<1x64xi32, #tpu.memory_space<vmem>> -> memref<64xi32, #tpu.memory_space<vmem>>
      %dma_start3A_242 = tpu.memref_slice %arg3[%add3A_134] : memref<16384xi32, #tpu.memory_space<hbm>> -> memref<64xi32, #tpu.memory_space<hbm>>
      %dma_start3A_243 = arith.constant 0 : i32
      %dma_start3A_244 = tpu.memref_slice %arg5[%run_scoped3A_135, %dma_start3A_243] : memref<2x64xi32, #tpu.memory_space<vmem>> -> memref<1x64xi32, #tpu.memory_space<vmem>>
      %dma_start3A_245 = tpu.memref_squeeze %dma_start3A_244 : memref<1x64xi32, #tpu.memory_space<vmem>> -> memref<64xi32, #tpu.memory_space<vmem>>
      %dma_start3A_246 = tpu.memref_slice %arg3[%add3A_134] : memref<16384xi32, #tpu.memory_space<hbm>> -> memref<64xi32, #tpu.memory_space<hbm>>
      tpu.enqueue_dma source(%dma_start3A_246 : memref<64xi32, #tpu.memory_space<hbm>>) target(%dma_start3A_245 : memref<64xi32, #tpu.memory_space<vmem>>) target_semaphore(%run_scoped3A_238 : memref<!tpu.dma_semaphore, #tpu.memory_space<semaphore_mem>>)
      %dma_wait3A_247 = arith.constant 0 : i32
      %dma_wait3A_248 = tpu.memref_slice %arg5[%run_scoped3A_135, %dma_wait3A_247] : memref<2x64xi32, #tpu.memory_space<vmem>> -> memref<1x64xi32, #tpu.memory_space<vmem>>
      %dma_wait3A_249 = tpu.memref_squeeze %dma_wait3A_248 : memref<1x64xi32, #tpu.memory_space<vmem>> -> memref<64xi32, #tpu.memory_space<vmem>>
      %dma_wait3A_250 = tpu.memref_slice %arg3[%add3A_134] : memref<16384xi32, #tpu.memory_space<hbm>> -> memref<64xi32, #tpu.memory_space<hbm>>
      %dma_wait3A_251 = arith.constant 0 : i32
      %dma_wait3A_252 = tpu.memref_slice %arg5[%run_scoped3A_135, %dma_wait3A_251] : memref<2x64xi32, #tpu.memory_space<vmem>> -> memref<1x64xi32, #tpu.memory_space<vmem>>
      %dma_wait3A_253 = tpu.memref_squeeze %dma_wait3A_252 : memref<1x64xi32, #tpu.memory_space<vmem>> -> memref<64xi32, #tpu.memory_space<vmem>>
      %dma_wait3A_254 = tpu.memref_slice %arg3[%add3A_134] : memref<16384xi32, #tpu.memory_space<hbm>> -> memref<64xi32, #tpu.memory_space<hbm>>
      tpu.wait_dma2 semaphore(%run_scoped3A_238 : memref<!tpu.dma_semaphore, #tpu.memory_space<semaphore_mem>>) src(%dma_wait3A_254 : memref<64xi32, #tpu.memory_space<hbm>>) dst(%dma_wait3A_253 : memref<64xi32, #tpu.memory_space<vmem>>)
      tpu.yield
    }) : () -> ()
    %dma_start3A_136 = arith.constant 1 : i32
    %dma_start3A_137 = arith.constant 1 : i32
    %dma_start3A_138 = arith.constant 0 : i32
    %dma_start3A_139 = arith.constant 0 : i32
    %dma_start3A_140 = tpu.memref_slice %arg6[%dma_start3A_137, %dma_start3A_138, %dma_start3A_139] : memref<2x64x768xf32, #tpu.memory_space<vmem>> -> memref<1x64x768xf32, #tpu.memory_space<vmem>>
    %dma_start3A_141 = tpu.memref_squeeze %dma_start3A_140 : memref<1x64x768xf32, #tpu.memory_space<vmem>> -> memref<64x768xf32, #tpu.memory_space<vmem>>
    %dma_start3A_142 = arith.constant 0 : i32
    %dma_start3A_143 = tpu.memref_slice %arg5[%dma_start3A_136, %dma_start3A_142] : memref<2x64xi32, #tpu.memory_space<vmem>> -> memref<1x64xi32, #tpu.memory_space<vmem>>
    %dma_start3A_144 = tpu.memref_squeeze %dma_start3A_143 : memref<1x64xi32, #tpu.memory_space<vmem>> -> memref<64xi32, #tpu.memory_space<vmem>>
    %dma_start3A_145 = arith.constant 0 : i32
    %dma_start3A_146 = arith.constant 0 : i32
    %dma_start3A_147 = tpu.memref_slice %arg2[%dma_start3A_145, %dma_start3A_146] : memref<8192x768xf32, #tpu.memory_space<hbm>> -> memref<8192x768xf32, #tpu.memory_space<hbm>>
    tpu.enqueue_indirect_dma source(%dma_start3A_147 : memref<8192x768xf32, #tpu.memory_space<hbm>>) target(%dma_start3A_141 : memref<64x768xf32, #tpu.memory_space<vmem>>) offsets(%dma_start3A_144 : memref<64xi32, #tpu.memory_space<vmem>>) semaphore(%arg8 : memref<!tpu.dma_semaphore, #tpu.memory_space<semaphore_mem>>)
    %dma_wait3A_148 = arith.constant 0 : i32
    %dma_wait3A_149 = arith.constant 0 : i32
    %dma_wait3A_150 = arith.constant 0 : i32
    %dma_wait3A_151 = arith.constant 0 : i32
    %dma_wait3A_152 = tpu.memref_slice %arg6[%dma_wait3A_149, %dma_wait3A_150, %dma_wait3A_151] : memref<2x64x768xf32, #tpu.memory_space<vmem>> -> memref<1x64x768xf32, #tpu.memory_space<vmem>>
    %dma_wait3A_153 = tpu.memref_squeeze %dma_wait3A_152 : memref<1x64x768xf32, #tpu.memory_space<vmem>> -> memref<64x768xf32, #tpu.memory_space<vmem>>
    %dma_wait3A_154 = arith.constant 0 : i32
    %dma_wait3A_155 = tpu.memref_slice %arg5[%dma_wait3A_148, %dma_wait3A_154] : memref<2x64xi32, #tpu.memory_space<vmem>> -> memref<1x64xi32, #tpu.memory_space<vmem>>
    %dma_wait3A_156 = tpu.memref_squeeze %dma_wait3A_155 : memref<1x64xi32, #tpu.memory_space<vmem>> -> memref<64xi32, #tpu.memory_space<vmem>>
    %dma_wait3A_157 = arith.constant 0 : i32
    %dma_wait3A_158 = arith.constant 0 : i32
    %dma_wait3A_159 = tpu.memref_slice %arg2[%dma_wait3A_157, %dma_wait3A_158] : memref<8192x768xf32, #tpu.memory_space<hbm>> -> memref<8192x768xf32, #tpu.memory_space<hbm>>
    tpu.wait_indirect_dma semaphore(%arg7 : memref<!tpu.dma_semaphore, #tpu.memory_space<semaphore_mem>>) src(%dma_wait3A_159 : memref<8192x768xf32, #tpu.memory_space<hbm>>) dst(%dma_wait3A_153 : memref<64x768xf32, #tpu.memory_space<vmem>>)
    %add3A_160 = arith.constant 256 : i32
    %add3A_161 = arith.addi %mul3A_2, %add3A_160 : i32
    %run_scoped3A_162 = arith.constant 0 : i32
    "tpu.region"() ({
      %run_scoped3A_238 = tpu.sem_alloc : memref<!tpu.dma_semaphore, #tpu.memory_space<semaphore_mem>>
      %dma_start3A_239 = arith.constant 0 : i32
      %dma_start3A_240 = arith.constant 0 : i32
      %dma_start3A_241 = tpu.memref_slice %arg6[%run_scoped3A_162, %dma_start3A_239, %dma_start3A_240] : memref<2x64x768xf32, #tpu.memory_space<vmem>> -> memref<1x64x768xf32, #tpu.memory_space<vmem>>
      %dma_start3A_242 = tpu.memref_squeeze %dma_start3A_241 : memref<1x64x768xf32, #tpu.memory_space<vmem>> -> memref<64x768xf32, #tpu.memory_space<vmem>>
      %dma_start3A_243 = arith.constant 0 : i32
      %dma_start3A_244 = tpu.memref_slice %arg4[%add3A_161, %dma_start3A_243] : memref<16384x768xf32, #tpu.memory_space<hbm>> -> memref<64x768xf32, #tpu.memory_space<hbm>>
      %dma_start3A_245 = arith.constant 0 : i32
      %dma_start3A_246 = tpu.memref_slice %arg4[%add3A_161, %dma_start3A_245] : memref<16384x768xf32, #tpu.memory_space<hbm>> -> memref<64x768xf32, #tpu.memory_space<hbm>>
      %dma_start3A_247 = arith.constant 0 : i32
      %dma_start3A_248 = arith.constant 0 : i32
      %dma_start3A_249 = tpu.memref_slice %arg6[%run_scoped3A_162, %dma_start3A_247, %dma_start3A_248] : memref<2x64x768xf32, #tpu.memory_space<vmem>> -> memref<1x64x768xf32, #tpu.memory_space<vmem>>
      %dma_start3A_250 = tpu.memref_squeeze %dma_start3A_249 : memref<1x64x768xf32, #tpu.memory_space<vmem>> -> memref<64x768xf32, #tpu.memory_space<vmem>>
      tpu.enqueue_dma source(%dma_start3A_250 : memref<64x768xf32, #tpu.memory_space<vmem>>) target(%dma_start3A_246 : memref<64x768xf32, #tpu.memory_space<hbm>>) target_semaphore(%run_scoped3A_238 : memref<!tpu.dma_semaphore, #tpu.memory_space<semaphore_mem>>)
      %dma_wait3A_251 = arith.constant 0 : i32
      %dma_wait3A_252 = arith.constant 0 : i32
      %dma_wait3A_253 = tpu.memref_slice %arg6[%run_scoped3A_162, %dma_wait3A_251, %dma_wait3A_252] : memref<2x64x768xf32, #tpu.memory_space<vmem>> -> memref<1x64x768xf32, #tpu.memory_space<vmem>>
      %dma_wait3A_254 = tpu.memref_squeeze %dma_wait3A_253 : memref<1x64x768xf32, #tpu.memory_space<vmem>> -> memref<64x768xf32, #tpu.memory_space<vmem>>
      %dma_wait3A_255 = arith.constant 0 : i32
      %dma_wait3A_256 = tpu.memref_slice %arg4[%add3A_161, %dma_wait3A_255] : memref<16384x768xf32, #tpu.memory_space<hbm>> -> memref<64x768xf32, #tpu.memory_space<hbm>>
      %dma_wait3A_257 = arith.constant 0 : i32
      %dma_wait3A_258 = tpu.memref_slice %arg4[%add3A_161, %dma_wait3A_257] : memref<16384x768xf32, #tpu.memory_space<hbm>> -> memref<64x768xf32, #tpu.memory_space<hbm>>
      %dma_wait3A_259 = arith.constant 0 : i32
      %dma_wait3A_260 = arith.constant 0 : i32
      %dma_wait3A_261 = tpu.memref_slice %arg6[%run_scoped3A_162, %dma_wait3A_259, %dma_wait3A_260] : memref<2x64x768xf32, #tpu.memory_space<vmem>> -> memref<1x64x768xf32, #tpu.memory_space<vmem>>
      %dma_wait3A_262 = tpu.memref_squeeze %dma_wait3A_261 : memref<1x64x768xf32, #tpu.memory_space<vmem>> -> memref<64x768xf32, #tpu.memory_space<vmem>>
      tpu.wait_dma2 semaphore(%run_scoped3A_238 : memref<!tpu.dma_semaphore, #tpu.memory_space<semaphore_mem>>) src(%dma_wait3A_262 : memref<64x768xf32, #tpu.memory_space<vmem>>) dst(%dma_wait3A_258 : memref<64x768xf32, #tpu.memory_space<hbm>>)
      tpu.yield
    }) : () -> ()
    %add3A_163 = arith.constant 384 : i32
    %add3A_164 = arith.addi %mul3A_2, %add3A_163 : i32
    %run_scoped3A_165 = arith.constant 0 : i32
    "tpu.region"() ({
      %run_scoped3A_238 = tpu.sem_alloc : memref<!tpu.dma_semaphore, #tpu.memory_space<semaphore_mem>>
      %dma_start3A_239 = arith.constant 0 : i32
      %dma_start3A_240 = tpu.memref_slice %arg5[%run_scoped3A_165, %dma_start3A_239] : memref<2x64xi32, #tpu.memory_space<vmem>> -> memref<1x64xi32, #tpu.memory_space<vmem>>
      %dma_start3A_241 = tpu.memref_squeeze %dma_start3A_240 : memref<1x64xi32, #tpu.memory_space<vmem>> -> memref<64xi32, #tpu.memory_space<vmem>>
      %dma_start3A_242 = tpu.memref_slice %arg3[%add3A_164] : memref<16384xi32, #tpu.memory_space<hbm>> -> memref<64xi32, #tpu.memory_space<hbm>>
      %dma_start3A_243 = arith.constant 0 : i32
      %dma_start3A_244 = tpu.memref_slice %arg5[%run_scoped3A_165, %dma_start3A_243] : memref<2x64xi32, #tpu.memory_space<vmem>> -> memref<1x64xi32, #tpu.memory_space<vmem>>
      %dma_start3A_245 = tpu.memref_squeeze %dma_start3A_244 : memref<1x64xi32, #tpu.memory_space<vmem>> -> memref<64xi32, #tpu.memory_space<vmem>>
      %dma_start3A_246 = tpu.memref_slice %arg3[%add3A_164] : memref<16384xi32, #tpu.memory_space<hbm>> -> memref<64xi32, #tpu.memory_space<hbm>>
      tpu.enqueue_dma source(%dma_start3A_246 : memref<64xi32, #tpu.memory_space<hbm>>) target(%dma_start3A_245 : memref<64xi32, #tpu.memory_space<vmem>>) target_semaphore(%run_scoped3A_238 : memref<!tpu.dma_semaphore, #tpu.memory_space<semaphore_mem>>)
      %dma_wait3A_247 = arith.constant 0 : i32
      %dma_wait3A_248 = tpu.memref_slice %arg5[%run_scoped3A_165, %dma_wait3A_247] : memref<2x64xi32, #tpu.memory_space<vmem>> -> memref<1x64xi32, #tpu.memory_space<vmem>>
      %dma_wait3A_249 = tpu.memref_squeeze %dma_wait3A_248 : memref<1x64xi32, #tpu.memory_space<vmem>> -> memref<64xi32, #tpu.memory_space<vmem>>
      %dma_wait3A_250 = tpu.memref_slice %arg3[%add3A_164] : memref<16384xi32, #tpu.memory_space<hbm>> -> memref<64xi32, #tpu.memory_space<hbm>>
      %dma_wait3A_251 = arith.constant 0 : i32
      %dma_wait3A_252 = tpu.memref_slice %arg5[%run_scoped3A_165, %dma_wait3A_251] : memref<2x64xi32, #tpu.memory_space<vmem>> -> memref<1x64xi32, #tpu.memory_space<vmem>>
      %dma_wait3A_253 = tpu.memref_squeeze %dma_wait3A_252 : memref<1x64xi32, #tpu.memory_space<vmem>> -> memref<64xi32, #tpu.memory_space<vmem>>
      %dma_wait3A_254 = tpu.memref_slice %arg3[%add3A_164] : memref<16384xi32, #tpu.memory_space<hbm>> -> memref<64xi32, #tpu.memory_space<hbm>>
      tpu.wait_dma2 semaphore(%run_scoped3A_238 : memref<!tpu.dma_semaphore, #tpu.memory_space<semaphore_mem>>) src(%dma_wait3A_254 : memref<64xi32, #tpu.memory_space<hbm>>) dst(%dma_wait3A_253 : memref<64xi32, #tpu.memory_space<vmem>>)
      tpu.yield
    }) : () -> ()
    %dma_start3A_166 = arith.constant 0 : i32
    %dma_start3A_167 = arith.constant 0 : i32
    %dma_start3A_168 = arith.constant 0 : i32
    %dma_start3A_169 = arith.constant 0 : i32
    %dma_start3A_170 = tpu.memref_slice %arg6[%dma_start3A_167, %dma_start3A_168, %dma_start3A_169] : memref<2x64x768xf32, #tpu.memory_space<vmem>> -> memref<1x64x768xf32, #tpu.memory_space<vmem>>
    %dma_start3A_171 = tpu.memref_squeeze %dma_start3A_170 : memref<1x64x768xf32, #tpu.memory_space<vmem>> -> memref<64x768xf32, #tpu.memory_space<vmem>>
    %dma_start3A_172 = arith.constant 0 : i32
    %dma_start3A_173 = tpu.memref_slice %arg5[%dma_start3A_166, %dma_start3A_172] : memref<2x64xi32, #tpu.memory_space<vmem>> -> memref<1x64xi32, #tpu.memory_space<vmem>>
    %dma_start3A_174 = tpu.memref_squeeze %dma_start3A_173 : memref<1x64xi32, #tpu.memory_space<vmem>> -> memref<64xi32, #tpu.memory_space<vmem>>
    %dma_start3A_175 = arith.constant 0 : i32
    %dma_start3A_176 = arith.constant 0 : i32
    %dma_start3A_177 = tpu.memref_slice %arg2[%dma_start3A_175, %dma_start3A_176] : memref<8192x768xf32, #tpu.memory_space<hbm>> -> memref<8192x768xf32, #tpu.memory_space<hbm>>
    tpu.enqueue_indirect_dma source(%dma_start3A_177 : memref<8192x768xf32, #tpu.memory_space<hbm>>) target(%dma_start3A_171 : memref<64x768xf32, #tpu.memory_space<vmem>>) offsets(%dma_start3A_174 : memref<64xi32, #tpu.memory_space<vmem>>) semaphore(%arg7 : memref<!tpu.dma_semaphore, #tpu.memory_space<semaphore_mem>>)
    %dma_wait3A_178 = arith.constant 1 : i32
    %dma_wait3A_179 = arith.constant 1 : i32
    %dma_wait3A_180 = arith.constant 0 : i32
    %dma_wait3A_181 = arith.constant 0 : i32
    %dma_wait3A_182 = tpu.memref_slice %arg6[%dma_wait3A_179, %dma_wait3A_180, %dma_wait3A_181] : memref<2x64x768xf32, #tpu.memory_space<vmem>> -> memref<1x64x768xf32, #tpu.memory_space<vmem>>
    %dma_wait3A_183 = tpu.memref_squeeze %dma_wait3A_182 : memref<1x64x768xf32, #tpu.memory_space<vmem>> -> memref<64x768xf32, #tpu.memory_space<vmem>>
    %dma_wait3A_184 = arith.constant 0 : i32
    %dma_wait3A_185 = tpu.memref_slice %arg5[%dma_wait3A_178, %dma_wait3A_184] : memref<2x64xi32, #tpu.memory_space<vmem>> -> memref<1x64xi32, #tpu.memory_space<vmem>>
    %dma_wait3A_186 = tpu.memref_squeeze %dma_wait3A_185 : memref<1x64xi32, #tpu.memory_space<vmem>> -> memref<64xi32, #tpu.memory_space<vmem>>
    %dma_wait3A_187 = arith.constant 0 : i32
    %dma_wait3A_188 = arith.constant 0 : i32
    %dma_wait3A_189 = tpu.memref_slice %arg2[%dma_wait3A_187, %dma_wait3A_188] : memref<8192x768xf32, #tpu.memory_space<hbm>> -> memref<8192x768xf32, #tpu.memory_space<hbm>>
    tpu.wait_indirect_dma semaphore(%arg8 : memref<!tpu.dma_semaphore, #tpu.memory_space<semaphore_mem>>) src(%dma_wait3A_189 : memref<8192x768xf32, #tpu.memory_space<hbm>>) dst(%dma_wait3A_183 : memref<64x768xf32, #tpu.memory_space<vmem>>)
    %add3A_190 = arith.constant 320 : i32
    %add3A_191 = arith.addi %mul3A_2, %add3A_190 : i32
    %run_scoped3A_192 = arith.constant 1 : i32
    "tpu.region"() ({
      %run_scoped3A_238 = tpu.sem_alloc : memref<!tpu.dma_semaphore, #tpu.memory_space<semaphore_mem>>
      %dma_start3A_239 = arith.constant 0 : i32
      %dma_start3A_240 = arith.constant 0 : i32
      %dma_start3A_241 = tpu.memref_slice %arg6[%run_scoped3A_192, %dma_start3A_239, %dma_start3A_240] : memref<2x64x768xf32, #tpu.memory_space<vmem>> -> memref<1x64x768xf32, #tpu.memory_space<vmem>>
      %dma_start3A_242 = tpu.memref_squeeze %dma_start3A_241 : memref<1x64x768xf32, #tpu.memory_space<vmem>> -> memref<64x768xf32, #tpu.memory_space<vmem>>
      %dma_start3A_243 = arith.constant 0 : i32
      %dma_start3A_244 = tpu.memref_slice %arg4[%add3A_191, %dma_start3A_243] : memref<16384x768xf32, #tpu.memory_space<hbm>> -> memref<64x768xf32, #tpu.memory_space<hbm>>
      %dma_start3A_245 = arith.constant 0 : i32
      %dma_start3A_246 = tpu.memref_slice %arg4[%add3A_191, %dma_start3A_245] : memref<16384x768xf32, #tpu.memory_space<hbm>> -> memref<64x768xf32, #tpu.memory_space<hbm>>
      %dma_start3A_247 = arith.constant 0 : i32
      %dma_start3A_248 = arith.constant 0 : i32
      %dma_start3A_249 = tpu.memref_slice %arg6[%run_scoped3A_192, %dma_start3A_247, %dma_start3A_248] : memref<2x64x768xf32, #tpu.memory_space<vmem>> -> memref<1x64x768xf32, #tpu.memory_space<vmem>>
      %dma_start3A_250 = tpu.memref_squeeze %dma_start3A_249 : memref<1x64x768xf32, #tpu.memory_space<vmem>> -> memref<64x768xf32, #tpu.memory_space<vmem>>
      tpu.enqueue_dma source(%dma_start3A_250 : memref<64x768xf32, #tpu.memory_space<vmem>>) target(%dma_start3A_246 : memref<64x768xf32, #tpu.memory_space<hbm>>) target_semaphore(%run_scoped3A_238 : memref<!tpu.dma_semaphore, #tpu.memory_space<semaphore_mem>>)
      %dma_wait3A_251 = arith.constant 0 : i32
      %dma_wait3A_252 = arith.constant 0 : i32
      %dma_wait3A_253 = tpu.memref_slice %arg6[%run_scoped3A_192, %dma_wait3A_251, %dma_wait3A_252] : memref<2x64x768xf32, #tpu.memory_space<vmem>> -> memref<1x64x768xf32, #tpu.memory_space<vmem>>
      %dma_wait3A_254 = tpu.memref_squeeze %dma_wait3A_253 : memref<1x64x768xf32, #tpu.memory_space<vmem>> -> memref<64x768xf32, #tpu.memory_space<vmem>>
      %dma_wait3A_255 = arith.constant 0 : i32
      %dma_wait3A_256 = tpu.memref_slice %arg4[%add3A_191, %dma_wait3A_255] : memref<16384x768xf32, #tpu.memory_space<hbm>> -> memref<64x768xf32, #tpu.memory_space<hbm>>
      %dma_wait3A_257 = arith.constant 0 : i32
      %dma_wait3A_258 = tpu.memref_slice %arg4[%add3A_191, %dma_wait3A_257] : memref<16384x768xf32, #tpu.memory_space<hbm>> -> memref<64x768xf32, #tpu.memory_space<hbm>>
      %dma_wait3A_259 = arith.constant 0 : i32
      %dma_wait3A_260 = arith.constant 0 : i32
      %dma_wait3A_261 = tpu.memref_slice %arg6[%run_scoped3A_192, %dma_wait3A_259, %dma_wait3A_260] : memref<2x64x768xf32, #tpu.memory_space<vmem>> -> memref<1x64x768xf32, #tpu.memory_space<vmem>>
      %dma_wait3A_262 = tpu.memref_squeeze %dma_wait3A_261 : memref<1x64x768xf32, #tpu.memory_space<vmem>> -> memref<64x768xf32, #tpu.memory_space<vmem>>
      tpu.wait_dma2 semaphore(%run_scoped3A_238 : memref<!tpu.dma_semaphore, #tpu.memory_space<semaphore_mem>>) src(%dma_wait3A_262 : memref<64x768xf32, #tpu.memory_space<vmem>>) dst(%dma_wait3A_258 : memref<64x768xf32, #tpu.memory_space<hbm>>)
      tpu.yield
    }) : () -> ()
    %add3A_193 = arith.constant 448 : i32
    %add3A_194 = arith.addi %mul3A_2, %add3A_193 : i32
    %run_scoped3A_195 = arith.constant 1 : i32
    "tpu.region"() ({
      %run_scoped3A_238 = tpu.sem_alloc : memref<!tpu.dma_semaphore, #tpu.memory_space<semaphore_mem>>
      %dma_start3A_239 = arith.constant 0 : i32
      %dma_start3A_240 = tpu.memref_slice %arg5[%run_scoped3A_195, %dma_start3A_239] : memref<2x64xi32, #tpu.memory_space<vmem>> -> memref<1x64xi32, #tpu.memory_space<vmem>>
      %dma_start3A_241 = tpu.memref_squeeze %dma_start3A_240 : memref<1x64xi32, #tpu.memory_space<vmem>> -> memref<64xi32, #tpu.memory_space<vmem>>
      %dma_start3A_242 = tpu.memref_slice %arg3[%add3A_194] : memref<16384xi32, #tpu.memory_space<hbm>> -> memref<64xi32, #tpu.memory_space<hbm>>
      %dma_start3A_243 = arith.constant 0 : i32
      %dma_start3A_244 = tpu.memref_slice %arg5[%run_scoped3A_195, %dma_start3A_243] : memref<2x64xi32, #tpu.memory_space<vmem>> -> memref<1x64xi32, #tpu.memory_space<vmem>>
      %dma_start3A_245 = tpu.memref_squeeze %dma_start3A_244 : memref<1x64xi32, #tpu.memory_space<vmem>> -> memref<64xi32, #tpu.memory_space<vmem>>
      %dma_start3A_246 = tpu.memref_slice %arg3[%add3A_194] : memref<16384xi32, #tpu.memory_space<hbm>> -> memref<64xi32, #tpu.memory_space<hbm>>
      tpu.enqueue_dma source(%dma_start3A_246 : memref<64xi32, #tpu.memory_space<hbm>>) target(%dma_start3A_245 : memref<64xi32, #tpu.memory_space<vmem>>) target_semaphore(%run_scoped3A_238 : memref<!tpu.dma_semaphore, #tpu.memory_space<semaphore_mem>>)
      %dma_wait3A_247 = arith.constant 0 : i32
      %dma_wait3A_248 = tpu.memref_slice %arg5[%run_scoped3A_195, %dma_wait3A_247] : memref<2x64xi32, #tpu.memory_space<vmem>> -> memref<1x64xi32, #tpu.memory_space<vmem>>
      %dma_wait3A_249 = tpu.memref_squeeze %dma_wait3A_248 : memref<1x64xi32, #tpu.memory_space<vmem>> -> memref<64xi32, #tpu.memory_space<vmem>>
      %dma_wait3A_250 = tpu.memref_slice %arg3[%add3A_194] : memref<16384xi32, #tpu.memory_space<hbm>> -> memref<64xi32, #tpu.memory_space<hbm>>
      %dma_wait3A_251 = arith.constant 0 : i32
      %dma_wait3A_252 = tpu.memref_slice %arg5[%run_scoped3A_195, %dma_wait3A_251] : memref<2x64xi32, #tpu.memory_space<vmem>> -> memref<1x64xi32, #tpu.memory_space<vmem>>
      %dma_wait3A_253 = tpu.memref_squeeze %dma_wait3A_252 : memref<1x64xi32, #tpu.memory_space<vmem>> -> memref<64xi32, #tpu.memory_space<vmem>>
      %dma_wait3A_254 = tpu.memref_slice %arg3[%add3A_194] : memref<16384xi32, #tpu.memory_space<hbm>> -> memref<64xi32, #tpu.memory_space<hbm>>
      tpu.wait_dma2 semaphore(%run_scoped3A_238 : memref<!tpu.dma_semaphore, #tpu.memory_space<semaphore_mem>>) src(%dma_wait3A_254 : memref<64xi32, #tpu.memory_space<hbm>>) dst(%dma_wait3A_253 : memref<64xi32, #tpu.memory_space<vmem>>)
      tpu.yield
    }) : () -> ()
    %dma_start3A_196 = arith.constant 1 : i32
    %dma_start3A_197 = arith.constant 1 : i32
    %dma_start3A_198 = arith.constant 0 : i32
    %dma_start3A_199 = arith.constant 0 : i32
    %dma_start3A_200 = tpu.memref_slice %arg6[%dma_start3A_197, %dma_start3A_198, %dma_start3A_199] : memref<2x64x768xf32, #tpu.memory_space<vmem>> -> memref<1x64x768xf32, #tpu.memory_space<vmem>>
    %dma_start3A_201 = tpu.memref_squeeze %dma_start3A_200 : memref<1x64x768xf32, #tpu.memory_space<vmem>> -> memref<64x768xf32, #tpu.memory_space<vmem>>
    %dma_start3A_202 = arith.constant 0 : i32
    %dma_start3A_203 = tpu.memref_slice %arg5[%dma_start3A_196, %dma_start3A_202] : memref<2x64xi32, #tpu.memory_space<vmem>> -> memref<1x64xi32, #tpu.memory_space<vmem>>
    %dma_start3A_204 = tpu.memref_squeeze %dma_start3A_203 : memref<1x64xi32, #tpu.memory_space<vmem>> -> memref<64xi32, #tpu.memory_space<vmem>>
    %dma_start3A_205 = arith.constant 0 : i32
    %dma_start3A_206 = arith.constant 0 : i32
    %dma_start3A_207 = tpu.memref_slice %arg2[%dma_start3A_205, %dma_start3A_206] : memref<8192x768xf32, #tpu.memory_space<hbm>> -> memref<8192x768xf32, #tpu.memory_space<hbm>>
    tpu.enqueue_indirect_dma source(%dma_start3A_207 : memref<8192x768xf32, #tpu.memory_space<hbm>>) target(%dma_start3A_201 : memref<64x768xf32, #tpu.memory_space<vmem>>) offsets(%dma_start3A_204 : memref<64xi32, #tpu.memory_space<vmem>>) semaphore(%arg8 : memref<!tpu.dma_semaphore, #tpu.memory_space<semaphore_mem>>)
    %dma_wait3A_208 = arith.constant 0 : i32
    %dma_wait3A_209 = arith.constant 0 : i32
    %dma_wait3A_210 = arith.constant 0 : i32
    %dma_wait3A_211 = arith.constant 0 : i32
    %dma_wait3A_212 = tpu.memref_slice %arg6[%dma_wait3A_209, %dma_wait3A_210, %dma_wait3A_211] : memref<2x64x768xf32, #tpu.memory_space<vmem>> -> memref<1x64x768xf32, #tpu.memory_space<vmem>>
    %dma_wait3A_213 = tpu.memref_squeeze %dma_wait3A_212 : memref<1x64x768xf32, #tpu.memory_space<vmem>> -> memref<64x768xf32, #tpu.memory_space<vmem>>
    %dma_wait3A_214 = arith.constant 0 : i32
    %dma_wait3A_215 = tpu.memref_slice %arg5[%dma_wait3A_208, %dma_wait3A_214] : memref<2x64xi32, #tpu.memory_space<vmem>> -> memref<1x64xi32, #tpu.memory_space<vmem>>
    %dma_wait3A_216 = tpu.memref_squeeze %dma_wait3A_215 : memref<1x64xi32, #tpu.memory_space<vmem>> -> memref<64xi32, #tpu.memory_space<vmem>>
    %dma_wait3A_217 = arith.constant 0 : i32
    %dma_wait3A_218 = arith.constant 0 : i32
    %dma_wait3A_219 = tpu.memref_slice %arg2[%dma_wait3A_217, %dma_wait3A_218] : memref<8192x768xf32, #tpu.memory_space<hbm>> -> memref<8192x768xf32, #tpu.memory_space<hbm>>
    tpu.wait_indirect_dma semaphore(%arg7 : memref<!tpu.dma_semaphore, #tpu.memory_space<semaphore_mem>>) src(%dma_wait3A_219 : memref<8192x768xf32, #tpu.memory_space<hbm>>) dst(%dma_wait3A_213 : memref<64x768xf32, #tpu.memory_space<vmem>>)
    %add3A_220 = arith.constant 384 : i32
    %add3A_221 = arith.addi %mul3A_2, %add3A_220 : i32
    %run_scoped3A_222 = arith.constant 0 : i32
    "tpu.region"() ({
      %run_scoped3A_238 = tpu.sem_alloc : memref<!tpu.dma_semaphore, #tpu.memory_space<semaphore_mem>>
      %dma_start3A_239 = arith.constant 0 : i32
      %dma_start3A_240 = arith.constant 0 : i32
      %dma_start3A_241 = tpu.memref_slice %arg6[%run_scoped3A_222, %dma_start3A_239, %dma_start3A_240] : memref<2x64x768xf32, #tpu.memory_space<vmem>> -> memref<1x64x768xf32, #tpu.memory_space<vmem>>
      %dma_start3A_242 = tpu.memref_squeeze %dma_start3A_241 : memref<1x64x768xf32, #tpu.memory_space<vmem>> -> memref<64x768xf32, #tpu.memory_space<vmem>>
      %dma_start3A_243 = arith.constant 0 : i32
      %dma_start3A_244 = tpu.memref_slice %arg4[%add3A_221, %dma_start3A_243] : memref<16384x768xf32, #tpu.memory_space<hbm>> -> memref<64x768xf32, #tpu.memory_space<hbm>>
      %dma_start3A_245 = arith.constant 0 : i32
      %dma_start3A_246 = tpu.memref_slice %arg4[%add3A_221, %dma_start3A_245] : memref<16384x768xf32, #tpu.memory_space<hbm>> -> memref<64x768xf32, #tpu.memory_space<hbm>>
      %dma_start3A_247 = arith.constant 0 : i32
      %dma_start3A_248 = arith.constant 0 : i32
      %dma_start3A_249 = tpu.memref_slice %arg6[%run_scoped3A_222, %dma_start3A_247, %dma_start3A_248] : memref<2x64x768xf32, #tpu.memory_space<vmem>> -> memref<1x64x768xf32, #tpu.memory_space<vmem>>
      %dma_start3A_250 = tpu.memref_squeeze %dma_start3A_249 : memref<1x64x768xf32, #tpu.memory_space<vmem>> -> memref<64x768xf32, #tpu.memory_space<vmem>>
      tpu.enqueue_dma source(%dma_start3A_250 : memref<64x768xf32, #tpu.memory_space<vmem>>) target(%dma_start3A_246 : memref<64x768xf32, #tpu.memory_space<hbm>>) target_semaphore(%run_scoped3A_238 : memref<!tpu.dma_semaphore, #tpu.memory_space<semaphore_mem>>)
      %dma_wait3A_251 = arith.constant 0 : i32
      %dma_wait3A_252 = arith.constant 0 : i32
      %dma_wait3A_253 = tpu.memref_slice %arg6[%run_scoped3A_222, %dma_wait3A_251, %dma_wait3A_252] : memref<2x64x768xf32, #tpu.memory_space<vmem>> -> memref<1x64x768xf32, #tpu.memory_space<vmem>>
      %dma_wait3A_254 = tpu.memref_squeeze %dma_wait3A_253 : memref<1x64x768xf32, #tpu.memory_space<vmem>> -> memref<64x768xf32, #tpu.memory_space<vmem>>
      %dma_wait3A_255 = arith.constant 0 : i32
      %dma_wait3A_256 = tpu.memref_slice %arg4[%add3A_221, %dma_wait3A_255] : memref<16384x768xf32, #tpu.memory_space<hbm>> -> memref<64x768xf32, #tpu.memory_space<hbm>>
      %dma_wait3A_257 = arith.constant 0 : i32
      %dma_wait3A_258 = tpu.memref_slice %arg4[%add3A_221, %dma_wait3A_257] : memref<16384x768xf32, #tpu.memory_space<hbm>> -> memref<64x768xf32, #tpu.memory_space<hbm>>
      %dma_wait3A_259 = arith.constant 0 : i32
      %dma_wait3A_260 = arith.constant 0 : i32
      %dma_wait3A_261 = tpu.memref_slice %arg6[%run_scoped3A_222, %dma_wait3A_259, %dma_wait3A_260] : memref<2x64x768xf32, #tpu.memory_space<vmem>> -> memref<1x64x768xf32, #tpu.memory_space<vmem>>
      %dma_wait3A_262 = tpu.memref_squeeze %dma_wait3A_261 : memref<1x64x768xf32, #tpu.memory_space<vmem>> -> memref<64x768xf32, #tpu.memory_space<vmem>>
      tpu.wait_dma2 semaphore(%run_scoped3A_238 : memref<!tpu.dma_semaphore, #tpu.memory_space<semaphore_mem>>) src(%dma_wait3A_262 : memref<64x768xf32, #tpu.memory_space<vmem>>) dst(%dma_wait3A_258 : memref<64x768xf32, #tpu.memory_space<hbm>>)
      tpu.yield
    }) : () -> ()
    %dma_wait3A_223 = arith.constant 1 : i32
    %dma_wait3A_224 = arith.constant 1 : i32
    %dma_wait3A_225 = arith.constant 0 : i32
    %dma_wait3A_226 = arith.constant 0 : i32
    %dma_wait3A_227 = tpu.memref_slice %arg6[%dma_wait3A_224, %dma_wait3A_225, %dma_wait3A_226] : memref<2x64x768xf32, #tpu.memory_space<vmem>> -> memref<1x64x768xf32, #tpu.memory_space<vmem>>
    %dma_wait3A_228 = tpu.memref_squeeze %dma_wait3A_227 : memref<1x64x768xf32, #tpu.memory_space<vmem>> -> memref<64x768xf32, #tpu.memory_space<vmem>>
    %dma_wait3A_229 = arith.constant 0 : i32
    %dma_wait3A_230 = tpu.memref_slice %arg5[%dma_wait3A_223, %dma_wait3A_229] : memref<2x64xi32, #tpu.memory_space<vmem>> -> memref<1x64xi32, #tpu.memory_space<vmem>>
    %dma_wait3A_231 = tpu.memref_squeeze %dma_wait3A_230 : memref<1x64xi32, #tpu.memory_space<vmem>> -> memref<64xi32, #tpu.memory_space<vmem>>
    %dma_wait3A_232 = arith.constant 0 : i32
    %dma_wait3A_233 = arith.constant 0 : i32
    %dma_wait3A_234 = tpu.memref_slice %arg2[%dma_wait3A_232, %dma_wait3A_233] : memref<8192x768xf32, #tpu.memory_space<hbm>> -> memref<8192x768xf32, #tpu.memory_space<hbm>>
    tpu.wait_indirect_dma semaphore(%arg8 : memref<!tpu.dma_semaphore, #tpu.memory_space<semaphore_mem>>) src(%dma_wait3A_234 : memref<8192x768xf32, #tpu.memory_space<hbm>>) dst(%dma_wait3A_228 : memref<64x768xf32, #tpu.memory_space<vmem>>)
    %add3A_235 = arith.constant 448 : i32
    %add3A_236 = arith.addi %mul3A_2, %add3A_235 : i32
    %run_scoped3A_237 = arith.constant 1 : i32
    "tpu.region"() ({
      %run_scoped3A_238 = tpu.sem_alloc : memref<!tpu.dma_semaphore, #tpu.memory_space<semaphore_mem>>
      %dma_start3A_239 = arith.constant 0 : i32
      %dma_start3A_240 = arith.constant 0 : i32
      %dma_start3A_241 = tpu.memref_slice %arg6[%run_scoped3A_237, %dma_start3A_239, %dma_start3A_240] : memref<2x64x768xf32, #tpu.memory_space<vmem>> -> memref<1x64x768xf32, #tpu.memory_space<vmem>>
      %dma_start3A_242 = tpu.memref_squeeze %dma_start3A_241 : memref<1x64x768xf32, #tpu.memory_space<vmem>> -> memref<64x768xf32, #tpu.memory_space<vmem>>
      %dma_start3A_243 = arith.constant 0 : i32
      %dma_start3A_244 = tpu.memref_slice %arg4[%add3A_236, %dma_start3A_243] : memref<16384x768xf32, #tpu.memory_space<hbm>> -> memref<64x768xf32, #tpu.memory_space<hbm>>
      %dma_start3A_245 = arith.constant 0 : i32
      %dma_start3A_246 = tpu.memref_slice %arg4[%add3A_236, %dma_start3A_245] : memref<16384x768xf32, #tpu.memory_space<hbm>> -> memref<64x768xf32, #tpu.memory_space<hbm>>
      %dma_start3A_247 = arith.constant 0 : i32
      %dma_start3A_248 = arith.constant 0 : i32
      %dma_start3A_249 = tpu.memref_slice %arg6[%run_scoped3A_237, %dma_start3A_247, %dma_start3A_248] : memref<2x64x768xf32, #tpu.memory_space<vmem>> -> memref<1x64x768xf32, #tpu.memory_space<vmem>>
      %dma_start3A_250 = tpu.memref_squeeze %dma_start3A_249 : memref<1x64x768xf32, #tpu.memory_space<vmem>> -> memref<64x768xf32, #tpu.memory_space<vmem>>
      tpu.enqueue_dma source(%dma_start3A_250 : memref<64x768xf32, #tpu.memory_space<vmem>>) target(%dma_start3A_246 : memref<64x768xf32, #tpu.memory_space<hbm>>) target_semaphore(%run_scoped3A_238 : memref<!tpu.dma_semaphore, #tpu.memory_space<semaphore_mem>>)
      %dma_wait3A_251 = arith.constant 0 : i32
      %dma_wait3A_252 = arith.constant 0 : i32
      %dma_wait3A_253 = tpu.memref_slice %arg6[%run_scoped3A_237, %dma_wait3A_251, %dma_wait3A_252] : memref<2x64x768xf32, #tpu.memory_space<vmem>> -> memref<1x64x768xf32, #tpu.memory_space<vmem>>
      %dma_wait3A_254 = tpu.memref_squeeze %dma_wait3A_253 : memref<1x64x768xf32, #tpu.memory_space<vmem>> -> memref<64x768xf32, #tpu.memory_space<vmem>>
      %dma_wait3A_255 = arith.constant 0 : i32
      %dma_wait3A_256 = tpu.memref_slice %arg4[%add3A_236, %dma_wait3A_255] : memref<16384x768xf32, #tpu.memory_space<hbm>> -> memref<64x768xf32, #tpu.memory_space<hbm>>
      %dma_wait3A_257 = arith.constant 0 : i32
      %dma_wait3A_258 = tpu.memref_slice %arg4[%add3A_236, %dma_wait3A_257] : memref<16384x768xf32, #tpu.memory_space<hbm>> -> memref<64x768xf32, #tpu.memory_space<hbm>>
      %dma_wait3A_259 = arith.constant 0 : i32
      %dma_wait3A_260 = arith.constant 0 : i32
      %dma_wait3A_261 = tpu.memref_slice %arg6[%run_scoped3A_237, %dma_wait3A_259, %dma_wait3A_260] : memref<2x64x768xf32, #tpu.memory_space<vmem>> -> memref<1x64x768xf32, #tpu.memory_space<vmem>>
      %dma_wait3A_262 = tpu.memref_squeeze %dma_wait3A_261 : memref<1x64x768xf32, #tpu.memory_space<vmem>> -> memref<64x768xf32, #tpu.memory_space<vmem>>
      tpu.wait_dma2 semaphore(%run_scoped3A_238 : memref<!tpu.dma_semaphore, #tpu.memory_space<semaphore_mem>>) src(%dma_wait3A_262 : memref<64x768xf32, #tpu.memory_space<vmem>>) dst(%dma_wait3A_258 : memref<64x768xf32, #tpu.memory_space<hbm>>)
      tpu.yield
    }) : () -> ()
    return
  }
}

#map = affine_map<(d0, d1) -> (0, 0)>
#map1 = affine_map<(d0, d1) -> (0)>
module attributes {stable_mosaic.version = 14 : i64} {
  func.func @k(%arg0: i32, %arg1: i32, %arg2: memref<16384x768xf32, #tpu.memory_space<hbm>>, %arg3: memref<16384xi32, #tpu.memory_space<hbm>>, %arg4: memref<16384x768xf32, #tpu.memory_space<hbm>>, %arg5: memref<2x64xi32, #tpu.memory_space<vmem>>, %arg6: memref<2x64x768xf32, #tpu.memory_space<vmem>>, %arg7: memref<!tpu.dma_semaphore, #tpu.memory_space<semaphore_mem>>, %arg8: memref<!tpu.dma_semaphore, #tpu.memory_space<semaphore_mem>>) attributes {dimension_semantics = [#tpu.dimension_semantics<core_parallel>, #tpu.dimension_semantics<subcore_parallel>], iteration_bounds = array<i64: 2, 16>, scalar_prefetch = 0 : i64, scratch_operands = 4 : i64, tpu.core_type = #tpu.core_type<sc_vector_subcore>, window_params = [{transform_indices = #map}, {transform_indices = #map1}, {transform_indices = #map}]} {
    %mul3A = arith.constant 2 : i32
    %mul3A_0 = arith.muli %arg1, %mul3A : i32
    %add3A = arith.addi %mul3A_0, %arg0 : i32
    %mul3A_1 = arith.constant 512 : i32
    %mul3A_2 = arith.muli %add3A, %mul3A_1 : i32
    %run_scoped3A = arith.constant 0 : i32
    "tpu.region"() ({
      %run_scoped3A_238 = tpu.sem_alloc : memref<!tpu.dma_semaphore, #tpu.memory_space<semaphore_mem>>
      %dma_start3A_239 = arith.constant 0 : i32
      %dma_start3A_240 = tpu.memref_slice %arg5[%run_scoped3A, %dma_start3A_239] : memref<2x64xi32, #tpu.memory_space<vmem>> -> memref<1x64xi32, #tpu.memory_space<vmem>>
      %dma_start3A_241 = tpu.memref_squeeze %dma_start3A_240 : memref<1x64xi32, #tpu.memory_space<vmem>> -> memref<64xi32, #tpu.memory_space<vmem>>
      %dma_start3A_242 = tpu.memref_slice %arg3[%mul3A_2] : memref<16384xi32, #tpu.memory_space<hbm>> -> memref<64xi32, #tpu.memory_space<hbm>>
      %dma_start3A_243 = arith.constant 0 : i32
      %dma_start3A_244 = tpu.memref_slice %arg5[%run_scoped3A, %dma_start3A_243] : memref<2x64xi32, #tpu.memory_space<vmem>> -> memref<1x64xi32, #tpu.memory_space<vmem>>
      %dma_start3A_245 = tpu.memref_squeeze %dma_start3A_244 : memref<1x64xi32, #tpu.memory_space<vmem>> -> memref<64xi32, #tpu.memory_space<vmem>>
      %dma_start3A_246 = tpu.memref_slice %arg3[%mul3A_2] : memref<16384xi32, #tpu.memory_space<hbm>> -> memref<64xi32, #tpu.memory_space<hbm>>
      tpu.enqueue_dma source(%dma_start3A_246 : memref<64xi32, #tpu.memory_space<hbm>>) target(%dma_start3A_245 : memref<64xi32, #tpu.memory_space<vmem>>) target_semaphore(%run_scoped3A_238 : memref<!tpu.dma_semaphore, #tpu.memory_space<semaphore_mem>>)
      %dma_wait3A_247 = arith.constant 0 : i32
      %dma_wait3A_248 = tpu.memref_slice %arg5[%run_scoped3A, %dma_wait3A_247] : memref<2x64xi32, #tpu.memory_space<vmem>> -> memref<1x64xi32, #tpu.memory_space<vmem>>
      %dma_wait3A_249 = tpu.memref_squeeze %dma_wait3A_248 : memref<1x64xi32, #tpu.memory_space<vmem>> -> memref<64xi32, #tpu.memory_space<vmem>>
      %dma_wait3A_250 = tpu.memref_slice %arg3[%mul3A_2] : memref<16384xi32, #tpu.memory_space<hbm>> -> memref<64xi32, #tpu.memory_space<hbm>>
      %dma_wait3A_251 = arith.constant 0 : i32
      %dma_wait3A_252 = tpu.memref_slice %arg5[%run_scoped3A, %dma_wait3A_251] : memref<2x64xi32, #tpu.memory_space<vmem>> -> memref<1x64xi32, #tpu.memory_space<vmem>>
      %dma_wait3A_253 = tpu.memref_squeeze %dma_wait3A_252 : memref<1x64xi32, #tpu.memory_space<vmem>> -> memref<64xi32, #tpu.memory_space<vmem>>
      %dma_wait3A_254 = tpu.memref_slice %arg3[%mul3A_2] : memref<16384xi32, #tpu.memory_space<hbm>> -> memref<64xi32, #tpu.memory_space<hbm>>
      tpu.wait_dma2 semaphore(%run_scoped3A_238 : memref<!tpu.dma_semaphore, #tpu.memory_space<semaphore_mem>>) src(%dma_wait3A_254 : memref<64xi32, #tpu.memory_space<hbm>>) dst(%dma_wait3A_253 : memref<64xi32, #tpu.memory_space<vmem>>)
      tpu.yield
    }) : () -> ()
    %dma_start3A = arith.constant 0 : i32
    %dma_start3A_3 = arith.constant 0 : i32
    %dma_start3A_4 = arith.constant 0 : i32
    %dma_start3A_5 = arith.constant 0 : i32
    %dma_start3A_6 = tpu.memref_slice %arg6[%dma_start3A_3, %dma_start3A_4, %dma_start3A_5] : memref<2x64x768xf32, #tpu.memory_space<vmem>> -> memref<1x64x768xf32, #tpu.memory_space<vmem>>
    %dma_start3A_7 = tpu.memref_squeeze %dma_start3A_6 : memref<1x64x768xf32, #tpu.memory_space<vmem>> -> memref<64x768xf32, #tpu.memory_space<vmem>>
    %dma_start3A_8 = arith.constant 0 : i32
    %dma_start3A_9 = tpu.memref_slice %arg5[%dma_start3A, %dma_start3A_8] : memref<2x64xi32, #tpu.memory_space<vmem>> -> memref<1x64xi32, #tpu.memory_space<vmem>>
    %dma_start3A_10 = tpu.memref_squeeze %dma_start3A_9 : memref<1x64xi32, #tpu.memory_space<vmem>> -> memref<64xi32, #tpu.memory_space<vmem>>
    %dma_start3A_11 = arith.constant 0 : i32
    %dma_start3A_12 = arith.constant 0 : i32
    %dma_start3A_13 = tpu.memref_slice %arg2[%dma_start3A_11, %dma_start3A_12] : memref<16384x768xf32, #tpu.memory_space<hbm>> -> memref<16384x768xf32, #tpu.memory_space<hbm>>
    tpu.enqueue_indirect_dma source(%dma_start3A_13 : memref<16384x768xf32, #tpu.memory_space<hbm>>) target(%dma_start3A_7 : memref<64x768xf32, #tpu.memory_space<vmem>>) offsets(%dma_start3A_10 : memref<64xi32, #tpu.memory_space<vmem>>) semaphore(%arg7 : memref<!tpu.dma_semaphore, #tpu.memory_space<semaphore_mem>>)
    %add3A_14 = arith.constant 64 : i32
    %add3A_15 = arith.addi %mul3A_2, %add3A_14 : i32
    %run_scoped3A_16 = arith.constant 1 : i32
    "tpu.region"() ({
      %run_scoped3A_238 = tpu.sem_alloc : memref<!tpu.dma_semaphore, #tpu.memory_space<semaphore_mem>>
      %dma_start3A_239 = arith.constant 0 : i32
      %dma_start3A_240 = tpu.memref_slice %arg5[%run_scoped3A_16, %dma_start3A_239] : memref<2x64xi32, #tpu.memory_space<vmem>> -> memref<1x64xi32, #tpu.memory_space<vmem>>
      %dma_start3A_241 = tpu.memref_squeeze %dma_start3A_240 : memref<1x64xi32, #tpu.memory_space<vmem>> -> memref<64xi32, #tpu.memory_space<vmem>>
      %dma_start3A_242 = tpu.memref_slice %arg3[%add3A_15] : memref<16384xi32, #tpu.memory_space<hbm>> -> memref<64xi32, #tpu.memory_space<hbm>>
      %dma_start3A_243 = arith.constant 0 : i32
      %dma_start3A_244 = tpu.memref_slice %arg5[%run_scoped3A_16, %dma_start3A_243] : memref<2x64xi32, #tpu.memory_space<vmem>> -> memref<1x64xi32, #tpu.memory_space<vmem>>
      %dma_start3A_245 = tpu.memref_squeeze %dma_start3A_244 : memref<1x64xi32, #tpu.memory_space<vmem>> -> memref<64xi32, #tpu.memory_space<vmem>>
      %dma_start3A_246 = tpu.memref_slice %arg3[%add3A_15] : memref<16384xi32, #tpu.memory_space<hbm>> -> memref<64xi32, #tpu.memory_space<hbm>>
      tpu.enqueue_dma source(%dma_start3A_246 : memref<64xi32, #tpu.memory_space<hbm>>) target(%dma_start3A_245 : memref<64xi32, #tpu.memory_space<vmem>>) target_semaphore(%run_scoped3A_238 : memref<!tpu.dma_semaphore, #tpu.memory_space<semaphore_mem>>)
      %dma_wait3A_247 = arith.constant 0 : i32
      %dma_wait3A_248 = tpu.memref_slice %arg5[%run_scoped3A_16, %dma_wait3A_247] : memref<2x64xi32, #tpu.memory_space<vmem>> -> memref<1x64xi32, #tpu.memory_space<vmem>>
      %dma_wait3A_249 = tpu.memref_squeeze %dma_wait3A_248 : memref<1x64xi32, #tpu.memory_space<vmem>> -> memref<64xi32, #tpu.memory_space<vmem>>
      %dma_wait3A_250 = tpu.memref_slice %arg3[%add3A_15] : memref<16384xi32, #tpu.memory_space<hbm>> -> memref<64xi32, #tpu.memory_space<hbm>>
      %dma_wait3A_251 = arith.constant 0 : i32
      %dma_wait3A_252 = tpu.memref_slice %arg5[%run_scoped3A_16, %dma_wait3A_251] : memref<2x64xi32, #tpu.memory_space<vmem>> -> memref<1x64xi32, #tpu.memory_space<vmem>>
      %dma_wait3A_253 = tpu.memref_squeeze %dma_wait3A_252 : memref<1x64xi32, #tpu.memory_space<vmem>> -> memref<64xi32, #tpu.memory_space<vmem>>
      %dma_wait3A_254 = tpu.memref_slice %arg3[%add3A_15] : memref<16384xi32, #tpu.memory_space<hbm>> -> memref<64xi32, #tpu.memory_space<hbm>>
      tpu.wait_dma2 semaphore(%run_scoped3A_238 : memref<!tpu.dma_semaphore, #tpu.memory_space<semaphore_mem>>) src(%dma_wait3A_254 : memref<64xi32, #tpu.memory_space<hbm>>) dst(%dma_wait3A_253 : memref<64xi32, #tpu.memory_space<vmem>>)
      tpu.yield
    }) : () -> ()
    %dma_start3A_17 = arith.constant 1 : i32
    %dma_start3A_18 = arith.constant 1 : i32
    %dma_start3A_19 = arith.constant 0 : i32
    %dma_start3A_20 = arith.constant 0 : i32
    %dma_start3A_21 = tpu.memref_slice %arg6[%dma_start3A_18, %dma_start3A_19, %dma_start3A_20] : memref<2x64x768xf32, #tpu.memory_space<vmem>> -> memref<1x64x768xf32, #tpu.memory_space<vmem>>
    %dma_start3A_22 = tpu.memref_squeeze %dma_start3A_21 : memref<1x64x768xf32, #tpu.memory_space<vmem>> -> memref<64x768xf32, #tpu.memory_space<vmem>>
    %dma_start3A_23 = arith.constant 0 : i32
    %dma_start3A_24 = tpu.memref_slice %arg5[%dma_start3A_17, %dma_start3A_23] : memref<2x64xi32, #tpu.memory_space<vmem>> -> memref<1x64xi32, #tpu.memory_space<vmem>>
    %dma_start3A_25 = tpu.memref_squeeze %dma_start3A_24 : memref<1x64xi32, #tpu.memory_space<vmem>> -> memref<64xi32, #tpu.memory_space<vmem>>
    %dma_start3A_26 = arith.constant 0 : i32
    %dma_start3A_27 = arith.constant 0 : i32
    %dma_start3A_28 = tpu.memref_slice %arg2[%dma_start3A_26, %dma_start3A_27] : memref<16384x768xf32, #tpu.memory_space<hbm>> -> memref<16384x768xf32, #tpu.memory_space<hbm>>
    tpu.enqueue_indirect_dma source(%dma_start3A_28 : memref<16384x768xf32, #tpu.memory_space<hbm>>) target(%dma_start3A_22 : memref<64x768xf32, #tpu.memory_space<vmem>>) offsets(%dma_start3A_25 : memref<64xi32, #tpu.memory_space<vmem>>) semaphore(%arg8 : memref<!tpu.dma_semaphore, #tpu.memory_space<semaphore_mem>>)
    %dma_wait3A = arith.constant 0 : i32
    %dma_wait3A_29 = arith.constant 0 : i32
    %dma_wait3A_30 = arith.constant 0 : i32
    %dma_wait3A_31 = arith.constant 0 : i32
    %dma_wait3A_32 = tpu.memref_slice %arg6[%dma_wait3A_29, %dma_wait3A_30, %dma_wait3A_31] : memref<2x64x768xf32, #tpu.memory_space<vmem>> -> memref<1x64x768xf32, #tpu.memory_space<vmem>>
    %dma_wait3A_33 = tpu.memref_squeeze %dma_wait3A_32 : memref<1x64x768xf32, #tpu.memory_space<vmem>> -> memref<64x768xf32, #tpu.memory_space<vmem>>
    %dma_wait3A_34 = arith.constant 0 : i32
    %dma_wait3A_35 = tpu.memref_slice %arg5[%dma_wait3A, %dma_wait3A_34] : memref<2x64xi32, #tpu.memory_space<vmem>> -> memref<1x64xi32, #tpu.memory_space<vmem>>
    %dma_wait3A_36 = tpu.memref_squeeze %dma_wait3A_35 : memref<1x64xi32, #tpu.memory_space<vmem>> -> memref<64xi32, #tpu.memory_space<vmem>>
    %dma_wait3A_37 = arith.constant 0 : i32
    %dma_wait3A_38 = arith.constant 0 : i32
    %dma_wait3A_39 = tpu.memref_slice %arg2[%dma_wait3A_37, %dma_wait3A_38] : memref<16384x768xf32, #tpu.memory_space<hbm>> -> memref<16384x768xf32, #tpu.memory_space<hbm>>
    tpu.wait_indirect_dma semaphore(%arg7 : memref<!tpu.dma_semaphore, #tpu.memory_space<semaphore_mem>>) src(%dma_wait3A_39 : memref<16384x768xf32, #tpu.memory_space<hbm>>) dst(%dma_wait3A_33 : memref<64x768xf32, #tpu.memory_space<vmem>>)
    %add3A_40 = arith.constant 0 : i32
    %add3A_41 = arith.addi %mul3A_2, %add3A_40 : i32
    %run_scoped3A_42 = arith.constant 0 : i32
    "tpu.region"() ({
      %run_scoped3A_238 = tpu.sem_alloc : memref<!tpu.dma_semaphore, #tpu.memory_space<semaphore_mem>>
      %dma_start3A_239 = arith.constant 0 : i32
      %dma_start3A_240 = arith.constant 0 : i32
      %dma_start3A_241 = tpu.memref_slice %arg6[%run_scoped3A_42, %dma_start3A_239, %dma_start3A_240] : memref<2x64x768xf32, #tpu.memory_space<vmem>> -> memref<1x64x768xf32, #tpu.memory_space<vmem>>
      %dma_start3A_242 = tpu.memref_squeeze %dma_start3A_241 : memref<1x64x768xf32, #tpu.memory_space<vmem>> -> memref<64x768xf32, #tpu.memory_space<vmem>>
      %dma_start3A_243 = arith.constant 0 : i32
      %dma_start3A_244 = tpu.memref_slice %arg4[%add3A_41, %dma_start3A_243] : memref<16384x768xf32, #tpu.memory_space<hbm>> -> memref<64x768xf32, #tpu.memory_space<hbm>>
      %dma_start3A_245 = arith.constant 0 : i32
      %dma_start3A_246 = tpu.memref_slice %arg4[%add3A_41, %dma_start3A_245] : memref<16384x768xf32, #tpu.memory_space<hbm>> -> memref<64x768xf32, #tpu.memory_space<hbm>>
      %dma_start3A_247 = arith.constant 0 : i32
      %dma_start3A_248 = arith.constant 0 : i32
      %dma_start3A_249 = tpu.memref_slice %arg6[%run_scoped3A_42, %dma_start3A_247, %dma_start3A_248] : memref<2x64x768xf32, #tpu.memory_space<vmem>> -> memref<1x64x768xf32, #tpu.memory_space<vmem>>
      %dma_start3A_250 = tpu.memref_squeeze %dma_start3A_249 : memref<1x64x768xf32, #tpu.memory_space<vmem>> -> memref<64x768xf32, #tpu.memory_space<vmem>>
      tpu.enqueue_dma source(%dma_start3A_250 : memref<64x768xf32, #tpu.memory_space<vmem>>) target(%dma_start3A_246 : memref<64x768xf32, #tpu.memory_space<hbm>>) target_semaphore(%run_scoped3A_238 : memref<!tpu.dma_semaphore, #tpu.memory_space<semaphore_mem>>)
      %dma_wait3A_251 = arith.constant 0 : i32
      %dma_wait3A_252 = arith.constant 0 : i32
      %dma_wait3A_253 = tpu.memref_slice %arg6[%run_scoped3A_42, %dma_wait3A_251, %dma_wait3A_252] : memref<2x64x768xf32, #tpu.memory_space<vmem>> -> memref<1x64x768xf32, #tpu.memory_space<vmem>>
      %dma_wait3A_254 = tpu.memref_squeeze %dma_wait3A_253 : memref<1x64x768xf32, #tpu.memory_space<vmem>> -> memref<64x768xf32, #tpu.memory_space<vmem>>
      %dma_wait3A_255 = arith.constant 0 : i32
      %dma_wait3A_256 = tpu.memref_slice %arg4[%add3A_41, %dma_wait3A_255] : memref<16384x768xf32, #tpu.memory_space<hbm>> -> memref<64x768xf32, #tpu.memory_space<hbm>>
      %dma_wait3A_257 = arith.constant 0 : i32
      %dma_wait3A_258 = tpu.memref_slice %arg4[%add3A_41, %dma_wait3A_257] : memref<16384x768xf32, #tpu.memory_space<hbm>> -> memref<64x768xf32, #tpu.memory_space<hbm>>
      %dma_wait3A_259 = arith.constant 0 : i32
      %dma_wait3A_260 = arith.constant 0 : i32
      %dma_wait3A_261 = tpu.memref_slice %arg6[%run_scoped3A_42, %dma_wait3A_259, %dma_wait3A_260] : memref<2x64x768xf32, #tpu.memory_space<vmem>> -> memref<1x64x768xf32, #tpu.memory_space<vmem>>
      %dma_wait3A_262 = tpu.memref_squeeze %dma_wait3A_261 : memref<1x64x768xf32, #tpu.memory_space<vmem>> -> memref<64x768xf32, #tpu.memory_space<vmem>>
      tpu.wait_dma2 semaphore(%run_scoped3A_238 : memref<!tpu.dma_semaphore, #tpu.memory_space<semaphore_mem>>) src(%dma_wait3A_262 : memref<64x768xf32, #tpu.memory_space<vmem>>) dst(%dma_wait3A_258 : memref<64x768xf32, #tpu.memory_space<hbm>>)
      tpu.yield
    }) : () -> ()
    %add3A_43 = arith.constant 128 : i32
    %add3A_44 = arith.addi %mul3A_2, %add3A_43 : i32
    %run_scoped3A_45 = arith.constant 0 : i32
    "tpu.region"() ({
      %run_scoped3A_238 = tpu.sem_alloc : memref<!tpu.dma_semaphore, #tpu.memory_space<semaphore_mem>>
      %dma_start3A_239 = arith.constant 0 : i32
      %dma_start3A_240 = tpu.memref_slice %arg5[%run_scoped3A_45, %dma_start3A_239] : memref<2x64xi32, #tpu.memory_space<vmem>> -> memref<1x64xi32, #tpu.memory_space<vmem>>
      %dma_start3A_241 = tpu.memref_squeeze %dma_start3A_240 : memref<1x64xi32, #tpu.memory_space<vmem>> -> memref<64xi32, #tpu.memory_space<vmem>>
      %dma_start3A_242 = tpu.memref_slice %arg3[%add3A_44] : memref<16384xi32, #tpu.memory_space<hbm>> -> memref<64xi32, #tpu.memory_space<hbm>>
      %dma_start3A_243 = arith.constant 0 : i32
      %dma_start3A_244 = tpu.memref_slice %arg5[%run_scoped3A_45, %dma_start3A_243] : memref<2x64xi32, #tpu.memory_space<vmem>> -> memref<1x64xi32, #tpu.memory_space<vmem>>
      %dma_start3A_245 = tpu.memref_squeeze %dma_start3A_244 : memref<1x64xi32, #tpu.memory_space<vmem>> -> memref<64xi32, #tpu.memory_space<vmem>>
      %dma_start3A_246 = tpu.memref_slice %arg3[%add3A_44] : memref<16384xi32, #tpu.memory_space<hbm>> -> memref<64xi32, #tpu.memory_space<hbm>>
      tpu.enqueue_dma source(%dma_start3A_246 : memref<64xi32, #tpu.memory_space<hbm>>) target(%dma_start3A_245 : memref<64xi32, #tpu.memory_space<vmem>>) target_semaphore(%run_scoped3A_238 : memref<!tpu.dma_semaphore, #tpu.memory_space<semaphore_mem>>)
      %dma_wait3A_247 = arith.constant 0 : i32
      %dma_wait3A_248 = tpu.memref_slice %arg5[%run_scoped3A_45, %dma_wait3A_247] : memref<2x64xi32, #tpu.memory_space<vmem>> -> memref<1x64xi32, #tpu.memory_space<vmem>>
      %dma_wait3A_249 = tpu.memref_squeeze %dma_wait3A_248 : memref<1x64xi32, #tpu.memory_space<vmem>> -> memref<64xi32, #tpu.memory_space<vmem>>
      %dma_wait3A_250 = tpu.memref_slice %arg3[%add3A_44] : memref<16384xi32, #tpu.memory_space<hbm>> -> memref<64xi32, #tpu.memory_space<hbm>>
      %dma_wait3A_251 = arith.constant 0 : i32
      %dma_wait3A_252 = tpu.memref_slice %arg5[%run_scoped3A_45, %dma_wait3A_251] : memref<2x64xi32, #tpu.memory_space<vmem>> -> memref<1x64xi32, #tpu.memory_space<vmem>>
      %dma_wait3A_253 = tpu.memref_squeeze %dma_wait3A_252 : memref<1x64xi32, #tpu.memory_space<vmem>> -> memref<64xi32, #tpu.memory_space<vmem>>
      %dma_wait3A_254 = tpu.memref_slice %arg3[%add3A_44] : memref<16384xi32, #tpu.memory_space<hbm>> -> memref<64xi32, #tpu.memory_space<hbm>>
      tpu.wait_dma2 semaphore(%run_scoped3A_238 : memref<!tpu.dma_semaphore, #tpu.memory_space<semaphore_mem>>) src(%dma_wait3A_254 : memref<64xi32, #tpu.memory_space<hbm>>) dst(%dma_wait3A_253 : memref<64xi32, #tpu.memory_space<vmem>>)
      tpu.yield
    }) : () -> ()
    %dma_start3A_46 = arith.constant 0 : i32
    %dma_start3A_47 = arith.constant 0 : i32
    %dma_start3A_48 = arith.constant 0 : i32
    %dma_start3A_49 = arith.constant 0 : i32
    %dma_start3A_50 = tpu.memref_slice %arg6[%dma_start3A_47, %dma_start3A_48, %dma_start3A_49] : memref<2x64x768xf32, #tpu.memory_space<vmem>> -> memref<1x64x768xf32, #tpu.memory_space<vmem>>
    %dma_start3A_51 = tpu.memref_squeeze %dma_start3A_50 : memref<1x64x768xf32, #tpu.memory_space<vmem>> -> memref<64x768xf32, #tpu.memory_space<vmem>>
    %dma_start3A_52 = arith.constant 0 : i32
    %dma_start3A_53 = tpu.memref_slice %arg5[%dma_start3A_46, %dma_start3A_52] : memref<2x64xi32, #tpu.memory_space<vmem>> -> memref<1x64xi32, #tpu.memory_space<vmem>>
    %dma_start3A_54 = tpu.memref_squeeze %dma_start3A_53 : memref<1x64xi32, #tpu.memory_space<vmem>> -> memref<64xi32, #tpu.memory_space<vmem>>
    %dma_start3A_55 = arith.constant 0 : i32
    %dma_start3A_56 = arith.constant 0 : i32
    %dma_start3A_57 = tpu.memref_slice %arg2[%dma_start3A_55, %dma_start3A_56] : memref<16384x768xf32, #tpu.memory_space<hbm>> -> memref<16384x768xf32, #tpu.memory_space<hbm>>
    tpu.enqueue_indirect_dma source(%dma_start3A_57 : memref<16384x768xf32, #tpu.memory_space<hbm>>) target(%dma_start3A_51 : memref<64x768xf32, #tpu.memory_space<vmem>>) offsets(%dma_start3A_54 : memref<64xi32, #tpu.memory_space<vmem>>) semaphore(%arg7 : memref<!tpu.dma_semaphore, #tpu.memory_space<semaphore_mem>>)
    %dma_wait3A_58 = arith.constant 1 : i32
    %dma_wait3A_59 = arith.constant 1 : i32
    %dma_wait3A_60 = arith.constant 0 : i32
    %dma_wait3A_61 = arith.constant 0 : i32
    %dma_wait3A_62 = tpu.memref_slice %arg6[%dma_wait3A_59, %dma_wait3A_60, %dma_wait3A_61] : memref<2x64x768xf32, #tpu.memory_space<vmem>> -> memref<1x64x768xf32, #tpu.memory_space<vmem>>
    %dma_wait3A_63 = tpu.memref_squeeze %dma_wait3A_62 : memref<1x64x768xf32, #tpu.memory_space<vmem>> -> memref<64x768xf32, #tpu.memory_space<vmem>>
    %dma_wait3A_64 = arith.constant 0 : i32
    %dma_wait3A_65 = tpu.memref_slice %arg5[%dma_wait3A_58, %dma_wait3A_64] : memref<2x64xi32, #tpu.memory_space<vmem>> -> memref<1x64xi32, #tpu.memory_space<vmem>>
    %dma_wait3A_66 = tpu.memref_squeeze %dma_wait3A_65 : memref<1x64xi32, #tpu.memory_space<vmem>> -> memref<64xi32, #tpu.memory_space<vmem>>
    %dma_wait3A_67 = arith.constant 0 : i32
    %dma_wait3A_68 = arith.constant 0 : i32
    %dma_wait3A_69 = tpu.memref_slice %arg2[%dma_wait3A_67, %dma_wait3A_68] : memref<16384x768xf32, #tpu.memory_space<hbm>> -> memref<16384x768xf32, #tpu.memory_space<hbm>>
    tpu.wait_indirect_dma semaphore(%arg8 : memref<!tpu.dma_semaphore, #tpu.memory_space<semaphore_mem>>) src(%dma_wait3A_69 : memref<16384x768xf32, #tpu.memory_space<hbm>>) dst(%dma_wait3A_63 : memref<64x768xf32, #tpu.memory_space<vmem>>)
    %add3A_70 = arith.constant 64 : i32
    %add3A_71 = arith.addi %mul3A_2, %add3A_70 : i32
    %run_scoped3A_72 = arith.constant 1 : i32
    "tpu.region"() ({
      %run_scoped3A_238 = tpu.sem_alloc : memref<!tpu.dma_semaphore, #tpu.memory_space<semaphore_mem>>
      %dma_start3A_239 = arith.constant 0 : i32
      %dma_start3A_240 = arith.constant 0 : i32
      %dma_start3A_241 = tpu.memref_slice %arg6[%run_scoped3A_72, %dma_start3A_239, %dma_start3A_240] : memref<2x64x768xf32, #tpu.memory_space<vmem>> -> memref<1x64x768xf32, #tpu.memory_space<vmem>>
      %dma_start3A_242 = tpu.memref_squeeze %dma_start3A_241 : memref<1x64x768xf32, #tpu.memory_space<vmem>> -> memref<64x768xf32, #tpu.memory_space<vmem>>
      %dma_start3A_243 = arith.constant 0 : i32
      %dma_start3A_244 = tpu.memref_slice %arg4[%add3A_71, %dma_start3A_243] : memref<16384x768xf32, #tpu.memory_space<hbm>> -> memref<64x768xf32, #tpu.memory_space<hbm>>
      %dma_start3A_245 = arith.constant 0 : i32
      %dma_start3A_246 = tpu.memref_slice %arg4[%add3A_71, %dma_start3A_245] : memref<16384x768xf32, #tpu.memory_space<hbm>> -> memref<64x768xf32, #tpu.memory_space<hbm>>
      %dma_start3A_247 = arith.constant 0 : i32
      %dma_start3A_248 = arith.constant 0 : i32
      %dma_start3A_249 = tpu.memref_slice %arg6[%run_scoped3A_72, %dma_start3A_247, %dma_start3A_248] : memref<2x64x768xf32, #tpu.memory_space<vmem>> -> memref<1x64x768xf32, #tpu.memory_space<vmem>>
      %dma_start3A_250 = tpu.memref_squeeze %dma_start3A_249 : memref<1x64x768xf32, #tpu.memory_space<vmem>> -> memref<64x768xf32, #tpu.memory_space<vmem>>
      tpu.enqueue_dma source(%dma_start3A_250 : memref<64x768xf32, #tpu.memory_space<vmem>>) target(%dma_start3A_246 : memref<64x768xf32, #tpu.memory_space<hbm>>) target_semaphore(%run_scoped3A_238 : memref<!tpu.dma_semaphore, #tpu.memory_space<semaphore_mem>>)
      %dma_wait3A_251 = arith.constant 0 : i32
      %dma_wait3A_252 = arith.constant 0 : i32
      %dma_wait3A_253 = tpu.memref_slice %arg6[%run_scoped3A_72, %dma_wait3A_251, %dma_wait3A_252] : memref<2x64x768xf32, #tpu.memory_space<vmem>> -> memref<1x64x768xf32, #tpu.memory_space<vmem>>
      %dma_wait3A_254 = tpu.memref_squeeze %dma_wait3A_253 : memref<1x64x768xf32, #tpu.memory_space<vmem>> -> memref<64x768xf32, #tpu.memory_space<vmem>>
      %dma_wait3A_255 = arith.constant 0 : i32
      %dma_wait3A_256 = tpu.memref_slice %arg4[%add3A_71, %dma_wait3A_255] : memref<16384x768xf32, #tpu.memory_space<hbm>> -> memref<64x768xf32, #tpu.memory_space<hbm>>
      %dma_wait3A_257 = arith.constant 0 : i32
      %dma_wait3A_258 = tpu.memref_slice %arg4[%add3A_71, %dma_wait3A_257] : memref<16384x768xf32, #tpu.memory_space<hbm>> -> memref<64x768xf32, #tpu.memory_space<hbm>>
      %dma_wait3A_259 = arith.constant 0 : i32
      %dma_wait3A_260 = arith.constant 0 : i32
      %dma_wait3A_261 = tpu.memref_slice %arg6[%run_scoped3A_72, %dma_wait3A_259, %dma_wait3A_260] : memref<2x64x768xf32, #tpu.memory_space<vmem>> -> memref<1x64x768xf32, #tpu.memory_space<vmem>>
      %dma_wait3A_262 = tpu.memref_squeeze %dma_wait3A_261 : memref<1x64x768xf32, #tpu.memory_space<vmem>> -> memref<64x768xf32, #tpu.memory_space<vmem>>
      tpu.wait_dma2 semaphore(%run_scoped3A_238 : memref<!tpu.dma_semaphore, #tpu.memory_space<semaphore_mem>>) src(%dma_wait3A_262 : memref<64x768xf32, #tpu.memory_space<vmem>>) dst(%dma_wait3A_258 : memref<64x768xf32, #tpu.memory_space<hbm>>)
      tpu.yield
    }) : () -> ()
    %add3A_73 = arith.constant 192 : i32
    %add3A_74 = arith.addi %mul3A_2, %add3A_73 : i32
    %run_scoped3A_75 = arith.constant 1 : i32
    "tpu.region"() ({
      %run_scoped3A_238 = tpu.sem_alloc : memref<!tpu.dma_semaphore, #tpu.memory_space<semaphore_mem>>
      %dma_start3A_239 = arith.constant 0 : i32
      %dma_start3A_240 = tpu.memref_slice %arg5[%run_scoped3A_75, %dma_start3A_239] : memref<2x64xi32, #tpu.memory_space<vmem>> -> memref<1x64xi32, #tpu.memory_space<vmem>>
      %dma_start3A_241 = tpu.memref_squeeze %dma_start3A_240 : memref<1x64xi32, #tpu.memory_space<vmem>> -> memref<64xi32, #tpu.memory_space<vmem>>
      %dma_start3A_242 = tpu.memref_slice %arg3[%add3A_74] : memref<16384xi32, #tpu.memory_space<hbm>> -> memref<64xi32, #tpu.memory_space<hbm>>
      %dma_start3A_243 = arith.constant 0 : i32
      %dma_start3A_244 = tpu.memref_slice %arg5[%run_scoped3A_75, %dma_start3A_243] : memref<2x64xi32, #tpu.memory_space<vmem>> -> memref<1x64xi32, #tpu.memory_space<vmem>>
      %dma_start3A_245 = tpu.memref_squeeze %dma_start3A_244 : memref<1x64xi32, #tpu.memory_space<vmem>> -> memref<64xi32, #tpu.memory_space<vmem>>
      %dma_start3A_246 = tpu.memref_slice %arg3[%add3A_74] : memref<16384xi32, #tpu.memory_space<hbm>> -> memref<64xi32, #tpu.memory_space<hbm>>
      tpu.enqueue_dma source(%dma_start3A_246 : memref<64xi32, #tpu.memory_space<hbm>>) target(%dma_start3A_245 : memref<64xi32, #tpu.memory_space<vmem>>) target_semaphore(%run_scoped3A_238 : memref<!tpu.dma_semaphore, #tpu.memory_space<semaphore_mem>>)
      %dma_wait3A_247 = arith.constant 0 : i32
      %dma_wait3A_248 = tpu.memref_slice %arg5[%run_scoped3A_75, %dma_wait3A_247] : memref<2x64xi32, #tpu.memory_space<vmem>> -> memref<1x64xi32, #tpu.memory_space<vmem>>
      %dma_wait3A_249 = tpu.memref_squeeze %dma_wait3A_248 : memref<1x64xi32, #tpu.memory_space<vmem>> -> memref<64xi32, #tpu.memory_space<vmem>>
      %dma_wait3A_250 = tpu.memref_slice %arg3[%add3A_74] : memref<16384xi32, #tpu.memory_space<hbm>> -> memref<64xi32, #tpu.memory_space<hbm>>
      %dma_wait3A_251 = arith.constant 0 : i32
      %dma_wait3A_252 = tpu.memref_slice %arg5[%run_scoped3A_75, %dma_wait3A_251] : memref<2x64xi32, #tpu.memory_space<vmem>> -> memref<1x64xi32, #tpu.memory_space<vmem>>
      %dma_wait3A_253 = tpu.memref_squeeze %dma_wait3A_252 : memref<1x64xi32, #tpu.memory_space<vmem>> -> memref<64xi32, #tpu.memory_space<vmem>>
      %dma_wait3A_254 = tpu.memref_slice %arg3[%add3A_74] : memref<16384xi32, #tpu.memory_space<hbm>> -> memref<64xi32, #tpu.memory_space<hbm>>
      tpu.wait_dma2 semaphore(%run_scoped3A_238 : memref<!tpu.dma_semaphore, #tpu.memory_space<semaphore_mem>>) src(%dma_wait3A_254 : memref<64xi32, #tpu.memory_space<hbm>>) dst(%dma_wait3A_253 : memref<64xi32, #tpu.memory_space<vmem>>)
      tpu.yield
    }) : () -> ()
    %dma_start3A_76 = arith.constant 1 : i32
    %dma_start3A_77 = arith.constant 1 : i32
    %dma_start3A_78 = arith.constant 0 : i32
    %dma_start3A_79 = arith.constant 0 : i32
    %dma_start3A_80 = tpu.memref_slice %arg6[%dma_start3A_77, %dma_start3A_78, %dma_start3A_79] : memref<2x64x768xf32, #tpu.memory_space<vmem>> -> memref<1x64x768xf32, #tpu.memory_space<vmem>>
    %dma_start3A_81 = tpu.memref_squeeze %dma_start3A_80 : memref<1x64x768xf32, #tpu.memory_space<vmem>> -> memref<64x768xf32, #tpu.memory_space<vmem>>
    %dma_start3A_82 = arith.constant 0 : i32
    %dma_start3A_83 = tpu.memref_slice %arg5[%dma_start3A_76, %dma_start3A_82] : memref<2x64xi32, #tpu.memory_space<vmem>> -> memref<1x64xi32, #tpu.memory_space<vmem>>
    %dma_start3A_84 = tpu.memref_squeeze %dma_start3A_83 : memref<1x64xi32, #tpu.memory_space<vmem>> -> memref<64xi32, #tpu.memory_space<vmem>>
    %dma_start3A_85 = arith.constant 0 : i32
    %dma_start3A_86 = arith.constant 0 : i32
    %dma_start3A_87 = tpu.memref_slice %arg2[%dma_start3A_85, %dma_start3A_86] : memref<16384x768xf32, #tpu.memory_space<hbm>> -> memref<16384x768xf32, #tpu.memory_space<hbm>>
    tpu.enqueue_indirect_dma source(%dma_start3A_87 : memref<16384x768xf32, #tpu.memory_space<hbm>>) target(%dma_start3A_81 : memref<64x768xf32, #tpu.memory_space<vmem>>) offsets(%dma_start3A_84 : memref<64xi32, #tpu.memory_space<vmem>>) semaphore(%arg8 : memref<!tpu.dma_semaphore, #tpu.memory_space<semaphore_mem>>)
    %dma_wait3A_88 = arith.constant 0 : i32
    %dma_wait3A_89 = arith.constant 0 : i32
    %dma_wait3A_90 = arith.constant 0 : i32
    %dma_wait3A_91 = arith.constant 0 : i32
    %dma_wait3A_92 = tpu.memref_slice %arg6[%dma_wait3A_89, %dma_wait3A_90, %dma_wait3A_91] : memref<2x64x768xf32, #tpu.memory_space<vmem>> -> memref<1x64x768xf32, #tpu.memory_space<vmem>>
    %dma_wait3A_93 = tpu.memref_squeeze %dma_wait3A_92 : memref<1x64x768xf32, #tpu.memory_space<vmem>> -> memref<64x768xf32, #tpu.memory_space<vmem>>
    %dma_wait3A_94 = arith.constant 0 : i32
    %dma_wait3A_95 = tpu.memref_slice %arg5[%dma_wait3A_88, %dma_wait3A_94] : memref<2x64xi32, #tpu.memory_space<vmem>> -> memref<1x64xi32, #tpu.memory_space<vmem>>
    %dma_wait3A_96 = tpu.memref_squeeze %dma_wait3A_95 : memref<1x64xi32, #tpu.memory_space<vmem>> -> memref<64xi32, #tpu.memory_space<vmem>>
    %dma_wait3A_97 = arith.constant 0 : i32
    %dma_wait3A_98 = arith.constant 0 : i32
    %dma_wait3A_99 = tpu.memref_slice %arg2[%dma_wait3A_97, %dma_wait3A_98] : memref<16384x768xf32, #tpu.memory_space<hbm>> -> memref<16384x768xf32, #tpu.memory_space<hbm>>
    tpu.wait_indirect_dma semaphore(%arg7 : memref<!tpu.dma_semaphore, #tpu.memory_space<semaphore_mem>>) src(%dma_wait3A_99 : memref<16384x768xf32, #tpu.memory_space<hbm>>) dst(%dma_wait3A_93 : memref<64x768xf32, #tpu.memory_space<vmem>>)
    %add3A_100 = arith.constant 128 : i32
    %add3A_101 = arith.addi %mul3A_2, %add3A_100 : i32
    %run_scoped3A_102 = arith.constant 0 : i32
    "tpu.region"() ({
      %run_scoped3A_238 = tpu.sem_alloc : memref<!tpu.dma_semaphore, #tpu.memory_space<semaphore_mem>>
      %dma_start3A_239 = arith.constant 0 : i32
      %dma_start3A_240 = arith.constant 0 : i32
      %dma_start3A_241 = tpu.memref_slice %arg6[%run_scoped3A_102, %dma_start3A_239, %dma_start3A_240] : memref<2x64x768xf32, #tpu.memory_space<vmem>> -> memref<1x64x768xf32, #tpu.memory_space<vmem>>
      %dma_start3A_242 = tpu.memref_squeeze %dma_start3A_241 : memref<1x64x768xf32, #tpu.memory_space<vmem>> -> memref<64x768xf32, #tpu.memory_space<vmem>>
      %dma_start3A_243 = arith.constant 0 : i32
      %dma_start3A_244 = tpu.memref_slice %arg4[%add3A_101, %dma_start3A_243] : memref<16384x768xf32, #tpu.memory_space<hbm>> -> memref<64x768xf32, #tpu.memory_space<hbm>>
      %dma_start3A_245 = arith.constant 0 : i32
      %dma_start3A_246 = tpu.memref_slice %arg4[%add3A_101, %dma_start3A_245] : memref<16384x768xf32, #tpu.memory_space<hbm>> -> memref<64x768xf32, #tpu.memory_space<hbm>>
      %dma_start3A_247 = arith.constant 0 : i32
      %dma_start3A_248 = arith.constant 0 : i32
      %dma_start3A_249 = tpu.memref_slice %arg6[%run_scoped3A_102, %dma_start3A_247, %dma_start3A_248] : memref<2x64x768xf32, #tpu.memory_space<vmem>> -> memref<1x64x768xf32, #tpu.memory_space<vmem>>
      %dma_start3A_250 = tpu.memref_squeeze %dma_start3A_249 : memref<1x64x768xf32, #tpu.memory_space<vmem>> -> memref<64x768xf32, #tpu.memory_space<vmem>>
      tpu.enqueue_dma source(%dma_start3A_250 : memref<64x768xf32, #tpu.memory_space<vmem>>) target(%dma_start3A_246 : memref<64x768xf32, #tpu.memory_space<hbm>>) target_semaphore(%run_scoped3A_238 : memref<!tpu.dma_semaphore, #tpu.memory_space<semaphore_mem>>)
      %dma_wait3A_251 = arith.constant 0 : i32
      %dma_wait3A_252 = arith.constant 0 : i32
      %dma_wait3A_253 = tpu.memref_slice %arg6[%run_scoped3A_102, %dma_wait3A_251, %dma_wait3A_252] : memref<2x64x768xf32, #tpu.memory_space<vmem>> -> memref<1x64x768xf32, #tpu.memory_space<vmem>>
      %dma_wait3A_254 = tpu.memref_squeeze %dma_wait3A_253 : memref<1x64x768xf32, #tpu.memory_space<vmem>> -> memref<64x768xf32, #tpu.memory_space<vmem>>
      %dma_wait3A_255 = arith.constant 0 : i32
      %dma_wait3A_256 = tpu.memref_slice %arg4[%add3A_101, %dma_wait3A_255] : memref<16384x768xf32, #tpu.memory_space<hbm>> -> memref<64x768xf32, #tpu.memory_space<hbm>>
      %dma_wait3A_257 = arith.constant 0 : i32
      %dma_wait3A_258 = tpu.memref_slice %arg4[%add3A_101, %dma_wait3A_257] : memref<16384x768xf32, #tpu.memory_space<hbm>> -> memref<64x768xf32, #tpu.memory_space<hbm>>
      %dma_wait3A_259 = arith.constant 0 : i32
      %dma_wait3A_260 = arith.constant 0 : i32
      %dma_wait3A_261 = tpu.memref_slice %arg6[%run_scoped3A_102, %dma_wait3A_259, %dma_wait3A_260] : memref<2x64x768xf32, #tpu.memory_space<vmem>> -> memref<1x64x768xf32, #tpu.memory_space<vmem>>
      %dma_wait3A_262 = tpu.memref_squeeze %dma_wait3A_261 : memref<1x64x768xf32, #tpu.memory_space<vmem>> -> memref<64x768xf32, #tpu.memory_space<vmem>>
      tpu.wait_dma2 semaphore(%run_scoped3A_238 : memref<!tpu.dma_semaphore, #tpu.memory_space<semaphore_mem>>) src(%dma_wait3A_262 : memref<64x768xf32, #tpu.memory_space<vmem>>) dst(%dma_wait3A_258 : memref<64x768xf32, #tpu.memory_space<hbm>>)
      tpu.yield
    }) : () -> ()
    %add3A_103 = arith.constant 256 : i32
    %add3A_104 = arith.addi %mul3A_2, %add3A_103 : i32
    %run_scoped3A_105 = arith.constant 0 : i32
    "tpu.region"() ({
      %run_scoped3A_238 = tpu.sem_alloc : memref<!tpu.dma_semaphore, #tpu.memory_space<semaphore_mem>>
      %dma_start3A_239 = arith.constant 0 : i32
      %dma_start3A_240 = tpu.memref_slice %arg5[%run_scoped3A_105, %dma_start3A_239] : memref<2x64xi32, #tpu.memory_space<vmem>> -> memref<1x64xi32, #tpu.memory_space<vmem>>
      %dma_start3A_241 = tpu.memref_squeeze %dma_start3A_240 : memref<1x64xi32, #tpu.memory_space<vmem>> -> memref<64xi32, #tpu.memory_space<vmem>>
      %dma_start3A_242 = tpu.memref_slice %arg3[%add3A_104] : memref<16384xi32, #tpu.memory_space<hbm>> -> memref<64xi32, #tpu.memory_space<hbm>>
      %dma_start3A_243 = arith.constant 0 : i32
      %dma_start3A_244 = tpu.memref_slice %arg5[%run_scoped3A_105, %dma_start3A_243] : memref<2x64xi32, #tpu.memory_space<vmem>> -> memref<1x64xi32, #tpu.memory_space<vmem>>
      %dma_start3A_245 = tpu.memref_squeeze %dma_start3A_244 : memref<1x64xi32, #tpu.memory_space<vmem>> -> memref<64xi32, #tpu.memory_space<vmem>>
      %dma_start3A_246 = tpu.memref_slice %arg3[%add3A_104] : memref<16384xi32, #tpu.memory_space<hbm>> -> memref<64xi32, #tpu.memory_space<hbm>>
      tpu.enqueue_dma source(%dma_start3A_246 : memref<64xi32, #tpu.memory_space<hbm>>) target(%dma_start3A_245 : memref<64xi32, #tpu.memory_space<vmem>>) target_semaphore(%run_scoped3A_238 : memref<!tpu.dma_semaphore, #tpu.memory_space<semaphore_mem>>)
      %dma_wait3A_247 = arith.constant 0 : i32
      %dma_wait3A_248 = tpu.memref_slice %arg5[%run_scoped3A_105, %dma_wait3A_247] : memref<2x64xi32, #tpu.memory_space<vmem>> -> memref<1x64xi32, #tpu.memory_space<vmem>>
      %dma_wait3A_249 = tpu.memref_squeeze %dma_wait3A_248 : memref<1x64xi32, #tpu.memory_space<vmem>> -> memref<64xi32, #tpu.memory_space<vmem>>
      %dma_wait3A_250 = tpu.memref_slice %arg3[%add3A_104] : memref<16384xi32, #tpu.memory_space<hbm>> -> memref<64xi32, #tpu.memory_space<hbm>>
      %dma_wait3A_251 = arith.constant 0 : i32
      %dma_wait3A_252 = tpu.memref_slice %arg5[%run_scoped3A_105, %dma_wait3A_251] : memref<2x64xi32, #tpu.memory_space<vmem>> -> memref<1x64xi32, #tpu.memory_space<vmem>>
      %dma_wait3A_253 = tpu.memref_squeeze %dma_wait3A_252 : memref<1x64xi32, #tpu.memory_space<vmem>> -> memref<64xi32, #tpu.memory_space<vmem>>
      %dma_wait3A_254 = tpu.memref_slice %arg3[%add3A_104] : memref<16384xi32, #tpu.memory_space<hbm>> -> memref<64xi32, #tpu.memory_space<hbm>>
      tpu.wait_dma2 semaphore(%run_scoped3A_238 : memref<!tpu.dma_semaphore, #tpu.memory_space<semaphore_mem>>) src(%dma_wait3A_254 : memref<64xi32, #tpu.memory_space<hbm>>) dst(%dma_wait3A_253 : memref<64xi32, #tpu.memory_space<vmem>>)
      tpu.yield
    }) : () -> ()
    %dma_start3A_106 = arith.constant 0 : i32
    %dma_start3A_107 = arith.constant 0 : i32
    %dma_start3A_108 = arith.constant 0 : i32
    %dma_start3A_109 = arith.constant 0 : i32
    %dma_start3A_110 = tpu.memref_slice %arg6[%dma_start3A_107, %dma_start3A_108, %dma_start3A_109] : memref<2x64x768xf32, #tpu.memory_space<vmem>> -> memref<1x64x768xf32, #tpu.memory_space<vmem>>
    %dma_start3A_111 = tpu.memref_squeeze %dma_start3A_110 : memref<1x64x768xf32, #tpu.memory_space<vmem>> -> memref<64x768xf32, #tpu.memory_space<vmem>>
    %dma_start3A_112 = arith.constant 0 : i32
    %dma_start3A_113 = tpu.memref_slice %arg5[%dma_start3A_106, %dma_start3A_112] : memref<2x64xi32, #tpu.memory_space<vmem>> -> memref<1x64xi32, #tpu.memory_space<vmem>>
    %dma_start3A_114 = tpu.memref_squeeze %dma_start3A_113 : memref<1x64xi32, #tpu.memory_space<vmem>> -> memref<64xi32, #tpu.memory_space<vmem>>
    %dma_start3A_115 = arith.constant 0 : i32
    %dma_start3A_116 = arith.constant 0 : i32
    %dma_start3A_117 = tpu.memref_slice %arg2[%dma_start3A_115, %dma_start3A_116] : memref<16384x768xf32, #tpu.memory_space<hbm>> -> memref<16384x768xf32, #tpu.memory_space<hbm>>
    tpu.enqueue_indirect_dma source(%dma_start3A_117 : memref<16384x768xf32, #tpu.memory_space<hbm>>) target(%dma_start3A_111 : memref<64x768xf32, #tpu.memory_space<vmem>>) offsets(%dma_start3A_114 : memref<64xi32, #tpu.memory_space<vmem>>) semaphore(%arg7 : memref<!tpu.dma_semaphore, #tpu.memory_space<semaphore_mem>>)
    %dma_wait3A_118 = arith.constant 1 : i32
    %dma_wait3A_119 = arith.constant 1 : i32
    %dma_wait3A_120 = arith.constant 0 : i32
    %dma_wait3A_121 = arith.constant 0 : i32
    %dma_wait3A_122 = tpu.memref_slice %arg6[%dma_wait3A_119, %dma_wait3A_120, %dma_wait3A_121] : memref<2x64x768xf32, #tpu.memory_space<vmem>> -> memref<1x64x768xf32, #tpu.memory_space<vmem>>
    %dma_wait3A_123 = tpu.memref_squeeze %dma_wait3A_122 : memref<1x64x768xf32, #tpu.memory_space<vmem>> -> memref<64x768xf32, #tpu.memory_space<vmem>>
    %dma_wait3A_124 = arith.constant 0 : i32
    %dma_wait3A_125 = tpu.memref_slice %arg5[%dma_wait3A_118, %dma_wait3A_124] : memref<2x64xi32, #tpu.memory_space<vmem>> -> memref<1x64xi32, #tpu.memory_space<vmem>>
    %dma_wait3A_126 = tpu.memref_squeeze %dma_wait3A_125 : memref<1x64xi32, #tpu.memory_space<vmem>> -> memref<64xi32, #tpu.memory_space<vmem>>
    %dma_wait3A_127 = arith.constant 0 : i32
    %dma_wait3A_128 = arith.constant 0 : i32
    %dma_wait3A_129 = tpu.memref_slice %arg2[%dma_wait3A_127, %dma_wait3A_128] : memref<16384x768xf32, #tpu.memory_space<hbm>> -> memref<16384x768xf32, #tpu.memory_space<hbm>>
    tpu.wait_indirect_dma semaphore(%arg8 : memref<!tpu.dma_semaphore, #tpu.memory_space<semaphore_mem>>) src(%dma_wait3A_129 : memref<16384x768xf32, #tpu.memory_space<hbm>>) dst(%dma_wait3A_123 : memref<64x768xf32, #tpu.memory_space<vmem>>)
    %add3A_130 = arith.constant 192 : i32
    %add3A_131 = arith.addi %mul3A_2, %add3A_130 : i32
    %run_scoped3A_132 = arith.constant 1 : i32
    "tpu.region"() ({
      %run_scoped3A_238 = tpu.sem_alloc : memref<!tpu.dma_semaphore, #tpu.memory_space<semaphore_mem>>
      %dma_start3A_239 = arith.constant 0 : i32
      %dma_start3A_240 = arith.constant 0 : i32
      %dma_start3A_241 = tpu.memref_slice %arg6[%run_scoped3A_132, %dma_start3A_239, %dma_start3A_240] : memref<2x64x768xf32, #tpu.memory_space<vmem>> -> memref<1x64x768xf32, #tpu.memory_space<vmem>>
      %dma_start3A_242 = tpu.memref_squeeze %dma_start3A_241 : memref<1x64x768xf32, #tpu.memory_space<vmem>> -> memref<64x768xf32, #tpu.memory_space<vmem>>
      %dma_start3A_243 = arith.constant 0 : i32
      %dma_start3A_244 = tpu.memref_slice %arg4[%add3A_131, %dma_start3A_243] : memref<16384x768xf32, #tpu.memory_space<hbm>> -> memref<64x768xf32, #tpu.memory_space<hbm>>
      %dma_start3A_245 = arith.constant 0 : i32
      %dma_start3A_246 = tpu.memref_slice %arg4[%add3A_131, %dma_start3A_245] : memref<16384x768xf32, #tpu.memory_space<hbm>> -> memref<64x768xf32, #tpu.memory_space<hbm>>
      %dma_start3A_247 = arith.constant 0 : i32
      %dma_start3A_248 = arith.constant 0 : i32
      %dma_start3A_249 = tpu.memref_slice %arg6[%run_scoped3A_132, %dma_start3A_247, %dma_start3A_248] : memref<2x64x768xf32, #tpu.memory_space<vmem>> -> memref<1x64x768xf32, #tpu.memory_space<vmem>>
      %dma_start3A_250 = tpu.memref_squeeze %dma_start3A_249 : memref<1x64x768xf32, #tpu.memory_space<vmem>> -> memref<64x768xf32, #tpu.memory_space<vmem>>
      tpu.enqueue_dma source(%dma_start3A_250 : memref<64x768xf32, #tpu.memory_space<vmem>>) target(%dma_start3A_246 : memref<64x768xf32, #tpu.memory_space<hbm>>) target_semaphore(%run_scoped3A_238 : memref<!tpu.dma_semaphore, #tpu.memory_space<semaphore_mem>>)
      %dma_wait3A_251 = arith.constant 0 : i32
      %dma_wait3A_252 = arith.constant 0 : i32
      %dma_wait3A_253 = tpu.memref_slice %arg6[%run_scoped3A_132, %dma_wait3A_251, %dma_wait3A_252] : memref<2x64x768xf32, #tpu.memory_space<vmem>> -> memref<1x64x768xf32, #tpu.memory_space<vmem>>
      %dma_wait3A_254 = tpu.memref_squeeze %dma_wait3A_253 : memref<1x64x768xf32, #tpu.memory_space<vmem>> -> memref<64x768xf32, #tpu.memory_space<vmem>>
      %dma_wait3A_255 = arith.constant 0 : i32
      %dma_wait3A_256 = tpu.memref_slice %arg4[%add3A_131, %dma_wait3A_255] : memref<16384x768xf32, #tpu.memory_space<hbm>> -> memref<64x768xf32, #tpu.memory_space<hbm>>
      %dma_wait3A_257 = arith.constant 0 : i32
      %dma_wait3A_258 = tpu.memref_slice %arg4[%add3A_131, %dma_wait3A_257] : memref<16384x768xf32, #tpu.memory_space<hbm>> -> memref<64x768xf32, #tpu.memory_space<hbm>>
      %dma_wait3A_259 = arith.constant 0 : i32
      %dma_wait3A_260 = arith.constant 0 : i32
      %dma_wait3A_261 = tpu.memref_slice %arg6[%run_scoped3A_132, %dma_wait3A_259, %dma_wait3A_260] : memref<2x64x768xf32, #tpu.memory_space<vmem>> -> memref<1x64x768xf32, #tpu.memory_space<vmem>>
      %dma_wait3A_262 = tpu.memref_squeeze %dma_wait3A_261 : memref<1x64x768xf32, #tpu.memory_space<vmem>> -> memref<64x768xf32, #tpu.memory_space<vmem>>
      tpu.wait_dma2 semaphore(%run_scoped3A_238 : memref<!tpu.dma_semaphore, #tpu.memory_space<semaphore_mem>>) src(%dma_wait3A_262 : memref<64x768xf32, #tpu.memory_space<vmem>>) dst(%dma_wait3A_258 : memref<64x768xf32, #tpu.memory_space<hbm>>)
      tpu.yield
    }) : () -> ()
    %add3A_133 = arith.constant 320 : i32
    %add3A_134 = arith.addi %mul3A_2, %add3A_133 : i32
    %run_scoped3A_135 = arith.constant 1 : i32
    "tpu.region"() ({
      %run_scoped3A_238 = tpu.sem_alloc : memref<!tpu.dma_semaphore, #tpu.memory_space<semaphore_mem>>
      %dma_start3A_239 = arith.constant 0 : i32
      %dma_start3A_240 = tpu.memref_slice %arg5[%run_scoped3A_135, %dma_start3A_239] : memref<2x64xi32, #tpu.memory_space<vmem>> -> memref<1x64xi32, #tpu.memory_space<vmem>>
      %dma_start3A_241 = tpu.memref_squeeze %dma_start3A_240 : memref<1x64xi32, #tpu.memory_space<vmem>> -> memref<64xi32, #tpu.memory_space<vmem>>
      %dma_start3A_242 = tpu.memref_slice %arg3[%add3A_134] : memref<16384xi32, #tpu.memory_space<hbm>> -> memref<64xi32, #tpu.memory_space<hbm>>
      %dma_start3A_243 = arith.constant 0 : i32
      %dma_start3A_244 = tpu.memref_slice %arg5[%run_scoped3A_135, %dma_start3A_243] : memref<2x64xi32, #tpu.memory_space<vmem>> -> memref<1x64xi32, #tpu.memory_space<vmem>>
      %dma_start3A_245 = tpu.memref_squeeze %dma_start3A_244 : memref<1x64xi32, #tpu.memory_space<vmem>> -> memref<64xi32, #tpu.memory_space<vmem>>
      %dma_start3A_246 = tpu.memref_slice %arg3[%add3A_134] : memref<16384xi32, #tpu.memory_space<hbm>> -> memref<64xi32, #tpu.memory_space<hbm>>
      tpu.enqueue_dma source(%dma_start3A_246 : memref<64xi32, #tpu.memory_space<hbm>>) target(%dma_start3A_245 : memref<64xi32, #tpu.memory_space<vmem>>) target_semaphore(%run_scoped3A_238 : memref<!tpu.dma_semaphore, #tpu.memory_space<semaphore_mem>>)
      %dma_wait3A_247 = arith.constant 0 : i32
      %dma_wait3A_248 = tpu.memref_slice %arg5[%run_scoped3A_135, %dma_wait3A_247] : memref<2x64xi32, #tpu.memory_space<vmem>> -> memref<1x64xi32, #tpu.memory_space<vmem>>
      %dma_wait3A_249 = tpu.memref_squeeze %dma_wait3A_248 : memref<1x64xi32, #tpu.memory_space<vmem>> -> memref<64xi32, #tpu.memory_space<vmem>>
      %dma_wait3A_250 = tpu.memref_slice %arg3[%add3A_134] : memref<16384xi32, #tpu.memory_space<hbm>> -> memref<64xi32, #tpu.memory_space<hbm>>
      %dma_wait3A_251 = arith.constant 0 : i32
      %dma_wait3A_252 = tpu.memref_slice %arg5[%run_scoped3A_135, %dma_wait3A_251] : memref<2x64xi32, #tpu.memory_space<vmem>> -> memref<1x64xi32, #tpu.memory_space<vmem>>
      %dma_wait3A_253 = tpu.memref_squeeze %dma_wait3A_252 : memref<1x64xi32, #tpu.memory_space<vmem>> -> memref<64xi32, #tpu.memory_space<vmem>>
      %dma_wait3A_254 = tpu.memref_slice %arg3[%add3A_134] : memref<16384xi32, #tpu.memory_space<hbm>> -> memref<64xi32, #tpu.memory_space<hbm>>
      tpu.wait_dma2 semaphore(%run_scoped3A_238 : memref<!tpu.dma_semaphore, #tpu.memory_space<semaphore_mem>>) src(%dma_wait3A_254 : memref<64xi32, #tpu.memory_space<hbm>>) dst(%dma_wait3A_253 : memref<64xi32, #tpu.memory_space<vmem>>)
      tpu.yield
    }) : () -> ()
    %dma_start3A_136 = arith.constant 1 : i32
    %dma_start3A_137 = arith.constant 1 : i32
    %dma_start3A_138 = arith.constant 0 : i32
    %dma_start3A_139 = arith.constant 0 : i32
    %dma_start3A_140 = tpu.memref_slice %arg6[%dma_start3A_137, %dma_start3A_138, %dma_start3A_139] : memref<2x64x768xf32, #tpu.memory_space<vmem>> -> memref<1x64x768xf32, #tpu.memory_space<vmem>>
    %dma_start3A_141 = tpu.memref_squeeze %dma_start3A_140 : memref<1x64x768xf32, #tpu.memory_space<vmem>> -> memref<64x768xf32, #tpu.memory_space<vmem>>
    %dma_start3A_142 = arith.constant 0 : i32
    %dma_start3A_143 = tpu.memref_slice %arg5[%dma_start3A_136, %dma_start3A_142] : memref<2x64xi32, #tpu.memory_space<vmem>> -> memref<1x64xi32, #tpu.memory_space<vmem>>
    %dma_start3A_144 = tpu.memref_squeeze %dma_start3A_143 : memref<1x64xi32, #tpu.memory_space<vmem>> -> memref<64xi32, #tpu.memory_space<vmem>>
    %dma_start3A_145 = arith.constant 0 : i32
    %dma_start3A_146 = arith.constant 0 : i32
    %dma_start3A_147 = tpu.memref_slice %arg2[%dma_start3A_145, %dma_start3A_146] : memref<16384x768xf32, #tpu.memory_space<hbm>> -> memref<16384x768xf32, #tpu.memory_space<hbm>>
    tpu.enqueue_indirect_dma source(%dma_start3A_147 : memref<16384x768xf32, #tpu.memory_space<hbm>>) target(%dma_start3A_141 : memref<64x768xf32, #tpu.memory_space<vmem>>) offsets(%dma_start3A_144 : memref<64xi32, #tpu.memory_space<vmem>>) semaphore(%arg8 : memref<!tpu.dma_semaphore, #tpu.memory_space<semaphore_mem>>)
    %dma_wait3A_148 = arith.constant 0 : i32
    %dma_wait3A_149 = arith.constant 0 : i32
    %dma_wait3A_150 = arith.constant 0 : i32
    %dma_wait3A_151 = arith.constant 0 : i32
    %dma_wait3A_152 = tpu.memref_slice %arg6[%dma_wait3A_149, %dma_wait3A_150, %dma_wait3A_151] : memref<2x64x768xf32, #tpu.memory_space<vmem>> -> memref<1x64x768xf32, #tpu.memory_space<vmem>>
    %dma_wait3A_153 = tpu.memref_squeeze %dma_wait3A_152 : memref<1x64x768xf32, #tpu.memory_space<vmem>> -> memref<64x768xf32, #tpu.memory_space<vmem>>
    %dma_wait3A_154 = arith.constant 0 : i32
    %dma_wait3A_155 = tpu.memref_slice %arg5[%dma_wait3A_148, %dma_wait3A_154] : memref<2x64xi32, #tpu.memory_space<vmem>> -> memref<1x64xi32, #tpu.memory_space<vmem>>
    %dma_wait3A_156 = tpu.memref_squeeze %dma_wait3A_155 : memref<1x64xi32, #tpu.memory_space<vmem>> -> memref<64xi32, #tpu.memory_space<vmem>>
    %dma_wait3A_157 = arith.constant 0 : i32
    %dma_wait3A_158 = arith.constant 0 : i32
    %dma_wait3A_159 = tpu.memref_slice %arg2[%dma_wait3A_157, %dma_wait3A_158] : memref<16384x768xf32, #tpu.memory_space<hbm>> -> memref<16384x768xf32, #tpu.memory_space<hbm>>
    tpu.wait_indirect_dma semaphore(%arg7 : memref<!tpu.dma_semaphore, #tpu.memory_space<semaphore_mem>>) src(%dma_wait3A_159 : memref<16384x768xf32, #tpu.memory_space<hbm>>) dst(%dma_wait3A_153 : memref<64x768xf32, #tpu.memory_space<vmem>>)
    %add3A_160 = arith.constant 256 : i32
    %add3A_161 = arith.addi %mul3A_2, %add3A_160 : i32
    %run_scoped3A_162 = arith.constant 0 : i32
    "tpu.region"() ({
      %run_scoped3A_238 = tpu.sem_alloc : memref<!tpu.dma_semaphore, #tpu.memory_space<semaphore_mem>>
      %dma_start3A_239 = arith.constant 0 : i32
      %dma_start3A_240 = arith.constant 0 : i32
      %dma_start3A_241 = tpu.memref_slice %arg6[%run_scoped3A_162, %dma_start3A_239, %dma_start3A_240] : memref<2x64x768xf32, #tpu.memory_space<vmem>> -> memref<1x64x768xf32, #tpu.memory_space<vmem>>
      %dma_start3A_242 = tpu.memref_squeeze %dma_start3A_241 : memref<1x64x768xf32, #tpu.memory_space<vmem>> -> memref<64x768xf32, #tpu.memory_space<vmem>>
      %dma_start3A_243 = arith.constant 0 : i32
      %dma_start3A_244 = tpu.memref_slice %arg4[%add3A_161, %dma_start3A_243] : memref<16384x768xf32, #tpu.memory_space<hbm>> -> memref<64x768xf32, #tpu.memory_space<hbm>>
      %dma_start3A_245 = arith.constant 0 : i32
      %dma_start3A_246 = tpu.memref_slice %arg4[%add3A_161, %dma_start3A_245] : memref<16384x768xf32, #tpu.memory_space<hbm>> -> memref<64x768xf32, #tpu.memory_space<hbm>>
      %dma_start3A_247 = arith.constant 0 : i32
      %dma_start3A_248 = arith.constant 0 : i32
      %dma_start3A_249 = tpu.memref_slice %arg6[%run_scoped3A_162, %dma_start3A_247, %dma_start3A_248] : memref<2x64x768xf32, #tpu.memory_space<vmem>> -> memref<1x64x768xf32, #tpu.memory_space<vmem>>
      %dma_start3A_250 = tpu.memref_squeeze %dma_start3A_249 : memref<1x64x768xf32, #tpu.memory_space<vmem>> -> memref<64x768xf32, #tpu.memory_space<vmem>>
      tpu.enqueue_dma source(%dma_start3A_250 : memref<64x768xf32, #tpu.memory_space<vmem>>) target(%dma_start3A_246 : memref<64x768xf32, #tpu.memory_space<hbm>>) target_semaphore(%run_scoped3A_238 : memref<!tpu.dma_semaphore, #tpu.memory_space<semaphore_mem>>)
      %dma_wait3A_251 = arith.constant 0 : i32
      %dma_wait3A_252 = arith.constant 0 : i32
      %dma_wait3A_253 = tpu.memref_slice %arg6[%run_scoped3A_162, %dma_wait3A_251, %dma_wait3A_252] : memref<2x64x768xf32, #tpu.memory_space<vmem>> -> memref<1x64x768xf32, #tpu.memory_space<vmem>>
      %dma_wait3A_254 = tpu.memref_squeeze %dma_wait3A_253 : memref<1x64x768xf32, #tpu.memory_space<vmem>> -> memref<64x768xf32, #tpu.memory_space<vmem>>
      %dma_wait3A_255 = arith.constant 0 : i32
      %dma_wait3A_256 = tpu.memref_slice %arg4[%add3A_161, %dma_wait3A_255] : memref<16384x768xf32, #tpu.memory_space<hbm>> -> memref<64x768xf32, #tpu.memory_space<hbm>>
      %dma_wait3A_257 = arith.constant 0 : i32
      %dma_wait3A_258 = tpu.memref_slice %arg4[%add3A_161, %dma_wait3A_257] : memref<16384x768xf32, #tpu.memory_space<hbm>> -> memref<64x768xf32, #tpu.memory_space<hbm>>
      %dma_wait3A_259 = arith.constant 0 : i32
      %dma_wait3A_260 = arith.constant 0 : i32
      %dma_wait3A_261 = tpu.memref_slice %arg6[%run_scoped3A_162, %dma_wait3A_259, %dma_wait3A_260] : memref<2x64x768xf32, #tpu.memory_space<vmem>> -> memref<1x64x768xf32, #tpu.memory_space<vmem>>
      %dma_wait3A_262 = tpu.memref_squeeze %dma_wait3A_261 : memref<1x64x768xf32, #tpu.memory_space<vmem>> -> memref<64x768xf32, #tpu.memory_space<vmem>>
      tpu.wait_dma2 semaphore(%run_scoped3A_238 : memref<!tpu.dma_semaphore, #tpu.memory_space<semaphore_mem>>) src(%dma_wait3A_262 : memref<64x768xf32, #tpu.memory_space<vmem>>) dst(%dma_wait3A_258 : memref<64x768xf32, #tpu.memory_space<hbm>>)
      tpu.yield
    }) : () -> ()
    %add3A_163 = arith.constant 384 : i32
    %add3A_164 = arith.addi %mul3A_2, %add3A_163 : i32
    %run_scoped3A_165 = arith.constant 0 : i32
    "tpu.region"() ({
      %run_scoped3A_238 = tpu.sem_alloc : memref<!tpu.dma_semaphore, #tpu.memory_space<semaphore_mem>>
      %dma_start3A_239 = arith.constant 0 : i32
      %dma_start3A_240 = tpu.memref_slice %arg5[%run_scoped3A_165, %dma_start3A_239] : memref<2x64xi32, #tpu.memory_space<vmem>> -> memref<1x64xi32, #tpu.memory_space<vmem>>
      %dma_start3A_241 = tpu.memref_squeeze %dma_start3A_240 : memref<1x64xi32, #tpu.memory_space<vmem>> -> memref<64xi32, #tpu.memory_space<vmem>>
      %dma_start3A_242 = tpu.memref_slice %arg3[%add3A_164] : memref<16384xi32, #tpu.memory_space<hbm>> -> memref<64xi32, #tpu.memory_space<hbm>>
      %dma_start3A_243 = arith.constant 0 : i32
      %dma_start3A_244 = tpu.memref_slice %arg5[%run_scoped3A_165, %dma_start3A_243] : memref<2x64xi32, #tpu.memory_space<vmem>> -> memref<1x64xi32, #tpu.memory_space<vmem>>
      %dma_start3A_245 = tpu.memref_squeeze %dma_start3A_244 : memref<1x64xi32, #tpu.memory_space<vmem>> -> memref<64xi32, #tpu.memory_space<vmem>>
      %dma_start3A_246 = tpu.memref_slice %arg3[%add3A_164] : memref<16384xi32, #tpu.memory_space<hbm>> -> memref<64xi32, #tpu.memory_space<hbm>>
      tpu.enqueue_dma source(%dma_start3A_246 : memref<64xi32, #tpu.memory_space<hbm>>) target(%dma_start3A_245 : memref<64xi32, #tpu.memory_space<vmem>>) target_semaphore(%run_scoped3A_238 : memref<!tpu.dma_semaphore, #tpu.memory_space<semaphore_mem>>)
      %dma_wait3A_247 = arith.constant 0 : i32
      %dma_wait3A_248 = tpu.memref_slice %arg5[%run_scoped3A_165, %dma_wait3A_247] : memref<2x64xi32, #tpu.memory_space<vmem>> -> memref<1x64xi32, #tpu.memory_space<vmem>>
      %dma_wait3A_249 = tpu.memref_squeeze %dma_wait3A_248 : memref<1x64xi32, #tpu.memory_space<vmem>> -> memref<64xi32, #tpu.memory_space<vmem>>
      %dma_wait3A_250 = tpu.memref_slice %arg3[%add3A_164] : memref<16384xi32, #tpu.memory_space<hbm>> -> memref<64xi32, #tpu.memory_space<hbm>>
      %dma_wait3A_251 = arith.constant 0 : i32
      %dma_wait3A_252 = tpu.memref_slice %arg5[%run_scoped3A_165, %dma_wait3A_251] : memref<2x64xi32, #tpu.memory_space<vmem>> -> memref<1x64xi32, #tpu.memory_space<vmem>>
      %dma_wait3A_253 = tpu.memref_squeeze %dma_wait3A_252 : memref<1x64xi32, #tpu.memory_space<vmem>> -> memref<64xi32, #tpu.memory_space<vmem>>
      %dma_wait3A_254 = tpu.memref_slice %arg3[%add3A_164] : memref<16384xi32, #tpu.memory_space<hbm>> -> memref<64xi32, #tpu.memory_space<hbm>>
      tpu.wait_dma2 semaphore(%run_scoped3A_238 : memref<!tpu.dma_semaphore, #tpu.memory_space<semaphore_mem>>) src(%dma_wait3A_254 : memref<64xi32, #tpu.memory_space<hbm>>) dst(%dma_wait3A_253 : memref<64xi32, #tpu.memory_space<vmem>>)
      tpu.yield
    }) : () -> ()
    %dma_start3A_166 = arith.constant 0 : i32
    %dma_start3A_167 = arith.constant 0 : i32
    %dma_start3A_168 = arith.constant 0 : i32
    %dma_start3A_169 = arith.constant 0 : i32
    %dma_start3A_170 = tpu.memref_slice %arg6[%dma_start3A_167, %dma_start3A_168, %dma_start3A_169] : memref<2x64x768xf32, #tpu.memory_space<vmem>> -> memref<1x64x768xf32, #tpu.memory_space<vmem>>
    %dma_start3A_171 = tpu.memref_squeeze %dma_start3A_170 : memref<1x64x768xf32, #tpu.memory_space<vmem>> -> memref<64x768xf32, #tpu.memory_space<vmem>>
    %dma_start3A_172 = arith.constant 0 : i32
    %dma_start3A_173 = tpu.memref_slice %arg5[%dma_start3A_166, %dma_start3A_172] : memref<2x64xi32, #tpu.memory_space<vmem>> -> memref<1x64xi32, #tpu.memory_space<vmem>>
    %dma_start3A_174 = tpu.memref_squeeze %dma_start3A_173 : memref<1x64xi32, #tpu.memory_space<vmem>> -> memref<64xi32, #tpu.memory_space<vmem>>
    %dma_start3A_175 = arith.constant 0 : i32
    %dma_start3A_176 = arith.constant 0 : i32
    %dma_start3A_177 = tpu.memref_slice %arg2[%dma_start3A_175, %dma_start3A_176] : memref<16384x768xf32, #tpu.memory_space<hbm>> -> memref<16384x768xf32, #tpu.memory_space<hbm>>
    tpu.enqueue_indirect_dma source(%dma_start3A_177 : memref<16384x768xf32, #tpu.memory_space<hbm>>) target(%dma_start3A_171 : memref<64x768xf32, #tpu.memory_space<vmem>>) offsets(%dma_start3A_174 : memref<64xi32, #tpu.memory_space<vmem>>) semaphore(%arg7 : memref<!tpu.dma_semaphore, #tpu.memory_space<semaphore_mem>>)
    %dma_wait3A_178 = arith.constant 1 : i32
    %dma_wait3A_179 = arith.constant 1 : i32
    %dma_wait3A_180 = arith.constant 0 : i32
    %dma_wait3A_181 = arith.constant 0 : i32
    %dma_wait3A_182 = tpu.memref_slice %arg6[%dma_wait3A_179, %dma_wait3A_180, %dma_wait3A_181] : memref<2x64x768xf32, #tpu.memory_space<vmem>> -> memref<1x64x768xf32, #tpu.memory_space<vmem>>
    %dma_wait3A_183 = tpu.memref_squeeze %dma_wait3A_182 : memref<1x64x768xf32, #tpu.memory_space<vmem>> -> memref<64x768xf32, #tpu.memory_space<vmem>>
    %dma_wait3A_184 = arith.constant 0 : i32
    %dma_wait3A_185 = tpu.memref_slice %arg5[%dma_wait3A_178, %dma_wait3A_184] : memref<2x64xi32, #tpu.memory_space<vmem>> -> memref<1x64xi32, #tpu.memory_space<vmem>>
    %dma_wait3A_186 = tpu.memref_squeeze %dma_wait3A_185 : memref<1x64xi32, #tpu.memory_space<vmem>> -> memref<64xi32, #tpu.memory_space<vmem>>
    %dma_wait3A_187 = arith.constant 0 : i32
    %dma_wait3A_188 = arith.constant 0 : i32
    %dma_wait3A_189 = tpu.memref_slice %arg2[%dma_wait3A_187, %dma_wait3A_188] : memref<16384x768xf32, #tpu.memory_space<hbm>> -> memref<16384x768xf32, #tpu.memory_space<hbm>>
    tpu.wait_indirect_dma semaphore(%arg8 : memref<!tpu.dma_semaphore, #tpu.memory_space<semaphore_mem>>) src(%dma_wait3A_189 : memref<16384x768xf32, #tpu.memory_space<hbm>>) dst(%dma_wait3A_183 : memref<64x768xf32, #tpu.memory_space<vmem>>)
    %add3A_190 = arith.constant 320 : i32
    %add3A_191 = arith.addi %mul3A_2, %add3A_190 : i32
    %run_scoped3A_192 = arith.constant 1 : i32
    "tpu.region"() ({
      %run_scoped3A_238 = tpu.sem_alloc : memref<!tpu.dma_semaphore, #tpu.memory_space<semaphore_mem>>
      %dma_start3A_239 = arith.constant 0 : i32
      %dma_start3A_240 = arith.constant 0 : i32
      %dma_start3A_241 = tpu.memref_slice %arg6[%run_scoped3A_192, %dma_start3A_239, %dma_start3A_240] : memref<2x64x768xf32, #tpu.memory_space<vmem>> -> memref<1x64x768xf32, #tpu.memory_space<vmem>>
      %dma_start3A_242 = tpu.memref_squeeze %dma_start3A_241 : memref<1x64x768xf32, #tpu.memory_space<vmem>> -> memref<64x768xf32, #tpu.memory_space<vmem>>
      %dma_start3A_243 = arith.constant 0 : i32
      %dma_start3A_244 = tpu.memref_slice %arg4[%add3A_191, %dma_start3A_243] : memref<16384x768xf32, #tpu.memory_space<hbm>> -> memref<64x768xf32, #tpu.memory_space<hbm>>
      %dma_start3A_245 = arith.constant 0 : i32
      %dma_start3A_246 = tpu.memref_slice %arg4[%add3A_191, %dma_start3A_245] : memref<16384x768xf32, #tpu.memory_space<hbm>> -> memref<64x768xf32, #tpu.memory_space<hbm>>
      %dma_start3A_247 = arith.constant 0 : i32
      %dma_start3A_248 = arith.constant 0 : i32
      %dma_start3A_249 = tpu.memref_slice %arg6[%run_scoped3A_192, %dma_start3A_247, %dma_start3A_248] : memref<2x64x768xf32, #tpu.memory_space<vmem>> -> memref<1x64x768xf32, #tpu.memory_space<vmem>>
      %dma_start3A_250 = tpu.memref_squeeze %dma_start3A_249 : memref<1x64x768xf32, #tpu.memory_space<vmem>> -> memref<64x768xf32, #tpu.memory_space<vmem>>
      tpu.enqueue_dma source(%dma_start3A_250 : memref<64x768xf32, #tpu.memory_space<vmem>>) target(%dma_start3A_246 : memref<64x768xf32, #tpu.memory_space<hbm>>) target_semaphore(%run_scoped3A_238 : memref<!tpu.dma_semaphore, #tpu.memory_space<semaphore_mem>>)
      %dma_wait3A_251 = arith.constant 0 : i32
      %dma_wait3A_252 = arith.constant 0 : i32
      %dma_wait3A_253 = tpu.memref_slice %arg6[%run_scoped3A_192, %dma_wait3A_251, %dma_wait3A_252] : memref<2x64x768xf32, #tpu.memory_space<vmem>> -> memref<1x64x768xf32, #tpu.memory_space<vmem>>
      %dma_wait3A_254 = tpu.memref_squeeze %dma_wait3A_253 : memref<1x64x768xf32, #tpu.memory_space<vmem>> -> memref<64x768xf32, #tpu.memory_space<vmem>>
      %dma_wait3A_255 = arith.constant 0 : i32
      %dma_wait3A_256 = tpu.memref_slice %arg4[%add3A_191, %dma_wait3A_255] : memref<16384x768xf32, #tpu.memory_space<hbm>> -> memref<64x768xf32, #tpu.memory_space<hbm>>
      %dma_wait3A_257 = arith.constant 0 : i32
      %dma_wait3A_258 = tpu.memref_slice %arg4[%add3A_191, %dma_wait3A_257] : memref<16384x768xf32, #tpu.memory_space<hbm>> -> memref<64x768xf32, #tpu.memory_space<hbm>>
      %dma_wait3A_259 = arith.constant 0 : i32
      %dma_wait3A_260 = arith.constant 0 : i32
      %dma_wait3A_261 = tpu.memref_slice %arg6[%run_scoped3A_192, %dma_wait3A_259, %dma_wait3A_260] : memref<2x64x768xf32, #tpu.memory_space<vmem>> -> memref<1x64x768xf32, #tpu.memory_space<vmem>>
      %dma_wait3A_262 = tpu.memref_squeeze %dma_wait3A_261 : memref<1x64x768xf32, #tpu.memory_space<vmem>> -> memref<64x768xf32, #tpu.memory_space<vmem>>
      tpu.wait_dma2 semaphore(%run_scoped3A_238 : memref<!tpu.dma_semaphore, #tpu.memory_space<semaphore_mem>>) src(%dma_wait3A_262 : memref<64x768xf32, #tpu.memory_space<vmem>>) dst(%dma_wait3A_258 : memref<64x768xf32, #tpu.memory_space<hbm>>)
      tpu.yield
    }) : () -> ()
    %add3A_193 = arith.constant 448 : i32
    %add3A_194 = arith.addi %mul3A_2, %add3A_193 : i32
    %run_scoped3A_195 = arith.constant 1 : i32
    "tpu.region"() ({
      %run_scoped3A_238 = tpu.sem_alloc : memref<!tpu.dma_semaphore, #tpu.memory_space<semaphore_mem>>
      %dma_start3A_239 = arith.constant 0 : i32
      %dma_start3A_240 = tpu.memref_slice %arg5[%run_scoped3A_195, %dma_start3A_239] : memref<2x64xi32, #tpu.memory_space<vmem>> -> memref<1x64xi32, #tpu.memory_space<vmem>>
      %dma_start3A_241 = tpu.memref_squeeze %dma_start3A_240 : memref<1x64xi32, #tpu.memory_space<vmem>> -> memref<64xi32, #tpu.memory_space<vmem>>
      %dma_start3A_242 = tpu.memref_slice %arg3[%add3A_194] : memref<16384xi32, #tpu.memory_space<hbm>> -> memref<64xi32, #tpu.memory_space<hbm>>
      %dma_start3A_243 = arith.constant 0 : i32
      %dma_start3A_244 = tpu.memref_slice %arg5[%run_scoped3A_195, %dma_start3A_243] : memref<2x64xi32, #tpu.memory_space<vmem>> -> memref<1x64xi32, #tpu.memory_space<vmem>>
      %dma_start3A_245 = tpu.memref_squeeze %dma_start3A_244 : memref<1x64xi32, #tpu.memory_space<vmem>> -> memref<64xi32, #tpu.memory_space<vmem>>
      %dma_start3A_246 = tpu.memref_slice %arg3[%add3A_194] : memref<16384xi32, #tpu.memory_space<hbm>> -> memref<64xi32, #tpu.memory_space<hbm>>
      tpu.enqueue_dma source(%dma_start3A_246 : memref<64xi32, #tpu.memory_space<hbm>>) target(%dma_start3A_245 : memref<64xi32, #tpu.memory_space<vmem>>) target_semaphore(%run_scoped3A_238 : memref<!tpu.dma_semaphore, #tpu.memory_space<semaphore_mem>>)
      %dma_wait3A_247 = arith.constant 0 : i32
      %dma_wait3A_248 = tpu.memref_slice %arg5[%run_scoped3A_195, %dma_wait3A_247] : memref<2x64xi32, #tpu.memory_space<vmem>> -> memref<1x64xi32, #tpu.memory_space<vmem>>
      %dma_wait3A_249 = tpu.memref_squeeze %dma_wait3A_248 : memref<1x64xi32, #tpu.memory_space<vmem>> -> memref<64xi32, #tpu.memory_space<vmem>>
      %dma_wait3A_250 = tpu.memref_slice %arg3[%add3A_194] : memref<16384xi32, #tpu.memory_space<hbm>> -> memref<64xi32, #tpu.memory_space<hbm>>
      %dma_wait3A_251 = arith.constant 0 : i32
      %dma_wait3A_252 = tpu.memref_slice %arg5[%run_scoped3A_195, %dma_wait3A_251] : memref<2x64xi32, #tpu.memory_space<vmem>> -> memref<1x64xi32, #tpu.memory_space<vmem>>
      %dma_wait3A_253 = tpu.memref_squeeze %dma_wait3A_252 : memref<1x64xi32, #tpu.memory_space<vmem>> -> memref<64xi32, #tpu.memory_space<vmem>>
      %dma_wait3A_254 = tpu.memref_slice %arg3[%add3A_194] : memref<16384xi32, #tpu.memory_space<hbm>> -> memref<64xi32, #tpu.memory_space<hbm>>
      tpu.wait_dma2 semaphore(%run_scoped3A_238 : memref<!tpu.dma_semaphore, #tpu.memory_space<semaphore_mem>>) src(%dma_wait3A_254 : memref<64xi32, #tpu.memory_space<hbm>>) dst(%dma_wait3A_253 : memref<64xi32, #tpu.memory_space<vmem>>)
      tpu.yield
    }) : () -> ()
    %dma_start3A_196 = arith.constant 1 : i32
    %dma_start3A_197 = arith.constant 1 : i32
    %dma_start3A_198 = arith.constant 0 : i32
    %dma_start3A_199 = arith.constant 0 : i32
    %dma_start3A_200 = tpu.memref_slice %arg6[%dma_start3A_197, %dma_start3A_198, %dma_start3A_199] : memref<2x64x768xf32, #tpu.memory_space<vmem>> -> memref<1x64x768xf32, #tpu.memory_space<vmem>>
    %dma_start3A_201 = tpu.memref_squeeze %dma_start3A_200 : memref<1x64x768xf32, #tpu.memory_space<vmem>> -> memref<64x768xf32, #tpu.memory_space<vmem>>
    %dma_start3A_202 = arith.constant 0 : i32
    %dma_start3A_203 = tpu.memref_slice %arg5[%dma_start3A_196, %dma_start3A_202] : memref<2x64xi32, #tpu.memory_space<vmem>> -> memref<1x64xi32, #tpu.memory_space<vmem>>
    %dma_start3A_204 = tpu.memref_squeeze %dma_start3A_203 : memref<1x64xi32, #tpu.memory_space<vmem>> -> memref<64xi32, #tpu.memory_space<vmem>>
    %dma_start3A_205 = arith.constant 0 : i32
    %dma_start3A_206 = arith.constant 0 : i32
    %dma_start3A_207 = tpu.memref_slice %arg2[%dma_start3A_205, %dma_start3A_206] : memref<16384x768xf32, #tpu.memory_space<hbm>> -> memref<16384x768xf32, #tpu.memory_space<hbm>>
    tpu.enqueue_indirect_dma source(%dma_start3A_207 : memref<16384x768xf32, #tpu.memory_space<hbm>>) target(%dma_start3A_201 : memref<64x768xf32, #tpu.memory_space<vmem>>) offsets(%dma_start3A_204 : memref<64xi32, #tpu.memory_space<vmem>>) semaphore(%arg8 : memref<!tpu.dma_semaphore, #tpu.memory_space<semaphore_mem>>)
    %dma_wait3A_208 = arith.constant 0 : i32
    %dma_wait3A_209 = arith.constant 0 : i32
    %dma_wait3A_210 = arith.constant 0 : i32
    %dma_wait3A_211 = arith.constant 0 : i32
    %dma_wait3A_212 = tpu.memref_slice %arg6[%dma_wait3A_209, %dma_wait3A_210, %dma_wait3A_211] : memref<2x64x768xf32, #tpu.memory_space<vmem>> -> memref<1x64x768xf32, #tpu.memory_space<vmem>>
    %dma_wait3A_213 = tpu.memref_squeeze %dma_wait3A_212 : memref<1x64x768xf32, #tpu.memory_space<vmem>> -> memref<64x768xf32, #tpu.memory_space<vmem>>
    %dma_wait3A_214 = arith.constant 0 : i32
    %dma_wait3A_215 = tpu.memref_slice %arg5[%dma_wait3A_208, %dma_wait3A_214] : memref<2x64xi32, #tpu.memory_space<vmem>> -> memref<1x64xi32, #tpu.memory_space<vmem>>
    %dma_wait3A_216 = tpu.memref_squeeze %dma_wait3A_215 : memref<1x64xi32, #tpu.memory_space<vmem>> -> memref<64xi32, #tpu.memory_space<vmem>>
    %dma_wait3A_217 = arith.constant 0 : i32
    %dma_wait3A_218 = arith.constant 0 : i32
    %dma_wait3A_219 = tpu.memref_slice %arg2[%dma_wait3A_217, %dma_wait3A_218] : memref<16384x768xf32, #tpu.memory_space<hbm>> -> memref<16384x768xf32, #tpu.memory_space<hbm>>
    tpu.wait_indirect_dma semaphore(%arg7 : memref<!tpu.dma_semaphore, #tpu.memory_space<semaphore_mem>>) src(%dma_wait3A_219 : memref<16384x768xf32, #tpu.memory_space<hbm>>) dst(%dma_wait3A_213 : memref<64x768xf32, #tpu.memory_space<vmem>>)
    %add3A_220 = arith.constant 384 : i32
    %add3A_221 = arith.addi %mul3A_2, %add3A_220 : i32
    %run_scoped3A_222 = arith.constant 0 : i32
    "tpu.region"() ({
      %run_scoped3A_238 = tpu.sem_alloc : memref<!tpu.dma_semaphore, #tpu.memory_space<semaphore_mem>>
      %dma_start3A_239 = arith.constant 0 : i32
      %dma_start3A_240 = arith.constant 0 : i32
      %dma_start3A_241 = tpu.memref_slice %arg6[%run_scoped3A_222, %dma_start3A_239, %dma_start3A_240] : memref<2x64x768xf32, #tpu.memory_space<vmem>> -> memref<1x64x768xf32, #tpu.memory_space<vmem>>
      %dma_start3A_242 = tpu.memref_squeeze %dma_start3A_241 : memref<1x64x768xf32, #tpu.memory_space<vmem>> -> memref<64x768xf32, #tpu.memory_space<vmem>>
      %dma_start3A_243 = arith.constant 0 : i32
      %dma_start3A_244 = tpu.memref_slice %arg4[%add3A_221, %dma_start3A_243] : memref<16384x768xf32, #tpu.memory_space<hbm>> -> memref<64x768xf32, #tpu.memory_space<hbm>>
      %dma_start3A_245 = arith.constant 0 : i32
      %dma_start3A_246 = tpu.memref_slice %arg4[%add3A_221, %dma_start3A_245] : memref<16384x768xf32, #tpu.memory_space<hbm>> -> memref<64x768xf32, #tpu.memory_space<hbm>>
      %dma_start3A_247 = arith.constant 0 : i32
      %dma_start3A_248 = arith.constant 0 : i32
      %dma_start3A_249 = tpu.memref_slice %arg6[%run_scoped3A_222, %dma_start3A_247, %dma_start3A_248] : memref<2x64x768xf32, #tpu.memory_space<vmem>> -> memref<1x64x768xf32, #tpu.memory_space<vmem>>
      %dma_start3A_250 = tpu.memref_squeeze %dma_start3A_249 : memref<1x64x768xf32, #tpu.memory_space<vmem>> -> memref<64x768xf32, #tpu.memory_space<vmem>>
      tpu.enqueue_dma source(%dma_start3A_250 : memref<64x768xf32, #tpu.memory_space<vmem>>) target(%dma_start3A_246 : memref<64x768xf32, #tpu.memory_space<hbm>>) target_semaphore(%run_scoped3A_238 : memref<!tpu.dma_semaphore, #tpu.memory_space<semaphore_mem>>)
      %dma_wait3A_251 = arith.constant 0 : i32
      %dma_wait3A_252 = arith.constant 0 : i32
      %dma_wait3A_253 = tpu.memref_slice %arg6[%run_scoped3A_222, %dma_wait3A_251, %dma_wait3A_252] : memref<2x64x768xf32, #tpu.memory_space<vmem>> -> memref<1x64x768xf32, #tpu.memory_space<vmem>>
      %dma_wait3A_254 = tpu.memref_squeeze %dma_wait3A_253 : memref<1x64x768xf32, #tpu.memory_space<vmem>> -> memref<64x768xf32, #tpu.memory_space<vmem>>
      %dma_wait3A_255 = arith.constant 0 : i32
      %dma_wait3A_256 = tpu.memref_slice %arg4[%add3A_221, %dma_wait3A_255] : memref<16384x768xf32, #tpu.memory_space<hbm>> -> memref<64x768xf32, #tpu.memory_space<hbm>>
      %dma_wait3A_257 = arith.constant 0 : i32
      %dma_wait3A_258 = tpu.memref_slice %arg4[%add3A_221, %dma_wait3A_257] : memref<16384x768xf32, #tpu.memory_space<hbm>> -> memref<64x768xf32, #tpu.memory_space<hbm>>
      %dma_wait3A_259 = arith.constant 0 : i32
      %dma_wait3A_260 = arith.constant 0 : i32
      %dma_wait3A_261 = tpu.memref_slice %arg6[%run_scoped3A_222, %dma_wait3A_259, %dma_wait3A_260] : memref<2x64x768xf32, #tpu.memory_space<vmem>> -> memref<1x64x768xf32, #tpu.memory_space<vmem>>
      %dma_wait3A_262 = tpu.memref_squeeze %dma_wait3A_261 : memref<1x64x768xf32, #tpu.memory_space<vmem>> -> memref<64x768xf32, #tpu.memory_space<vmem>>
      tpu.wait_dma2 semaphore(%run_scoped3A_238 : memref<!tpu.dma_semaphore, #tpu.memory_space<semaphore_mem>>) src(%dma_wait3A_262 : memref<64x768xf32, #tpu.memory_space<vmem>>) dst(%dma_wait3A_258 : memref<64x768xf32, #tpu.memory_space<hbm>>)
      tpu.yield
    }) : () -> ()
    %dma_wait3A_223 = arith.constant 1 : i32
    %dma_wait3A_224 = arith.constant 1 : i32
    %dma_wait3A_225 = arith.constant 0 : i32
    %dma_wait3A_226 = arith.constant 0 : i32
    %dma_wait3A_227 = tpu.memref_slice %arg6[%dma_wait3A_224, %dma_wait3A_225, %dma_wait3A_226] : memref<2x64x768xf32, #tpu.memory_space<vmem>> -> memref<1x64x768xf32, #tpu.memory_space<vmem>>
    %dma_wait3A_228 = tpu.memref_squeeze %dma_wait3A_227 : memref<1x64x768xf32, #tpu.memory_space<vmem>> -> memref<64x768xf32, #tpu.memory_space<vmem>>
    %dma_wait3A_229 = arith.constant 0 : i32
    %dma_wait3A_230 = tpu.memref_slice %arg5[%dma_wait3A_223, %dma_wait3A_229] : memref<2x64xi32, #tpu.memory_space<vmem>> -> memref<1x64xi32, #tpu.memory_space<vmem>>
    %dma_wait3A_231 = tpu.memref_squeeze %dma_wait3A_230 : memref<1x64xi32, #tpu.memory_space<vmem>> -> memref<64xi32, #tpu.memory_space<vmem>>
    %dma_wait3A_232 = arith.constant 0 : i32
    %dma_wait3A_233 = arith.constant 0 : i32
    %dma_wait3A_234 = tpu.memref_slice %arg2[%dma_wait3A_232, %dma_wait3A_233] : memref<16384x768xf32, #tpu.memory_space<hbm>> -> memref<16384x768xf32, #tpu.memory_space<hbm>>
    tpu.wait_indirect_dma semaphore(%arg8 : memref<!tpu.dma_semaphore, #tpu.memory_space<semaphore_mem>>) src(%dma_wait3A_234 : memref<16384x768xf32, #tpu.memory_space<hbm>>) dst(%dma_wait3A_228 : memref<64x768xf32, #tpu.memory_space<vmem>>)
    %add3A_235 = arith.constant 448 : i32
    %add3A_236 = arith.addi %mul3A_2, %add3A_235 : i32
    %run_scoped3A_237 = arith.constant 1 : i32
    "tpu.region"() ({
      %run_scoped3A_238 = tpu.sem_alloc : memref<!tpu.dma_semaphore, #tpu.memory_space<semaphore_mem>>
      %dma_start3A_239 = arith.constant 0 : i32
      %dma_start3A_240 = arith.constant 0 : i32
      %dma_start3A_241 = tpu.memref_slice %arg6[%run_scoped3A_237, %dma_start3A_239, %dma_start3A_240] : memref<2x64x768xf32, #tpu.memory_space<vmem>> -> memref<1x64x768xf32, #tpu.memory_space<vmem>>
      %dma_start3A_242 = tpu.memref_squeeze %dma_start3A_241 : memref<1x64x768xf32, #tpu.memory_space<vmem>> -> memref<64x768xf32, #tpu.memory_space<vmem>>
      %dma_start3A_243 = arith.constant 0 : i32
      %dma_start3A_244 = tpu.memref_slice %arg4[%add3A_236, %dma_start3A_243] : memref<16384x768xf32, #tpu.memory_space<hbm>> -> memref<64x768xf32, #tpu.memory_space<hbm>>
      %dma_start3A_245 = arith.constant 0 : i32
      %dma_start3A_246 = tpu.memref_slice %arg4[%add3A_236, %dma_start3A_245] : memref<16384x768xf32, #tpu.memory_space<hbm>> -> memref<64x768xf32, #tpu.memory_space<hbm>>
      %dma_start3A_247 = arith.constant 0 : i32
      %dma_start3A_248 = arith.constant 0 : i32
      %dma_start3A_249 = tpu.memref_slice %arg6[%run_scoped3A_237, %dma_start3A_247, %dma_start3A_248] : memref<2x64x768xf32, #tpu.memory_space<vmem>> -> memref<1x64x768xf32, #tpu.memory_space<vmem>>
      %dma_start3A_250 = tpu.memref_squeeze %dma_start3A_249 : memref<1x64x768xf32, #tpu.memory_space<vmem>> -> memref<64x768xf32, #tpu.memory_space<vmem>>
      tpu.enqueue_dma source(%dma_start3A_250 : memref<64x768xf32, #tpu.memory_space<vmem>>) target(%dma_start3A_246 : memref<64x768xf32, #tpu.memory_space<hbm>>) target_semaphore(%run_scoped3A_238 : memref<!tpu.dma_semaphore, #tpu.memory_space<semaphore_mem>>)
      %dma_wait3A_251 = arith.constant 0 : i32
      %dma_wait3A_252 = arith.constant 0 : i32
      %dma_wait3A_253 = tpu.memref_slice %arg6[%run_scoped3A_237, %dma_wait3A_251, %dma_wait3A_252] : memref<2x64x768xf32, #tpu.memory_space<vmem>> -> memref<1x64x768xf32, #tpu.memory_space<vmem>>
      %dma_wait3A_254 = tpu.memref_squeeze %dma_wait3A_253 : memref<1x64x768xf32, #tpu.memory_space<vmem>> -> memref<64x768xf32, #tpu.memory_space<vmem>>
      %dma_wait3A_255 = arith.constant 0 : i32
      %dma_wait3A_256 = tpu.memref_slice %arg4[%add3A_236, %dma_wait3A_255] : memref<16384x768xf32, #tpu.memory_space<hbm>> -> memref<64x768xf32, #tpu.memory_space<hbm>>
      %dma_wait3A_257 = arith.constant 0 : i32
      %dma_wait3A_258 = tpu.memref_slice %arg4[%add3A_236, %dma_wait3A_257] : memref<16384x768xf32, #tpu.memory_space<hbm>> -> memref<64x768xf32, #tpu.memory_space<hbm>>
      %dma_wait3A_259 = arith.constant 0 : i32
      %dma_wait3A_260 = arith.constant 0 : i32
      %dma_wait3A_261 = tpu.memref_slice %arg6[%run_scoped3A_237, %dma_wait3A_259, %dma_wait3A_260] : memref<2x64x768xf32, #tpu.memory_space<vmem>> -> memref<1x64x768xf32, #tpu.memory_space<vmem>>
      %dma_wait3A_262 = tpu.memref_squeeze %dma_wait3A_261 : memref<1x64x768xf32, #tpu.memory_space<vmem>> -> memref<64x768xf32, #tpu.memory_space<vmem>>
      tpu.wait_dma2 semaphore(%run_scoped3A_238 : memref<!tpu.dma_semaphore, #tpu.memory_space<semaphore_mem>>) src(%dma_wait3A_262 : memref<64x768xf32, #tpu.memory_space<vmem>>) dst(%dma_wait3A_258 : memref<64x768xf32, #tpu.memory_space<hbm>>)
      tpu.yield
    }) : () -> ()
    return
  }
}

module attributes {stable_mosaic.version = 14 : i64} {
  func.func @_gate_kernel(%arg0: i32, %arg1: memref<2048x768xf32, #tpu.memory_space<vmem>>, %arg2: memref<768x64xf32, #tpu.memory_space<vmem>>, %arg3: memref<1x64xf32, #tpu.memory_space<vmem>>, %arg4: memref<1x1x2048xi32, #tpu.memory_space<vmem>>, %arg5: memref<1x1x2048xi32, #tpu.memory_space<vmem>>, %arg6: memref<1x1x2048xf32, #tpu.memory_space<vmem>>, %arg7: memref<1x1x2048xf32, #tpu.memory_space<vmem>>) attributes {dimension_semantics = [#tpu.dimension_semantics<arbitrary>], iteration_bounds = array<i64: 4>, scalar_prefetch = 0 : i64, scratch_operands = 0 : i64, tpu.core_type = #tpu.core_type<tc>, window_params = [{transform_indices = @transform_0, window_bounds = array<i64: 2048, 768>}, {pipeline_mode = #tpu.pipeline_mode<synchronous>, transform_indices = @transform_1, window_bounds = array<i64: 768, 64>}, {pipeline_mode = #tpu.pipeline_mode<synchronous>, transform_indices = @transform_2, window_bounds = array<i64: 1, 64>}, {transform_indices = @transform_3, window_bounds = array<i64: 1, 1, 2048>}, {transform_indices = @transform_4, window_bounds = array<i64: 1, 1, 2048>}, {transform_indices = @transform_5, window_bounds = array<i64: 1, 1, 2048>}, {transform_indices = @transform_6, window_bounds = array<i64: 1, 1, 2048>}]} {
    %get3A = arith.constant 0 : index
    %get3A_0 = arith.constant 0 : index
    %get3A_1 = vector.load %arg1[%get3A, %get3A_0] : memref<2048x768xf32, #tpu.memory_space<vmem>>, vector<2048x768xf32>
    %get3A_2 = arith.constant 0 : index
    %get3A_3 = arith.constant 0 : index
    %get3A_4 = vector.load %arg3[%get3A_2, %get3A_3] : memref<1x64xf32, #tpu.memory_space<vmem>>, vector<1x64xf32>
    %get3A_5 = vector.shape_cast %get3A_4 : vector<1x64xf32> to vector<64xf32>
    %get3A_6 = arith.constant 0 : index
    %get3A_7 = arith.constant 0 : index
    %get3A_8 = vector.load %arg2[%get3A_6, %get3A_7] : memref<768x64xf32, #tpu.memory_space<vmem>>, vector<768x64xf32>
    %dot_general3A = arith.constant dense<0.000000e+00> : vector<2048x64xf32>
    %dot_general3A_9 = tpu.matmul %get3A_1, %get3A_8, %dot_general3A {dimension_numbers = #tpu.dot_dimension_numbers<[1], [0], [0], [1], [0, 0, 1, 1], [], []>, transpose_lhs_hint = false} : vector<2048x768xf32>, vector<768x64xf32>, vector<2048x64xf32> -> vector<2048x64xf32>
    %broadcast_in_dim3A = vector.shape_cast %get3A_5 : vector<64xf32> to vector<1x64xf32>
    %add3A = vector.broadcast %broadcast_in_dim3A : vector<1x64xf32> to vector<2048x64xf32>
    %add3A_10 = arith.addf %dot_general3A_9, %add3A : vector<2048x64xf32>
    %logistic3A = arith.negf %add3A_10 : vector<2048x64xf32>
    %logistic3A_11 = math.exp %logistic3A : vector<2048x64xf32>
    %logistic3A_12 = arith.constant 1.000000e+00 : f32
    %logistic3A_13 = vector.broadcast %logistic3A_12 : f32 to vector<2048x64xf32>
    %logistic3A_14 = arith.addf %logistic3A_13, %logistic3A_11 : vector<2048x64xf32>
    %logistic3A_15 = arith.divf %logistic3A_13, %logistic3A_14 : vector<2048x64xf32>
    %broadcast_in_dim3A_16 = vector.shape_cast %get3A_5 : vector<64xf32> to vector<1x64xf32>
    %add3A_17 = vector.broadcast %broadcast_in_dim3A_16 : vector<1x64xf32> to vector<2048x64xf32>
    %add3A_18 = arith.addf %logistic3A_15, %add3A_17 : vector<2048x64xf32>
    %iota3A = tpu.iota {dimensions = array<i32: 1>} : vector<2048x64xi32>
    %reduce_max3A = arith.constant dense<0xFF800000> : vector<2048xf32>
    %reduce_max3A_19 = vector.multi_reduction <maximumf>, %add3A_18, %reduce_max3A [1] : vector<2048x64xf32> to vector<2048xf32>
    %broadcast_in_dim3A_20 = vector.shape_cast %reduce_max3A_19 : vector<2048xf32> to vector<2048x1xf32>
    %eq3A = vector.broadcast %broadcast_in_dim3A_20 : vector<2048x1xf32> to vector<2048x64xf32>
    %eq3A_21 = arith.cmpf oeq, %add3A_18, %eq3A : vector<2048x64xf32>
    %jit3A = arith.constant 64 : i32
    %broadcast_in_dim3A_22 = vector.broadcast %jit3A : i32 to vector<2048x64xi32>
    %select_n3A = arith.select %eq3A_21, %iota3A, %broadcast_in_dim3A_22 : vector<2048x64xi1>, vector<2048x64xi32>
    %reduce_min3A = arith.constant dense<2147483647> : vector<2048xi32>
    %reduce_min3A_23 = vector.multi_reduction <minsi>, %select_n3A, %reduce_min3A [1] : vector<2048x64xi32> to vector<2048xi32>
    %broadcast_in_dim3A_24 = vector.shape_cast %reduce_min3A_23 : vector<2048xi32> to vector<2048x1xi32>
    %eq3A_25 = vector.broadcast %broadcast_in_dim3A_24 : vector<2048x1xi32> to vector<2048x64xi32>
    %eq3A_26 = arith.cmpi eq, %iota3A, %eq3A_25 : vector<2048x64xi32>
    %jit3A_27 = arith.constant 0.000000e+00 : f32
    %broadcast_in_dim3A_28 = vector.broadcast %jit3A_27 : f32 to vector<2048x64xf32>
    %select_n3A_29 = arith.select %eq3A_26, %logistic3A_15, %broadcast_in_dim3A_28 : vector<2048x64xi1>, vector<2048x64xf32>
    %reduce_sum3A = arith.constant dense<0.000000e+00> : vector<2048xf32>
    %reduce_sum3A_30 = vector.multi_reduction <add>, %select_n3A_29, %reduce_sum3A [1] : vector<2048x64xf32> to vector<2048xf32>
    %jit3A_31 = arith.constant 0xFF800000 : f32
    %broadcast_in_dim3A_32 = vector.broadcast %jit3A_31 : f32 to vector<2048x64xf32>
    %select_n3A_33 = arith.select %eq3A_26, %broadcast_in_dim3A_32, %add3A_18 : vector<2048x64xi1>, vector<2048x64xf32>
    %reduce_max3A_34 = arith.constant dense<0xFF800000> : vector<2048xf32>
    %reduce_max3A_35 = vector.multi_reduction <maximumf>, %select_n3A_33, %reduce_max3A_34 [1] : vector<2048x64xf32> to vector<2048xf32>
    %broadcast_in_dim3A_36 = vector.shape_cast %reduce_max3A_35 : vector<2048xf32> to vector<2048x1xf32>
    %eq3A_37 = vector.broadcast %broadcast_in_dim3A_36 : vector<2048x1xf32> to vector<2048x64xf32>
    %eq3A_38 = arith.cmpf oeq, %select_n3A_33, %eq3A_37 : vector<2048x64xf32>
    %jit3A_39 = arith.constant 64 : i32
    %broadcast_in_dim3A_40 = vector.broadcast %jit3A_39 : i32 to vector<2048x64xi32>
    %select_n3A_41 = arith.select %eq3A_38, %iota3A, %broadcast_in_dim3A_40 : vector<2048x64xi1>, vector<2048x64xi32>
    %reduce_min3A_42 = arith.constant dense<2147483647> : vector<2048xi32>
    %reduce_min3A_43 = vector.multi_reduction <minsi>, %select_n3A_41, %reduce_min3A_42 [1] : vector<2048x64xi32> to vector<2048xi32>
    %broadcast_in_dim3A_44 = vector.shape_cast %reduce_min3A_43 : vector<2048xi32> to vector<2048x1xi32>
    %eq3A_45 = vector.broadcast %broadcast_in_dim3A_44 : vector<2048x1xi32> to vector<2048x64xi32>
    %eq3A_46 = arith.cmpi eq, %iota3A, %eq3A_45 : vector<2048x64xi32>
    %jit3A_47 = arith.constant 0.000000e+00 : f32
    %broadcast_in_dim3A_48 = vector.broadcast %jit3A_47 : f32 to vector<2048x64xf32>
    %select_n3A_49 = arith.select %eq3A_46, %logistic3A_15, %broadcast_in_dim3A_48 : vector<2048x64xi1>, vector<2048x64xf32>
    %reduce_sum3A_50 = arith.constant dense<0.000000e+00> : vector<2048xf32>
    %reduce_sum3A_51 = vector.multi_reduction <add>, %select_n3A_49, %reduce_sum3A_50 [1] : vector<2048x64xf32> to vector<2048xf32>
    %add3A_52 = arith.addf %reduce_sum3A_30, %reduce_sum3A_51 : vector<2048xf32>
    %swap3A = arith.constant 0 : index
    %swap3A_53 = arith.constant 0 : index
    %swap3A_54 = arith.constant 0 : index
    %swap3A_55 = vector.load %arg4[%swap3A, %swap3A_53, %swap3A_54] : memref<1x1x2048xi32, #tpu.memory_space<vmem>>, vector<1x1x2048xi32>
    %swap3A_56 = vector.shape_cast %swap3A_55 : vector<1x1x2048xi32> to vector<2048xi32>
    %swap3A_57 = vector.shape_cast %reduce_min3A_23 : vector<2048xi32> to vector<1x1x2048xi32>
    tpu.vector_store %arg4[%swap3A, %swap3A_53, %swap3A_54], %swap3A_57 {strides = array<i32>} : memref<1x1x2048xi32, #tpu.memory_space<vmem>>, vector<1x1x2048xi32>,
    %swap3A_58 = arith.constant 0 : index
    %swap3A_59 = arith.constant 0 : index
    %swap3A_60 = arith.constant 0 : index
    %swap3A_61 = vector.load %arg5[%swap3A_58, %swap3A_59, %swap3A_60] : memref<1x1x2048xi32, #tpu.memory_space<vmem>>, vector<1x1x2048xi32>
    %swap3A_62 = vector.shape_cast %swap3A_61 : vector<1x1x2048xi32> to vector<2048xi32>
    %swap3A_63 = vector.shape_cast %reduce_min3A_43 : vector<2048xi32> to vector<1x1x2048xi32>
    tpu.vector_store %arg5[%swap3A_58, %swap3A_59, %swap3A_60], %swap3A_63 {strides = array<i32>} : memref<1x1x2048xi32, #tpu.memory_space<vmem>>, vector<1x1x2048xi32>,
    %div3A = arith.divf %reduce_sum3A_30, %add3A_52 : vector<2048xf32>
    %swap3A_64 = arith.constant 0 : index
    %swap3A_65 = arith.constant 0 : index
    %swap3A_66 = arith.constant 0 : index
    %swap3A_67 = vector.load %arg6[%swap3A_64, %swap3A_65, %swap3A_66] : memref<1x1x2048xf32, #tpu.memory_space<vmem>>, vector<1x1x2048xf32>
    %swap3A_68 = vector.shape_cast %swap3A_67 : vector<1x1x2048xf32> to vector<2048xf32>
    %swap3A_69 = vector.shape_cast %div3A : vector<2048xf32> to vector<1x1x2048xf32>
    tpu.vector_store %arg6[%swap3A_64, %swap3A_65, %swap3A_66], %swap3A_69 {strides = array<i32>} : memref<1x1x2048xf32, #tpu.memory_space<vmem>>, vector<1x1x2048xf32>,
    %div3A_70 = arith.divf %reduce_sum3A_51, %add3A_52 : vector<2048xf32>
    %swap3A_71 = arith.constant 0 : index
    %swap3A_72 = arith.constant 0 : index
    %swap3A_73 = arith.constant 0 : index
    %swap3A_74 = vector.load %arg7[%swap3A_71, %swap3A_72, %swap3A_73] : memref<1x1x2048xf32, #tpu.memory_space<vmem>>, vector<1x1x2048xf32>
    %swap3A_75 = vector.shape_cast %swap3A_74 : vector<1x1x2048xf32> to vector<2048xf32>
    %swap3A_76 = vector.shape_cast %div3A_70 : vector<2048xf32> to vector<1x1x2048xf32>
    tpu.vector_store %arg7[%swap3A_71, %swap3A_72, %swap3A_73], %swap3A_76 {strides = array<i32>} : memref<1x1x2048xf32, #tpu.memory_space<vmem>>, vector<1x1x2048xf32>,
    return
  }
  func.func @transform_0(%arg0: i32) -> (i32, i32) {
    %c0_i32 = arith.constant 0 : i32
    %c0_i32_0 = arith.constant 0 : i32
    return %arg0, %c0_i32 : i32, i32
  }
  func.func @transform_1(%arg0: i32) -> (i32, i32) {
    %c0_i32 = arith.constant 0 : i32
    %c0_i32_0 = arith.constant 0 : i32
    %c0_i32_1 = arith.constant 0 : i32
    return %c0_i32, %c0_i32_0 : i32, i32
  }
  func.func @transform_2(%arg0: i32) -> (i32, i32) {
    %c0_i32 = arith.constant 0 : i32
    %c0_i32_0 = arith.constant 0 : i32
    %c0_i32_1 = arith.constant 0 : i32
    return %c0_i32, %c0_i32_0 : i32, i32
  }
  func.func @transform_3(%arg0: i32) -> (i32, i32, i32) {
    %c0_i32 = arith.constant 0 : i32
    %c0_i32_0 = arith.constant 0 : i32
    %c0_i32_1 = arith.constant 0 : i32
    return %arg0, %c0_i32, %c0_i32_0 : i32, i32, i32
  }
  func.func @transform_4(%arg0: i32) -> (i32, i32, i32) {
    %c0_i32 = arith.constant 0 : i32
    %c0_i32_0 = arith.constant 0 : i32
    %c0_i32_1 = arith.constant 0 : i32
    return %arg0, %c0_i32, %c0_i32_0 : i32, i32, i32
  }
  func.func @transform_5(%arg0: i32) -> (i32, i32, i32) {
    %c0_i32 = arith.constant 0 : i32
    %c0_i32_0 = arith.constant 0 : i32
    %c0_i32_1 = arith.constant 0 : i32
    return %arg0, %c0_i32, %c0_i32_0 : i32, i32, i32
  }
  func.func @transform_6(%arg0: i32) -> (i32, i32, i32) {
    %c0_i32 = arith.constant 0 : i32
    %c0_i32_0 = arith.constant 0 : i32
    %c0_i32_1 = arith.constant 0 : i32
    return %arg0, %c0_i32, %c0_i32_0 : i32, i32, i32
  }
}

module attributes {stable_mosaic.version = 14 : i64} {
  func.func @_moe_kernel(%arg0: i32, %arg1: memref<128xi32, #tpu.memory_space<smem>>, %arg2: memref<128xi32, #tpu.memory_space<smem>>, %arg3: memref<128xi32, #tpu.memory_space<smem>>, %arg4: memref<128xi32, #tpu.memory_space<smem>>, %arg5: memref<128xi32, #tpu.memory_space<smem>>, %arg6: memref<256x768xf32, #tpu.memory_space<vmem>>, %arg7: memref<1x1x256xf32, #tpu.memory_space<vmem>>, %arg8: memref<1x768x384xf32, #tpu.memory_space<vmem>>, %arg9: memref<1x1x384xf32, #tpu.memory_space<vmem>>, %arg10: memref<1x768x384xf32, #tpu.memory_space<vmem>>, %arg11: memref<1x1x384xf32, #tpu.memory_space<vmem>>, %arg12: memref<1x384x768xf32, #tpu.memory_space<vmem>>, %arg13: memref<1x1x768xf32, #tpu.memory_space<vmem>>, %arg14: memref<256x768xf32, #tpu.memory_space<vmem>>) attributes {dimension_semantics = [#tpu.dimension_semantics<arbitrary>], iteration_bounds = array<i64: 128>, scalar_prefetch = 5 : i64, scratch_operands = 0 : i64, tpu.core_type = #tpu.core_type<tc>, window_params = [{transform_indices = @transform_0, window_bounds = array<i64: 256, 768>}, {transform_indices = @transform_1, window_bounds = array<i64: 1, 1, 256>}, {transform_indices = @transform_2, window_bounds = array<i64: 1, 768, 384>}, {transform_indices = @transform_3, window_bounds = array<i64: 1, 1, 384>}, {transform_indices = @transform_4, window_bounds = array<i64: 1, 768, 384>}, {transform_indices = @transform_5, window_bounds = array<i64: 1, 1, 384>}, {transform_indices = @transform_6, window_bounds = array<i64: 1, 384, 768>}, {transform_indices = @transform_7, window_bounds = array<i64: 1, 1, 768>}, {transform_indices = @transform_8, window_bounds = array<i64: 256, 768>}]} {
    %get3A = arith.index_cast %arg0 : i32 to index
    %get3A_0 = memref.load %arg3[%get3A] : memref<128xi32, #tpu.memory_space<smem>>
    %get3A_1 = arith.index_cast %arg0 : i32 to index
    %get3A_2 = memref.load %arg4[%get3A_1] : memref<128xi32, #tpu.memory_space<smem>>
    %gt3A = arith.cmpi sgt, %get3A_2, %get3A_0 : i32
    %convert_element_type3A = arith.extui %gt3A : i1 to i32
    %cond3A = arith.constant 0 : i32
    %cond3A_3 = arith.cmpi ne, %convert_element_type3A, %cond3A : i32
    scf.if %cond3A_3 {
      %get3A_4 = arith.constant 0 : index
      %get3A_5 = arith.constant 0 : index
      %get3A_6 = vector.load %arg6[%get3A_4, %get3A_5] : memref<256x768xf32, #tpu.memory_space<vmem>>, vector<256x768xf32>
      %convert_element_type3A_7 = arith.truncf %get3A_6 : vector<256x768xf32> to vector<256x768xbf16>
      %get3A_8 = arith.index_cast %arg0 : i32 to index
      %get3A_9 = memref.load %arg1[%get3A_8] : memref<128xi32, #tpu.memory_space<smem>>
      %mul3A = arith.constant 256 : i32
      %mul3A_10 = arith.muli %get3A_9, %mul3A : i32
      %iota3A = tpu.iota {dimensions = array<i32: 0>} : vector<256x1xi32>
      %add3A = vector.broadcast %mul3A_10 : i32 to vector<256x1xi32>
      %add3A_11 = arith.addi %add3A, %iota3A : vector<256x1xi32>
      %ge3A = vector.broadcast %get3A_0 : i32 to vector<256x1xi32>
      %ge3A_12 = arith.cmpi sge, %add3A_11, %ge3A : vector<256x1xi32>
      %lt3A = vector.broadcast %get3A_2 : i32 to vector<256x1xi32>
      %lt3A_13 = arith.cmpi slt, %add3A_11, %lt3A : vector<256x1xi32>
      %and3A = arith.andi %ge3A_12, %lt3A_13 : vector<256x1xi1>
      %get3A_14 = arith.constant 0 : index
      %get3A_15 = arith.constant 0 : index
      %get3A_16 = arith.constant 0 : index
      %get3A_17 = vector.load %arg7[%get3A_14, %get3A_15, %get3A_16] : memref<1x1x256xf32, #tpu.memory_space<vmem>>, vector<1x1x256xf32>
      %get3A_18 = vector.shape_cast %get3A_17 : vector<1x1x256xf32> to vector<256xf32>
      %reshape3A = vector.shape_cast %get3A_18 : vector<256xf32> to vector<256x1xf32>
      %convert_element_type3A_19 = arith.extui %and3A : vector<256x1xi1> to vector<256x1xi32>
      %convert_element_type3A_20 = arith.sitofp %convert_element_type3A_19 : vector<256x1xi32> to vector<256x1xf32>
      %mul3A_21 = arith.mulf %reshape3A, %convert_element_type3A_20 : vector<256x1xf32>
      %get3A_22 = arith.constant 0 : index
      %get3A_23 = arith.constant 0 : index
      %get3A_24 = arith.constant 0 : index
      %get3A_25 = vector.load %arg8[%get3A_22, %get3A_23, %get3A_24] : memref<1x768x384xf32, #tpu.memory_space<vmem>>, vector<1x768x384xf32>
      %get3A_26 = vector.shape_cast %get3A_25 : vector<1x768x384xf32> to vector<768x384xf32>
      %convert_element_type3A_27 = arith.truncf %get3A_26 : vector<768x384xf32> to vector<768x384xbf16>
      %dot_general3A = arith.constant dense<0.000000e+00> : vector<256x384xf32>
      %dot_general3A_28 = tpu.matmul %convert_element_type3A_7, %convert_element_type3A_27, %dot_general3A {dimension_numbers = #tpu.dot_dimension_numbers<[1], [0], [0], [1], [0, 0, 1, 1], [], []>, transpose_lhs_hint = false} : vector<256x768xbf16>, vector<768x384xbf16>, vector<256x384xf32> -> vector<256x384xf32>
      %get3A_29 = arith.constant 0 : index
      %get3A_30 = arith.constant 0 : index
      %get3A_31 = arith.constant 0 : index
      %get3A_32 = vector.load %arg9[%get3A_29, %get3A_30, %get3A_31] : memref<1x1x384xf32, #tpu.memory_space<vmem>>, vector<1x1x384xf32>
      %get3A_33 = vector.shape_cast %get3A_32 : vector<1x1x384xf32> to vector<1x384xf32>
      %add3A_34 = vector.broadcast %get3A_33 : vector<1x384xf32> to vector<256x384xf32>
      %add3A_35 = arith.addf %dot_general3A_28, %add3A_34 : vector<256x384xf32>
      %get3A_36 = arith.constant 0 : index
      %get3A_37 = arith.constant 0 : index
      %get3A_38 = arith.constant 0 : index
      %get3A_39 = vector.load %arg10[%get3A_36, %get3A_37, %get3A_38] : memref<1x768x384xf32, #tpu.memory_space<vmem>>, vector<1x768x384xf32>
      %get3A_40 = vector.shape_cast %get3A_39 : vector<1x768x384xf32> to vector<768x384xf32>
      %convert_element_type3A_41 = arith.truncf %get3A_40 : vector<768x384xf32> to vector<768x384xbf16>
      %dot_general3A_42 = arith.constant dense<0.000000e+00> : vector<256x384xf32>
      %dot_general3A_43 = tpu.matmul %convert_element_type3A_7, %convert_element_type3A_41, %dot_general3A_42 {dimension_numbers = #tpu.dot_dimension_numbers<[1], [0], [0], [1], [0, 0, 1, 1], [], []>, transpose_lhs_hint = false} : vector<256x768xbf16>, vector<768x384xbf16>, vector<256x384xf32> -> vector<256x384xf32>
      %get3A_44 = arith.constant 0 : index
      %get3A_45 = arith.constant 0 : index
      %get3A_46 = arith.constant 0 : index
      %get3A_47 = vector.load %arg11[%get3A_44, %get3A_45, %get3A_46] : memref<1x1x384xf32, #tpu.memory_space<vmem>>, vector<1x1x384xf32>
      %get3A_48 = vector.shape_cast %get3A_47 : vector<1x1x384xf32> to vector<1x384xf32>
      %add3A_49 = vector.broadcast %get3A_48 : vector<1x384xf32> to vector<256x384xf32>
      %add3A_50 = arith.addf %dot_general3A_43, %add3A_49 : vector<256x384xf32>
      %logistic3A = arith.negf %add3A_35 : vector<256x384xf32>
      %logistic3A_51 = math.exp %logistic3A : vector<256x384xf32>
      %logistic3A_52 = arith.constant 1.000000e+00 : f32
      %logistic3A_53 = vector.broadcast %logistic3A_52 : f32 to vector<256x384xf32>
      %logistic3A_54 = arith.addf %logistic3A_53, %logistic3A_51 : vector<256x384xf32>
      %logistic3A_55 = arith.divf %logistic3A_53, %logistic3A_54 : vector<256x384xf32>
      %mul3A_56 = arith.mulf %add3A_35, %logistic3A_55 : vector<256x384xf32>
      %mul3A_57 = arith.mulf %mul3A_56, %add3A_50 : vector<256x384xf32>
      %mul3A_58 = vector.broadcast %mul3A_21 : vector<256x1xf32> to vector<256x384xf32>
      %mul3A_59 = arith.mulf %mul3A_57, %mul3A_58 : vector<256x384xf32>
      %convert_element_type3A_60 = arith.truncf %mul3A_59 : vector<256x384xf32> to vector<256x384xbf16>
      %get3A_61 = arith.constant 0 : index
      %get3A_62 = arith.constant 0 : index
      %get3A_63 = arith.constant 0 : index
      %get3A_64 = vector.load %arg12[%get3A_61, %get3A_62, %get3A_63] : memref<1x384x768xf32, #tpu.memory_space<vmem>>, vector<1x384x768xf32>
      %get3A_65 = vector.shape_cast %get3A_64 : vector<1x384x768xf32> to vector<384x768xf32>
      %convert_element_type3A_66 = arith.truncf %get3A_65 : vector<384x768xf32> to vector<384x768xbf16>
      %dot_general3A_67 = arith.constant dense<0.000000e+00> : vector<256x768xf32>
      %dot_general3A_68 = tpu.matmul %convert_element_type3A_60, %convert_element_type3A_66, %dot_general3A_67 {dimension_numbers = #tpu.dot_dimension_numbers<[1], [0], [0], [1], [0, 0, 1, 1], [], []>, transpose_lhs_hint = false} : vector<256x384xbf16>, vector<384x768xbf16>, vector<256x768xf32> -> vector<256x768xf32>
      %get3A_69 = arith.constant 0 : index
      %get3A_70 = arith.constant 0 : index
      %get3A_71 = arith.constant 0 : index
      %get3A_72 = vector.load %arg13[%get3A_69, %get3A_70, %get3A_71] : memref<1x1x768xf32, #tpu.memory_space<vmem>>, vector<1x1x768xf32>
      %get3A_73 = vector.shape_cast %get3A_72 : vector<1x1x768xf32> to vector<1x768xf32>
      %mul3A_74 = vector.broadcast %mul3A_21 : vector<256x1xf32> to vector<256x768xf32>
      %mul3A_75 = vector.broadcast %get3A_73 : vector<1x768xf32> to vector<256x768xf32>
      %mul3A_76 = arith.mulf %mul3A_74, %mul3A_75 : vector<256x768xf32>
      %add3A_77 = arith.addf %dot_general3A_68, %mul3A_76 : vector<256x768xf32>
      %get3A_78 = arith.index_cast %arg0 : i32 to index
      %get3A_79 = memref.load %arg5[%get3A_78] : memref<128xi32, #tpu.memory_space<smem>>
      %eq3A = arith.constant 1 : i32
      %eq3A_80 = arith.cmpi eq, %get3A_79, %eq3A : i32
      %convert_element_type3A_81 = arith.extui %eq3A_80 : i1 to i32
      %cond3A_82 = arith.constant 0 : i32
      %cond3A_83 = arith.cmpi ne, %convert_element_type3A_81, %cond3A_82 : i32
      scf.if %cond3A_83 {
        %swap3A = arith.constant 0 : index
        %swap3A_91 = arith.constant 0 : index
        %swap3A_92 = vector.load %arg14[%swap3A, %swap3A_91] : memref<256x768xf32, #tpu.memory_space<vmem>>, vector<256x768xf32>
        tpu.vector_store %arg14[%swap3A, %swap3A_91], %add3A_77 {strides = array<i32>} : memref<256x768xf32, #tpu.memory_space<vmem>>, vector<256x768xf32>,
      } else {
      }
      %get3A_84 = arith.index_cast %arg0 : i32 to index
      %get3A_85 = memref.load %arg5[%get3A_84] : memref<128xi32, #tpu.memory_space<smem>>
      %eq3A_86 = arith.constant 0 : i32
      %eq3A_87 = arith.cmpi eq, %get3A_85, %eq3A_86 : i32
      %convert_element_type3A_88 = arith.extui %eq3A_87 : i1 to i32
      %cond3A_89 = arith.constant 0 : i32
      %cond3A_90 = arith.cmpi ne, %convert_element_type3A_88, %cond3A_89 : i32
      scf.if %cond3A_90 {
        %get3A_91 = arith.constant 0 : index
        %get3A_92 = arith.constant 0 : index
        %get3A_93 = vector.load %arg14[%get3A_91, %get3A_92] : memref<256x768xf32, #tpu.memory_space<vmem>>, vector<256x768xf32>
        %add3A_94 = arith.addf %get3A_93, %add3A_77 : vector<256x768xf32>
        %swap3A = arith.constant 0 : index
        %swap3A_95 = arith.constant 0 : index
        %swap3A_96 = vector.load %arg14[%swap3A, %swap3A_95] : memref<256x768xf32, #tpu.memory_space<vmem>>, vector<256x768xf32>
        tpu.vector_store %arg14[%swap3A, %swap3A_95], %add3A_94 {strides = array<i32>} : memref<256x768xf32, #tpu.memory_space<vmem>>, vector<256x768xf32>,
      } else {
      }
    } else {
    }
    return
  }
  func.func @transform_0(%arg0: i32, %arg1: memref<128xi32, #tpu.memory_space<smem>>, %arg2: memref<128xi32, #tpu.memory_space<smem>>, %arg3: memref<128xi32, #tpu.memory_space<smem>>, %arg4: memref<128xi32, #tpu.memory_space<smem>>, %arg5: memref<128xi32, #tpu.memory_space<smem>>) -> (i32, i32) {
    %get3A = arith.index_cast %arg0 : i32 to index
    %get3A_0 = memref.load %arg1[%get3A] : memref<128xi32, #tpu.memory_space<smem>>
    %c0_i32 = arith.constant 0 : i32
    %c0_i32_1 = arith.constant 0 : i32
    return %get3A_0, %c0_i32 : i32, i32
  }
  func.func @transform_1(%arg0: i32, %arg1: memref<128xi32, #tpu.memory_space<smem>>, %arg2: memref<128xi32, #tpu.memory_space<smem>>, %arg3: memref<128xi32, #tpu.memory_space<smem>>, %arg4: memref<128xi32, #tpu.memory_space<smem>>, %arg5: memref<128xi32, #tpu.memory_space<smem>>) -> (i32, i32, i32) {
    %get3A = arith.index_cast %arg0 : i32 to index
    %get3A_0 = memref.load %arg1[%get3A] : memref<128xi32, #tpu.memory_space<smem>>
    %c0_i32 = arith.constant 0 : i32
    %c0_i32_1 = arith.constant 0 : i32
    %c0_i32_2 = arith.constant 0 : i32
    return %get3A_0, %c0_i32, %c0_i32_1 : i32, i32, i32
  }
  func.func @transform_2(%arg0: i32, %arg1: memref<128xi32, #tpu.memory_space<smem>>, %arg2: memref<128xi32, #tpu.memory_space<smem>>, %arg3: memref<128xi32, #tpu.memory_space<smem>>, %arg4: memref<128xi32, #tpu.memory_space<smem>>, %arg5: memref<128xi32, #tpu.memory_space<smem>>) -> (i32, i32, i32) {
    %get3A = arith.index_cast %arg0 : i32 to index
    %get3A_0 = memref.load %arg2[%get3A] : memref<128xi32, #tpu.memory_space<smem>>
    %c0_i32 = arith.constant 0 : i32
    %c0_i32_1 = arith.constant 0 : i32
    %c0_i32_2 = arith.constant 0 : i32
    return %get3A_0, %c0_i32, %c0_i32_1 : i32, i32, i32
  }
  func.func @transform_3(%arg0: i32, %arg1: memref<128xi32, #tpu.memory_space<smem>>, %arg2: memref<128xi32, #tpu.memory_space<smem>>, %arg3: memref<128xi32, #tpu.memory_space<smem>>, %arg4: memref<128xi32, #tpu.memory_space<smem>>, %arg5: memref<128xi32, #tpu.memory_space<smem>>) -> (i32, i32, i32) {
    %get3A = arith.index_cast %arg0 : i32 to index
    %get3A_0 = memref.load %arg2[%get3A] : memref<128xi32, #tpu.memory_space<smem>>
    %c0_i32 = arith.constant 0 : i32
    %c0_i32_1 = arith.constant 0 : i32
    %c0_i32_2 = arith.constant 0 : i32
    return %get3A_0, %c0_i32, %c0_i32_1 : i32, i32, i32
  }
  func.func @transform_4(%arg0: i32, %arg1: memref<128xi32, #tpu.memory_space<smem>>, %arg2: memref<128xi32, #tpu.memory_space<smem>>, %arg3: memref<128xi32, #tpu.memory_space<smem>>, %arg4: memref<128xi32, #tpu.memory_space<smem>>, %arg5: memref<128xi32, #tpu.memory_space<smem>>) -> (i32, i32, i32) {
    %get3A = arith.index_cast %arg0 : i32 to index
    %get3A_0 = memref.load %arg2[%get3A] : memref<128xi32, #tpu.memory_space<smem>>
    %c0_i32 = arith.constant 0 : i32
    %c0_i32_1 = arith.constant 0 : i32
    %c0_i32_2 = arith.constant 0 : i32
    return %get3A_0, %c0_i32, %c0_i32_1 : i32, i32, i32
  }
  func.func @transform_5(%arg0: i32, %arg1: memref<128xi32, #tpu.memory_space<smem>>, %arg2: memref<128xi32, #tpu.memory_space<smem>>, %arg3: memref<128xi32, #tpu.memory_space<smem>>, %arg4: memref<128xi32, #tpu.memory_space<smem>>, %arg5: memref<128xi32, #tpu.memory_space<smem>>) -> (i32, i32, i32) {
    %get3A = arith.index_cast %arg0 : i32 to index
    %get3A_0 = memref.load %arg2[%get3A] : memref<128xi32, #tpu.memory_space<smem>>
    %c0_i32 = arith.constant 0 : i32
    %c0_i32_1 = arith.constant 0 : i32
    %c0_i32_2 = arith.constant 0 : i32
    return %get3A_0, %c0_i32, %c0_i32_1 : i32, i32, i32
  }
  func.func @transform_6(%arg0: i32, %arg1: memref<128xi32, #tpu.memory_space<smem>>, %arg2: memref<128xi32, #tpu.memory_space<smem>>, %arg3: memref<128xi32, #tpu.memory_space<smem>>, %arg4: memref<128xi32, #tpu.memory_space<smem>>, %arg5: memref<128xi32, #tpu.memory_space<smem>>) -> (i32, i32, i32) {
    %get3A = arith.index_cast %arg0 : i32 to index
    %get3A_0 = memref.load %arg2[%get3A] : memref<128xi32, #tpu.memory_space<smem>>
    %c0_i32 = arith.constant 0 : i32
    %c0_i32_1 = arith.constant 0 : i32
    %c0_i32_2 = arith.constant 0 : i32
    return %get3A_0, %c0_i32, %c0_i32_1 : i32, i32, i32
  }
  func.func @transform_7(%arg0: i32, %arg1: memref<128xi32, #tpu.memory_space<smem>>, %arg2: memref<128xi32, #tpu.memory_space<smem>>, %arg3: memref<128xi32, #tpu.memory_space<smem>>, %arg4: memref<128xi32, #tpu.memory_space<smem>>, %arg5: memref<128xi32, #tpu.memory_space<smem>>) -> (i32, i32, i32) {
    %get3A = arith.index_cast %arg0 : i32 to index
    %get3A_0 = memref.load %arg2[%get3A] : memref<128xi32, #tpu.memory_space<smem>>
    %c0_i32 = arith.constant 0 : i32
    %c0_i32_1 = arith.constant 0 : i32
    %c0_i32_2 = arith.constant 0 : i32
    return %get3A_0, %c0_i32, %c0_i32_1 : i32, i32, i32
  }
  func.func @transform_8(%arg0: i32, %arg1: memref<128xi32, #tpu.memory_space<smem>>, %arg2: memref<128xi32, #tpu.memory_space<smem>>, %arg3: memref<128xi32, #tpu.memory_space<smem>>, %arg4: memref<128xi32, #tpu.memory_space<smem>>, %arg5: memref<128xi32, #tpu.memory_space<smem>>) -> (i32, i32) {
    %get3A = arith.index_cast %arg0 : i32 to index
    %get3A_0 = memref.load %arg1[%get3A] : memref<128xi32, #tpu.memory_space<smem>>
    %c0_i32 = arith.constant 0 : i32
    %c0_i32_1 = arith.constant 0 : i32
    return %get3A_0, %c0_i32 : i32, i32
  }
}

module attributes {stable_mosaic.version = 14 : i64} {
  func.func @_shared_kernel(%arg0: i32, %arg1: memref<1024x768xf32, #tpu.memory_space<vmem>>, %arg2: memref<768x768xf32, #tpu.memory_space<vmem>>, %arg3: memref<1x768xf32, #tpu.memory_space<vmem>>, %arg4: memref<768x768xf32, #tpu.memory_space<vmem>>, %arg5: memref<1x768xf32, #tpu.memory_space<vmem>>, %arg6: memref<768x768xf32, #tpu.memory_space<vmem>>, %arg7: memref<1x768xf32, #tpu.memory_space<vmem>>, %arg8: memref<1024x768xf32, #tpu.memory_space<vmem>>) attributes {dimension_semantics = [#tpu.dimension_semantics<arbitrary>], iteration_bounds = array<i64: 8>, scalar_prefetch = 0 : i64, scratch_operands = 0 : i64, tpu.core_type = #tpu.core_type<tc>, window_params = [{transform_indices = @transform_0, window_bounds = array<i64: 1024, 768>}, {pipeline_mode = #tpu.pipeline_mode<synchronous>, transform_indices = @transform_1, window_bounds = array<i64: 768, 768>}, {pipeline_mode = #tpu.pipeline_mode<synchronous>, transform_indices = @transform_2, window_bounds = array<i64: 1, 768>}, {pipeline_mode = #tpu.pipeline_mode<synchronous>, transform_indices = @transform_3, window_bounds = array<i64: 768, 768>}, {pipeline_mode = #tpu.pipeline_mode<synchronous>, transform_indices = @transform_4, window_bounds = array<i64: 1, 768>}, {pipeline_mode = #tpu.pipeline_mode<synchronous>, transform_indices = @transform_5, window_bounds = array<i64: 768, 768>}, {pipeline_mode = #tpu.pipeline_mode<synchronous>, transform_indices = @transform_6, window_bounds = array<i64: 1, 768>}, {transform_indices = @transform_7, window_bounds = array<i64: 1024, 768>}]} {
    %get3A = arith.constant 0 : index
    %get3A_0 = arith.constant 0 : index
    %get3A_1 = vector.load %arg1[%get3A, %get3A_0] : memref<1024x768xf32, #tpu.memory_space<vmem>>, vector<1024x768xf32>
    %convert_element_type3A = arith.truncf %get3A_1 : vector<1024x768xf32> to vector<1024x768xbf16>
    %get3A_2 = arith.constant 0 : index
    %get3A_3 = arith.constant 0 : index
    %get3A_4 = vector.load %arg2[%get3A_2, %get3A_3] : memref<768x768xf32, #tpu.memory_space<vmem>>, vector<768x768xf32>
    %convert_element_type3A_5 = arith.truncf %get3A_4 : vector<768x768xf32> to vector<768x768xbf16>
    %dot_general3A = arith.constant dense<0.000000e+00> : vector<1024x768xf32>
    %dot_general3A_6 = tpu.matmul %convert_element_type3A, %convert_element_type3A_5, %dot_general3A {dimension_numbers = #tpu.dot_dimension_numbers<[1], [0], [0], [1], [0, 0, 1, 1], [], []>, transpose_lhs_hint = false} : vector<1024x768xbf16>, vector<768x768xbf16>, vector<1024x768xf32> -> vector<1024x768xf32>
    %get3A_7 = arith.constant 0 : index
    %get3A_8 = arith.constant 0 : index
    %get3A_9 = vector.load %arg3[%get3A_7, %get3A_8] : memref<1x768xf32, #tpu.memory_space<vmem>>, vector<1x768xf32>
    %get3A_10 = vector.shape_cast %get3A_9 : vector<1x768xf32> to vector<768xf32>
    %broadcast_in_dim3A = vector.shape_cast %get3A_10 : vector<768xf32> to vector<1x768xf32>
    %add3A = vector.broadcast %broadcast_in_dim3A : vector<1x768xf32> to vector<1024x768xf32>
    %add3A_11 = arith.addf %dot_general3A_6, %add3A : vector<1024x768xf32>
    %get3A_12 = arith.constant 0 : index
    %get3A_13 = arith.constant 0 : index
    %get3A_14 = vector.load %arg4[%get3A_12, %get3A_13] : memref<768x768xf32, #tpu.memory_space<vmem>>, vector<768x768xf32>
    %convert_element_type3A_15 = arith.truncf %get3A_14 : vector<768x768xf32> to vector<768x768xbf16>
    %dot_general3A_16 = arith.constant dense<0.000000e+00> : vector<1024x768xf32>
    %dot_general3A_17 = tpu.matmul %convert_element_type3A, %convert_element_type3A_15, %dot_general3A_16 {dimension_numbers = #tpu.dot_dimension_numbers<[1], [0], [0], [1], [0, 0, 1, 1], [], []>, transpose_lhs_hint = false} : vector<1024x768xbf16>, vector<768x768xbf16>, vector<1024x768xf32> -> vector<1024x768xf32>
    %get3A_18 = arith.constant 0 : index
    %get3A_19 = arith.constant 0 : index
    %get3A_20 = vector.load %arg5[%get3A_18, %get3A_19] : memref<1x768xf32, #tpu.memory_space<vmem>>, vector<1x768xf32>
    %get3A_21 = vector.shape_cast %get3A_20 : vector<1x768xf32> to vector<768xf32>
    %broadcast_in_dim3A_22 = vector.shape_cast %get3A_21 : vector<768xf32> to vector<1x768xf32>
    %add3A_23 = vector.broadcast %broadcast_in_dim3A_22 : vector<1x768xf32> to vector<1024x768xf32>
    %add3A_24 = arith.addf %dot_general3A_17, %add3A_23 : vector<1024x768xf32>
    %logistic3A = arith.negf %add3A_11 : vector<1024x768xf32>
    %logistic3A_25 = math.exp %logistic3A : vector<1024x768xf32>
    %logistic3A_26 = arith.constant 1.000000e+00 : f32
    %logistic3A_27 = vector.broadcast %logistic3A_26 : f32 to vector<1024x768xf32>
    %logistic3A_28 = arith.addf %logistic3A_27, %logistic3A_25 : vector<1024x768xf32>
    %logistic3A_29 = arith.divf %logistic3A_27, %logistic3A_28 : vector<1024x768xf32>
    %mul3A = arith.mulf %add3A_11, %logistic3A_29 : vector<1024x768xf32>
    %mul3A_30 = arith.mulf %mul3A, %add3A_24 : vector<1024x768xf32>
    %convert_element_type3A_31 = arith.truncf %mul3A_30 : vector<1024x768xf32> to vector<1024x768xbf16>
    %get3A_32 = arith.constant 0 : index
    %get3A_33 = arith.constant 0 : index
    %get3A_34 = vector.load %arg6[%get3A_32, %get3A_33] : memref<768x768xf32, #tpu.memory_space<vmem>>, vector<768x768xf32>
    %convert_element_type3A_35 = arith.truncf %get3A_34 : vector<768x768xf32> to vector<768x768xbf16>
    %dot_general3A_36 = arith.constant dense<0.000000e+00> : vector<1024x768xf32>
    %dot_general3A_37 = tpu.matmul %convert_element_type3A_31, %convert_element_type3A_35, %dot_general3A_36 {dimension_numbers = #tpu.dot_dimension_numbers<[1], [0], [0], [1], [0, 0, 1, 1], [], []>, transpose_lhs_hint = false} : vector<1024x768xbf16>, vector<768x768xbf16>, vector<1024x768xf32> -> vector<1024x768xf32>
    %get3A_38 = arith.constant 0 : index
    %get3A_39 = arith.constant 0 : index
    %get3A_40 = vector.load %arg7[%get3A_38, %get3A_39] : memref<1x768xf32, #tpu.memory_space<vmem>>, vector<1x768xf32>
    %get3A_41 = vector.shape_cast %get3A_40 : vector<1x768xf32> to vector<768xf32>
    %broadcast_in_dim3A_42 = vector.shape_cast %get3A_41 : vector<768xf32> to vector<1x768xf32>
    %add3A_43 = vector.broadcast %broadcast_in_dim3A_42 : vector<1x768xf32> to vector<1024x768xf32>
    %add3A_44 = arith.addf %dot_general3A_37, %add3A_43 : vector<1024x768xf32>
    %add3A_45 = arith.addf %add3A_44, %get3A_1 : vector<1024x768xf32>
    %swap3A = arith.constant 0 : index
    %swap3A_46 = arith.constant 0 : index
    %swap3A_47 = vector.load %arg8[%swap3A, %swap3A_46] : memref<1024x768xf32, #tpu.memory_space<vmem>>, vector<1024x768xf32>
    tpu.vector_store %arg8[%swap3A, %swap3A_46], %add3A_45 {strides = array<i32>} : memref<1024x768xf32, #tpu.memory_space<vmem>>, vector<1024x768xf32>,
    return
  }
  func.func @transform_0(%arg0: i32) -> (i32, i32) {
    %c0_i32 = arith.constant 0 : i32
    %c0_i32_0 = arith.constant 0 : i32
    return %arg0, %c0_i32 : i32, i32
  }
  func.func @transform_1(%arg0: i32) -> (i32, i32) {
    %c0_i32 = arith.constant 0 : i32
    %c0_i32_0 = arith.constant 0 : i32
    %c0_i32_1 = arith.constant 0 : i32
    return %c0_i32, %c0_i32_0 : i32, i32
  }
  func.func @transform_2(%arg0: i32) -> (i32, i32) {
    %c0_i32 = arith.constant 0 : i32
    %c0_i32_0 = arith.constant 0 : i32
    %c0_i32_1 = arith.constant 0 : i32
    return %c0_i32, %c0_i32_0 : i32, i32
  }
  func.func @transform_3(%arg0: i32) -> (i32, i32) {
    %c0_i32 = arith.constant 0 : i32
    %c0_i32_0 = arith.constant 0 : i32
    %c0_i32_1 = arith.constant 0 : i32
    return %c0_i32, %c0_i32_0 : i32, i32
  }
  func.func @transform_4(%arg0: i32) -> (i32, i32) {
    %c0_i32 = arith.constant 0 : i32
    %c0_i32_0 = arith.constant 0 : i32
    %c0_i32_1 = arith.constant 0 : i32
    return %c0_i32, %c0_i32_0 : i32, i32
  }
  func.func @transform_5(%arg0: i32) -> (i32, i32) {
    %c0_i32 = arith.constant 0 : i32
    %c0_i32_0 = arith.constant 0 : i32
    %c0_i32_1 = arith.constant 0 : i32
    return %c0_i32, %c0_i32_0 : i32, i32
  }
  func.func @transform_6(%arg0: i32) -> (i32, i32) {
    %c0_i32 = arith.constant 0 : i32
    %c0_i32_0 = arith.constant 0 : i32
    %c0_i32_1 = arith.constant 0 : i32
    return %c0_i32, %c0_i32_0 : i32, i32
  }
  func.func @transform_7(%arg0: i32) -> (i32, i32) {
    %c0_i32 = arith.constant 0 : i32
    %c0_i32_0 = arith.constant 0 : i32
    return %arg0, %c0_i32 : i32, i32
  }
}

module attributes {stable_mosaic.version = 14 : i64} {
  func.func @_combine_kernel(%arg0: i32, %arg1: memref<1024x768xf32, #tpu.memory_space<vmem>>, %arg2: memref<2048x768xf32, #tpu.memory_space<vmem>>, %arg3: memref<1024x768xf32, #tpu.memory_space<vmem>>) attributes {dimension_semantics = [#tpu.dimension_semantics<arbitrary>], iteration_bounds = array<i64: 8>, scalar_prefetch = 0 : i64, scratch_operands = 0 : i64, tpu.core_type = #tpu.core_type<tc>, window_params = [{transform_indices = @transform_0, window_bounds = array<i64: 1024, 768>}, {transform_indices = @transform_1, window_bounds = array<i64: 2048, 768>}, {transform_indices = @transform_2, window_bounds = array<i64: 1024, 768>}]} {
    %get3A = arith.constant 0 : index
    %get3A_0 = arith.constant 0 : index
    %get3A_1 = vector.load %arg2[%get3A, %get3A_0] : memref<2048x768xf32, #tpu.memory_space<vmem>>, vector<2048x768xf32>
    %reshape3A = vector.shape_cast %get3A_1 : vector<2048x768xf32> to vector<1024x2x768xf32>
    %get3A_2 = arith.constant 0 : index
    %get3A_3 = arith.constant 0 : index
    %get3A_4 = vector.load %arg1[%get3A_2, %get3A_3] : memref<1024x768xf32, #tpu.memory_space<vmem>>, vector<1024x768xf32>
    %slice3A = vector.extract_strided_slice %reshape3A {offsets = [0, 0, 0], sizes = [1024, 1, 768], strides = [1, 1, 1]} : vector<1024x2x768xf32> to vector<1024x1x768xf32>
    %squeeze3A = vector.shape_cast %slice3A : vector<1024x1x768xf32> to vector<1024x768xf32>
    %add3A = arith.addf %get3A_4, %squeeze3A : vector<1024x768xf32>
    %slice3A_5 = vector.extract_strided_slice %reshape3A {offsets = [0, 1, 0], sizes = [1024, 1, 768], strides = [1, 1, 1]} : vector<1024x2x768xf32> to vector<1024x1x768xf32>
    %squeeze3A_6 = vector.shape_cast %slice3A_5 : vector<1024x1x768xf32> to vector<1024x768xf32>
    %add3A_7 = arith.addf %add3A, %squeeze3A_6 : vector<1024x768xf32>
    %swap3A = arith.constant 0 : index
    %swap3A_8 = arith.constant 0 : index
    %swap3A_9 = vector.load %arg3[%swap3A, %swap3A_8] : memref<1024x768xf32, #tpu.memory_space<vmem>>, vector<1024x768xf32>
    tpu.vector_store %arg3[%swap3A, %swap3A_8], %add3A_7 {strides = array<i32>} : memref<1024x768xf32, #tpu.memory_space<vmem>>, vector<1024x768xf32>,
    return
  }
  func.func @transform_0(%arg0: i32) -> (i32, i32) {
    %c0_i32 = arith.constant 0 : i32
    %c0_i32_0 = arith.constant 0 : i32
    return %arg0, %c0_i32 : i32, i32
  }
  func.func @transform_1(%arg0: i32) -> (i32, i32) {
    %c0_i32 = arith.constant 0 : i32
    %c0_i32_0 = arith.constant 0 : i32
    return %arg0, %c0_i32 : i32, i32
  }
  func.func @transform_2(%arg0: i32) -> (i32, i32) {
    %c0_i32 = arith.constant 0 : i32
    %c0_i32_0 = arith.constant 0 : i32
    return %arg0, %c0_i32 : i32, i32
  }
}

</mosaic_0001>

<sc_bundles>
// kernel: gather_offload_async_start
scs
__scs_entry_jumppad:
0x0: {  	(pc) =	sbr.rel $0x88, $3  }
0x1: {  	(tag) =	ssettag $0x0;
	lr =	simm.s32 $0x1  }
0x2: {  	[smem:$0x3F92] =	sst lr;
	_ =	strace $0xD0000000  }
0x3: {  	_ = 	snop  }
0x4: {  	_ = 	snop  }
0x5: {  	_ = 	snop  }
0x6: {  	_ = 	snop  }
0x7: {  	_ = 	snop  }
__scs_overlays_trampoline_lowered:
0x8: {  	[smem:$0x3FA1] =	sst s0  }
0x9: {  	[smem:$0x3FA2] =	sst s1  }
0xa: {  	[smem:$0x3FA3] =	sst s2  }
0xb: {  	[smem:$0x3FA4] =	sst s3  }
0xc: {  	[smem:$0x3FA5] =	sst s4  }
0xd: {  	[smem:$0x3FA6] =	sst s5  }
0xe: {  	[smem:$0x3FA7] =	sst s6  }
0xf: {  	[smem:$0x3FA8] =	sst s7  }
0x10: {  	[smem:$0x3FA9] =	sst s8  }
0x11: {  	[smem:$0x3FAA] =	sst s9;
	s0 =	simm.s32 @!p0 $0x0  }
0x12: {  	s1 =	sld [smem:$0x3F90];
	s0 =	simm.s32 @p0 $0x1  }
0x13: {  	[smem:$0x3FAB] =	sst s0;
	s0 =	simm.s32 @!p1 $0x0  }
0x14: {  	s2 =	sld [smem:$0x3F8F];
	s0 =	simm.s32 @p1 $0x1  }
0x15: {  	[smem:$0x3FAC] =	sst s0;
	s0 =	simm.s32 @!p2 $0x0  }
0x16: {  	s3 =	sld [smem:$0x3FDB];
	s0 =	simm.s32 @p2 $0x1  }
0x17: {  	s4 =	simm.s32 $0x1BF5;
	[smem:$0x3FAE] =	sst s0  }
0x18: {  	s0 =	sld [smem:$0x3F91];
	_ =	swait.ge [sflag:s4], $0x0  }
0x19: {  	s7 =	sld [smem:$0x3F92]  }
0x1a: {  	s8 =	sadd.s32 $0xFFFFE003, lr  }
0x1b: {  	s9 =	sadd.s32 $0xFFFFFEF7, lr;
	s5 =	simm.s32 $0xFFFFFFFF;
	p2 =	slt.u32 s8, $0xFFFFF086  }
0x1c: {  	p1 =	slt.u32 s9, $0xF7A;
	s5 =	simm.s32 @!p2 $0x0  }
0x1d: {  	s5 =	simm.s32 @p1 $0x1;
	p0 =	seq.s32 s7, s2  }
0x1e: {  	s7 =	smul.u32 @!p0 $0xF7A, s2;
	p2 =	seq.s32 @!p0 s5, $0x0  }
0x1f: {  	s9 =	smul.u32 $0xF7A, s1;
	s8 =	simm.s32 @!p0 $0x1BF5;
	p2 =	por !p2, p0  }
0x20: {  	[sflag:s8] =	ssyncset.s32 @!p0 $0xFFFFF086;
	s6 =	sadd.s32 @!p0 s3, s7;
	s7 =	simm.s32 @!p0 $0x108  }
0x21: {  	s3 =	sadd.s32 s3, s9;
	s6 =	sadd.s32 @!p0 $0x88, s6;
	s7 =	simm.s32 @p2 $0x1082  }
0x22: {  	[simem:s7], [sflag:s8] =	dma.local @!p0 [hbm:s6], $0xF7A  }
0x23: {  	s9 =	sor.u32 $0xD0000000, s2;
	s6 =	simm.s32 $0x108;
	_ =	swait.ge @!p0 [sflag:s8], $0x0  }
0x24: {  	s3 =	sadd.s32 $0x88, s3;
	s6 =	simm.s32 @!p1 $0x1082;
	[sflag:s4] =	ssyncset.s32 $0xFFFFF086  }
0x25: {  	[simem:s6], [sflag:s4] =	dma.local [hbm:s3], $0xF7A  }
0x26: {  	[smem:$0x3F92] =	sst s1;
	(tag) =	ssettag s2;
	_ =	strace s9  }
0x27: {  	s1 =	sld [smem:$0x3FA2]  }
0x28: {  	s2 =	sld [smem:$0x3FA3]  }
0x29: {  	s4 =	sld [smem:$0x3FA5]  }
0x2a: {  	p0 =	seq.s32 s5, $0x0;
	s5 =	sld [smem:$0x3FA6]  }
0x2b: {  	s6 =	sld [smem:$0x3FA7]  }
0x2c: {  	s7 =	sld [smem:$0x3FA8]  }
0x2d: {  	s3 =	simm.s32 $0x108;
	s8 =	sld [smem:$0x3FA9]  }
0x2e: {  	s3 =	simm.s32 @!p0 $0x1082;
	s9 =	sld [smem:$0x3FAA]  }
0x2f: {  	lr =	sadd.s32 s0, s3;
	s0 =	sld [smem:$0x3FA1]  }
0x30: {  	s3 =	sld [smem:$0x3FA4]  }
0x31: {  	[smem:$0x3FAD] =	sst s10  }
0x32: {  	s10 =	sld [smem:$0x3FAB];
	_ =	sdelay $0x3  }
0x33: {  	p0 =	seq.s32 s10, $0x1;
	s10 =	sld [smem:$0x3FAD];
	_ =	sdelay $0x3  }
0x34: {  	[smem:$0x3FAD] =	sst s10  }
0x35: {  	s10 =	sld [smem:$0x3FAC];
	_ =	sdelay $0x3  }
0x36: {  	p1 =	seq.s32 s10, $0x1;
	s10 =	sld [smem:$0x3FAD];
	_ =	sdelay $0x3  }
0x37: {  	[smem:$0x3FAD] =	sst s10  }
0x38: {  	s10 =	sld [smem:$0x3FAE]  }
0x39: {  	_ = 	snop;
	(pc) =	sbr.ind lr, $3  }
0x3a: {  	_ = 	snop  }
0x3b: {  	_ = 	snop  }
0x3c: {  	p2 =	seq.s32 s10, $0x1;
	s10 =	sld [smem:$0x3FAD]  }
0x3d: {  	_ =	shalt  }
0x3e: {  	_ =	shalt  }
0x3f: {  	_ =	shalt  }
0x40: {  	_ =	shalt  }
0x41: {  	_ =	shalt  }
0x42: {  	_ =	shalt  }
0x43: {  	_ =	shalt  }
0x44: {  	_ =	shalt  }
0x45: {  	_ =	shalt  }
0x46: {  	_ =	shalt  }
0x47: {  	_ =	shalt  }
0x48: {  	_ =	shalt  }
0x49: {  	_ =	shalt  }
0x4a: {  	_ =	shalt  }
0x4b: {  	_ =	shalt  }
0x4c: {  	_ =	shalt  }
0x4d: {  	_ =	shalt  }
0x4e: {  	_ =	shalt  }
0x4f: {  	_ =	shalt  }
0x50: {  	_ =	shalt  }
0x51: {  	_ =	shalt  }
0x52: {  	_ =	shalt  }
0x53: {  	_ =	shalt  }
0x54: {  	_ =	shalt  }
0x55: {  	_ =	shalt  }
0x56: {  	_ =	shalt  }
0x57: {  	_ =	shalt  }
0x58: {  	_ =	shalt  }
0x59: {  	_ =	shalt  }
0x5a: {  	_ =	shalt  }
0x5b: {  	_ =	shalt  }
0x5c: {  	_ =	shalt  }
0x5d: {  	_ =	shalt  }
0x5e: {  	_ =	shalt  }
0x5f: {  	_ =	shalt  }
0x60: {  	_ =	shalt  }
0x61: {  	_ =	shalt  }
0x62: {  	_ =	shalt  }
0x63: {  	_ =	shalt  }
0x64: {  	_ =	shalt  }
0x65: {  	_ =	shalt  }
0x66: {  	_ =	shalt  }
0x67: {  	_ =	shalt  }
0x68: {  	_ =	shalt  }
0x69: {  	_ =	shalt  }
0x6a: {  	_ =	shalt  }
0x6b: {  	_ =	shalt  }
0x6c: {  	_ =	shalt  }
0x6d: {  	_ =	shalt  }
0x6e: {  	_ =	shalt  }
0x6f: {  	_ =	shalt  }
0x70: {  	_ =	shalt  }
0x71: {  	_ =	shalt  }
0x72: {  	_ =	shalt  }
0x73: {  	_ =	shalt  }
0x74: {  	_ =	shalt  }
0x75: {  	_ =	shalt  }
0x76: {  	_ =	shalt  }
0x77: {  	_ =	shalt  }
0x78: {  	_ =	shalt  }
0x79: {  	_ =	shalt  }
0x7a: {  	_ =	shalt  }
0x7b: {  	_ =	shalt  }
0x7c: {  	_ =	shalt  }
0x7d: {  	_ =	shalt  }
0x7e: {  	_ =	shalt  }
0x7f: {  	_ =	shalt  }
0x80: {  	_ =	shalt  }
0x81: {  	_ =	shalt  }
0x82: {  	_ =	shalt  }
0x83: {  	_ =	shalt  }
0x84: {  	_ =	shalt  }
0x85: {  	_ =	shalt  }
0x86: {  	_ =	shalt  }
0x87: {  	_ =	shalt  }
.Lfunc_end0:
.L_simem_size_0:
called_computation.2_lowered:
.L_overlay_start_0:
0x88: {  	s2 =	sld [smem:$0x3FD9]  }
0x89: {  	s3 =	sld [smem:$0x3FFE];
	_ =	sdelay $0x1  }
0x8a: {  	s1 =	srdreg.scid  }
0x8b: {  	s0 =	sand.u32 $0x1, s1  }
0x8c: {  	s16 =	sshll.u32 s0, $0xA;
	s2 =	sadd.s32 s3, s2  }
0x8d: {  	s2 =	sadd.s32 s2, s16  }
0x8e: {  	[smem:$0x3FB9] =	sst s2  }
0x8f: {  	_ = 	snop  }
0x90: {  	(tm) =	ssettm $0x1  }
0x91: {  	s17 =	sld [smem:$0x3FFB];
	_ =	sdelay $0x3  }
0x92: {  	_ =	strace s17  }
0x93: {  	s2 =	sld [smem:$0x3FFC];
	_ =	sdelay $0x3  }
0x94: {  	_ =	strace s2  }
0x95: {  	s2 =	sld [smem:$0x3FFD];
	_ =	sdelay $0x3  }
0x96: {  	_ =	strace s2  }
0x97: {  	_ =	strace $0x8FFFFFFF  }
0x98: {  	s18 =	sld [smem:$0x3FDB];
	_ =	sdelay $0x1  }
0x99: {  	s19 =	simm.s32 $_scs_section_size  }
0x9a: {  	s4 =	simm.s32 $_size__tile_overlayer_lowered;
	s5 =	simm.s32 $_tile_overlayer_lowered  }
0x9b: {  	s22 =	simm.s32 $0x1BFF;
	s21 =	sshll.u32 s5, $0x1;
	s2 =	sadd.s32 s19, s18  }
0x9c: {  	s6 =	simm.s32 $0x0;
	s20 =	sshll.u32 s4, $0x1;
	s4 =	sadd.s32 s21, s2  }
0x9d: {  	[timem:s6], [sflag:s22] =	dma.local [hbm:s4], s20  }
0x9e: {  	_ =	swait.ge [sflag:s22], s20  }
0x9f: {  	s3 =	ssub.s32 $0x0, s20;
	[sflag:s22] =	ssyncset.done $0x0  }
0xa0: {  	[sflag:s22] =	ssyncadd.s32 s3;
	_ =	sdelay $0x1  }
0xa1: {  	s23 =	simm.s32 $0x1B8B  }
0xa2: {  	_ =	swait.ge [sflag:s23], $0x1  }
0xa3: {  	[sflag:s23] =	ssyncset.done $0x0  }
0xa4: {  	s25 =	simm.s32 $0x1B8E;
	s24 =	sld [smem:$0x3FFE];
	[sflag:s23] =	ssyncadd.s32 $0xFFFFFFFF  }
0xa5: {  	s26 =	simm.s32 $execute0_lowered;
	[smem:$0x3FD2] =	sst s25  }
0xa6: {  	s4 =	sshll.u32 s26, $0x1;
	_ =	strace $0x80000049;
	[dreg:$0x1] =	wrdreg $0xFFFFFFFF  }
0xa7: {  	s28 =	simm.s32 $_size_execute0_lowered;
	s2 =	sadd.s32 s2, s4;
	[dreg:$0x0] =	wrdreg $0x0  }
0xa8: {  	s4 =	sshll.u32 s28, $0x1;
	[dreg:$0x2] =	wrdreg s2  }
0xa9: {  	[dreg:$0x3] =	wrdreg s4  }
0xaa: {  	[dreg:$0x4] =	wrdreg $0xC0  }
0xab: {  	_ =	task [dreg:s6], $0x5FFFF  }
0xac: {  	[dreg:$0x1] =	wrdreg $0xFFFFFFFF  }
0xad: {  	[dreg:$0x0] =	wrdreg $0x60  }
0xae: {  	[dreg:$0x2] =	wrdreg s24  }
0xaf: {  	[dreg:$0x3] =	wrdreg $0xA  }
0xb0: {  	_ =	task.clear_ibuf [dreg:s6], $0x4FFFF;
	_ =	strace $0x90000049  }
0xb1: {  	s29 =	simm.s32 $0xA;
	_ =	strace $0x8000004B  }
0xb2: {  	_ =	swait.ge [sflag:s29], $0x1  }
0xb3: {  	[sflag:s29] =	ssyncadd.s32 $0xFFFFFFFF  }
0xb4: {  	_ =	strace $0x9000004B  }
0xb5: {  	_ =	sfence  }
0xb6: {  	s30 =	sld [smem:$0x0];
	_ =	sdelay $0x2  }
0xb7: {  	s31 =	sshll.u32 s1, $0xD;
	s1 =	sshrl.u32 s1, $0x2  }
0xb8: {  	s3 =	sand.u32 $0x4000, s31;
	s1 =	sadd.s32 s1, s30  }
0xb9: {  	s0 =	sor.u32 s3, s0;
	s1 =	sshll.u32 s1, $0x11  }
0xba: {  	s0 =	sor.u32 s1, s0  }
0xbb: {  	s0 =	sadd.s32 $0x8F2B, s0  }
0xbc: {  	[sflag:s0] =	ssyncadd.remote.s32 $0x1  }
0xbd: {  	_ =	sfence.sel $0xFFFF  }
0xbe: {  	[dreg:$0x0] =	wrdreg $0xFFFFFFFF;
	(pc) =	sbr.abs _section_cstart, $3  }
0xbf: {  	[dreg:$0x1] =	wrdreg $0xFFFFFFFF  }
0xc0: {  	_ =	task.clear_ibuf [dreg:s6], $0x2FFFF;
	_ =	strace $0x9FFFFFFF  }
0xc1: {  	(tm) =	ssettm $0x7FFFFFFF  }
tec
execute0_lowered:
.L_overlay_start_1:
0x0: {  	(tag) =	ssettag $0x1  }
0x1: {  	s0 =	srdreg.scid;
	s5 =	rddreg [dreg:$0x0]  }
0x2: {  	s1 =	stileid.u32;
	s6 =	simm.s32 $0x1;
	s9 =	simm.s32 $0x1  }
0x3: {  	s10 =	simm.s32 $0x3;
	s13 =	simm.s32 $0x0;
	s2 =	sshll.u32 s0, $0x8  }
0x4: {  	s12 =	simm.s32 $0x0;
	s3 =	sshll.u32 s1, $0x9;
	s2 =	sand.u32 $0x100, s2  }
0x5: {  	s0 =	rddreg [dreg:$0x1];
	_ =	strace $0x8000004A;
	s2 =	sor.u32 s3, s2  }
0x6: {  	s4 =	sadd.s32 $0x800, s5;
	[sflag:s6] =	ssyncpa.u1 $0x0;
	s8 =	ssub.s32 $0x4000, s2  }
.Ltmp0:
0x7: {  	s3 =	sadd.s32 $0x2200, s5;
	s7 =	sand.u32 $0x1F00, s8;
	(pc) =	sbr.rel .LBB2_1-.Ltmp0, $4  }
0x8: {  	s5 =	sadd.s32 $0x2A00, s5;
	s11 =	smov.u32 s2;
	p0 =	sne.s32 s7, $0x0  }
0x9: {  	s8 =	sshrl.u32 s8, $0xD;
	s7 =	simm.s32 $0x2;
	s9 =	simm.s32 @!p0 $0x0  }
0xa: {  	[sflag:s7] =	ssyncpa.u1 $0x0;
	p0 =	por $0x0, $0x0;
	s8 =	sadd.s32 s9, s8  }
0xb: {  	vm0 =	vmmov $0xffff;
	[sflag:s10] =	ssyncpa.u1 $0x0;
	s10 =	simm.s32 $0x0;
	s9 =	sadd.s32 $0x1, s8  }
.LBB2_4:
0xc: {  	v2 =	vnsel vm1, $0x0, v2  }
0xd: {  	vm1 =	vgt.s32 v0, $0x0;
	v2 =	vmin.u32 v2, $0x3FFF  }
0xe: {  	v0 =	vnsel vm1, $0x0, v0  }
0xf: {  	v0 =	vmin.u32 v0, $0x3FFF  }
0x10: {  	[tilespmem:s15], [sflag:$0x1] =	stream.indirect_vreg.gather [hbm4b:s3+s10], $0x1, v1, vm0, $0x4038;
	[tilespmem:$0x400] =	vst v63  }
0x11: {  	(ifvalue) =	ssetifvalue $0x7FFFFFFF  }
0x12: {  	[tilespmem:s16], [sflag:$0x1] =	stream.indirect_vreg.gather [hbm4b:s3+s10], $0x1, v2, vm0, $0x4038;
	[tilespmem:$0x400] =	vst v63  }
0x13: {  	s29 =	sadd.s32 $0x10, s16;
	(ifvalue) =	ssetifvalue $0x7FFFFFFF  }
0x14: {  	[tilespmem:s29], [sflag:$0x1] =	stream.indirect_vreg.gather [hbm4b:s3+s10], $0x1, v0, vm0, $0x4038;
	[tilespmem:$0x400] =	vst v63  }
0x15: {  	_ =	swait.ge [sflag:s6], $0x100  }
0x16: {  	s30 =	sshrl.u32 s13, $0x3;
	[sflag:s6] =	ssyncset.done $0x0  }
0x17: {  	s31 =	sand.u32 $0x7, s13;
	s15 =	sadd.s32 s5, s30;
	[sflag:s6] =	ssyncadd.s32 $0xFFFFFF00  }
0x18: {  	[hbm4b:s15+s31] =	stream.linear.scatter [tilespmem:s14], [sflag:$0x3], $0x100, $0x38;
	[tilespmem:$0x400] =	vst v63  }
.LBB2_5:
0x19: {  	s15 =	sadd.s32 $0x2000, s11  }
0x1a: {  	p2 =	sgt.s32 s15, $0x3FFF  }
0x1b: {  	s15 =	smov.u32 @p2 s2;
	p2 =	sne.s32 s12, s9  }
.Ltmp1:
0x1c: {  	p1 =	slt.u32 s12, $0x2;
	(pc) =	sbr.rel @!p2 .LBB2_6-.Ltmp1, $4  }
0x1d: {  	s14 =	simm.s32 @!p1 $0x3  }
0x1e: {  	s16 =	sadd.s32 $0x1, s12;
	_ =	swait.ge @!p1 [sflag:s14], $0x100  }
0x1f: {  	s13 =	smov.u32 s11;
	p0 =	por !p0, !p0;
	[sflag:s14] =	ssyncset.done @!p1 $0x0  }
0x20: {  	s12 =	smov.u32 s16;
	s11 =	smov.u32 s15;
	[sflag:s14] =	ssyncadd.s32 @!p1 $0xFFFFFF00  }
.LBB2_1:
0x21: {  	p1 =	sge.u32 s12, s8  }
0x22: {  	s14 =	sxor.u32 @!p1 $0xFFFFFFFF, s12  }
0x23: {  	s31 =	sadd.s32 $0xFFFFFFFF, s12;
	s15 =	sshrl.u32 @!p1 s11, $0x3;
	s14 =	sshll.u32 @!p1 s14, $0x8  }
0x24: {  	s16 =	sand.u32 @!p1 $0x7, s11;
	s15 =	sadd.s32 @!p1 s4, s15;
	s14 =	sand.u32 @!p1 $0x100, s14  }
0x25: {  	[tilespmem:s14], [sflag:$0x2] =	stream.linear.gather @!p1 [hbm4b:s15+s16], $0x100, $0x38;
	[tilespmem:$0x400] =	vst v63  }
0x26: {  	p1 =	sge.u32 s31, s8  }
.Ltmp2:
0x27: {  	_ = 	snop;
	(pc) =	sbr.rel @p1 .LBB2_5-.Ltmp2, $1  }
0x28: {  	_ =	sdelay $0x3  }
0x29: {  	s14 =	simm.s32 $0x1  }
0x2a: {  	_ =	swait.ge [sflag:s7], $0x100;
	s14 =	simm.s32 @!p0 $0x0  }
0x2b: {  	[sflag:s7] =	ssyncset.done $0x0;
	s14 =	sshll.u32 s14, $0x8  }
0x2c: {  	[sflag:s7] =	ssyncadd.s32 $0xFFFFFF00;
	(ifvalue) =	ssetifvalue $0x7FFFFFFF;
	v0 =	vld.msk [tilespmem:s14+$0x0 ss:$0x1], $0xffff;
	_ =	sdelay $0x4  }
0x2d: {  	s15 =	sadd.s32 $0x10, s14;
	vm1 =	vgt.s32 v0, $0x0  }
0x2e: {  	v2 =	vld.msk [tilespmem:s15+$0x0 ss:$0x1], $0xffff;
	v1 =	vnsel vm1, $0x0, v0  }
0x2f: {  	v1 =	vmin.u32 v1, $0x3FFF;
	_ =	sdelay $0x1  }
0x30: {  	s16 =	sshll.u32 s12, $0x8;
	s18 =	simm.s32 $0x20  }
0x31: {  	s16 =	sand.u32 $0x100, s16;
	s17 =	sadd.s32 $0x10, s15;
	s15 =	sor.u32 $0x200, s14  }
0x32: {  	s14 =	sor.u32 $0x200, s16;
	s16 =	sadd.s32 $0x10, s15;
	v0 =	vld.msk [tilespmem:s17+$0x0 ss:$0x1], $0xffff;
	vm1 =	vgt.s32 v2, $0x0;
	(ifvalue) =	ssetifvalue $0x7FFFFFFF  }
.LBB2_3:
0x33: {  	[tilespmem:s15], [sflag:$0x1] =	stream.indirect_vreg.gather [hbm4b:s3+s10], $0x1, v1, vm0, $0x4038;
	[tilespmem:$0x400] =	vst v63  }
0x34: {  	s18 =	sadd.s32 $0x10, s18  }
0x35: {  	v2 =	vnsel vm1, $0x0, v2;
	p1 =	slt.u32 s18, $0xF0  }
.Ltmp3:
0x36: {  	s15 =	smov.u32 s16;
	v1 =	vmin.u32 v2, $0x3FFF;
	(pc) =	sbr.rel @p1 .LBB2_3-.Ltmp3, $3  }
0x37: {  	_ =	sdelay $0x1  }
0x38: {  	s17 =	sadd.s32 $0x10, s17  }
0x39: {  	vm1 =	vgt.s32 v0, $0x0;
	s16 =	sadd.s32 $0x10, s16;
	v2 =	vmov v0;
	(ifvalue) =	ssetifvalue $0x7FFFFFFF;
	v0 =	vld.msk [tilespmem:s17+$0x0 ss:$0x1], $0xffff  }
.Ltmp4:
0x3a: {  	_ = 	snop;
	(pc) =	sbr.rel .LBB2_4-.Ltmp4, $1  }
0x3b: {  	_ =	sdelay $0x3  }
.LBB2_6:
0x3c: {  	_ =	sfence.sel $0x180000  }
0x3d: {  	s2 =	simm.s32 $0x2;
	[bflag:$0x0] =	sbarrier.arrive $0xFFFF  }
0x3e: {  	s30 =	simm.s32 $0x3;
	[sflag:s2] =	ssyncpa.u1 $0x1  }
0x3f: {  	s31 =	simm.s32 $0x1;
	[sflag:s30] =	ssyncpa.u1 $0x1  }
0x40: {  	[sflag:s31] =	ssyncpa.u1 $0x1  }
0x41: {  	p0 =	sne.s32 s1, $0x0;
	_ =	strace $0x9000004A  }
0x42: {  	s0 =	sadd.s32 @!p0 $0x100000, s0;
	[bflag:$0x2] =	sbarrier.arrive $0xFFFF  }
0x43: {  	[sflag:s0] =	ssyncadd.tile.s32 @!p0 $0x1;
	_ =	shalt  }
.Lfunc_end2:
_tile_overlayer_lowered:
.L_overlay_start_2:
0x44: {  	(tag) =	ssettag $0x2  }
0x45: {  	s0 =	rddreg [dreg:$0x0];
	s2 =	stileid.u32  }
0x46: {  	s1 =	rddreg [dreg:$0x1];
	p0 =	sne.s32 s2, $0x0  }
0x47: {  	s3 =	rddreg [dreg:$0x2];
	[bflag:$0x3] =	sbarrier.arrive $0xFFFF;
	s2 =	simm.s32 @!p0 $0x1C01  }
0x48: {  	[timem:s3], [sflag:s2] =	dma.local @!p0 [hbm:s0], s1  }
0x49: {  	s0 =	simm.s32 @!p0 $0x1  }
0x4a: {  	_ =	swait.ge @!p0 [sflag:s0], s1  }
0x4b: {  	s1 =	ssub.s32 @!p0 $0x0, s1;
	[sflag:s0] =	ssyncset.done @!p0 $0x0  }
0x4c: {  	[sflag:s0] =	ssyncadd.s32 @!p0 s1  }
0x4d: {  	[bflag:$0x3] =	sbarrier.arrive $0xFFFF  }
0x4e: {  	_ =	shalt  }

// kernel: kernel.11.cloned.1.call-start
scs
__scs_entry_jumppad:
0x0: {  	(pc) =	sbr.rel $0x88, $3  }
0x1: {  	(tag) =	ssettag $0x0;
	lr =	simm.s32 $0x1  }
0x2: {  	[smem:$0x3F92] =	sst lr;
	_ =	strace $0xD0000000  }
0x3: {  	_ = 	snop  }
0x4: {  	_ = 	snop  }
0x5: {  	_ = 	snop  }
0x6: {  	_ = 	snop  }
0x7: {  	_ = 	snop  }
__scs_overlays_trampoline_lowered:
0x8: {  	[smem:$0x3FA1] =	sst s0  }
0x9: {  	[smem:$0x3FA2] =	sst s1  }
0xa: {  	[smem:$0x3FA3] =	sst s2  }
0xb: {  	[smem:$0x3FA4] =	sst s3  }
0xc: {  	[smem:$0x3FA5] =	sst s4  }
0xd: {  	[smem:$0x3FA6] =	sst s5  }
0xe: {  	[smem:$0x3FA7] =	sst s6  }
0xf: {  	[smem:$0x3FA8] =	sst s7  }
0x10: {  	[smem:$0x3FA9] =	sst s8  }
0x11: {  	[smem:$0x3FAA] =	sst s9;
	s0 =	simm.s32 @!p0 $0x0  }
0x12: {  	s1 =	sld [smem:$0x3F90];
	s0 =	simm.s32 @p0 $0x1  }
0x13: {  	[smem:$0x3FAB] =	sst s0;
	s0 =	simm.s32 @!p1 $0x0  }
0x14: {  	s2 =	sld [smem:$0x3F8F];
	s0 =	simm.s32 @p1 $0x1  }
0x15: {  	[smem:$0x3FAC] =	sst s0;
	s0 =	simm.s32 @!p2 $0x0  }
0x16: {  	s3 =	sld [smem:$0x3FDB];
	s0 =	simm.s32 @p2 $0x1  }
0x17: {  	s4 =	simm.s32 $0x1BF5;
	[smem:$0x3FAE] =	sst s0  }
0x18: {  	s0 =	sld [smem:$0x3F91];
	_ =	swait.ge [sflag:s4], $0x0  }
0x19: {  	s7 =	sld [smem:$0x3F92]  }
0x1a: {  	s8 =	sadd.s32 $0xFFFFE003, lr  }
0x1b: {  	s9 =	sadd.s32 $0xFFFFFEF7, lr;
	s5 =	simm.s32 $0xFFFFFFFF;
	p2 =	slt.u32 s8, $0xFFFFF086  }
0x1c: {  	p1 =	slt.u32 s9, $0xF7A;
	s5 =	simm.s32 @!p2 $0x0  }
0x1d: {  	s5 =	simm.s32 @p1 $0x1;
	p0 =	seq.s32 s7, s2  }
0x1e: {  	s7 =	smul.u32 @!p0 $0xF7A, s2;
	p2 =	seq.s32 @!p0 s5, $0x0  }
0x1f: {  	s9 =	smul.u32 $0xF7A, s1;
	s8 =	simm.s32 @!p0 $0x1BF5;
	p2 =	por !p2, p0  }
0x20: {  	[sflag:s8] =	ssyncset.s32 @!p0 $0xFFFFF086;
	s6 =	sadd.s32 @!p0 s3, s7;
	s7 =	simm.s32 @!p0 $0x108  }
0x21: {  	s3 =	sadd.s32 s3, s9;
	s6 =	sadd.s32 @!p0 $0x88, s6;
	s7 =	simm.s32 @p2 $0x1082  }
0x22: {  	[simem:s7], [sflag:s8] =	dma.local @!p0 [hbm:s6], $0xF7A  }
0x23: {  	s9 =	sor.u32 $0xD0000000, s2;
	s6 =	simm.s32 $0x108;
	_ =	swait.ge @!p0 [sflag:s8], $0x0  }
0x24: {  	s3 =	sadd.s32 $0x88, s3;
	s6 =	simm.s32 @!p1 $0x1082;
	[sflag:s4] =	ssyncset.s32 $0xFFFFF086  }
0x25: {  	[simem:s6], [sflag:s4] =	dma.local [hbm:s3], $0xF7A  }
0x26: {  	[smem:$0x3F92] =	sst s1;
	(tag) =	ssettag s2;
	_ =	strace s9  }
0x27: {  	s1 =	sld [smem:$0x3FA2]  }
0x28: {  	s2 =	sld [smem:$0x3FA3]  }
0x29: {  	s4 =	sld [smem:$0x3FA5]  }
0x2a: {  	p0 =	seq.s32 s5, $0x0;
	s5 =	sld [smem:$0x3FA6]  }
0x2b: {  	s6 =	sld [smem:$0x3FA7]  }
0x2c: {  	s7 =	sld [smem:$0x3FA8]  }
0x2d: {  	s3 =	simm.s32 $0x108;
	s8 =	sld [smem:$0x3FA9]  }
0x2e: {  	s3 =	simm.s32 @!p0 $0x1082;
	s9 =	sld [smem:$0x3FAA]  }
0x2f: {  	lr =	sadd.s32 s0, s3;
	s0 =	sld [smem:$0x3FA1]  }
0x30: {  	s3 =	sld [smem:$0x3FA4]  }
0x31: {  	[smem:$0x3FAD] =	sst s10  }
0x32: {  	s10 =	sld [smem:$0x3FAB];
	_ =	sdelay $0x3  }
0x33: {  	p0 =	seq.s32 s10, $0x1;
	s10 =	sld [smem:$0x3FAD];
	_ =	sdelay $0x3  }
0x34: {  	[smem:$0x3FAD] =	sst s10  }
0x35: {  	s10 =	sld [smem:$0x3FAC];
	_ =	sdelay $0x3  }
0x36: {  	p1 =	seq.s32 s10, $0x1;
	s10 =	sld [smem:$0x3FAD];
	_ =	sdelay $0x3  }
0x37: {  	[smem:$0x3FAD] =	sst s10  }
0x38: {  	s10 =	sld [smem:$0x3FAE]  }
0x39: {  	_ = 	snop;
	(pc) =	sbr.ind lr, $3  }
0x3a: {  	_ = 	snop  }
0x3b: {  	_ = 	snop  }
0x3c: {  	p2 =	seq.s32 s10, $0x1;
	s10 =	sld [smem:$0x3FAD]  }
0x3d: {  	_ =	shalt  }
0x3e: {  	_ =	shalt  }
0x3f: {  	_ =	shalt  }
0x40: {  	_ =	shalt  }
0x41: {  	_ =	shalt  }
0x42: {  	_ =	shalt  }
0x43: {  	_ =	shalt  }
0x44: {  	_ =	shalt  }
0x45: {  	_ =	shalt  }
0x46: {  	_ =	shalt  }
0x47: {  	_ =	shalt  }
0x48: {  	_ =	shalt  }
0x49: {  	_ =	shalt  }
0x4a: {  	_ =	shalt  }
0x4b: {  	_ =	shalt  }
0x4c: {  	_ =	shalt  }
0x4d: {  	_ =	shalt  }
0x4e: {  	_ =	shalt  }
0x4f: {  	_ =	shalt  }
0x50: {  	_ =	shalt  }
0x51: {  	_ =	shalt  }
0x52: {  	_ =	shalt  }
0x53: {  	_ =	shalt  }
0x54: {  	_ =	shalt  }
0x55: {  	_ =	shalt  }
0x56: {  	_ =	shalt  }
0x57: {  	_ =	shalt  }
0x58: {  	_ =	shalt  }
0x59: {  	_ =	shalt  }
0x5a: {  	_ =	shalt  }
0x5b: {  	_ =	shalt  }
0x5c: {  	_ =	shalt  }
0x5d: {  	_ =	shalt  }
0x5e: {  	_ =	shalt  }
0x5f: {  	_ =	shalt  }
0x60: {  	_ =	shalt  }
0x61: {  	_ =	shalt  }
0x62: {  	_ =	shalt  }
0x63: {  	_ =	shalt  }
0x64: {  	_ =	shalt  }
0x65: {  	_ =	shalt  }
0x66: {  	_ =	shalt  }
0x67: {  	_ =	shalt  }
0x68: {  	_ =	shalt  }
0x69: {  	_ =	shalt  }
0x6a: {  	_ =	shalt  }
0x6b: {  	_ =	shalt  }
0x6c: {  	_ =	shalt  }
0x6d: {  	_ =	shalt  }
0x6e: {  	_ =	shalt  }
0x6f: {  	_ =	shalt  }
0x70: {  	_ =	shalt  }
0x71: {  	_ =	shalt  }
0x72: {  	_ =	shalt  }
0x73: {  	_ =	shalt  }
0x74: {  	_ =	shalt  }
0x75: {  	_ =	shalt  }
0x76: {  	_ =	shalt  }
0x77: {  	_ =	shalt  }
0x78: {  	_ =	shalt  }
0x79: {  	_ =	shalt  }
0x7a: {  	_ =	shalt  }
0x7b: {  	_ =	shalt  }
0x7c: {  	_ =	shalt  }
0x7d: {  	_ =	shalt  }
0x7e: {  	_ =	shalt  }
0x7f: {  	_ =	shalt  }
0x80: {  	_ =	shalt  }
0x81: {  	_ =	shalt  }
0x82: {  	_ =	shalt  }
0x83: {  	_ =	shalt  }
0x84: {  	_ =	shalt  }
0x85: {  	_ =	shalt  }
0x86: {  	_ =	shalt  }
0x87: {  	_ =	shalt  }
.Lfunc_end0:
.L_simem_size_0:
called_computation.4_lowered:
.L_overlay_start_0:
0x88: {  	s2 =	sld [smem:$0x3FD9]  }
0x89: {  	s3 =	sld [smem:$0x3FFE];
	_ =	sdelay $0x1  }
0x8a: {  	s1 =	srdreg.scid  }
0x8b: {  	s0 =	sand.u32 $0x1, s1  }
0x8c: {  	s16 =	sshll.u32 s0, $0xA;
	s2 =	sadd.s32 s3, s2  }
0x8d: {  	s2 =	sadd.s32 s2, s16  }
0x8e: {  	[smem:$0x3FB9] =	sst s2  }
0x8f: {  	_ = 	snop  }
0x90: {  	(tm) =	ssettm $0x1  }
0x91: {  	s17 =	sld [smem:$0x3FFB];
	_ =	sdelay $0x3  }
0x92: {  	_ =	strace s17  }
0x93: {  	s2 =	sld [smem:$0x3FFC];
	_ =	sdelay $0x3  }
0x94: {  	_ =	strace s2  }
0x95: {  	s2 =	sld [smem:$0x3FFD];
	_ =	sdelay $0x3  }
0x96: {  	_ =	strace s2  }
0x97: {  	_ =	strace $0x8FFFFFFF  }
0x98: {  	s18 =	sld [smem:$0x3FDB];
	_ =	sdelay $0x1  }
0x99: {  	s19 =	simm.s32 $_scs_section_size  }
0x9a: {  	s4 =	simm.s32 $_size__tile_overlayer_lowered;
	s5 =	simm.s32 $_tile_overlayer_lowered  }
0x9b: {  	s22 =	simm.s32 $0x1BFF;
	s21 =	sshll.u32 s5, $0x1;
	s2 =	sadd.s32 s19, s18  }
0x9c: {  	s6 =	simm.s32 $0x0;
	s20 =	sshll.u32 s4, $0x1;
	s4 =	sadd.s32 s21, s2  }
0x9d: {  	[timem:s6], [sflag:s22] =	dma.local [hbm:s4], s20  }
0x9e: {  	_ =	swait.ge [sflag:s22], s20  }
0x9f: {  	s3 =	ssub.s32 $0x0, s20;
	[sflag:s22] =	ssyncset.done $0x0  }
0xa0: {  	[sflag:s22] =	ssyncadd.s32 s3;
	_ =	sdelay $0x1  }
0xa1: {  	s23 =	simm.s32 $0x1B8B  }
0xa2: {  	_ =	swait.ge [sflag:s23], $0x1  }
0xa3: {  	[sflag:s23] =	ssyncset.done $0x0  }
0xa4: {  	s25 =	simm.s32 $0x1B8E;
	s24 =	sld [smem:$0x3FFE];
	[sflag:s23] =	ssyncadd.s32 $0xFFFFFFFF  }
0xa5: {  	s26 =	simm.s32 $execute0_lowered;
	[smem:$0x3FD2] =	sst s25  }
0xa6: {  	s4 =	sshll.u32 s26, $0x1;
	_ =	strace $0x80000052;
	[dreg:$0x1] =	wrdreg $0xFFFFFFFF  }
0xa7: {  	s28 =	simm.s32 $_size_execute0_lowered;
	s2 =	sadd.s32 s2, s4;
	[dreg:$0x0] =	wrdreg $0x0  }
0xa8: {  	s4 =	sshll.u32 s28, $0x1;
	[dreg:$0x2] =	wrdreg s2  }
0xa9: {  	[dreg:$0x3] =	wrdreg s4  }
0xaa: {  	[dreg:$0x4] =	wrdreg $0xC0  }
0xab: {  	_ =	task [dreg:s6], $0x5FFFF  }
0xac: {  	[dreg:$0x1] =	wrdreg $0xFFFFFFFF  }
0xad: {  	[dreg:$0x0] =	wrdreg $0x60  }
0xae: {  	[dreg:$0x2] =	wrdreg s24  }
0xaf: {  	[dreg:$0x3] =	wrdreg $0x9  }
0xb0: {  	_ =	task.clear_ibuf [dreg:s6], $0x4FFFF;
	_ =	strace $0x90000052  }
0xb1: {  	s29 =	simm.s32 $0x9;
	_ =	strace $0x80000054  }
0xb2: {  	_ =	swait.ge [sflag:s29], $0x1  }
0xb3: {  	[sflag:s29] =	ssyncadd.s32 $0xFFFFFFFF  }
0xb4: {  	_ =	strace $0x90000054  }
0xb5: {  	_ =	sfence  }
0xb6: {  	s30 =	sld [smem:$0x0];
	_ =	sdelay $0x2  }
0xb7: {  	s31 =	sshll.u32 s1, $0xD;
	s1 =	sshrl.u32 s1, $0x2  }
0xb8: {  	s3 =	sand.u32 $0x4000, s31;
	s1 =	sadd.s32 s1, s30  }
0xb9: {  	s0 =	sor.u32 s3, s0;
	s1 =	sshll.u32 s1, $0x11  }
0xba: {  	s0 =	sor.u32 s1, s0  }
0xbb: {  	s0 =	sadd.s32 $0x8F2B, s0  }
0xbc: {  	[sflag:s0] =	ssyncadd.remote.s32 $0x1  }
0xbd: {  	_ =	sfence.sel $0xFFFF  }
0xbe: {  	[dreg:$0x0] =	wrdreg $0xFFFFFFFF;
	(pc) =	sbr.abs _section_cstart, $3  }
0xbf: {  	[dreg:$0x1] =	wrdreg $0xFFFFFFFF  }
0xc0: {  	_ =	task.clear_ibuf [dreg:s6], $0x2FFFF;
	_ =	strace $0x9FFFFFFF  }
0xc1: {  	(tm) =	ssettm $0x7FFFFFFF  }
tec
execute0_lowered:
.L_overlay_start_1:
0x0: {  	(tag) =	ssettag $0x1  }
0x1: {  	s0 =	rddreg [dreg:$0x0]  }
0x2: {  	s1 =	srdreg.scid;
	s2 =	simm.s32 $0x0;
	s3 =	stileid.u32  }
0x3: {  	s10 =	simm.s32 $0x1;
	s11 =	simm.s32 $0x2;
	s1 =	sand.u32 $0x1, s1  }
0x4: {  	[smem:$0x7FF] =	sst s2;
	s3 =	sshll.u32 s3, $0x7;
	s4 =	sshll.u32 s1, $0x6  }
0x5: {  	s7 =	sadd.s32 $0x800, s0;
	s1 =	ssub.s32 $0x2, s1;
	s4 =	sor.u32 s4, s3  }
0x6: {  	_ =	strace $0x80000053;
	s8 =	sshrl.u32 s1, $0x1;
	s3 =	sadd.s32 s0, s4  }
0x7: {  	s5 =	sor.u32 $0x8, s4;
	s6 =	smul.u32 $0x300, s4;
	s15 =	sor.u32 $0x10, s4  }
0x8: {  	s18 =	sor.u32 $0x18, s4;
	s21 =	sor.u32 $0x20, s4;
	s24 =	sor.u32 $0x28, s4  }
0x9: {  	s28 =	sor.u32 $0x30, s4;
	[dreg:$0x2] =	wrdreg s3;
	s13 =	sadd.s32 s0, s5  }
0xa: {  	s1 =	ssub.s32 s1, s8;
	s16 =	sadd.s32 s0, s15;
	[dreg:$0x3] =	wrdreg s13  }
0xb: {  	s4 =	sor.u32 $0x38, s4;
	s19 =	sadd.s32 s0, s18;
	[dreg:$0x5] =	wrdreg s16  }
0xc: {  	s5 =	smul.u32 $0x300, s5;
	s22 =	sadd.s32 s0, s21;
	[dreg:$0x7] =	wrdreg s19  }
0xd: {  	s25 =	sadd.s32 s0, s24;
	s9 =	sadd.s32 s0, s28;
	[dreg:$0x9] =	wrdreg s22  }
0xe: {  	s3 =	sadd.s32 $0x183200, s0;
	s29 =	sadd.s32 s0, s4;
	[dreg:$0xb] =	wrdreg s25  }
0xf: {  	s30 =	smul.u32 $0x300, s4;
	s4 =	sadd.s32 $0x183300, s0;
	[dreg:$0xd] =	wrdreg s9  }
0x10: {  	s14 =	sadd.s32 s7, s6;
	s6 =	smul.u32 $0x300, s15;
	[dreg:$0xf] =	wrdreg s29  }
0x11: {  	s9 =	simm.s32 $0xC100;
	[dreg:$0x4] =	wrdreg s14;
	s17 =	sadd.s32 s7, s5  }
0x12: {  	s5 =	smul.u32 $0x300, s18;
	s31 =	sadd.s32 s7, s30;
	[dreg:$0x6] =	wrdreg s17  }
0x13: {  	s20 =	sadd.s32 s7, s6;
	s6 =	smul.u32 $0x300, s21;
	[dreg:$0x11] =	wrdreg s31  }
0x14: {  	[dreg:$0x8] =	wrdreg s20;
	s23 =	sadd.s32 s7, s5;
	s5 =	smul.u32 $0x300, s24  }
0x15: {  	[dreg:$0xa] =	wrdreg s23;
	s26 =	sadd.s32 s7, s6;
	s6 =	smul.u32 $0x300, s28  }
0x16: {  	v2 =	vlaneseq.u32;
	s18 =	simm.s32 $0x100;
	[dreg:$0xc] =	wrdreg s26;
	s5 =	sadd.s32 s7, s5  }
0x17: {  	vm0 =	vmmov $0xffff;
	v1 =	vshrl.u32 v2, $0x3;
	[dreg:$0xe] =	wrdreg s5;
	s6 =	sadd.s32 s7, s6;
	s5 =	sadd.s32 $0x183400, s0  }
0x18: {  	v0 =	vand.u32 $0x7, v2;
	v2 =	vor.u32 $0x8, v2;
	v1 =	vmul.u32 $0x8, v1;
	s7 =	simm.s32 $0x3;
	[dreg:$0x10] =	wrdreg s6;
	s6 =	smax.u32 s1, $0x1  }
.LBB2_1:
0x19: {  	s12 =	rddreg [dreg:$0x2]  }
0x1a: {  	[tilespmem:s2], [sflag:$0x3] =	stream.linear.gather [hbm4b:s12+s2], $0x40, $0x38;
	[tilespmem:$0x18100] =	vst v63  }
0x1b: {  	_ =	swait.ge [sflag:s7], $0x40  }
0x1c: {  	[sflag:s7] =	ssyncset.done $0x0  }
0x1d: {  	[sflag:s7] =	ssyncadd.s32 $0xFFFFFFC0  }
0x1e: {  	v3 =	vld [tilespmem:$0x0];
	_ =	sdelay $0x4  }
0x1f: {  	v4 =	vshrl.u32 v3, $0x3  }
0x20: {  	v4 =	vmul.u32 $0x30, v4  }
0x21: {  	v3 =	vand.u32 $0x7, v3  }
0x22: {  	v3 =	vor.u32 v3, v4  }
0x23: {  	v4 =	vperm.xlane v3, v0;
	_ =	sdelay $0x1  }
0x24: {  	v4 =	vadd.s32 v1, v4;
	_ =	sdelay $0x3  }
0x25: {  	v3 =	vperm.xlane v3, v2  }
0x26: {  	[tilespmem:s18], [sflag:$0x1] =	stream.indirect_vreg.gather [hbm4b:s3+s2], $0x80, v4, vm0, $0xb8;
	[tilespmem:$0x18100] =	vst v63  }
0x27: {  	s0 =	simm.s32 $0x900;
	v3 =	vadd.s32 v1, v3  }
0x28: {  	[tilespmem:s0], [sflag:$0x1] =	stream.indirect_vreg.gather [hbm4b:s4+s2], $0x80, v4, vm0, $0xb8;
	[tilespmem:$0x18100] =	vst v63  }
0x29: {  	s26 =	simm.s32 $0x1100  }
0x2a: {  	[tilespmem:s26], [sflag:$0x1] =	stream.indirect_vreg.gather [hbm4b:s5+s2], $0x80, v4, vm0, $0xb8;
	[tilespmem:$0x18100] =	vst v63  }
0x2b: {  	s28 =	simm.s32 $0x1900  }
0x2c: {  	[tilespmem:s28], [sflag:$0x1] =	stream.indirect_vreg.gather [hbm4b:s3+s2], $0x80, v3, vm0, $0xb8;
	[tilespmem:$0x18100] =	vst v63  }
0x2d: {  	s29 =	simm.s32 $0x2100  }
0x2e: {  	[tilespmem:s29], [sflag:$0x1] =	stream.indirect_vreg.gather [hbm4b:s4+s2], $0x80, v3, vm0, $0xb8;
	[tilespmem:$0x18100] =	vst v63  }
0x2f: {  	s30 =	simm.s32 $0x2900  }
0x30: {  	[tilespmem:s30], [sflag:$0x1] =	stream.indirect_vreg.gather [hbm4b:s5+s2], $0x80, v3, vm0, $0xb8;
	[tilespmem:$0x18100] =	vst v63  }
0x31: {  	v3 =	vld [tilespmem:$0x10];
	_ =	sdelay $0x4  }
0x32: {  	v33 =	vshrl.u32 v3, $0x3  }
0x33: {  	v4 =	vmul.u32 $0x30, v33  }
0x34: {  	v3 =	vand.u32 $0x7, v3  }
0x35: {  	v3 =	vor.u32 v3, v4  }
0x36: {  	v4 =	vperm.xlane v3, v0;
	_ =	sdelay $0x1  }
0x37: {  	v4 =	vadd.s32 v1, v4;
	_ =	sdelay $0x3  }
0x38: {  	s31 =	simm.s32 $0x3100;
	v3 =	vperm.xlane v3, v2  }
0x39: {  	[tilespmem:s31], [sflag:$0x1] =	stream.indirect_vreg.gather [hbm4b:s3+s2], $0x80, v4, vm0, $0xb8;
	[tilespmem:$0x18100] =	vst v63  }
0x3a: {  	s1 =	simm.s32 $0x3900;
	v3 =	vadd.s32 v1, v3  }
0x3b: {  	[tilespmem:s1], [sflag:$0x1] =	stream.indirect_vreg.gather [hbm4b:s4+s2], $0x80, v4, vm0, $0xb8;
	[tilespmem:$0x18100] =	vst v63  }
0x3c: {  	s8 =	simm.s32 $0x4100  }
0x3d: {  	[tilespmem:s8], [sflag:$0x1] =	stream.indirect_vreg.gather [hbm4b:s5+s2], $0x80, v4, vm0, $0xb8;
	[tilespmem:$0x18100] =	vst v63  }
0x3e: {  	s12 =	simm.s32 $0x4900  }
0x3f: {  	[tilespmem:s12], [sflag:$0x1] =	stream.indirect_vreg.gather [hbm4b:s3+s2], $0x80, v3, vm0, $0xb8;
	[tilespmem:$0x18100] =	vst v63  }
0x40: {  	s15 =	simm.s32 $0x5100  }
0x41: {  	[tilespmem:s15], [sflag:$0x1] =	stream.indirect_vreg.gather [hbm4b:s4+s2], $0x80, v3, vm0, $0xb8;
	[tilespmem:$0x18100] =	vst v63  }
0x42: {  	s16 =	simm.s32 $0x5900  }
0x43: {  	[tilespmem:s16], [sflag:$0x1] =	stream.indirect_vreg.gather [hbm4b:s5+s2], $0x80, v3, vm0, $0xb8;
	[tilespmem:$0x18100] =	vst v63  }
0x44: {  	v3 =	vld [tilespmem:$0x20];
	_ =	sdelay $0x4  }
0x45: {  	v34 =	vshrl.u32 v3, $0x3  }
0x46: {  	v4 =	vmul.u32 $0x30, v34  }
0x47: {  	v3 =	vand.u32 $0x7, v3  }
0x48: {  	v3 =	vor.u32 v3, v4  }
0x49: {  	v4 =	vperm.xlane v3, v0;
	_ =	sdelay $0x1  }
0x4a: {  	v4 =	vadd.s32 v1, v4;
	_ =	sdelay $0x3  }
0x4b: {  	s17 =	simm.s32 $0x6100;
	v3 =	vperm.xlane v3, v2  }
0x4c: {  	[tilespmem:s17], [sflag:$0x1] =	stream.indirect_vreg.gather [hbm4b:s3+s2], $0x80, v4, vm0, $0xb8;
	[tilespmem:$0x18100] =	vst v63  }
0x4d: {  	s19 =	simm.s32 $0x6900;
	v3 =	vadd.s32 v1, v3  }
0x4e: {  	[tilespmem:s19], [sflag:$0x1] =	stream.indirect_vreg.gather [hbm4b:s4+s2], $0x80, v4, vm0, $0xb8;
	[tilespmem:$0x18100] =	vst v63  }
0x4f: {  	s20 =	simm.s32 $0x7100  }
0x50: {  	[tilespmem:s20], [sflag:$0x1] =	stream.indirect_vreg.gather [hbm4b:s5+s2], $0x80, v4, vm0, $0xb8;
	[tilespmem:$0x18100] =	vst v63  }
0x51: {  	s21 =	simm.s32 $0x7900  }
0x52: {  	[tilespmem:s21], [sflag:$0x1] =	stream.indirect_vreg.gather [hbm4b:s3+s2], $0x80, v3, vm0, $0xb8;
	[tilespmem:$0x18100] =	vst v63  }
0x53: {  	s22 =	simm.s32 $0x8100  }
0x54: {  	[tilespmem:s22], [sflag:$0x1] =	stream.indirect_vreg.gather [hbm4b:s4+s2], $0x80, v3, vm0, $0xb8;
	[tilespmem:$0x18100] =	vst v63  }
0x55: {  	s23 =	simm.s32 $0x8900  }
0x56: {  	[tilespmem:s23], [sflag:$0x1] =	stream.indirect_vreg.gather [hbm4b:s5+s2], $0x80, v3, vm0, $0xb8;
	[tilespmem:$0x18100] =	vst v63  }
0x57: {  	v3 =	vld [tilespmem:$0x30];
	_ =	sdelay $0x4  }
0x58: {  	v35 =	vshrl.u32 v3, $0x3  }
0x59: {  	v4 =	vmul.u32 $0x30, v35  }
0x5a: {  	v3 =	vand.u32 $0x7, v3  }
0x5b: {  	v3 =	vor.u32 v3, v4  }
0x5c: {  	v4 =	vperm.xlane v3, v0;
	_ =	sdelay $0x1  }
0x5d: {  	v4 =	vadd.s32 v1, v4;
	_ =	sdelay $0x3  }
0x5e: {  	s24 =	simm.s32 $0x9100;
	v3 =	vperm.xlane v3, v2  }
0x5f: {  	[tilespmem:s24], [sflag:$0x1] =	stream.indirect_vreg.gather [hbm4b:s3+s2], $0x80, v4, vm0, $0xb8;
	[tilespmem:$0x18100] =	vst v63  }
0x60: {  	s25 =	simm.s32 $0x9900;
	v3 =	vadd.s32 v1, v3  }
0x61: {  	[tilespmem:s25], [sflag:$0x1] =	stream.indirect_vreg.gather [hbm4b:s4+s2], $0x80, v4, vm0, $0xb8;
	[tilespmem:$0x18100] =	vst v63  }
0x62: {  	s29 =	simm.s32 $0xA100  }
0x63: {  	[tilespmem:s29], [sflag:$0x1] =	stream.indirect_vreg.gather [hbm4b:s5+s2], $0x80, v4, vm0, $0xb8;
	[tilespmem:$0x18100] =	vst v63  }
0x64: {  	s30 =	simm.s32 $0xA900  }
0x65: {  	[tilespmem:s30], [sflag:$0x1] =	stream.indirect_vreg.gather [hbm4b:s3+s2], $0x80, v3, vm0, $0xb8;
	[tilespmem:$0x18100] =	vst v63  }
0x66: {  	s1 =	simm.s32 $0xB100  }
0x67: {  	[tilespmem:s1], [sflag:$0x1] =	stream.indirect_vreg.gather [hbm4b:s4+s2], $0x80, v3, vm0, $0xb8;
	[tilespmem:$0x18100] =	vst v63  }
0x68: {  	s15 =	simm.s32 $0xB900  }
0x69: {  	[tilespmem:s15], [sflag:$0x1] =	stream.indirect_vreg.gather [hbm4b:s5+s2], $0x80, v3, vm0, $0xb8;
	[tilespmem:$0x18100] =	vst v63  }
0x6a: {  	s8 =	rddreg [dreg:$0x3];
	s1 =	simm.s32 $0x80  }
0x6b: {  	[tilespmem:s1], [sflag:$0x3] =	stream.linear.gather [hbm4b:s8+s2], $0x40, $0x38;
	[tilespmem:$0x18100] =	vst v63  }
0x6c: {  	_ =	swait.ge [sflag:s7], $0x40  }
0x6d: {  	[sflag:s7] =	ssyncset.done $0x0  }
0x6e: {  	[sflag:s7] =	ssyncadd.s32 $0xFFFFFFC0  }
0x6f: {  	v3 =	vld [tilespmem:$0x80];
	_ =	sdelay $0x4  }
0x70: {  	v36 =	vshrl.u32 v3, $0x3  }
0x71: {  	v4 =	vmul.u32 $0x30, v36  }
0x72: {  	v3 =	vand.u32 $0x7, v3  }
0x73: {  	v3 =	vor.u32 v3, v4  }
0x74: {  	v4 =	vperm.xlane v3, v0;
	_ =	sdelay $0x1  }
0x75: {  	v4 =	vadd.s32 v1, v4;
	_ =	sdelay $0x3  }
0x76: {  	v3 =	vperm.xlane v3, v2  }
0x77: {  	[tilespmem:s9], [sflag:$0x2] =	stream.indirect_vreg.gather [hbm4b:s3+s2], $0x80, v4, vm0, $0xb8;
	[tilespmem:$0x18100] =	vst v63  }
0x78: {  	s16 =	simm.s32 $0xC900;
	v3 =	vadd.s32 v1, v3  }
0x79: {  	[tilespmem:s16], [sflag:$0x2] =	stream.indirect_vreg.gather [hbm4b:s4+s2], $0x80, v4, vm0, $0xb8;
	[tilespmem:$0x18100] =	vst v63  }
0x7a: {  	s17 =	simm.s32 $0xD100  }
0x7b: {  	[tilespmem:s17], [sflag:$0x2] =	stream.indirect_vreg.gather [hbm4b:s5+s2], $0x80, v4, vm0, $0xb8;
	[tilespmem:$0x18100] =	vst v63  }
0x7c: {  	s19 =	simm.s32 $0xD900  }
0x7d: {  	[tilespmem:s19], [sflag:$0x2] =	stream.indirect_vreg.gather [hbm4b:s3+s2], $0x80, v3, vm0, $0xb8;
	[tilespmem:$0x18100] =	vst v63  }
0x7e: {  	s20 =	simm.s32 $0xE100  }
0x7f: {  	[tilespmem:s20], [sflag:$0x2] =	stream.indirect_vreg.gather [hbm4b:s4+s2], $0x80, v3, vm0, $0xb8;
	[tilespmem:$0x18100] =	vst v63  }
0x80: {  	s21 =	simm.s32 $0xE900  }
0x81: {  	[tilespmem:s21], [sflag:$0x2] =	stream.indirect_vreg.gather [hbm4b:s5+s2], $0x80, v3, vm0, $0xb8;
	[tilespmem:$0x18100] =	vst v63  }
0x82: {  	v3 =	vld [tilespmem:$0x90];
	_ =	sdelay $0x4  }
0x83: {  	v37 =	vshrl.u32 v3, $0x3  }
0x84: {  	v4 =	vmul.u32 $0x30, v37  }
0x85: {  	v3 =	vand.u32 $0x7, v3  }
0x86: {  	v3 =	vor.u32 v3, v4  }
0x87: {  	v4 =	vperm.xlane v3, v0;
	_ =	sdelay $0x1  }
0x88: {  	v4 =	vadd.s32 v1, v4;
	_ =	sdelay $0x3  }
0x89: {  	s22 =	simm.s32 $0xF100;
	v3 =	vperm.xlane v3, v2  }
0x8a: {  	[tilespmem:s22], [sflag:$0x2] =	stream.indirect_vreg.gather [hbm4b:s3+s2], $0x80, v4, vm0, $0xb8;
	[tilespmem:$0x18100] =	vst v63  }
0x8b: {  	s23 =	simm.s32 $0xF900;
	v3 =	vadd.s32 v1, v3  }
0x8c: {  	[tilespmem:s23], [sflag:$0x2] =	stream.indirect_vreg.gather [hbm4b:s4+s2], $0x80, v4, vm0, $0xb8;
	[tilespmem:$0x18100] =	vst v63  }
0x8d: {  	s24 =	simm.s32 $0x10100  }
0x8e: {  	[tilespmem:s24], [sflag:$0x2] =	stream.indirect_vreg.gather [hbm4b:s5+s2], $0x80, v4, vm0, $0xb8;
	[tilespmem:$0x18100] =	vst v63  }
0x8f: {  	s25 =	simm.s32 $0x10900  }
0x90: {  	[tilespmem:s25], [sflag:$0x2] =	stream.indirect_vreg.gather [hbm4b:s3+s2], $0x80, v3, vm0, $0xb8;
	[tilespmem:$0x18100] =	vst v63  }
0x91: {  	s29 =	simm.s32 $0x11100  }
0x92: {  	[tilespmem:s29], [sflag:$0x2] =	stream.indirect_vreg.gather [hbm4b:s4+s2], $0x80, v3, vm0, $0xb8;
	[tilespmem:$0x18100] =	vst v63  }
0x93: {  	s30 =	simm.s32 $0x11900  }
0x94: {  	[tilespmem:s30], [sflag:$0x2] =	stream.indirect_vreg.gather [hbm4b:s5+s2], $0x80, v3, vm0, $0xb8;
	[tilespmem:$0x18100] =	vst v63  }
0x95: {  	v3 =	vld [tilespmem:$0xA0];
	_ =	sdelay $0x4  }
0x96: {  	v38 =	vshrl.u32 v3, $0x3  }
0x97: {  	v4 =	vmul.u32 $0x30, v38  }
0x98: {  	v3 =	vand.u32 $0x7, v3  }
0x99: {  	v3 =	vor.u32 v3, v4  }
0x9a: {  	v4 =	vperm.xlane v3, v0;
	_ =	sdelay $0x1  }
0x9b: {  	v4 =	vadd.s32 v1, v4;
	_ =	sdelay $0x3  }
0x9c: {  	s0 =	simm.s32 $0x12100;
	v3 =	vperm.xlane v3, v2  }
0x9d: {  	[tilespmem:s0], [sflag:$0x2] =	stream.indirect_vreg.gather [hbm4b:s3+s2], $0x80, v4, vm0, $0xb8;
	[tilespmem:$0x18100] =	vst v63  }
0x9e: {  	s1 =	simm.s32 $0x12900;
	v3 =	vadd.s32 v1, v3  }
0x9f: {  	[tilespmem:s1], [sflag:$0x2] =	stream.indirect_vreg.gather [hbm4b:s4+s2], $0x80, v4, vm0, $0xb8;
	[tilespmem:$0x18100] =	vst v63  }
0xa0: {  	s8 =	simm.s32 $0x13100  }
0xa1: {  	[tilespmem:s8], [sflag:$0x2] =	stream.indirect_vreg.gather [hbm4b:s5+s2], $0x80, v4, vm0, $0xb8;
	[tilespmem:$0x18100] =	vst v63  }
0xa2: {  	s15 =	simm.s32 $0x13900  }
0xa3: {  	[tilespmem:s15], [sflag:$0x2] =	stream.indirect_vreg.gather [hbm4b:s3+s2], $0x80, v3, vm0, $0xb8;
	[tilespmem:$0x18100] =	vst v63  }
0xa4: {  	s16 =	simm.s32 $0x14100  }
0xa5: {  	[tilespmem:s16], [sflag:$0x2] =	stream.indirect_vreg.gather [hbm4b:s4+s2], $0x80, v3, vm0, $0xb8;
	[tilespmem:$0x18100] =	vst v63  }
0xa6: {  	s17 =	simm.s32 $0x14900  }
0xa7: {  	[tilespmem:s17], [sflag:$0x2] =	stream.indirect_vreg.gather [hbm4b:s5+s2], $0x80, v3, vm0, $0xb8;
	[tilespmem:$0x18100] =	vst v63  }
0xa8: {  	v3 =	vld [tilespmem:$0xB0];
	_ =	sdelay $0x4  }
0xa9: {  	v39 =	vshrl.u32 v3, $0x3  }
0xaa: {  	v4 =	vmul.u32 $0x30, v39  }
0xab: {  	v3 =	vand.u32 $0x7, v3  }
0xac: {  	v3 =	vor.u32 v3, v4  }
0xad: {  	v4 =	vperm.xlane v3, v0;
	_ =	sdelay $0x1  }
0xae: {  	v4 =	vadd.s32 v1, v4;
	_ =	sdelay $0x3  }
0xaf: {  	s20 =	simm.s32 $0x15100;
	v3 =	vperm.xlane v3, v2  }
0xb0: {  	[tilespmem:s20], [sflag:$0x2] =	stream.indirect_vreg.gather [hbm4b:s3+s2], $0x80, v4, vm0, $0xb8;
	[tilespmem:$0x18100] =	vst v63  }
0xb1: {  	s21 =	simm.s32 $0x15900;
	v3 =	vadd.s32 v1, v3  }
0xb2: {  	[tilespmem:s21], [sflag:$0x2] =	stream.indirect_vreg.gather [hbm4b:s4+s2], $0x80, v4, vm0, $0xb8;
	[tilespmem:$0x18100] =	vst v63  }
0xb3: {  	s22 =	simm.s32 $0x16100  }
0xb4: {  	[tilespmem:s22], [sflag:$0x2] =	stream.indirect_vreg.gather [hbm4b:s5+s2], $0x80, v4, vm0, $0xb8;
	[tilespmem:$0x18100] =	vst v63  }
0xb5: {  	s23 =	simm.s32 $0x16900  }
0xb6: {  	[tilespmem:s23], [sflag:$0x2] =	stream.indirect_vreg.gather [hbm4b:s3+s2], $0x80, v3, vm0, $0xb8;
	[tilespmem:$0x18100] =	vst v63  }
0xb7: {  	s24 =	simm.s32 $0x17100  }
0xb8: {  	[tilespmem:s24], [sflag:$0x2] =	stream.indirect_vreg.gather [hbm4b:s4+s2], $0x80, v3, vm0, $0xb8;
	[tilespmem:$0x18100] =	vst v63  }
0xb9: {  	s25 =	simm.s32 $0x17900  }
0xba: {  	[tilespmem:s25], [sflag:$0x2] =	stream.indirect_vreg.gather [hbm4b:s5+s2], $0x80, v3, vm0, $0xb8;
	[tilespmem:$0x18100] =	vst v63  }
0xbb: {  	_ =	swait.ge [sflag:s10], $0xC000  }
0xbc: {  	[sflag:s10] =	ssyncset.done $0x0  }
0xbd: {  	s29 =	rddreg [dreg:$0x4];
	[sflag:s10] =	ssyncadd.s32 $0xFFFF4000  }
0xbe: {  	[hbm4b:s29+s2] =	stream.linear.scatter [tilespmem:s18], [sflag:$0x3], $0xC000, $0x38;
	[tilespmem:$0x18100] =	vst v63  }
0xbf: {  	_ =	swait.ge [sflag:s7], $0xC000  }
0xc0: {  	[sflag:s7] =	ssyncset.done $0x0  }
0xc1: {  	s30 =	rddreg [dreg:$0x5];
	[sflag:s7] =	ssyncadd.s32 $0xFFFF4000  }
0xc2: {  	[tilespmem:s2], [sflag:$0x3] =	stream.linear.gather [hbm4b:s30+s2], $0x40, $0x38;
	[tilespmem:$0x18100] =	vst v63  }
0xc3: {  	_ =	swait.ge [sflag:s7], $0x40  }
0xc4: {  	[sflag:s7] =	ssyncset.done $0x0  }
0xc5: {  	[sflag:s7] =	ssyncadd.s32 $0xFFFFFFC0  }
0xc6: {  	v3 =	vld [tilespmem:$0x0];
	_ =	sdelay $0x4  }
0xc7: {  	v40 =	vshrl.u32 v3, $0x3  }
0xc8: {  	v4 =	vmul.u32 $0x30, v40  }
0xc9: {  	v3 =	vand.u32 $0x7, v3  }
0xca: {  	v3 =	vor.u32 v3, v4  }
0xcb: {  	v4 =	vperm.xlane v3, v0;
	_ =	sdelay $0x1  }
0xcc: {  	v4 =	vadd.s32 v1, v4;
	_ =	sdelay $0x3  }
0xcd: {  	v3 =	vperm.xlane v3, v2  }
0xce: {  	[tilespmem:s18], [sflag:$0x1] =	stream.indirect_vreg.gather [hbm4b:s3+s2], $0x80, v4, vm0, $0xb8;
	[tilespmem:$0x18100] =	vst v63  }
0xcf: {  	s1 =	simm.s32 $0x900;
	v3 =	vadd.s32 v1, v3  }
0xd0: {  	[tilespmem:s1], [sflag:$0x1] =	stream.indirect_vreg.gather [hbm4b:s4+s2], $0x80, v4, vm0, $0xb8;
	[tilespmem:$0x18100] =	vst v63  }
0xd1: {  	s8 =	simm.s32 $0x1100  }
0xd2: {  	[tilespmem:s8], [sflag:$0x1] =	stream.indirect_vreg.gather [hbm4b:s5+s2], $0x80, v4, vm0, $0xb8;
	[tilespmem:$0x18100] =	vst v63  }
0xd3: {  	s20 =	simm.s32 $0x1900  }
0xd4: {  	[tilespmem:s20], [sflag:$0x1] =	stream.indirect_vreg.gather [hbm4b:s3+s2], $0x80, v3, vm0, $0xb8;
	[tilespmem:$0x18100] =	vst v63  }
0xd5: {  	s21 =	simm.s32 $0x2100  }
0xd6: {  	[tilespmem:s21], [sflag:$0x1] =	stream.indirect_vreg.gather [hbm4b:s4+s2], $0x80, v3, vm0, $0xb8;
	[tilespmem:$0x18100] =	vst v63  }
0xd7: {  	s13 =	simm.s32 $0x2900  }
0xd8: {  	[tilespmem:s13], [sflag:$0x1] =	stream.indirect_vreg.gather [hbm4b:s5+s2], $0x80, v3, vm0, $0xb8;
	[tilespmem:$0x18100] =	vst v63  }
0xd9: {  	v3 =	vld [tilespmem:$0x10];
	_ =	sdelay $0x4  }
0xda: {  	v41 =	vshrl.u32 v3, $0x3  }
0xdb: {  	v4 =	vmul.u32 $0x30, v41  }
0xdc: {  	v3 =	vand.u32 $0x7, v3  }
0xdd: {  	v3 =	vor.u32 v3, v4  }
0xde: {  	v4 =	vperm.xlane v3, v0;
	_ =	sdelay $0x1  }
0xdf: {  	v4 =	vadd.s32 v1, v4;
	_ =	sdelay $0x3  }
0xe0: {  	s14 =	simm.s32 $0x3100;
	v3 =	vperm.xlane v3, v2  }
0xe1: {  	[tilespmem:s14], [sflag:$0x1] =	stream.indirect_vreg.gather [hbm4b:s3+s2], $0x80, v4, vm0, $0xb8;
	[tilespmem:$0x18100] =	vst v63  }
0xe2: {  	s22 =	simm.s32 $0x3900;
	v3 =	vadd.s32 v1, v3  }
0xe3: {  	[tilespmem:s22], [sflag:$0x1] =	stream.indirect_vreg.gather [hbm4b:s4+s2], $0x80, v4, vm0, $0xb8;
	[tilespmem:$0x18100] =	vst v63  }
0xe4: {  	s23 =	simm.s32 $0x4100  }
0xe5: {  	[tilespmem:s23], [sflag:$0x1] =	stream.indirect_vreg.gather [hbm4b:s5+s2], $0x80, v4, vm0, $0xb8;
	[tilespmem:$0x18100] =	vst v63  }
0xe6: {  	s24 =	simm.s32 $0x4900  }
0xe7: {  	[tilespmem:s24], [sflag:$0x1] =	stream.indirect_vreg.gather [hbm4b:s3+s2], $0x80, v3, vm0, $0xb8;
	[tilespmem:$0x18100] =	vst v63  }
0xe8: {  	s25 =	simm.s32 $0x5100  }
0xe9: {  	[tilespmem:s25], [sflag:$0x1] =	stream.indirect_vreg.gather [hbm4b:s4+s2], $0x80, v3, vm0, $0xb8;
	[tilespmem:$0x18100] =	vst v63  }
0xea: {  	s26 =	simm.s32 $0x5900  }
0xeb: {  	[tilespmem:s26], [sflag:$0x1] =	stream.indirect_vreg.gather [hbm4b:s5+s2], $0x80, v3, vm0, $0xb8;
	[tilespmem:$0x18100] =	vst v63  }
0xec: {  	v3 =	vld [tilespmem:$0x20];
	_ =	sdelay $0x4  }
0xed: {  	v42 =	vshrl.u32 v3, $0x3  }
0xee: {  	v4 =	vmul.u32 $0x30, v42  }
0xef: {  	v3 =	vand.u32 $0x7, v3  }
0xf0: {  	v3 =	vor.u32 v3, v4  }
0xf1: {  	v4 =	vperm.xlane v3, v0;
	_ =	sdelay $0x1  }
0xf2: {  	v4 =	vadd.s32 v1, v4;
	_ =	sdelay $0x3  }
0xf3: {  	s28 =	simm.s32 $0x6100;
	v3 =	vperm.xlane v3, v2  }
0xf4: {  	[tilespmem:s28], [sflag:$0x1] =	stream.indirect_vreg.gather [hbm4b:s3+s2], $0x80, v4, vm0, $0xb8;
	[tilespmem:$0x18100] =	vst v63  }
0xf5: {  	s26 =	simm.s32 $0x6900;
	v3 =	vadd.s32 v1, v3  }
0xf6: {  	[tilespmem:s26], [sflag:$0x1] =	stream.indirect_vreg.gather [hbm4b:s4+s2], $0x80, v4, vm0, $0xb8;
	[tilespmem:$0x18100] =	vst v63  }
0xf7: {  	s28 =	simm.s32 $0x7100  }
0xf8: {  	[tilespmem:s28], [sflag:$0x1] =	stream.indirect_vreg.gather [hbm4b:s5+s2], $0x80, v4, vm0, $0xb8;
	[tilespmem:$0x18100] =	vst v63  }
0xf9: {  	s29 =	simm.s32 $0x7900  }
0xfa: {  	[tilespmem:s29], [sflag:$0x1] =	stream.indirect_vreg.gather [hbm4b:s3+s2], $0x80, v3, vm0, $0xb8;
	[tilespmem:$0x18100] =	vst v63  }
0xfb: {  	s30 =	simm.s32 $0x8100  }
0xfc: {  	[tilespmem:s30], [sflag:$0x1] =	stream.indirect_vreg.gather [hbm4b:s4+s2], $0x80, v3, vm0, $0xb8;
	[tilespmem:$0x18100] =	vst v63  }
0xfd: {  	s31 =	simm.s32 $0x8900  }
0xfe: {  	[tilespmem:s31], [sflag:$0x1] =	stream.indirect_vreg.gather [hbm4b:s5+s2], $0x80, v3, vm0, $0xb8;
	[tilespmem:$0x18100] =	vst v63  }
0xff: {  	v3 =	vld [tilespmem:$0x30];
	_ =	sdelay $0x4  }
0x100: {  	v43 =	vshrl.u32 v3, $0x3  }
0x101: {  	v4 =	vmul.u32 $0x30, v43  }
0x102: {  	v3 =	vand.u32 $0x7, v3  }
0x103: {  	v3 =	vor.u32 v3, v4  }
0x104: {  	v4 =	vperm.xlane v3, v0;
	_ =	sdelay $0x1  }
0x105: {  	v4 =	vadd.s32 v1, v4;
	_ =	sdelay $0x3  }
0x106: {  	s15 =	simm.s32 $0x9100;
	v3 =	vperm.xlane v3, v2  }
0x107: {  	[tilespmem:s15], [sflag:$0x1] =	stream.indirect_vreg.gather [hbm4b:s3+s2], $0x80, v4, vm0, $0xb8;
	[tilespmem:$0x18100] =	vst v63  }
0x108: {  	s31 =	simm.s32 $0x9900;
	v3 =	vadd.s32 v1, v3  }
0x109: {  	[tilespmem:s31], [sflag:$0x1] =	stream.indirect_vreg.gather [hbm4b:s4+s2], $0x80, v4, vm0, $0xb8;
	[tilespmem:$0x18100] =	vst v63  }
0x10a: {  	s13 =	simm.s32 $0xA100  }
0x10b: {  	[tilespmem:s13], [sflag:$0x1] =	stream.indirect_vreg.gather [hbm4b:s5+s2], $0x80, v4, vm0, $0xb8;
	[tilespmem:$0x18100] =	vst v63  }
0x10c: {  	s14 =	simm.s32 $0xA900  }
0x10d: {  	[tilespmem:s14], [sflag:$0x1] =	stream.indirect_vreg.gather [hbm4b:s3+s2], $0x80, v3, vm0, $0xb8;
	[tilespmem:$0x18100] =	vst v63  }
0x10e: {  	s16 =	simm.s32 $0xB100  }
0x10f: {  	[tilespmem:s16], [sflag:$0x1] =	stream.indirect_vreg.gather [hbm4b:s4+s2], $0x80, v3, vm0, $0xb8;
	[tilespmem:$0x18100] =	vst v63  }
0x110: {  	s17 =	simm.s32 $0xB900  }
0x111: {  	[tilespmem:s17], [sflag:$0x1] =	stream.indirect_vreg.gather [hbm4b:s5+s2], $0x80, v3, vm0, $0xb8;
	[tilespmem:$0x18100] =	vst v63  }
0x112: {  	_ =	swait.ge [sflag:s11], $0xC000  }
0x113: {  	[sflag:s11] =	ssyncset.done $0x0  }
0x114: {  	s0 =	rddreg [dreg:$0x6];
	[sflag:s11] =	ssyncadd.s32 $0xFFFF4000  }
0x115: {  	[hbm4b:s0+s2] =	stream.linear.scatter [tilespmem:s9], [sflag:$0x3], $0xC000, $0x38;
	[tilespmem:$0x18100] =	vst v63  }
0x116: {  	_ =	swait.ge [sflag:s7], $0xC000  }
0x117: {  	[sflag:s7] =	ssyncset.done $0x0  }
0x118: {  	s0 =	simm.s32 $0x80;
	s12 =	rddreg [dreg:$0x7];
	[sflag:s7] =	ssyncadd.s32 $0xFFFF4000  }
0x119: {  	[tilespmem:s0], [sflag:$0x3] =	stream.linear.gather [hbm4b:s12+s2], $0x40, $0x38;
	[tilespmem:$0x18100] =	vst v63  }
0x11a: {  	_ =	swait.ge [sflag:s7], $0x40  }
0x11b: {  	[sflag:s7] =	ssyncset.done $0x0  }
0x11c: {  	[sflag:s7] =	ssyncadd.s32 $0xFFFFFFC0  }
0x11d: {  	v3 =	vld [tilespmem:$0x80];
	_ =	sdelay $0x4  }
0x11e: {  	v44 =	vshrl.u32 v3, $0x3  }
0x11f: {  	v4 =	vmul.u32 $0x30, v44  }
0x120: {  	v3 =	vand.u32 $0x7, v3  }
0x121: {  	v3 =	vor.u32 v3, v4  }
0x122: {  	v4 =	vperm.xlane v3, v0;
	_ =	sdelay $0x1  }
0x123: {  	v4 =	vadd.s32 v1, v4;
	_ =	sdelay $0x3  }
0x124: {  	v3 =	vperm.xlane v3, v2  }
0x125: {  	[tilespmem:s9], [sflag:$0x2] =	stream.indirect_vreg.gather [hbm4b:s3+s2], $0x80, v4, vm0, $0xb8;
	[tilespmem:$0x18100] =	vst v63  }
0x126: {  	s12 =	simm.s32 $0xC900;
	v3 =	vadd.s32 v1, v3  }
0x127: {  	[tilespmem:s12], [sflag:$0x2] =	stream.indirect_vreg.gather [hbm4b:s4+s2], $0x80, v4, vm0, $0xb8;
	[tilespmem:$0x18100] =	vst v63  }
0x128: {  	s12 =	simm.s32 $0xD100  }
0x129: {  	[tilespmem:s12], [sflag:$0x2] =	stream.indirect_vreg.gather [hbm4b:s5+s2], $0x80, v4, vm0, $0xb8;
	[tilespmem:$0x18100] =	vst v63  }
0x12a: {  	s12 =	simm.s32 $0xD900  }
0x12b: {  	[tilespmem:s12], [sflag:$0x2] =	stream.indirect_vreg.gather [hbm4b:s3+s2], $0x80, v3, vm0, $0xb8;
	[tilespmem:$0x18100] =	vst v63  }
0x12c: {  	s12 =	simm.s32 $0xE100  }
0x12d: {  	[tilespmem:s12], [sflag:$0x2] =	stream.indirect_vreg.gather [hbm4b:s4+s2], $0x80, v3, vm0, $0xb8;
	[tilespmem:$0x18100] =	vst v63  }
0x12e: {  	s19 =	simm.s32 $0xE900  }
0x12f: {  	[tilespmem:s19], [sflag:$0x2] =	stream.indirect_vreg.gather [hbm4b:s5+s2], $0x80, v3, vm0, $0xb8;
	[tilespmem:$0x18100] =	vst v63  }
0x130: {  	v3 =	vld [tilespmem:$0x90];
	_ =	sdelay $0x4  }
0x131: {  	v45 =	vshrl.u32 v3, $0x3  }
0x132: {  	v4 =	vmul.u32 $0x30, v45  }
0x133: {  	v3 =	vand.u32 $0x7, v3  }
0x134: {  	v3 =	vor.u32 v3, v4  }
0x135: {  	v4 =	vperm.xlane v3, v0;
	_ =	sdelay $0x1  }
0x136: {  	v4 =	vadd.s32 v1, v4;
	_ =	sdelay $0x3  }
0x137: {  	s19 =	simm.s32 $0xF100;
	v3 =	vperm.xlane v3, v2  }
0x138: {  	[tilespmem:s19], [sflag:$0x2] =	stream.indirect_vreg.gather [hbm4b:s3+s2], $0x80, v4, vm0, $0xb8;
	[tilespmem:$0x18100] =	vst v63  }
0x139: {  	v3 =	vadd.s32 v1, v3;
	s19 =	simm.s32 $0xF900  }
0x13a: {  	[tilespmem:s19], [sflag:$0x2] =	stream.indirect_vreg.gather [hbm4b:s4+s2], $0x80, v4, vm0, $0xb8;
	[tilespmem:$0x18100] =	vst v63  }
0x13b: {  	s19 =	simm.s32 $0x10100  }
0x13c: {  	[tilespmem:s19], [sflag:$0x2] =	stream.indirect_vreg.gather [hbm4b:s5+s2], $0x80, v4, vm0, $0xb8;
	[tilespmem:$0x18100] =	vst v63  }
0x13d: {  	s19 =	simm.s32 $0x10900  }
0x13e: {  	[tilespmem:s19], [sflag:$0x2] =	stream.indirect_vreg.gather [hbm4b:s3+s2], $0x80, v3, vm0, $0xb8;
	[tilespmem:$0x18100] =	vst v63  }
0x13f: {  	s19 =	simm.s32 $0x11100  }
0x140: {  	[tilespmem:s19], [sflag:$0x2] =	stream.indirect_vreg.gather [hbm4b:s4+s2], $0x80, v3, vm0, $0xb8;
	[tilespmem:$0x18100] =	vst v63  }
0x141: {  	s19 =	simm.s32 $0x11900  }
0x142: {  	[tilespmem:s19], [sflag:$0x2] =	stream.indirect_vreg.gather [hbm4b:s5+s2], $0x80, v3, vm0, $0xb8;
	[tilespmem:$0x18100] =	vst v63  }
0x143: {  	v3 =	vld [tilespmem:$0xA0];
	_ =	sdelay $0x4  }
0x144: {  	v46 =	vshrl.u32 v3, $0x3  }
0x145: {  	v4 =	vmul.u32 $0x30, v46  }
0x146: {  	v3 =	vand.u32 $0x7, v3  }
0x147: {  	v3 =	vor.u32 v3, v4  }
0x148: {  	v4 =	vperm.xlane v3, v0;
	_ =	sdelay $0x1  }
0x149: {  	v4 =	vadd.s32 v1, v4;
	_ =	sdelay $0x3  }
0x14a: {  	s19 =	simm.s32 $0x12100;
	v3 =	vperm.xlane v3, v2  }
0x14b: {  	[tilespmem:s19], [sflag:$0x2] =	stream.indirect_vreg.gather [hbm4b:s3+s2], $0x80, v4, vm0, $0xb8;
	[tilespmem:$0x18100] =	vst v63  }
0x14c: {  	v3 =	vadd.s32 v1, v3;
	s19 =	simm.s32 $0x12900  }
0x14d: {  	[tilespmem:s19], [sflag:$0x2] =	stream.indirect_vreg.gather [hbm4b:s4+s2], $0x80, v4, vm0, $0xb8;
	[tilespmem:$0x18100] =	vst v63  }
0x14e: {  	s19 =	simm.s32 $0x13100  }
0x14f: {  	[tilespmem:s19], [sflag:$0x2] =	stream.indirect_vreg.gather [hbm4b:s5+s2], $0x80, v4, vm0, $0xb8;
	[tilespmem:$0x18100] =	vst v63  }
0x150: {  	s19 =	simm.s32 $0x13900  }
0x151: {  	[tilespmem:s19], [sflag:$0x2] =	stream.indirect_vreg.gather [hbm4b:s3+s2], $0x80, v3, vm0, $0xb8;
	[tilespmem:$0x18100] =	vst v63  }
0x152: {  	s19 =	simm.s32 $0x14100  }
0x153: {  	[tilespmem:s19], [sflag:$0x2] =	stream.indirect_vreg.gather [hbm4b:s4+s2], $0x80, v3, vm0, $0xb8;
	[tilespmem:$0x18100] =	vst v63  }
0x154: {  	s19 =	simm.s32 $0x14900  }
0x155: {  	[tilespmem:s19], [sflag:$0x2] =	stream.indirect_vreg.gather [hbm4b:s5+s2], $0x80, v3, vm0, $0xb8;
	[tilespmem:$0x18100] =	vst v63  }
0x156: {  	v3 =	vld [tilespmem:$0xB0];
	_ =	sdelay $0x4  }
0x157: {  	v47 =	vshrl.u32 v3, $0x3  }
0x158: {  	v4 =	vmul.u32 $0x30, v47  }
0x159: {  	v3 =	vand.u32 $0x7, v3  }
0x15a: {  	v3 =	vor.u32 v3, v4  }
0x15b: {  	v4 =	vperm.xlane v3, v0;
	_ =	sdelay $0x1  }
0x15c: {  	v4 =	vadd.s32 v1, v4;
	_ =	sdelay $0x3  }
0x15d: {  	s19 =	simm.s32 $0x15100;
	v3 =	vperm.xlane v3, v2  }
0x15e: {  	[tilespmem:s19], [sflag:$0x2] =	stream.indirect_vreg.gather [hbm4b:s3+s2], $0x80, v4, vm0, $0xb8;
	[tilespmem:$0x18100] =	vst v63  }
0x15f: {  	v3 =	vadd.s32 v1, v3;
	s19 =	simm.s32 $0x15900  }
0x160: {  	[tilespmem:s19], [sflag:$0x2] =	stream.indirect_vreg.gather [hbm4b:s4+s2], $0x80, v4, vm0, $0xb8;
	[tilespmem:$0x18100] =	vst v63  }
0x161: {  	s19 =	simm.s32 $0x16100  }
0x162: {  	[tilespmem:s19], [sflag:$0x2] =	stream.indirect_vreg.gather [hbm4b:s5+s2], $0x80, v4, vm0, $0xb8;
	[tilespmem:$0x18100] =	vst v63  }
0x163: {  	s19 =	simm.s32 $0x16900  }
0x164: {  	[tilespmem:s19], [sflag:$0x2] =	stream.indirect_vreg.gather [hbm4b:s3+s2], $0x80, v3, vm0, $0xb8;
	[tilespmem:$0x18100] =	vst v63  }
0x165: {  	s19 =	simm.s32 $0x17100  }
0x166: {  	[tilespmem:s19], [sflag:$0x2] =	stream.indirect_vreg.gather [hbm4b:s4+s2], $0x80, v3, vm0, $0xb8;
	[tilespmem:$0x18100] =	vst v63  }
0x167: {  	s19 =	simm.s32 $0x17900  }
0x168: {  	[tilespmem:s19], [sflag:$0x2] =	stream.indirect_vreg.gather [hbm4b:s5+s2], $0x80, v3, vm0, $0xb8;
	[tilespmem:$0x18100] =	vst v63  }
0x169: {  	_ =	swait.ge [sflag:s10], $0xC000  }
0x16a: {  	[sflag:s10] =	ssyncset.done $0x0  }
0x16b: {  	s19 =	rddreg [dreg:$0x8];
	[sflag:s10] =	ssyncadd.s32 $0xFFFF4000  }
0x16c: {  	[hbm4b:s19+s2] =	stream.linear.scatter [tilespmem:s18], [sflag:$0x3], $0xC000, $0x38;
	[tilespmem:$0x18100] =	vst v63  }
0x16d: {  	_ =	swait.ge [sflag:s7], $0xC000  }
0x16e: {  	[sflag:s7] =	ssyncset.done $0x0  }
0x16f: {  	s19 =	rddreg [dreg:$0x9];
	[sflag:s7] =	ssyncadd.s32 $0xFFFF4000  }
0x170: {  	[tilespmem:s2], [sflag:$0x3] =	stream.linear.gather [hbm4b:s19+s2], $0x40, $0x38;
	[tilespmem:$0x18100] =	vst v63  }
0x171: {  	_ =	swait.ge [sflag:s7], $0x40  }
0x172: {  	[sflag:s7] =	ssyncset.done $0x0  }
0x173: {  	[sflag:s7] =	ssyncadd.s32 $0xFFFFFFC0  }
0x174: {  	v3 =	vld [tilespmem:$0x0];
	_ =	sdelay $0x4  }
0x175: {  	v48 =	vshrl.u32 v3, $0x3  }
0x176: {  	v4 =	vmul.u32 $0x30, v48  }
0x177: {  	v3 =	vand.u32 $0x7, v3  }
0x178: {  	v3 =	vor.u32 v3, v4  }
0x179: {  	v4 =	vperm.xlane v3, v0;
	_ =	sdelay $0x1  }
0x17a: {  	v4 =	vadd.s32 v1, v4;
	_ =	sdelay $0x3  }
0x17b: {  	v3 =	vperm.xlane v3, v2  }
0x17c: {  	[tilespmem:s18], [sflag:$0x1] =	stream.indirect_vreg.gather [hbm4b:s3+s2], $0x80, v4, vm0, $0xb8;
	[tilespmem:$0x18100] =	vst v63  }
0x17d: {  	v3 =	vadd.s32 v1, v3  }
0x17e: {  	[tilespmem:s1], [sflag:$0x1] =	stream.indirect_vreg.gather [hbm4b:s4+s2], $0x80, v4, vm0, $0xb8;
	[tilespmem:$0x18100] =	vst v63  }
0x17f: {  	_ = 	snop  }
0x180: {  	[tilespmem:s8], [sflag:$0x1] =	stream.indirect_vreg.gather [hbm4b:s5+s2], $0x80, v4, vm0, $0xb8;
	[tilespmem:$0x18100] =	vst v63  }
0x181: {  	_ = 	snop  }
0x182: {  	[tilespmem:s20], [sflag:$0x1] =	stream.indirect_vreg.gather [hbm4b:s3+s2], $0x80, v3, vm0, $0xb8;
	[tilespmem:$0x18100] =	vst v63  }
0x183: {  	_ = 	snop  }
0x184: {  	[tilespmem:s21], [sflag:$0x1] =	stream.indirect_vreg.gather [hbm4b:s4+s2], $0x80, v3, vm0, $0xb8;
	[tilespmem:$0x18100] =	vst v63  }
0x185: {  	s21 =	simm.s32 $0x2900  }
0x186: {  	[tilespmem:s21], [sflag:$0x1] =	stream.indirect_vreg.gather [hbm4b:s5+s2], $0x80, v3, vm0, $0xb8;
	[tilespmem:$0x18100] =	vst v63  }
0x187: {  	v3 =	vld [tilespmem:$0x10];
	_ =	sdelay $0x4  }
0x188: {  	v49 =	vshrl.u32 v3, $0x3  }
0x189: {  	v4 =	vmul.u32 $0x30, v49  }
0x18a: {  	v3 =	vand.u32 $0x7, v3  }
0x18b: {  	v3 =	vor.u32 v3, v4  }
0x18c: {  	v4 =	vperm.xlane v3, v0;
	_ =	sdelay $0x1  }
0x18d: {  	v4 =	vadd.s32 v1, v4;
	_ =	sdelay $0x3  }
0x18e: {  	s21 =	simm.s32 $0x3100;
	v3 =	vperm.xlane v3, v2  }
0x18f: {  	[tilespmem:s21], [sflag:$0x1] =	stream.indirect_vreg.gather [hbm4b:s3+s2], $0x80, v4, vm0, $0xb8;
	[tilespmem:$0x18100] =	vst v63  }
0x190: {  	v3 =	vadd.s32 v1, v3  }
0x191: {  	[tilespmem:s22], [sflag:$0x1] =	stream.indirect_vreg.gather [hbm4b:s4+s2], $0x80, v4, vm0, $0xb8;
	[tilespmem:$0x18100] =	vst v63  }
0x192: {  	_ = 	snop  }
0x193: {  	[tilespmem:s23], [sflag:$0x1] =	stream.indirect_vreg.gather [hbm4b:s5+s2], $0x80, v4, vm0, $0xb8;
	[tilespmem:$0x18100] =	vst v63  }
0x194: {  	_ = 	snop  }
0x195: {  	[tilespmem:s24], [sflag:$0x1] =	stream.indirect_vreg.gather [hbm4b:s3+s2], $0x80, v3, vm0, $0xb8;
	[tilespmem:$0x18100] =	vst v63  }
0x196: {  	_ = 	snop  }
0x197: {  	[tilespmem:s25], [sflag:$0x1] =	stream.indirect_vreg.gather [hbm4b:s4+s2], $0x80, v3, vm0, $0xb8;
	[tilespmem:$0x18100] =	vst v63  }
0x198: {  	s25 =	simm.s32 $0x5900  }
0x199: {  	[tilespmem:s25], [sflag:$0x1] =	stream.indirect_vreg.gather [hbm4b:s5+s2], $0x80, v3, vm0, $0xb8;
	[tilespmem:$0x18100] =	vst v63  }
0x19a: {  	v3 =	vld [tilespmem:$0x20];
	_ =	sdelay $0x4  }
0x19b: {  	v50 =	vshrl.u32 v3, $0x3  }
0x19c: {  	v4 =	vmul.u32 $0x30, v50  }
0x19d: {  	v3 =	vand.u32 $0x7, v3  }
0x19e: {  	v3 =	vor.u32 v3, v4  }
0x19f: {  	v4 =	vperm.xlane v3, v0;
	_ =	sdelay $0x1  }
0x1a0: {  	v4 =	vadd.s32 v1, v4;
	_ =	sdelay $0x3  }
0x1a1: {  	s25 =	simm.s32 $0x6100;
	v3 =	vperm.xlane v3, v2  }
0x1a2: {  	[tilespmem:s25], [sflag:$0x1] =	stream.indirect_vreg.gather [hbm4b:s3+s2], $0x80, v4, vm0, $0xb8;
	[tilespmem:$0x18100] =	vst v63  }
0x1a3: {  	v3 =	vadd.s32 v1, v3  }
0x1a4: {  	[tilespmem:s26], [sflag:$0x1] =	stream.indirect_vreg.gather [hbm4b:s4+s2], $0x80, v4, vm0, $0xb8;
	[tilespmem:$0x18100] =	vst v63  }
0x1a5: {  	_ = 	snop  }
0x1a6: {  	[tilespmem:s28], [sflag:$0x1] =	stream.indirect_vreg.gather [hbm4b:s5+s2], $0x80, v4, vm0, $0xb8;
	[tilespmem:$0x18100] =	vst v63  }
0x1a7: {  	_ = 	snop  }
0x1a8: {  	[tilespmem:s29], [sflag:$0x1] =	stream.indirect_vreg.gather [hbm4b:s3+s2], $0x80, v3, vm0, $0xb8;
	[tilespmem:$0x18100] =	vst v63  }
0x1a9: {  	_ = 	snop  }
0x1aa: {  	[tilespmem:s30], [sflag:$0x1] =	stream.indirect_vreg.gather [hbm4b:s4+s2], $0x80, v3, vm0, $0xb8;
	[tilespmem:$0x18100] =	vst v63  }
0x1ab: {  	s30 =	simm.s32 $0x8900  }
0x1ac: {  	[tilespmem:s30], [sflag:$0x1] =	stream.indirect_vreg.gather [hbm4b:s5+s2], $0x80, v3, vm0, $0xb8;
	[tilespmem:$0x18100] =	vst v63  }
0x1ad: {  	v3 =	vld [tilespmem:$0x30];
	_ =	sdelay $0x4  }
0x1ae: {  	v51 =	vshrl.u32 v3, $0x3  }
0x1af: {  	v4 =	vmul.u32 $0x30, v51  }
0x1b0: {  	v3 =	vand.u32 $0x7, v3  }
0x1b1: {  	v3 =	vor.u32 v3, v4  }
0x1b2: {  	v4 =	vperm.xlane v3, v0;
	_ =	sdelay $0x1  }
0x1b3: {  	v4 =	vadd.s32 v1, v4;
	_ =	sdelay $0x3  }
0x1b4: {  	v3 =	vperm.xlane v3, v2  }
0x1b5: {  	[tilespmem:s15], [sflag:$0x1] =	stream.indirect_vreg.gather [hbm4b:s3+s2], $0x80, v4, vm0, $0xb8;
	[tilespmem:$0x18100] =	vst v63  }
0x1b6: {  	v3 =	vadd.s32 v1, v3  }
0x1b7: {  	[tilespmem:s31], [sflag:$0x1] =	stream.indirect_vreg.gather [hbm4b:s4+s2], $0x80, v4, vm0, $0xb8;
	[tilespmem:$0x18100] =	vst v63  }
0x1b8: {  	_ = 	snop  }
0x1b9: {  	[tilespmem:s13], [sflag:$0x1] =	stream.indirect_vreg.gather [hbm4b:s5+s2], $0x80, v4, vm0, $0xb8;
	[tilespmem:$0x18100] =	vst v63  }
0x1ba: {  	_ = 	snop  }
0x1bb: {  	[tilespmem:s14], [sflag:$0x1] =	stream.indirect_vreg.gather [hbm4b:s3+s2], $0x80, v3, vm0, $0xb8;
	[tilespmem:$0x18100] =	vst v63  }
0x1bc: {  	_ = 	snop  }
0x1bd: {  	[tilespmem:s16], [sflag:$0x1] =	stream.indirect_vreg.gather [hbm4b:s4+s2], $0x80, v3, vm0, $0xb8;
	[tilespmem:$0x18100] =	vst v63  }
0x1be: {  	_ = 	snop  }
0x1bf: {  	[tilespmem:s17], [sflag:$0x1] =	stream.indirect_vreg.gather [hbm4b:s5+s2], $0x80, v3, vm0, $0xb8;
	[tilespmem:$0x18100] =	vst v63  }
0x1c0: {  	_ =	swait.ge [sflag:s11], $0xC000  }
0x1c1: {  	[sflag:s11] =	ssyncset.done $0x0  }
0x1c2: {  	s31 =	rddreg [dreg:$0xa];
	[sflag:s11] =	ssyncadd.s32 $0xFFFF4000  }
0x1c3: {  	[hbm4b:s31+s2] =	stream.linear.scatter [tilespmem:s9], [sflag:$0x3], $0xC000, $0x38;
	[tilespmem:$0x18100] =	vst v63  }
0x1c4: {  	_ =	swait.ge [sflag:s7], $0xC000  }
0x1c5: {  	[sflag:s7] =	ssyncset.done $0x0  }
0x1c6: {  	s31 =	rddreg [dreg:$0xb];
	[sflag:s7] =	ssyncadd.s32 $0xFFFF4000  }
0x1c7: {  	[tilespmem:s0], [sflag:$0x3] =	stream.linear.gather [hbm4b:s31+s2], $0x40, $0x38;
	[tilespmem:$0x18100] =	vst v63  }
0x1c8: {  	_ =	swait.ge [sflag:s7], $0x40  }
0x1c9: {  	[sflag:s7] =	ssyncset.done $0x0  }
0x1ca: {  	[sflag:s7] =	ssyncadd.s32 $0xFFFFFFC0  }
0x1cb: {  	v3 =	vld [tilespmem:$0x80];
	_ =	sdelay $0x4  }
0x1cc: {  	v52 =	vshrl.u32 v3, $0x3  }
0x1cd: {  	v4 =	vmul.u32 $0x30, v52  }
0x1ce: {  	v3 =	vand.u32 $0x7, v3  }
0x1cf: {  	v3 =	vor.u32 v3, v4  }
0x1d0: {  	v4 =	vperm.xlane v3, v0;
	_ =	sdelay $0x1  }
0x1d1: {  	v4 =	vadd.s32 v1, v4;
	_ =	sdelay $0x3  }
0x1d2: {  	v3 =	vperm.xlane v3, v2  }
0x1d3: {  	[tilespmem:s9], [sflag:$0x2] =	stream.indirect_vreg.gather [hbm4b:s3+s2], $0x80, v4, vm0, $0xb8;
	[tilespmem:$0x18100] =	vst v63  }
0x1d4: {  	s31 =	simm.s32 $0xC900;
	v3 =	vadd.s32 v1, v3  }
0x1d5: {  	[tilespmem:s31], [sflag:$0x2] =	stream.indirect_vreg.gather [hbm4b:s4+s2], $0x80, v4, vm0, $0xb8;
	[tilespmem:$0x18100] =	vst v63  }
0x1d6: {  	s31 =	simm.s32 $0xD100  }
0x1d7: {  	[tilespmem:s31], [sflag:$0x2] =	stream.indirect_vreg.gather [hbm4b:s5+s2], $0x80, v4, vm0, $0xb8;
	[tilespmem:$0x18100] =	vst v63  }
0x1d8: {  	s12 =	simm.s32 $0xD900  }
0x1d9: {  	[tilespmem:s12], [sflag:$0x2] =	stream.indirect_vreg.gather [hbm4b:s3+s2], $0x80, v3, vm0, $0xb8;
	[tilespmem:$0x18100] =	vst v63  }
0x1da: {  	s12 =	simm.s32 $0xE100  }
0x1db: {  	[tilespmem:s12], [sflag:$0x2] =	stream.indirect_vreg.gather [hbm4b:s4+s2], $0x80, v3, vm0, $0xb8;
	[tilespmem:$0x18100] =	vst v63  }
0x1dc: {  	s12 =	simm.s32 $0xE900  }
0x1dd: {  	[tilespmem:s12], [sflag:$0x2] =	stream.indirect_vreg.gather [hbm4b:s5+s2], $0x80, v3, vm0, $0xb8;
	[tilespmem:$0x18100] =	vst v63  }
0x1de: {  	v3 =	vld [tilespmem:$0x90];
	_ =	sdelay $0x4  }
0x1df: {  	v53 =	vshrl.u32 v3, $0x3  }
0x1e0: {  	v4 =	vmul.u32 $0x30, v53  }
0x1e1: {  	v3 =	vand.u32 $0x7, v3  }
0x1e2: {  	v3 =	vor.u32 v3, v4  }
0x1e3: {  	v4 =	vperm.xlane v3, v0;
	_ =	sdelay $0x1  }
0x1e4: {  	v4 =	vadd.s32 v1, v4;
	_ =	sdelay $0x3  }
0x1e5: {  	s12 =	simm.s32 $0xF100;
	v3 =	vperm.xlane v3, v2  }
0x1e6: {  	[tilespmem:s12], [sflag:$0x2] =	stream.indirect_vreg.gather [hbm4b:s3+s2], $0x80, v4, vm0, $0xb8;
	[tilespmem:$0x18100] =	vst v63  }
0x1e7: {  	v3 =	vadd.s32 v1, v3;
	s12 =	simm.s32 $0xF900  }
0x1e8: {  	[tilespmem:s12], [sflag:$0x2] =	stream.indirect_vreg.gather [hbm4b:s4+s2], $0x80, v4, vm0, $0xb8;
	[tilespmem:$0x18100] =	vst v63  }
0x1e9: {  	s12 =	simm.s32 $0x10100  }
0x1ea: {  	[tilespmem:s12], [sflag:$0x2] =	stream.indirect_vreg.gather [hbm4b:s5+s2], $0x80, v4, vm0, $0xb8;
	[tilespmem:$0x18100] =	vst v63  }
0x1eb: {  	s12 =	simm.s32 $0x10900  }
0x1ec: {  	[tilespmem:s12], [sflag:$0x2] =	stream.indirect_vreg.gather [hbm4b:s3+s2], $0x80, v3, vm0, $0xb8;
	[tilespmem:$0x18100] =	vst v63  }
0x1ed: {  	s12 =	simm.s32 $0x11100  }
0x1ee: {  	[tilespmem:s12], [sflag:$0x2] =	stream.indirect_vreg.gather [hbm4b:s4+s2], $0x80, v3, vm0, $0xb8;
	[tilespmem:$0x18100] =	vst v63  }
0x1ef: {  	s12 =	simm.s32 $0x11900  }
0x1f0: {  	[tilespmem:s12], [sflag:$0x2] =	stream.indirect_vreg.gather [hbm4b:s5+s2], $0x80, v3, vm0, $0xb8;
	[tilespmem:$0x18100] =	vst v63  }
0x1f1: {  	v3 =	vld [tilespmem:$0xA0];
	_ =	sdelay $0x4  }
0x1f2: {  	v54 =	vshrl.u32 v3, $0x3  }
0x1f3: {  	v4 =	vmul.u32 $0x30, v54  }
0x1f4: {  	v3 =	vand.u32 $0x7, v3  }
0x1f5: {  	v3 =	vor.u32 v3, v4  }
0x1f6: {  	v4 =	vperm.xlane v3, v0;
	_ =	sdelay $0x1  }
0x1f7: {  	v4 =	vadd.s32 v1, v4;
	_ =	sdelay $0x3  }
0x1f8: {  	s12 =	simm.s32 $0x12100;
	v3 =	vperm.xlane v3, v2  }
0x1f9: {  	[tilespmem:s12], [sflag:$0x2] =	stream.indirect_vreg.gather [hbm4b:s3+s2], $0x80, v4, vm0, $0xb8;
	[tilespmem:$0x18100] =	vst v63  }
0x1fa: {  	v3 =	vadd.s32 v1, v3;
	s12 =	simm.s32 $0x12900  }
0x1fb: {  	[tilespmem:s12], [sflag:$0x2] =	stream.indirect_vreg.gather [hbm4b:s4+s2], $0x80, v4, vm0, $0xb8;
	[tilespmem:$0x18100] =	vst v63  }
0x1fc: {  	s12 =	simm.s32 $0x13100  }
0x1fd: {  	[tilespmem:s12], [sflag:$0x2] =	stream.indirect_vreg.gather [hbm4b:s5+s2], $0x80, v4, vm0, $0xb8;
	[tilespmem:$0x18100] =	vst v63  }
0x1fe: {  	s12 =	simm.s32 $0x13900  }
0x1ff: {  	[tilespmem:s12], [sflag:$0x2] =	stream.indirect_vreg.gather [hbm4b:s3+s2], $0x80, v3, vm0, $0xb8;
	[tilespmem:$0x18100] =	vst v63  }
0x200: {  	s12 =	simm.s32 $0x14100  }
0x201: {  	[tilespmem:s12], [sflag:$0x2] =	stream.indirect_vreg.gather [hbm4b:s4+s2], $0x80, v3, vm0, $0xb8;
	[tilespmem:$0x18100] =	vst v63  }
0x202: {  	s12 =	simm.s32 $0x14900  }
0x203: {  	[tilespmem:s12], [sflag:$0x2] =	stream.indirect_vreg.gather [hbm4b:s5+s2], $0x80, v3, vm0, $0xb8;
	[tilespmem:$0x18100] =	vst v63  }
0x204: {  	v3 =	vld [tilespmem:$0xB0];
	_ =	sdelay $0x4  }
0x205: {  	v55 =	vshrl.u32 v3, $0x3  }
0x206: {  	v4 =	vmul.u32 $0x30, v55  }
0x207: {  	v3 =	vand.u32 $0x7, v3  }
0x208: {  	v3 =	vor.u32 v3, v4  }
0x209: {  	v4 =	vperm.xlane v3, v0;
	_ =	sdelay $0x1  }
0x20a: {  	v4 =	vadd.s32 v1, v4;
	_ =	sdelay $0x3  }
0x20b: {  	s12 =	simm.s32 $0x15100;
	v3 =	vperm.xlane v3, v2  }
0x20c: {  	[tilespmem:s12], [sflag:$0x2] =	stream.indirect_vreg.gather [hbm4b:s3+s2], $0x80, v4, vm0, $0xb8;
	[tilespmem:$0x18100] =	vst v63  }
0x20d: {  	v3 =	vadd.s32 v1, v3;
	s12 =	simm.s32 $0x15900  }
0x20e: {  	[tilespmem:s12], [sflag:$0x2] =	stream.indirect_vreg.gather [hbm4b:s4+s2], $0x80, v4, vm0, $0xb8;
	[tilespmem:$0x18100] =	vst v63  }
0x20f: {  	s12 =	simm.s32 $0x16100  }
0x210: {  	[tilespmem:s12], [sflag:$0x2] =	stream.indirect_vreg.gather [hbm4b:s5+s2], $0x80, v4, vm0, $0xb8;
	[tilespmem:$0x18100] =	vst v63  }
0x211: {  	s12 =	simm.s32 $0x16900  }
0x212: {  	[tilespmem:s12], [sflag:$0x2] =	stream.indirect_vreg.gather [hbm4b:s3+s2], $0x80, v3, vm0, $0xb8;
	[tilespmem:$0x18100] =	vst v63  }
0x213: {  	s12 =	simm.s32 $0x17100  }
0x214: {  	[tilespmem:s12], [sflag:$0x2] =	stream.indirect_vreg.gather [hbm4b:s4+s2], $0x80, v3, vm0, $0xb8;
	[tilespmem:$0x18100] =	vst v63  }
0x215: {  	s12 =	simm.s32 $0x17900  }
0x216: {  	[tilespmem:s12], [sflag:$0x2] =	stream.indirect_vreg.gather [hbm4b:s5+s2], $0x80, v3, vm0, $0xb8;
	[tilespmem:$0x18100] =	vst v63  }
0x217: {  	_ =	swait.ge [sflag:s10], $0xC000  }
0x218: {  	[sflag:s10] =	ssyncset.done $0x0  }
0x219: {  	s12 =	rddreg [dreg:$0xc];
	[sflag:s10] =	ssyncadd.s32 $0xFFFF4000  }
0x21a: {  	[hbm4b:s12+s2] =	stream.linear.scatter [tilespmem:s18], [sflag:$0x3], $0xC000, $0x38;
	[tilespmem:$0x18100] =	vst v63  }
0x21b: {  	_ =	swait.ge [sflag:s7], $0xC000  }
0x21c: {  	[sflag:s7] =	ssyncset.done $0x0  }
0x21d: {  	s12 =	rddreg [dreg:$0xd];
	[sflag:s7] =	ssyncadd.s32 $0xFFFF4000  }
0x21e: {  	[tilespmem:s2], [sflag:$0x3] =	stream.linear.gather [hbm4b:s12+s2], $0x40, $0x38;
	[tilespmem:$0x18100] =	vst v63  }
0x21f: {  	_ =	swait.ge [sflag:s7], $0x40  }
0x220: {  	[sflag:s7] =	ssyncset.done $0x0  }
0x221: {  	[sflag:s7] =	ssyncadd.s32 $0xFFFFFFC0  }
0x222: {  	v3 =	vld [tilespmem:$0x0];
	_ =	sdelay $0x4  }
0x223: {  	v56 =	vshrl.u32 v3, $0x3  }
0x224: {  	v4 =	vmul.u32 $0x30, v56  }
0x225: {  	v3 =	vand.u32 $0x7, v3  }
0x226: {  	v3 =	vor.u32 v3, v4  }
0x227: {  	v4 =	vperm.xlane v3, v0;
	_ =	sdelay $0x1  }
0x228: {  	v4 =	vadd.s32 v1, v4;
	_ =	sdelay $0x3  }
0x229: {  	v3 =	vperm.xlane v3, v2  }
0x22a: {  	[tilespmem:s18], [sflag:$0x1] =	stream.indirect_vreg.gather [hbm4b:s3+s2], $0x80, v4, vm0, $0xb8;
	[tilespmem:$0x18100] =	vst v63  }
0x22b: {  	s1 =	simm.s32 $0x900;
	v3 =	vadd.s32 v1, v3  }
0x22c: {  	[tilespmem:s1], [sflag:$0x1] =	stream.indirect_vreg.gather [hbm4b:s4+s2], $0x80, v4, vm0, $0xb8;
	[tilespmem:$0x18100] =	vst v63  }
0x22d: {  	s8 =	simm.s32 $0x1100  }
0x22e: {  	[tilespmem:s8], [sflag:$0x1] =	stream.indirect_vreg.gather [hbm4b:s5+s2], $0x80, v4, vm0, $0xb8;
	[tilespmem:$0x18100] =	vst v63  }
0x22f: {  	s19 =	simm.s32 $0x1900  }
0x230: {  	[tilespmem:s19], [sflag:$0x1] =	stream.indirect_vreg.gather [hbm4b:s3+s2], $0x80, v3, vm0, $0xb8;
	[tilespmem:$0x18100] =	vst v63  }
0x231: {  	s20 =	simm.s32 $0x2100  }
0x232: {  	[tilespmem:s20], [sflag:$0x1] =	stream.indirect_vreg.gather [hbm4b:s4+s2], $0x80, v3, vm0, $0xb8;
	[tilespmem:$0x18100] =	vst v63  }
0x233: {  	s19 =	simm.s32 $0x2900  }
0x234: {  	[tilespmem:s19], [sflag:$0x1] =	stream.indirect_vreg.gather [hbm4b:s5+s2], $0x80, v3, vm0, $0xb8;
	[tilespmem:$0x18100] =	vst v63  }
0x235: {  	v3 =	vld [tilespmem:$0x10];
	_ =	sdelay $0x4  }
0x236: {  	v57 =	vshrl.u32 v3, $0x3  }
0x237: {  	v4 =	vmul.u32 $0x30, v57  }
0x238: {  	v3 =	vand.u32 $0x7, v3  }
0x239: {  	v3 =	vor.u32 v3, v4  }
0x23a: {  	v4 =	vperm.xlane v3, v0;
	_ =	sdelay $0x1  }
0x23b: {  	v4 =	vadd.s32 v1, v4;
	_ =	sdelay $0x3  }
0x23c: {  	s20 =	simm.s32 $0x3100;
	v3 =	vperm.xlane v3, v2  }
0x23d: {  	[tilespmem:s20], [sflag:$0x1] =	stream.indirect_vreg.gather [hbm4b:s3+s2], $0x80, v4, vm0, $0xb8;
	[tilespmem:$0x18100] =	vst v63  }
0x23e: {  	s21 =	simm.s32 $0x3900;
	v3 =	vadd.s32 v1, v3  }
0x23f: {  	[tilespmem:s21], [sflag:$0x1] =	stream.indirect_vreg.gather [hbm4b:s4+s2], $0x80, v4, vm0, $0xb8;
	[tilespmem:$0x18100] =	vst v63  }
0x240: {  	s22 =	simm.s32 $0x4100  }
0x241: {  	[tilespmem:s22], [sflag:$0x1] =	stream.indirect_vreg.gather [hbm4b:s5+s2], $0x80, v4, vm0, $0xb8;
	[tilespmem:$0x18100] =	vst v63  }
0x242: {  	s23 =	simm.s32 $0x4900  }
0x243: {  	[tilespmem:s23], [sflag:$0x1] =	stream.indirect_vreg.gather [hbm4b:s3+s2], $0x80, v3, vm0, $0xb8;
	[tilespmem:$0x18100] =	vst v63  }
0x244: {  	s24 =	simm.s32 $0x5100  }
0x245: {  	[tilespmem:s24], [sflag:$0x1] =	stream.indirect_vreg.gather [hbm4b:s4+s2], $0x80, v3, vm0, $0xb8;
	[tilespmem:$0x18100] =	vst v63  }
0x246: {  	s22 =	simm.s32 $0x5900  }
0x247: {  	[tilespmem:s22], [sflag:$0x1] =	stream.indirect_vreg.gather [hbm4b:s5+s2], $0x80, v3, vm0, $0xb8;
	[tilespmem:$0x18100] =	vst v63  }
0x248: {  	v3 =	vld [tilespmem:$0x20];
	_ =	sdelay $0x4  }
0x249: {  	v58 =	vshrl.u32 v3, $0x3  }
0x24a: {  	v4 =	vmul.u32 $0x30, v58  }
0x24b: {  	v3 =	vand.u32 $0x7, v3  }
0x24c: {  	v3 =	vor.u32 v3, v4  }
0x24d: {  	v4 =	vperm.xlane v3, v0;
	_ =	sdelay $0x1  }
0x24e: {  	v4 =	vadd.s32 v1, v4;
	_ =	sdelay $0x3  }
0x24f: {  	s23 =	simm.s32 $0x6100;
	v3 =	vperm.xlane v3, v2  }
0x250: {  	[tilespmem:s23], [sflag:$0x1] =	stream.indirect_vreg.gather [hbm4b:s3+s2], $0x80, v4, vm0, $0xb8;
	[tilespmem:$0x18100] =	vst v63  }
0x251: {  	s25 =	simm.s32 $0x6900;
	v3 =	vadd.s32 v1, v3  }
0x252: {  	[tilespmem:s25], [sflag:$0x1] =	stream.indirect_vreg.gather [hbm4b:s4+s2], $0x80, v4, vm0, $0xb8;
	[tilespmem:$0x18100] =	vst v63  }
0x253: {  	s26 =	simm.s32 $0x7100  }
0x254: {  	[tilespmem:s26], [sflag:$0x1] =	stream.indirect_vreg.gather [hbm4b:s5+s2], $0x80, v4, vm0, $0xb8;
	[tilespmem:$0x18100] =	vst v63  }
0x255: {  	s28 =	simm.s32 $0x7900  }
0x256: {  	[tilespmem:s28], [sflag:$0x1] =	stream.indirect_vreg.gather [hbm4b:s3+s2], $0x80, v3, vm0, $0xb8;
	[tilespmem:$0x18100] =	vst v63  }
0x257: {  	s29 =	simm.s32 $0x8100  }
0x258: {  	[tilespmem:s29], [sflag:$0x1] =	stream.indirect_vreg.gather [hbm4b:s4+s2], $0x80, v3, vm0, $0xb8;
	[tilespmem:$0x18100] =	vst v63  }
0x259: {  	s24 =	simm.s32 $0x8900  }
0x25a: {  	[tilespmem:s24], [sflag:$0x1] =	stream.indirect_vreg.gather [hbm4b:s5+s2], $0x80, v3, vm0, $0xb8;
	[tilespmem:$0x18100] =	vst v63  }
0x25b: {  	v3 =	vld [tilespmem:$0x30];
	_ =	sdelay $0x4  }
0x25c: {  	v59 =	vshrl.u32 v3, $0x3  }
0x25d: {  	v4 =	vmul.u32 $0x30, v59  }
0x25e: {  	v3 =	vand.u32 $0x7, v3  }
0x25f: {  	v3 =	vor.u32 v3, v4  }
0x260: {  	v4 =	vperm.xlane v3, v0;
	_ =	sdelay $0x1  }
0x261: {  	v4 =	vadd.s32 v1, v4;
	_ =	sdelay $0x3  }
0x262: {  	s15 =	simm.s32 $0x9100;
	v3 =	vperm.xlane v3, v2  }
0x263: {  	[tilespmem:s15], [sflag:$0x1] =	stream.indirect_vreg.gather [hbm4b:s3+s2], $0x80, v4, vm0, $0xb8;
	[tilespmem:$0x18100] =	vst v63  }
0x264: {  	s30 =	simm.s32 $0x9900;
	v3 =	vadd.s32 v1, v3  }
0x265: {  	[tilespmem:s30], [sflag:$0x1] =	stream.indirect_vreg.gather [hbm4b:s4+s2], $0x80, v4, vm0, $0xb8;
	[tilespmem:$0x18100] =	vst v63  }
0x266: {  	s13 =	simm.s32 $0xA100  }
0x267: {  	[tilespmem:s13], [sflag:$0x1] =	stream.indirect_vreg.gather [hbm4b:s5+s2], $0x80, v4, vm0, $0xb8;
	[tilespmem:$0x18100] =	vst v63  }
0x268: {  	s14 =	simm.s32 $0xA900  }
0x269: {  	[tilespmem:s14], [sflag:$0x1] =	stream.indirect_vreg.gather [hbm4b:s3+s2], $0x80, v3, vm0, $0xb8;
	[tilespmem:$0x18100] =	vst v63  }
0x26a: {  	s16 =	simm.s32 $0xB100  }
0x26b: {  	[tilespmem:s16], [sflag:$0x1] =	stream.indirect_vreg.gather [hbm4b:s4+s2], $0x80, v3, vm0, $0xb8;
	[tilespmem:$0x18100] =	vst v63  }
0x26c: {  	s17 =	simm.s32 $0xB900  }
0x26d: {  	[tilespmem:s17], [sflag:$0x1] =	stream.indirect_vreg.gather [hbm4b:s5+s2], $0x80, v3, vm0, $0xb8;
	[tilespmem:$0x18100] =	vst v63  }
0x26e: {  	_ =	swait.ge [sflag:s11], $0xC000  }
0x26f: {  	[sflag:s11] =	ssyncset.done $0x0  }
0x270: {  	s25 =	rddreg [dreg:$0xe];
	[sflag:s11] =	ssyncadd.s32 $0xFFFF4000  }
0x271: {  	[hbm4b:s25+s2] =	stream.linear.scatter [tilespmem:s9], [sflag:$0x3], $0xC000, $0x38;
	[tilespmem:$0x18100] =	vst v63  }
0x272: {  	_ =	swait.ge [sflag:s7], $0xC000  }
0x273: {  	[sflag:s7] =	ssyncset.done $0x0  }
0x274: {  	s0 =	simm.s32 $0x80;
	s26 =	rddreg [dreg:$0xf];
	[sflag:s7] =	ssyncadd.s32 $0xFFFF4000  }
0x275: {  	[tilespmem:s0], [sflag:$0x3] =	stream.linear.gather [hbm4b:s26+s2], $0x40, $0x38;
	[tilespmem:$0x18100] =	vst v63  }
0x276: {  	_ =	swait.ge [sflag:s7], $0x40  }
0x277: {  	[sflag:s7] =	ssyncset.done $0x0  }
0x278: {  	[sflag:s7] =	ssyncadd.s32 $0xFFFFFFC0  }
0x279: {  	v3 =	vld [tilespmem:$0x80];
	_ =	sdelay $0x4  }
0x27a: {  	v60 =	vshrl.u32 v3, $0x3  }
0x27b: {  	v4 =	vmul.u32 $0x30, v60  }
0x27c: {  	v3 =	vand.u32 $0x7, v3  }
0x27d: {  	v3 =	vor.u32 v3, v4  }
0x27e: {  	v4 =	vperm.xlane v3, v0;
	_ =	sdelay $0x1  }
0x27f: {  	v4 =	vadd.s32 v1, v4;
	_ =	sdelay $0x3  }
0x280: {  	v3 =	vperm.xlane v3, v2  }
0x281: {  	[tilespmem:s9], [sflag:$0x2] =	stream.indirect_vreg.gather [hbm4b:s3+s2], $0x80, v4, vm0, $0xb8;
	[tilespmem:$0x18100] =	vst v63  }
0x282: {  	s28 =	simm.s32 $0xC900;
	v3 =	vadd.s32 v1, v3  }
0x283: {  	[tilespmem:s28], [sflag:$0x2] =	stream.indirect_vreg.gather [hbm4b:s4+s2], $0x80, v4, vm0, $0xb8;
	[tilespmem:$0x18100] =	vst v63  }
0x284: {  	s31 =	simm.s32 $0xD100  }
0x285: {  	[tilespmem:s31], [sflag:$0x2] =	stream.indirect_vreg.gather [hbm4b:s5+s2], $0x80, v4, vm0, $0xb8;
	[tilespmem:$0x18100] =	vst v63  }
0x286: {  	s29 =	simm.s32 $0xD900  }
0x287: {  	[tilespmem:s29], [sflag:$0x2] =	stream.indirect_vreg.gather [hbm4b:s3+s2], $0x80, v3, vm0, $0xb8;
	[tilespmem:$0x18100] =	vst v63  }
0x288: {  	s30 =	simm.s32 $0xE100  }
0x289: {  	[tilespmem:s30], [sflag:$0x2] =	stream.indirect_vreg.gather [hbm4b:s4+s2], $0x80, v3, vm0, $0xb8;
	[tilespmem:$0x18100] =	vst v63  }
0x28a: {  	s31 =	simm.s32 $0xE900  }
0x28b: {  	[tilespmem:s31], [sflag:$0x2] =	stream.indirect_vreg.gather [hbm4b:s5+s2], $0x80, v3, vm0, $0xb8;
	[tilespmem:$0x18100] =	vst v63  }
0x28c: {  	v3 =	vld [tilespmem:$0x90];
	_ =	sdelay $0x4  }
0x28d: {  	v61 =	vshrl.u32 v3, $0x3  }
0x28e: {  	v4 =	vmul.u32 $0x30, v61  }
0x28f: {  	v3 =	vand.u32 $0x7, v3  }
0x290: {  	v3 =	vor.u32 v3, v4  }
0x291: {  	v4 =	vperm.xlane v3, v0;
	_ =	sdelay $0x1  }
0x292: {  	v4 =	vadd.s32 v1, v4;
	_ =	sdelay $0x3  }
0x293: {  	s1 =	simm.s32 $0xF100;
	v3 =	vperm.xlane v3, v2  }
0x294: {  	[tilespmem:s1], [sflag:$0x2] =	stream.indirect_vreg.gather [hbm4b:s3+s2], $0x80, v4, vm0, $0xb8;
	[tilespmem:$0x18100] =	vst v63  }
0x295: {  	s8 =	simm.s32 $0xF900;
	v3 =	vadd.s32 v1, v3  }
0x296: {  	[tilespmem:s8], [sflag:$0x2] =	stream.indirect_vreg.gather [hbm4b:s4+s2], $0x80, v4, vm0, $0xb8;
	[tilespmem:$0x18100] =	vst v63  }
0x297: {  	s12 =	simm.s32 $0x10100  }
0x298: {  	[tilespmem:s12], [sflag:$0x2] =	stream.indirect_vreg.gather [hbm4b:s5+s2], $0x80, v4, vm0, $0xb8;
	[tilespmem:$0x18100] =	vst v63  }
0x299: {  	s13 =	simm.s32 $0x10900  }
0x29a: {  	[tilespmem:s13], [sflag:$0x2] =	stream.indirect_vreg.gather [hbm4b:s3+s2], $0x80, v3, vm0, $0xb8;
	[tilespmem:$0x18100] =	vst v63  }
0x29b: {  	s14 =	simm.s32 $0x11100  }
0x29c: {  	[tilespmem:s14], [sflag:$0x2] =	stream.indirect_vreg.gather [hbm4b:s4+s2], $0x80, v3, vm0, $0xb8;
	[tilespmem:$0x18100] =	vst v63  }
0x29d: {  	s15 =	simm.s32 $0x11900  }
0x29e: {  	[tilespmem:s15], [sflag:$0x2] =	stream.indirect_vreg.gather [hbm4b:s5+s2], $0x80, v3, vm0, $0xb8;
	[tilespmem:$0x18100] =	vst v63  }
0x29f: {  	v3 =	vld [tilespmem:$0xA0];
	_ =	sdelay $0x4  }
0x2a0: {  	v62 =	vshrl.u32 v3, $0x3  }
0x2a1: {  	v4 =	vmul.u32 $0x30, v62  }
0x2a2: {  	v3 =	vand.u32 $0x7, v3  }
0x2a3: {  	v3 =	vor.u32 v3, v4  }
0x2a4: {  	v4 =	vperm.xlane v3, v0;
	_ =	sdelay $0x1  }
0x2a5: {  	v4 =	vadd.s32 v1, v4;
	_ =	sdelay $0x3  }
0x2a6: {  	s16 =	simm.s32 $0x12100;
	v3 =	vperm.xlane v3, v2  }
0x2a7: {  	[tilespmem:s16], [sflag:$0x2] =	stream.indirect_vreg.gather [hbm4b:s3+s2], $0x80, v4, vm0, $0xb8;
	[tilespmem:$0x18100] =	vst v63  }
0x2a8: {  	s17 =	simm.s32 $0x12900;
	v3 =	vadd.s32 v1, v3  }
0x2a9: {  	[tilespmem:s17], [sflag:$0x2] =	stream.indirect_vreg.gather [hbm4b:s4+s2], $0x80, v4, vm0, $0xb8;
	[tilespmem:$0x18100] =	vst v63  }
0x2aa: {  	s19 =	simm.s32 $0x13100  }
0x2ab: {  	[tilespmem:s19], [sflag:$0x2] =	stream.indirect_vreg.gather [hbm4b:s5+s2], $0x80, v4, vm0, $0xb8;
	[tilespmem:$0x18100] =	vst v63  }
0x2ac: {  	s20 =	simm.s32 $0x13900  }
0x2ad: {  	[tilespmem:s20], [sflag:$0x2] =	stream.indirect_vreg.gather [hbm4b:s3+s2], $0x80, v3, vm0, $0xb8;
	[tilespmem:$0x18100] =	vst v63  }
0x2ae: {  	s21 =	simm.s32 $0x14100  }
0x2af: {  	[tilespmem:s21], [sflag:$0x2] =	stream.indirect_vreg.gather [hbm4b:s4+s2], $0x80, v3, vm0, $0xb8;
	[tilespmem:$0x18100] =	vst v63  }
0x2b0: {  	s22 =	simm.s32 $0x14900  }
0x2b1: {  	[tilespmem:s22], [sflag:$0x2] =	stream.indirect_vreg.gather [hbm4b:s5+s2], $0x80, v3, vm0, $0xb8;
	[tilespmem:$0x18100] =	vst v63  }
0x2b2: {  	v3 =	vld [tilespmem:$0xB0];
	_ =	sdelay $0x4  }
0x2b3: {  	v63 =	vshrl.u32 v3, $0x3  }
0x2b4: {  	v4 =	vmul.u32 $0x30, v63  }
0x2b5: {  	v3 =	vand.u32 $0x7, v3  }
0x2b6: {  	v3 =	vor.u32 v3, v4  }
0x2b7: {  	v4 =	vperm.xlane v3, v0;
	_ =	sdelay $0x1  }
0x2b8: {  	v4 =	vadd.s32 v1, v4;
	_ =	sdelay $0x3  }
0x2b9: {  	s23 =	simm.s32 $0x15100;
	v3 =	vperm.xlane v3, v2  }
0x2ba: {  	[tilespmem:s23], [sflag:$0x2] =	stream.indirect_vreg.gather [hbm4b:s3+s2], $0x80, v4, vm0, $0xb8;
	[tilespmem:$0x18100] =	vst v63  }
0x2bb: {  	s24 =	simm.s32 $0x15900;
	v3 =	vadd.s32 v1, v3  }
0x2bc: {  	[tilespmem:s24], [sflag:$0x2] =	stream.indirect_vreg.gather [hbm4b:s4+s2], $0x80, v4, vm0, $0xb8;
	[tilespmem:$0x18100] =	vst v63  }
0x2bd: {  	s25 =	simm.s32 $0x16100  }
0x2be: {  	[tilespmem:s25], [sflag:$0x2] =	stream.indirect_vreg.gather [hbm4b:s5+s2], $0x80, v4, vm0, $0xb8;
	[tilespmem:$0x18100] =	vst v63  }
0x2bf: {  	s26 =	simm.s32 $0x16900  }
0x2c0: {  	[tilespmem:s26], [sflag:$0x2] =	stream.indirect_vreg.gather [hbm4b:s3+s2], $0x80, v3, vm0, $0xb8;
	[tilespmem:$0x18100] =	vst v63  }
0x2c1: {  	s28 =	simm.s32 $0x17100  }
0x2c2: {  	[tilespmem:s28], [sflag:$0x2] =	stream.indirect_vreg.gather [hbm4b:s4+s2], $0x80, v3, vm0, $0xb8;
	[tilespmem:$0x18100] =	vst v63  }
0x2c3: {  	s29 =	simm.s32 $0x17900  }
0x2c4: {  	[tilespmem:s29], [sflag:$0x2] =	stream.indirect_vreg.gather [hbm4b:s5+s2], $0x80, v3, vm0, $0xb8;
	[tilespmem:$0x18100] =	vst v63  }
0x2c5: {  	_ =	swait.ge [sflag:s10], $0xC000  }
0x2c6: {  	[sflag:s10] =	ssyncset.done $0x0  }
0x2c7: {  	s30 =	rddreg [dreg:$0x10];
	[sflag:s10] =	ssyncadd.s32 $0xFFFF4000  }
0x2c8: {  	[hbm4b:s30+s2] =	stream.linear.scatter [tilespmem:s18], [sflag:$0x3], $0xC000, $0x38;
	[tilespmem:$0x18100] =	vst v63  }
0x2c9: {  	_ =	swait.ge [sflag:s7], $0xC000  }
0x2ca: {  	[sflag:s7] =	ssyncset.done $0x0  }
0x2cb: {  	[sflag:s7] =	ssyncadd.s32 $0xFFFF4000  }
0x2cc: {  	_ =	swait.ge [sflag:s11], $0xC000  }
0x2cd: {  	p0 =	sne.s32 s6, $0x1;
	[sflag:s11] =	ssyncset.done $0x0  }
.Ltmp0:
0x2ce: {  	s31 =	rddreg [dreg:$0x11];
	[sflag:s11] =	ssyncadd.s32 $0xFFFF4000;
	(pc) =	sbr.rel @p0 .LBB2_1-.Ltmp0, $4  }
0x2cf: {  	[hbm4b:s31+s2] =	stream.linear.scatter [tilespmem:s9], [sflag:$0x3], $0xC000, $0x38;
	[tilespmem:$0x18100] =	vst v63  }
0x2d0: {  	_ =	swait.ge [sflag:s7], $0xC000  }
0x2d1: {  	[sflag:s7] =	ssyncset.done $0x0  }
0x2d2: {  	s6 =	sadd.s32 $0xFFFFFFFF, s6;
	[sflag:s7] =	ssyncadd.s32 $0xFFFF4000  }
0x2d3: {  	_ =	sfence.sel $0x180000  }
0x2d4: {  	[bflag:$0x0] =	sbarrier.arrive $0xFFFF  }
0x2d5: {  	_ =	strace $0x90000053  }
0x2d6: {  	s0 =	stileid.u32;
	[bflag:$0x2] =	sbarrier.arrive $0xFFFF  }
0x2d7: {  	p0 =	sne.s32 s0, $0x0;
	s0 =	rddreg [dreg:$0x1]  }
0x2d8: {  	s0 =	sadd.s32 @!p0 $0x100000, s0  }
0x2d9: {  	[sflag:s0] =	ssyncadd.tile.s32 @!p0 $0x1;
	_ =	shalt  }
.Lfunc_end2:
_tile_overlayer_lowered:
.L_overlay_start_2:
0x2da: {  	(tag) =	ssettag $0x2  }
0x2db: {  	s0 =	rddreg [dreg:$0x0];
	s2 =	stileid.u32  }
0x2dc: {  	s1 =	rddreg [dreg:$0x1];
	p0 =	sne.s32 s2, $0x0  }
0x2dd: {  	s3 =	rddreg [dreg:$0x2];
	[bflag:$0x3] =	sbarrier.arrive $0xFFFF;
	s2 =	simm.s32 @!p0 $0x1C03  }
0x2de: {  	[timem:s3], [sflag:s2] =	dma.local @!p0 [hbm:s0], s1  }
0x2df: {  	s0 =	simm.s32 @!p0 $0x3  }
0x2e0: {  	_ =	swait.ge @!p0 [sflag:s0], s1  }
0x2e1: {  	s1 =	ssub.s32 @!p0 $0x0, s1;
	[sflag:s0] =	ssyncset.done @!p0 $0x0  }
0x2e2: {  	[sflag:s0] =	ssyncadd.s32 @!p0 s1  }
0x2e3: {  	[bflag:$0x3] =	sbarrier.arrive $0xFFFF  }
0x2e4: {  	_ =	shalt  }

// kernel: kernel.8.cloned.1.call-start
scs
__scs_entry_jumppad:
0x0: {  	(pc) =	sbr.rel $0x88, $3  }
0x1: {  	(tag) =	ssettag $0x0;
	lr =	simm.s32 $0x1  }
0x2: {  	[smem:$0x3F92] =	sst lr;
	_ =	strace $0xD0000000  }
0x3: {  	_ = 	snop  }
0x4: {  	_ = 	snop  }
0x5: {  	_ = 	snop  }
0x6: {  	_ = 	snop  }
0x7: {  	_ = 	snop  }
__scs_overlays_trampoline_lowered:
0x8: {  	[smem:$0x3FA1] =	sst s0  }
0x9: {  	[smem:$0x3FA2] =	sst s1  }
0xa: {  	[smem:$0x3FA3] =	sst s2  }
0xb: {  	[smem:$0x3FA4] =	sst s3  }
0xc: {  	[smem:$0x3FA5] =	sst s4  }
0xd: {  	[smem:$0x3FA6] =	sst s5  }
0xe: {  	[smem:$0x3FA7] =	sst s6  }
0xf: {  	[smem:$0x3FA8] =	sst s7  }
0x10: {  	[smem:$0x3FA9] =	sst s8  }
0x11: {  	[smem:$0x3FAA] =	sst s9;
	s0 =	simm.s32 @!p0 $0x0  }
0x12: {  	s1 =	sld [smem:$0x3F90];
	s0 =	simm.s32 @p0 $0x1  }
0x13: {  	[smem:$0x3FAB] =	sst s0;
	s0 =	simm.s32 @!p1 $0x0  }
0x14: {  	s2 =	sld [smem:$0x3F8F];
	s0 =	simm.s32 @p1 $0x1  }
0x15: {  	[smem:$0x3FAC] =	sst s0;
	s0 =	simm.s32 @!p2 $0x0  }
0x16: {  	s3 =	sld [smem:$0x3FDB];
	s0 =	simm.s32 @p2 $0x1  }
0x17: {  	s4 =	simm.s32 $0x1BF5;
	[smem:$0x3FAE] =	sst s0  }
0x18: {  	s0 =	sld [smem:$0x3F91];
	_ =	swait.ge [sflag:s4], $0x0  }
0x19: {  	s7 =	sld [smem:$0x3F92]  }
0x1a: {  	s8 =	sadd.s32 $0xFFFFE003, lr  }
0x1b: {  	s9 =	sadd.s32 $0xFFFFFEF7, lr;
	s5 =	simm.s32 $0xFFFFFFFF;
	p2 =	slt.u32 s8, $0xFFFFF086  }
0x1c: {  	p1 =	slt.u32 s9, $0xF7A;
	s5 =	simm.s32 @!p2 $0x0  }
0x1d: {  	s5 =	simm.s32 @p1 $0x1;
	p0 =	seq.s32 s7, s2  }
0x1e: {  	s7 =	smul.u32 @!p0 $0xF7A, s2;
	p2 =	seq.s32 @!p0 s5, $0x0  }
0x1f: {  	s9 =	smul.u32 $0xF7A, s1;
	s8 =	simm.s32 @!p0 $0x1BF5;
	p2 =	por !p2, p0  }
0x20: {  	[sflag:s8] =	ssyncset.s32 @!p0 $0xFFFFF086;
	s6 =	sadd.s32 @!p0 s3, s7;
	s7 =	simm.s32 @!p0 $0x108  }
0x21: {  	s3 =	sadd.s32 s3, s9;
	s6 =	sadd.s32 @!p0 $0x88, s6;
	s7 =	simm.s32 @p2 $0x1082  }
0x22: {  	[simem:s7], [sflag:s8] =	dma.local @!p0 [hbm:s6], $0xF7A  }
0x23: {  	s9 =	sor.u32 $0xD0000000, s2;
	s6 =	simm.s32 $0x108;
	_ =	swait.ge @!p0 [sflag:s8], $0x0  }
0x24: {  	s3 =	sadd.s32 $0x88, s3;
	s6 =	simm.s32 @!p1 $0x1082;
	[sflag:s4] =	ssyncset.s32 $0xFFFFF086  }
0x25: {  	[simem:s6], [sflag:s4] =	dma.local [hbm:s3], $0xF7A  }
0x26: {  	[smem:$0x3F92] =	sst s1;
	(tag) =	ssettag s2;
	_ =	strace s9  }
0x27: {  	s1 =	sld [smem:$0x3FA2]  }
0x28: {  	s2 =	sld [smem:$0x3FA3]  }
0x29: {  	s4 =	sld [smem:$0x3FA5]  }
0x2a: {  	p0 =	seq.s32 s5, $0x0;
	s5 =	sld [smem:$0x3FA6]  }
0x2b: {  	s6 =	sld [smem:$0x3FA7]  }
0x2c: {  	s7 =	sld [smem:$0x3FA8]  }
0x2d: {  	s3 =	simm.s32 $0x108;
	s8 =	sld [smem:$0x3FA9]  }
0x2e: {  	s3 =	simm.s32 @!p0 $0x1082;
	s9 =	sld [smem:$0x3FAA]  }
0x2f: {  	lr =	sadd.s32 s0, s3;
	s0 =	sld [smem:$0x3FA1]  }
0x30: {  	s3 =	sld [smem:$0x3FA4]  }
0x31: {  	[smem:$0x3FAD] =	sst s10  }
0x32: {  	s10 =	sld [smem:$0x3FAB];
	_ =	sdelay $0x3  }
0x33: {  	p0 =	seq.s32 s10, $0x1;
	s10 =	sld [smem:$0x3FAD];
	_ =	sdelay $0x3  }
0x34: {  	[smem:$0x3FAD] =	sst s10  }
0x35: {  	s10 =	sld [smem:$0x3FAC];
	_ =	sdelay $0x3  }
0x36: {  	p1 =	seq.s32 s10, $0x1;
	s10 =	sld [smem:$0x3FAD];
	_ =	sdelay $0x3  }
0x37: {  	[smem:$0x3FAD] =	sst s10  }
0x38: {  	s10 =	sld [smem:$0x3FAE]  }
0x39: {  	_ = 	snop;
	(pc) =	sbr.ind lr, $3  }
0x3a: {  	_ = 	snop  }
0x3b: {  	_ = 	snop  }
0x3c: {  	p2 =	seq.s32 s10, $0x1;
	s10 =	sld [smem:$0x3FAD]  }
0x3d: {  	_ =	shalt  }
0x3e: {  	_ =	shalt  }
0x3f: {  	_ =	shalt  }
0x40: {  	_ =	shalt  }
0x41: {  	_ =	shalt  }
0x42: {  	_ =	shalt  }
0x43: {  	_ =	shalt  }
0x44: {  	_ =	shalt  }
0x45: {  	_ =	shalt  }
0x46: {  	_ =	shalt  }
0x47: {  	_ =	shalt  }
0x48: {  	_ =	shalt  }
0x49: {  	_ =	shalt  }
0x4a: {  	_ =	shalt  }
0x4b: {  	_ =	shalt  }
0x4c: {  	_ =	shalt  }
0x4d: {  	_ =	shalt  }
0x4e: {  	_ =	shalt  }
0x4f: {  	_ =	shalt  }
0x50: {  	_ =	shalt  }
0x51: {  	_ =	shalt  }
0x52: {  	_ =	shalt  }
0x53: {  	_ =	shalt  }
0x54: {  	_ =	shalt  }
0x55: {  	_ =	shalt  }
0x56: {  	_ =	shalt  }
0x57: {  	_ =	shalt  }
0x58: {  	_ =	shalt  }
0x59: {  	_ =	shalt  }
0x5a: {  	_ =	shalt  }
0x5b: {  	_ =	shalt  }
0x5c: {  	_ =	shalt  }
0x5d: {  	_ =	shalt  }
0x5e: {  	_ =	shalt  }
0x5f: {  	_ =	shalt  }
0x60: {  	_ =	shalt  }
0x61: {  	_ =	shalt  }
0x62: {  	_ =	shalt  }
0x63: {  	_ =	shalt  }
0x64: {  	_ =	shalt  }
0x65: {  	_ =	shalt  }
0x66: {  	_ =	shalt  }
0x67: {  	_ =	shalt  }
0x68: {  	_ =	shalt  }
0x69: {  	_ =	shalt  }
0x6a: {  	_ =	shalt  }
0x6b: {  	_ =	shalt  }
0x6c: {  	_ =	shalt  }
0x6d: {  	_ =	shalt  }
0x6e: {  	_ =	shalt  }
0x6f: {  	_ =	shalt  }
0x70: {  	_ =	shalt  }
0x71: {  	_ =	shalt  }
0x72: {  	_ =	shalt  }
0x73: {  	_ =	shalt  }
0x74: {  	_ =	shalt  }
0x75: {  	_ =	shalt  }
0x76: {  	_ =	shalt  }
0x77: {  	_ =	shalt  }
0x78: {  	_ =	shalt  }
0x79: {  	_ =	shalt  }
0x7a: {  	_ =	shalt  }
0x7b: {  	_ =	shalt  }
0x7c: {  	_ =	shalt  }
0x7d: {  	_ =	shalt  }
0x7e: {  	_ =	shalt  }
0x7f: {  	_ =	shalt  }
0x80: {  	_ =	shalt  }
0x81: {  	_ =	shalt  }
0x82: {  	_ =	shalt  }
0x83: {  	_ =	shalt  }
0x84: {  	_ =	shalt  }
0x85: {  	_ =	shalt  }
0x86: {  	_ =	shalt  }
0x87: {  	_ =	shalt  }
.Lfunc_end0:
.L_simem_size_0:
called_computation.3_lowered:
.L_overlay_start_0:
0x88: {  	s2 =	sld [smem:$0x3FD9]  }
0x89: {  	s3 =	sld [smem:$0x3FFE];
	_ =	sdelay $0x1  }
0x8a: {  	s1 =	srdreg.scid  }
0x8b: {  	s0 =	sand.u32 $0x1, s1  }
0x8c: {  	s17 =	sshll.u32 s0, $0xA;
	s2 =	sadd.s32 s3, s2  }
0x8d: {  	s2 =	sadd.s32 s2, s17  }
0x8e: {  	[smem:$0x3FB9] =	sst s2  }
0x8f: {  	_ = 	snop  }
0x90: {  	s18 =	sld [smem:$0x3FC9];
	(tm) =	ssettm $0x1  }
0x91: {  	s19 =	sld [smem:$0x3FFB];
	_ =	sdelay $0x3  }
0x92: {  	_ =	strace s19  }
0x93: {  	s2 =	sld [smem:$0x3FFC];
	_ =	sdelay $0x3  }
0x94: {  	_ =	strace s2  }
0x95: {  	s2 =	sld [smem:$0x3FFD];
	_ =	sdelay $0x3  }
0x96: {  	_ =	strace s2  }
0x97: {  	_ =	strace $0x8FFFFFFF  }
0x98: {  	s20 =	sld [smem:$0x3FDB];
	_ =	sdelay $0x1  }
0x99: {  	s4 =	simm.s32 $_scs_section_size  }
0x9a: {  	s5 =	simm.s32 $_size__tile_overlayer_lowered;
	s6 =	simm.s32 $_tile_overlayer_lowered  }
0x9b: {  	s7 =	simm.s32 $0x1BFF;
	s21 =	sshll.u32 s6, $0x1;
	s4 =	sadd.s32 s4, s20  }
0x9c: {  	s22 =	simm.s32 $0x0;
	s5 =	sshll.u32 s5, $0x1;
	s6 =	sadd.s32 s21, s4  }
0x9d: {  	[timem:s22], [sflag:s7] =	dma.local [hbm:s6], s5  }
0x9e: {  	_ =	swait.ge [sflag:s7], s5  }
0x9f: {  	s5 =	ssub.s32 $0x0, s5;
	[sflag:s7] =	ssyncset.done $0x0  }
0xa0: {  	[sflag:s7] =	ssyncadd.s32 s5;
	_ =	sdelay $0x1  }
0xa1: {  	s23 =	simm.s32 $0x1B8B  }
0xa2: {  	_ =	swait.ge [sflag:s23], $0x1  }
0xa3: {  	[sflag:s23] =	ssyncset.done $0x0  }
0xa4: {  	[sflag:s23] =	ssyncadd.s32 $0xFFFFFFFF  }
0xa5: {  	s5 =	sld [smem:$0x0]  }
0xa6: {  	s6 =	sand.u32 $0xFFFFFFFE, s1  }
0xa7: {  	p0 =	sne.s32 s1, s6  }
0xa8: {  	s6 =	sshll.u32 @p0 s6, $0xE  }
0xa9: {  	s6 =	sadd.s32 @p0 $0x11B8D, s6;
	s7 =	sshll.u32 @p0 s5, $0x11  }
0xaa: {  	s6 =	sor.u32 @p0 s7, s6  }
0xab: {  	[sflag:s6] =	ssyncadd.remote.s32 @p0 $0x1;
	_ =	sdelay $0x1  }
0xac: {  	s6 =	simm.s32 @p0 $0x1B8D  }
0xad: {  	_ =	swait.eq @p0 [sflag:s6], $0x1  }
0xae: {  	[sflag:s6] =	ssyncadd.s32 @p0 $0xFFFFFFFF  }
0xaf: {  	s7 =	sshll.u32 @!p0 s1, $0xE  }
0xb0: {  	s7 =	sor.u32 @!p0 $0x4000, s7;
	s6 =	simm.s32 @!p0 $0x1B8D  }
0xb1: {  	s5 =	sshll.u32 @!p0 s5, $0x11;
	s7 =	sadd.s32 @!p0 $0x11B8D, s7;
	_ =	swait.eq @!p0 [sflag:s6], $0x1  }
0xb2: {  	s5 =	sor.u32 @!p0 s5, s7;
	[sflag:s6] =	ssyncadd.s32 @!p0 $0xFFFFFFFF  }
0xb3: {  	s25 =	simm.s32 $0x1B8E;
	s24 =	sld [smem:$0x3FFE];
	[sflag:s5] =	ssyncadd.remote.s32 @!p0 $0x1  }
0xb4: {  	s26 =	simm.s32 $execute0_lowered;
	[smem:$0x3FD2] =	sst s25  }
0xb5: {  	s6 =	sshll.u32 s26, $0x1;
	_ =	strace $0x8000004F;
	[dreg:$0x1] =	wrdreg $0xFFFFFFFF  }
0xb6: {  	s28 =	simm.s32 $_size_execute0_lowered;
	s4 =	sadd.s32 s4, s6;
	[dreg:$0x0] =	wrdreg $0x0  }
0xb7: {  	s6 =	sshll.u32 s28, $0x1;
	[dreg:$0x2] =	wrdreg s4  }
0xb8: {  	[dreg:$0x3] =	wrdreg s6  }
0xb9: {  	[dreg:$0x4] =	wrdreg $0xC0  }
0xba: {  	_ =	task [dreg:s22], $0x5FFFF  }
0xbb: {  	[dreg:$0x1] =	wrdreg $0xFFFFFFFF  }
0xbc: {  	[dreg:$0x0] =	wrdreg $0x60  }
0xbd: {  	[dreg:$0x2] =	wrdreg s18  }
0xbe: {  	[dreg:$0x3] =	wrdreg s24  }
0xbf: {  	[dreg:$0x4] =	wrdreg $0xB  }
0xc0: {  	_ =	task.clear_ibuf [dreg:s22], $0x5FFFF;
	_ =	strace $0x9000004F  }
0xc1: {  	s29 =	simm.s32 $0xB;
	_ =	strace $0x80000051  }
0xc2: {  	_ =	swait.ge [sflag:s29], $0x1  }
0xc3: {  	[sflag:s29] =	ssyncadd.s32 $0xFFFFFFFF  }
0xc4: {  	_ =	strace $0x90000051  }
0xc5: {  	_ =	sfence  }
0xc6: {  	s30 =	sld [smem:$0x0];
	_ =	sdelay $0x2  }
0xc7: {  	s31 =	sshll.u32 s1, $0xD;
	s1 =	sshrl.u32 s1, $0x2  }
0xc8: {  	s4 =	sand.u32 $0x4000, s31;
	s1 =	sadd.s32 s1, s30  }
0xc9: {  	s0 =	sor.u32 s4, s0;
	s1 =	sshll.u32 s1, $0x11  }
0xca: {  	s0 =	sor.u32 s1, s0  }
0xcb: {  	s0 =	sadd.s32 $0x8F2B, s0  }
0xcc: {  	[sflag:s0] =	ssyncadd.remote.s32 $0x1  }
0xcd: {  	_ =	sfence.sel $0xFFFF  }
0xce: {  	[dreg:$0x0] =	wrdreg $0xFFFFFFFF;
	(pc) =	sbr.abs _section_cstart, $3  }
0xcf: {  	[dreg:$0x1] =	wrdreg $0xFFFFFFFF  }
0xd0: {  	_ =	task.clear_ibuf [dreg:s22], $0x2FFFF;
	_ =	strace $0x9FFFFFFF  }
0xd1: {  	(tm) =	ssettm $0x7FFFFFFF  }
tec
execute0_lowered:
.L_overlay_start_1:
0x0: {  	(tag) =	ssettag $0x1  }
0x1: {  	s1 =	rddreg [dreg:$0x0]  }
0x2: {  	s0 =	rddreg [dreg:$0x1]  }
0x3: {  	s2 =	srdreg.scid;
	s3 =	simm.s32 $0x0;
	s4 =	stileid.u32  }
0x4: {  	s10 =	simm.s32 $0x1;
	s2 =	sand.u32 $0x1, s2;
	[smem:$0x7FF] =	sst s3  }
0x5: {  	s4 =	sshll.u32 s4, $0x7;
	s6 =	sadd.s32 $0x1000, s0;
	s5 =	sshll.u32 s2, $0x6  }
0x6: {  	s0 =	sadd.s32 $0x3200, s0;
	s2 =	ssub.s32 $0x2, s2;
	s4 =	sor.u32 s5, s4  }
0x7: {  	_ =	strace $0x80000050;
	s9 =	sshrl.u32 s2, $0x1;
	s5 =	sadd.s32 s6, s4  }
0x8: {  	s7 =	sor.u32 $0x8, s4;
	s8 =	smul.u32 $0x300, s4;
	s13 =	sor.u32 $0x10, s4  }
0x9: {  	s16 =	sor.u32 $0x18, s4;
	s19 =	sor.u32 $0x20, s4;
	s22 =	sor.u32 $0x28, s4  }
0xa: {  	s25 =	sor.u32 $0x30, s4;
	[dreg:$0x3] =	wrdreg s5;
	s11 =	sadd.s32 s6, s7  }
0xb: {  	s2 =	ssub.s32 s2, s9;
	s14 =	sadd.s32 s6, s13;
	[dreg:$0x4] =	wrdreg s11  }
0xc: {  	s4 =	sor.u32 $0x38, s4;
	s17 =	sadd.s32 s6, s16;
	[dreg:$0x6] =	wrdreg s14  }
0xd: {  	s9 =	simm.s32 $0xC100;
	s20 =	sadd.s32 s6, s19;
	[dreg:$0x8] =	wrdreg s17  }
0xe: {  	s7 =	smul.u32 $0x300, s7;
	s23 =	sadd.s32 s6, s22;
	[dreg:$0xa] =	wrdreg s20  }
0xf: {  	s26 =	sadd.s32 s6, s25;
	s29 =	smul.u32 $0x300, s25;
	[dreg:$0xc] =	wrdreg s23  }
0x10: {  	s30 =	sadd.s32 s6, s4;
	s31 =	smul.u32 $0x300, s4;
	[dreg:$0xe] =	wrdreg s26  }
0x11: {  	s12 =	sadd.s32 s0, s8;
	s8 =	smul.u32 $0x300, s13;
	[dreg:$0x10] =	wrdreg s30  }
0x12: {  	[dreg:$0x5] =	wrdreg s12;
	s15 =	sadd.s32 s0, s7;
	s7 =	smul.u32 $0x300, s16  }
0x13: {  	[dreg:$0x7] =	wrdreg s15;
	s18 =	sadd.s32 s0, s8;
	s8 =	smul.u32 $0x300, s19  }
0x14: {  	[dreg:$0x9] =	wrdreg s18;
	s21 =	sadd.s32 s0, s7;
	s7 =	smul.u32 $0x300, s22  }
0x15: {  	s4 =	sadd.s32 $0x100, s1;
	[dreg:$0xb] =	wrdreg s21;
	s24 =	sadd.s32 s0, s8  }
0x16: {  	s5 =	sadd.s32 $0x200, s1;
	[dreg:$0xd] =	wrdreg s24;
	s28 =	sadd.s32 s0, s7  }
0x17: {  	v2 =	vlaneseq.u32;
	s6 =	smax.u32 s2, $0x1;
	s7 =	sadd.s32 s0, s29;
	[dreg:$0xf] =	wrdreg s28  }
0x18: {  	vm0 =	vmmov $0xffff;
	v1 =	vshrl.u32 v2, $0x3;
	s11 =	simm.s32 $0x2;
	s0 =	sadd.s32 s0, s31;
	[dreg:$0x11] =	wrdreg s7  }
0x19: {  	v0 =	vand.u32 $0x7, v2;
	v2 =	vor.u32 $0x8, v2;
	v1 =	vmul.u32 $0x8, v1;
	s18 =	simm.s32 $0x100;
	[dreg:$0x12] =	wrdreg s0;
	s7 =	simm.s32 $0x3  }
.LBB2_1:
0x1a: {  	s12 =	rddreg [dreg:$0x3]  }
0x1b: {  	[tilespmem:s3], [sflag:$0x3] =	stream.linear.gather [hbm4b:s12+s3], $0x40, $0x38;
	[tilespmem:$0x18100] =	vst v63  }
0x1c: {  	_ =	swait.ge [sflag:s7], $0x40  }
0x1d: {  	[sflag:s7] =	ssyncset.done $0x0  }
0x1e: {  	[sflag:s7] =	ssyncadd.s32 $0xFFFFFFC0  }
0x1f: {  	v3 =	vld [tilespmem:$0x0];
	_ =	sdelay $0x4  }
0x20: {  	v4 =	vshrl.u32 v3, $0x3  }
0x21: {  	v4 =	vmul.u32 $0x30, v4  }
0x22: {  	v3 =	vand.u32 $0x7, v3  }
0x23: {  	v3 =	vor.u32 v3, v4  }
0x24: {  	v4 =	vperm.xlane v3, v0;
	_ =	sdelay $0x1  }
0x25: {  	v4 =	vadd.s32 v1, v4;
	_ =	sdelay $0x3  }
0x26: {  	v3 =	vperm.xlane v3, v2  }
0x27: {  	[tilespmem:s18], [sflag:$0x1] =	stream.indirect_vreg.gather [hbm4b:s1+s3], $0x80, v4, vm0, $0xb8;
	[tilespmem:$0x18100] =	vst v63  }
0x28: {  	s0 =	simm.s32 $0x900;
	v3 =	vadd.s32 v1, v3  }
0x29: {  	[tilespmem:s0], [sflag:$0x1] =	stream.indirect_vreg.gather [hbm4b:s4+s3], $0x80, v4, vm0, $0xb8;
	[tilespmem:$0x18100] =	vst v63  }
0x2a: {  	s26 =	simm.s32 $0x1100  }
0x2b: {  	[tilespmem:s26], [sflag:$0x1] =	stream.indirect_vreg.gather [hbm4b:s5+s3], $0x80, v4, vm0, $0xb8;
	[tilespmem:$0x18100] =	vst v63  }
0x2c: {  	s28 =	simm.s32 $0x1900  }
0x2d: {  	[tilespmem:s28], [sflag:$0x1] =	stream.indirect_vreg.gather [hbm4b:s1+s3], $0x80, v3, vm0, $0xb8;
	[tilespmem:$0x18100] =	vst v63  }
0x2e: {  	s29 =	simm.s32 $0x2100  }
0x2f: {  	[tilespmem:s29], [sflag:$0x1] =	stream.indirect_vreg.gather [hbm4b:s4+s3], $0x80, v3, vm0, $0xb8;
	[tilespmem:$0x18100] =	vst v63  }
0x30: {  	s30 =	simm.s32 $0x2900  }
0x31: {  	[tilespmem:s30], [sflag:$0x1] =	stream.indirect_vreg.gather [hbm4b:s5+s3], $0x80, v3, vm0, $0xb8;
	[tilespmem:$0x18100] =	vst v63  }
0x32: {  	v3 =	vld [tilespmem:$0x10];
	_ =	sdelay $0x4  }
0x33: {  	v33 =	vshrl.u32 v3, $0x3  }
0x34: {  	v4 =	vmul.u32 $0x30, v33  }
0x35: {  	v3 =	vand.u32 $0x7, v3  }
0x36: {  	v3 =	vor.u32 v3, v4  }
0x37: {  	v4 =	vperm.xlane v3, v0;
	_ =	sdelay $0x1  }
0x38: {  	v4 =	vadd.s32 v1, v4;
	_ =	sdelay $0x3  }
0x39: {  	s31 =	simm.s32 $0x3100;
	v3 =	vperm.xlane v3, v2  }
0x3a: {  	[tilespmem:s31], [sflag:$0x1] =	stream.indirect_vreg.gather [hbm4b:s1+s3], $0x80, v4, vm0, $0xb8;
	[tilespmem:$0x18100] =	vst v63  }
0x3b: {  	s2 =	simm.s32 $0x3900;
	v3 =	vadd.s32 v1, v3  }
0x3c: {  	[tilespmem:s2], [sflag:$0x1] =	stream.indirect_vreg.gather [hbm4b:s4+s3], $0x80, v4, vm0, $0xb8;
	[tilespmem:$0x18100] =	vst v63  }
0x3d: {  	s8 =	simm.s32 $0x4100  }
0x3e: {  	[tilespmem:s8], [sflag:$0x1] =	stream.indirect_vreg.gather [hbm4b:s5+s3], $0x80, v4, vm0, $0xb8;
	[tilespmem:$0x18100] =	vst v63  }
0x3f: {  	s12 =	simm.s32 $0x4900  }
0x40: {  	[tilespmem:s12], [sflag:$0x1] =	stream.indirect_vreg.gather [hbm4b:s1+s3], $0x80, v3, vm0, $0xb8;
	[tilespmem:$0x18100] =	vst v63  }
0x41: {  	s15 =	simm.s32 $0x5100  }
0x42: {  	[tilespmem:s15], [sflag:$0x1] =	stream.indirect_vreg.gather [hbm4b:s4+s3], $0x80, v3, vm0, $0xb8;
	[tilespmem:$0x18100] =	vst v63  }
0x43: {  	s16 =	simm.s32 $0x5900  }
0x44: {  	[tilespmem:s16], [sflag:$0x1] =	stream.indirect_vreg.gather [hbm4b:s5+s3], $0x80, v3, vm0, $0xb8;
	[tilespmem:$0x18100] =	vst v63  }
0x45: {  	v3 =	vld [tilespmem:$0x20];
	_ =	sdelay $0x4  }
0x46: {  	v34 =	vshrl.u32 v3, $0x3  }
0x47: {  	v4 =	vmul.u32 $0x30, v34  }
0x48: {  	v3 =	vand.u32 $0x7, v3  }
0x49: {  	v3 =	vor.u32 v3, v4  }
0x4a: {  	v4 =	vperm.xlane v3, v0;
	_ =	sdelay $0x1  }
0x4b: {  	v4 =	vadd.s32 v1, v4;
	_ =	sdelay $0x3  }
0x4c: {  	s17 =	simm.s32 $0x6100;
	v3 =	vperm.xlane v3, v2  }
0x4d: {  	[tilespmem:s17], [sflag:$0x1] =	stream.indirect_vreg.gather [hbm4b:s1+s3], $0x80, v4, vm0, $0xb8;
	[tilespmem:$0x18100] =	vst v63  }
0x4e: {  	s19 =	simm.s32 $0x6900;
	v3 =	vadd.s32 v1, v3  }
0x4f: {  	[tilespmem:s19], [sflag:$0x1] =	stream.indirect_vreg.gather [hbm4b:s4+s3], $0x80, v4, vm0, $0xb8;
	[tilespmem:$0x18100] =	vst v63  }
0x50: {  	s20 =	simm.s32 $0x7100  }
0x51: {  	[tilespmem:s20], [sflag:$0x1] =	stream.indirect_vreg.gather [hbm4b:s5+s3], $0x80, v4, vm0, $0xb8;
	[tilespmem:$0x18100] =	vst v63  }
0x52: {  	s21 =	simm.s32 $0x7900  }
0x53: {  	[tilespmem:s21], [sflag:$0x1] =	stream.indirect_vreg.gather [hbm4b:s1+s3], $0x80, v3, vm0, $0xb8;
	[tilespmem:$0x18100] =	vst v63  }
0x54: {  	s22 =	simm.s32 $0x8100  }
0x55: {  	[tilespmem:s22], [sflag:$0x1] =	stream.indirect_vreg.gather [hbm4b:s4+s3], $0x80, v3, vm0, $0xb8;
	[tilespmem:$0x18100] =	vst v63  }
0x56: {  	s23 =	simm.s32 $0x8900  }
0x57: {  	[tilespmem:s23], [sflag:$0x1] =	stream.indirect_vreg.gather [hbm4b:s5+s3], $0x80, v3, vm0, $0xb8;
	[tilespmem:$0x18100] =	vst v63  }
0x58: {  	v3 =	vld [tilespmem:$0x30];
	_ =	sdelay $0x4  }
0x59: {  	v35 =	vshrl.u32 v3, $0x3  }
0x5a: {  	v4 =	vmul.u32 $0x30, v35  }
0x5b: {  	v3 =	vand.u32 $0x7, v3  }
0x5c: {  	v3 =	vor.u32 v3, v4  }
0x5d: {  	v4 =	vperm.xlane v3, v0;
	_ =	sdelay $0x1  }
0x5e: {  	v4 =	vadd.s32 v1, v4;
	_ =	sdelay $0x3  }
0x5f: {  	s24 =	simm.s32 $0x9100;
	v3 =	vperm.xlane v3, v2  }
0x60: {  	[tilespmem:s24], [sflag:$0x1] =	stream.indirect_vreg.gather [hbm4b:s1+s3], $0x80, v4, vm0, $0xb8;
	[tilespmem:$0x18100] =	vst v63  }
0x61: {  	s25 =	simm.s32 $0x9900;
	v3 =	vadd.s32 v1, v3  }
0x62: {  	[tilespmem:s25], [sflag:$0x1] =	stream.indirect_vreg.gather [hbm4b:s4+s3], $0x80, v4, vm0, $0xb8;
	[tilespmem:$0x18100] =	vst v63  }
0x63: {  	s29 =	simm.s32 $0xA100  }
0x64: {  	[tilespmem:s29], [sflag:$0x1] =	stream.indirect_vreg.gather [hbm4b:s5+s3], $0x80, v4, vm0, $0xb8;
	[tilespmem:$0x18100] =	vst v63  }
0x65: {  	s30 =	simm.s32 $0xA900  }
0x66: {  	[tilespmem:s30], [sflag:$0x1] =	stream.indirect_vreg.gather [hbm4b:s1+s3], $0x80, v3, vm0, $0xb8;
	[tilespmem:$0x18100] =	vst v63  }
0x67: {  	s2 =	simm.s32 $0xB100  }
0x68: {  	[tilespmem:s2], [sflag:$0x1] =	stream.indirect_vreg.gather [hbm4b:s4+s3], $0x80, v3, vm0, $0xb8;
	[tilespmem:$0x18100] =	vst v63  }
0x69: {  	s15 =	simm.s32 $0xB900  }
0x6a: {  	[tilespmem:s15], [sflag:$0x1] =	stream.indirect_vreg.gather [hbm4b:s5+s3], $0x80, v3, vm0, $0xb8;
	[tilespmem:$0x18100] =	vst v63  }
0x6b: {  	s8 =	rddreg [dreg:$0x4];
	s2 =	simm.s32 $0x80  }
0x6c: {  	[tilespmem:s2], [sflag:$0x3] =	stream.linear.gather [hbm4b:s8+s3], $0x40, $0x38;
	[tilespmem:$0x18100] =	vst v63  }
0x6d: {  	_ =	swait.ge [sflag:s7], $0x40  }
0x6e: {  	[sflag:s7] =	ssyncset.done $0x0  }
0x6f: {  	[sflag:s7] =	ssyncadd.s32 $0xFFFFFFC0  }
0x70: {  	v3 =	vld [tilespmem:$0x80];
	_ =	sdelay $0x4  }
0x71: {  	v36 =	vshrl.u32 v3, $0x3  }
0x72: {  	v4 =	vmul.u32 $0x30, v36  }
0x73: {  	v3 =	vand.u32 $0x7, v3  }
0x74: {  	v3 =	vor.u32 v3, v4  }
0x75: {  	v4 =	vperm.xlane v3, v0;
	_ =	sdelay $0x1  }
0x76: {  	v4 =	vadd.s32 v1, v4;
	_ =	sdelay $0x3  }
0x77: {  	v3 =	vperm.xlane v3, v2  }
0x78: {  	[tilespmem:s9], [sflag:$0x2] =	stream.indirect_vreg.gather [hbm4b:s1+s3], $0x80, v4, vm0, $0xb8;
	[tilespmem:$0x18100] =	vst v63  }
0x79: {  	s16 =	simm.s32 $0xC900;
	v3 =	vadd.s32 v1, v3  }
0x7a: {  	[tilespmem:s16], [sflag:$0x2] =	stream.indirect_vreg.gather [hbm4b:s4+s3], $0x80, v4, vm0, $0xb8;
	[tilespmem:$0x18100] =	vst v63  }
0x7b: {  	s17 =	simm.s32 $0xD100  }
0x7c: {  	[tilespmem:s17], [sflag:$0x2] =	stream.indirect_vreg.gather [hbm4b:s5+s3], $0x80, v4, vm0, $0xb8;
	[tilespmem:$0x18100] =	vst v63  }
0x7d: {  	s19 =	simm.s32 $0xD900  }
0x7e: {  	[tilespmem:s19], [sflag:$0x2] =	stream.indirect_vreg.gather [hbm4b:s1+s3], $0x80, v3, vm0, $0xb8;
	[tilespmem:$0x18100] =	vst v63  }
0x7f: {  	s20 =	simm.s32 $0xE100  }
0x80: {  	[tilespmem:s20], [sflag:$0x2] =	stream.indirect_vreg.gather [hbm4b:s4+s3], $0x80, v3, vm0, $0xb8;
	[tilespmem:$0x18100] =	vst v63  }
0x81: {  	s21 =	simm.s32 $0xE900  }
0x82: {  	[tilespmem:s21], [sflag:$0x2] =	stream.indirect_vreg.gather [hbm4b:s5+s3], $0x80, v3, vm0, $0xb8;
	[tilespmem:$0x18100] =	vst v63  }
0x83: {  	v3 =	vld [tilespmem:$0x90];
	_ =	sdelay $0x4  }
0x84: {  	v37 =	vshrl.u32 v3, $0x3  }
0x85: {  	v4 =	vmul.u32 $0x30, v37  }
0x86: {  	v3 =	vand.u32 $0x7, v3  }
0x87: {  	v3 =	vor.u32 v3, v4  }
0x88: {  	v4 =	vperm.xlane v3, v0;
	_ =	sdelay $0x1  }
0x89: {  	v4 =	vadd.s32 v1, v4;
	_ =	sdelay $0x3  }
0x8a: {  	s22 =	simm.s32 $0xF100;
	v3 =	vperm.xlane v3, v2  }
0x8b: {  	[tilespmem:s22], [sflag:$0x2] =	stream.indirect_vreg.gather [hbm4b:s1+s3], $0x80, v4, vm0, $0xb8;
	[tilespmem:$0x18100] =	vst v63  }
0x8c: {  	s23 =	simm.s32 $0xF900;
	v3 =	vadd.s32 v1, v3  }
0x8d: {  	[tilespmem:s23], [sflag:$0x2] =	stream.indirect_vreg.gather [hbm4b:s4+s3], $0x80, v4, vm0, $0xb8;
	[tilespmem:$0x18100] =	vst v63  }
0x8e: {  	s24 =	simm.s32 $0x10100  }
0x8f: {  	[tilespmem:s24], [sflag:$0x2] =	stream.indirect_vreg.gather [hbm4b:s5+s3], $0x80, v4, vm0, $0xb8;
	[tilespmem:$0x18100] =	vst v63  }
0x90: {  	s25 =	simm.s32 $0x10900  }
0x91: {  	[tilespmem:s25], [sflag:$0x2] =	stream.indirect_vreg.gather [hbm4b:s1+s3], $0x80, v3, vm0, $0xb8;
	[tilespmem:$0x18100] =	vst v63  }
0x92: {  	s29 =	simm.s32 $0x11100  }
0x93: {  	[tilespmem:s29], [sflag:$0x2] =	stream.indirect_vreg.gather [hbm4b:s4+s3], $0x80, v3, vm0, $0xb8;
	[tilespmem:$0x18100] =	vst v63  }
0x94: {  	s30 =	simm.s32 $0x11900  }
0x95: {  	[tilespmem:s30], [sflag:$0x2] =	stream.indirect_vreg.gather [hbm4b:s5+s3], $0x80, v3, vm0, $0xb8;
	[tilespmem:$0x18100] =	vst v63  }
0x96: {  	v3 =	vld [tilespmem:$0xA0];
	_ =	sdelay $0x4  }
0x97: {  	v38 =	vshrl.u32 v3, $0x3  }
0x98: {  	v4 =	vmul.u32 $0x30, v38  }
0x99: {  	v3 =	vand.u32 $0x7, v3  }
0x9a: {  	v3 =	vor.u32 v3, v4  }
0x9b: {  	v4 =	vperm.xlane v3, v0;
	_ =	sdelay $0x1  }
0x9c: {  	v4 =	vadd.s32 v1, v4;
	_ =	sdelay $0x3  }
0x9d: {  	s0 =	simm.s32 $0x12100;
	v3 =	vperm.xlane v3, v2  }
0x9e: {  	[tilespmem:s0], [sflag:$0x2] =	stream.indirect_vreg.gather [hbm4b:s1+s3], $0x80, v4, vm0, $0xb8;
	[tilespmem:$0x18100] =	vst v63  }
0x9f: {  	s2 =	simm.s32 $0x12900;
	v3 =	vadd.s32 v1, v3  }
0xa0: {  	[tilespmem:s2], [sflag:$0x2] =	stream.indirect_vreg.gather [hbm4b:s4+s3], $0x80, v4, vm0, $0xb8;
	[tilespmem:$0x18100] =	vst v63  }
0xa1: {  	s8 =	simm.s32 $0x13100  }
0xa2: {  	[tilespmem:s8], [sflag:$0x2] =	stream.indirect_vreg.gather [hbm4b:s5+s3], $0x80, v4, vm0, $0xb8;
	[tilespmem:$0x18100] =	vst v63  }
0xa3: {  	s15 =	simm.s32 $0x13900  }
0xa4: {  	[tilespmem:s15], [sflag:$0x2] =	stream.indirect_vreg.gather [hbm4b:s1+s3], $0x80, v3, vm0, $0xb8;
	[tilespmem:$0x18100] =	vst v63  }
0xa5: {  	s16 =	simm.s32 $0x14100  }
0xa6: {  	[tilespmem:s16], [sflag:$0x2] =	stream.indirect_vreg.gather [hbm4b:s4+s3], $0x80, v3, vm0, $0xb8;
	[tilespmem:$0x18100] =	vst v63  }
0xa7: {  	s17 =	simm.s32 $0x14900  }
0xa8: {  	[tilespmem:s17], [sflag:$0x2] =	stream.indirect_vreg.gather [hbm4b:s5+s3], $0x80, v3, vm0, $0xb8;
	[tilespmem:$0x18100] =	vst v63  }
0xa9: {  	v3 =	vld [tilespmem:$0xB0];
	_ =	sdelay $0x4  }
0xaa: {  	v39 =	vshrl.u32 v3, $0x3  }
0xab: {  	v4 =	vmul.u32 $0x30, v39  }
0xac: {  	v3 =	vand.u32 $0x7, v3  }
0xad: {  	v3 =	vor.u32 v3, v4  }
0xae: {  	v4 =	vperm.xlane v3, v0;
	_ =	sdelay $0x1  }
0xaf: {  	v4 =	vadd.s32 v1, v4;
	_ =	sdelay $0x3  }
0xb0: {  	s20 =	simm.s32 $0x15100;
	v3 =	vperm.xlane v3, v2  }
0xb1: {  	[tilespmem:s20], [sflag:$0x2] =	stream.indirect_vreg.gather [hbm4b:s1+s3], $0x80, v4, vm0, $0xb8;
	[tilespmem:$0x18100] =	vst v63  }
0xb2: {  	s21 =	simm.s32 $0x15900;
	v3 =	vadd.s32 v1, v3  }
0xb3: {  	[tilespmem:s21], [sflag:$0x2] =	stream.indirect_vreg.gather [hbm4b:s4+s3], $0x80, v4, vm0, $0xb8;
	[tilespmem:$0x18100] =	vst v63  }
0xb4: {  	s22 =	simm.s32 $0x16100  }
0xb5: {  	[tilespmem:s22], [sflag:$0x2] =	stream.indirect_vreg.gather [hbm4b:s5+s3], $0x80, v4, vm0, $0xb8;
	[tilespmem:$0x18100] =	vst v63  }
0xb6: {  	s23 =	simm.s32 $0x16900  }
0xb7: {  	[tilespmem:s23], [sflag:$0x2] =	stream.indirect_vreg.gather [hbm4b:s1+s3], $0x80, v3, vm0, $0xb8;
	[tilespmem:$0x18100] =	vst v63  }
0xb8: {  	s24 =	simm.s32 $0x17100  }
0xb9: {  	[tilespmem:s24], [sflag:$0x2] =	stream.indirect_vreg.gather [hbm4b:s4+s3], $0x80, v3, vm0, $0xb8;
	[tilespmem:$0x18100] =	vst v63  }
0xba: {  	s25 =	simm.s32 $0x17900  }
0xbb: {  	[tilespmem:s25], [sflag:$0x2] =	stream.indirect_vreg.gather [hbm4b:s5+s3], $0x80, v3, vm0, $0xb8;
	[tilespmem:$0x18100] =	vst v63  }
0xbc: {  	_ =	swait.ge [sflag:s10], $0xC000  }
0xbd: {  	[sflag:s10] =	ssyncset.done $0x0  }
0xbe: {  	s29 =	rddreg [dreg:$0x5];
	[sflag:s10] =	ssyncadd.s32 $0xFFFF4000  }
0xbf: {  	[hbm4b:s29+s3] =	stream.linear.scatter [tilespmem:s18], [sflag:$0x3], $0xC000, $0x38;
	[tilespmem:$0x18100] =	vst v63  }
0xc0: {  	_ =	swait.ge [sflag:s7], $0xC000  }
0xc1: {  	[sflag:s7] =	ssyncset.done $0x0  }
0xc2: {  	s30 =	rddreg [dreg:$0x6];
	[sflag:s7] =	ssyncadd.s32 $0xFFFF4000  }
0xc3: {  	[tilespmem:s3], [sflag:$0x3] =	stream.linear.gather [hbm4b:s30+s3], $0x40, $0x38;
	[tilespmem:$0x18100] =	vst v63  }
0xc4: {  	_ =	swait.ge [sflag:s7], $0x40  }
0xc5: {  	[sflag:s7] =	ssyncset.done $0x0  }
0xc6: {  	[sflag:s7] =	ssyncadd.s32 $0xFFFFFFC0  }
0xc7: {  	v3 =	vld [tilespmem:$0x0];
	_ =	sdelay $0x4  }
0xc8: {  	v40 =	vshrl.u32 v3, $0x3  }
0xc9: {  	v4 =	vmul.u32 $0x30, v40  }
0xca: {  	v3 =	vand.u32 $0x7, v3  }
0xcb: {  	v3 =	vor.u32 v3, v4  }
0xcc: {  	v4 =	vperm.xlane v3, v0;
	_ =	sdelay $0x1  }
0xcd: {  	v4 =	vadd.s32 v1, v4;
	_ =	sdelay $0x3  }
0xce: {  	v3 =	vperm.xlane v3, v2  }
0xcf: {  	[tilespmem:s18], [sflag:$0x1] =	stream.indirect_vreg.gather [hbm4b:s1+s3], $0x80, v4, vm0, $0xb8;
	[tilespmem:$0x18100] =	vst v63  }
0xd0: {  	s2 =	simm.s32 $0x900;
	v3 =	vadd.s32 v1, v3  }
0xd1: {  	[tilespmem:s2], [sflag:$0x1] =	stream.indirect_vreg.gather [hbm4b:s4+s3], $0x80, v4, vm0, $0xb8;
	[tilespmem:$0x18100] =	vst v63  }
0xd2: {  	s8 =	simm.s32 $0x1100  }
0xd3: {  	[tilespmem:s8], [sflag:$0x1] =	stream.indirect_vreg.gather [hbm4b:s5+s3], $0x80, v4, vm0, $0xb8;
	[tilespmem:$0x18100] =	vst v63  }
0xd4: {  	s20 =	simm.s32 $0x1900  }
0xd5: {  	[tilespmem:s20], [sflag:$0x1] =	stream.indirect_vreg.gather [hbm4b:s1+s3], $0x80, v3, vm0, $0xb8;
	[tilespmem:$0x18100] =	vst v63  }
0xd6: {  	s21 =	simm.s32 $0x2100  }
0xd7: {  	[tilespmem:s21], [sflag:$0x1] =	stream.indirect_vreg.gather [hbm4b:s4+s3], $0x80, v3, vm0, $0xb8;
	[tilespmem:$0x18100] =	vst v63  }
0xd8: {  	s13 =	simm.s32 $0x2900  }
0xd9: {  	[tilespmem:s13], [sflag:$0x1] =	stream.indirect_vreg.gather [hbm4b:s5+s3], $0x80, v3, vm0, $0xb8;
	[tilespmem:$0x18100] =	vst v63  }
0xda: {  	v3 =	vld [tilespmem:$0x10];
	_ =	sdelay $0x4  }
0xdb: {  	v41 =	vshrl.u32 v3, $0x3  }
0xdc: {  	v4 =	vmul.u32 $0x30, v41  }
0xdd: {  	v3 =	vand.u32 $0x7, v3  }
0xde: {  	v3 =	vor.u32 v3, v4  }
0xdf: {  	v4 =	vperm.xlane v3, v0;
	_ =	sdelay $0x1  }
0xe0: {  	v4 =	vadd.s32 v1, v4;
	_ =	sdelay $0x3  }
0xe1: {  	s14 =	simm.s32 $0x3100;
	v3 =	vperm.xlane v3, v2  }
0xe2: {  	[tilespmem:s14], [sflag:$0x1] =	stream.indirect_vreg.gather [hbm4b:s1+s3], $0x80, v4, vm0, $0xb8;
	[tilespmem:$0x18100] =	vst v63  }
0xe3: {  	s22 =	simm.s32 $0x3900;
	v3 =	vadd.s32 v1, v3  }
0xe4: {  	[tilespmem:s22], [sflag:$0x1] =	stream.indirect_vreg.gather [hbm4b:s4+s3], $0x80, v4, vm0, $0xb8;
	[tilespmem:$0x18100] =	vst v63  }
0xe5: {  	s23 =	simm.s32 $0x4100  }
0xe6: {  	[tilespmem:s23], [sflag:$0x1] =	stream.indirect_vreg.gather [hbm4b:s5+s3], $0x80, v4, vm0, $0xb8;
	[tilespmem:$0x18100] =	vst v63  }
0xe7: {  	s24 =	simm.s32 $0x4900  }
0xe8: {  	[tilespmem:s24], [sflag:$0x1] =	stream.indirect_vreg.gather [hbm4b:s1+s3], $0x80, v3, vm0, $0xb8;
	[tilespmem:$0x18100] =	vst v63  }
0xe9: {  	s25 =	simm.s32 $0x5100  }
0xea: {  	[tilespmem:s25], [sflag:$0x1] =	stream.indirect_vreg.gather [hbm4b:s4+s3], $0x80, v3, vm0, $0xb8;
	[tilespmem:$0x18100] =	vst v63  }
0xeb: {  	s26 =	simm.s32 $0x5900  }
0xec: {  	[tilespmem:s26], [sflag:$0x1] =	stream.indirect_vreg.gather [hbm4b:s5+s3], $0x80, v3, vm0, $0xb8;
	[tilespmem:$0x18100] =	vst v63  }
0xed: {  	v3 =	vld [tilespmem:$0x20];
	_ =	sdelay $0x4  }
0xee: {  	v42 =	vshrl.u32 v3, $0x3  }
0xef: {  	v4 =	vmul.u32 $0x30, v42  }
0xf0: {  	v3 =	vand.u32 $0x7, v3  }
0xf1: {  	v3 =	vor.u32 v3, v4  }
0xf2: {  	v4 =	vperm.xlane v3, v0;
	_ =	sdelay $0x1  }
0xf3: {  	v4 =	vadd.s32 v1, v4;
	_ =	sdelay $0x3  }
0xf4: {  	s28 =	simm.s32 $0x6100;
	v3 =	vperm.xlane v3, v2  }
0xf5: {  	[tilespmem:s28], [sflag:$0x1] =	stream.indirect_vreg.gather [hbm4b:s1+s3], $0x80, v4, vm0, $0xb8;
	[tilespmem:$0x18100] =	vst v63  }
0xf6: {  	s26 =	simm.s32 $0x6900;
	v3 =	vadd.s32 v1, v3  }
0xf7: {  	[tilespmem:s26], [sflag:$0x1] =	stream.indirect_vreg.gather [hbm4b:s4+s3], $0x80, v4, vm0, $0xb8;
	[tilespmem:$0x18100] =	vst v63  }
0xf8: {  	s28 =	simm.s32 $0x7100  }
0xf9: {  	[tilespmem:s28], [sflag:$0x1] =	stream.indirect_vreg.gather [hbm4b:s5+s3], $0x80, v4, vm0, $0xb8;
	[tilespmem:$0x18100] =	vst v63  }
0xfa: {  	s29 =	simm.s32 $0x7900  }
0xfb: {  	[tilespmem:s29], [sflag:$0x1] =	stream.indirect_vreg.gather [hbm4b:s1+s3], $0x80, v3, vm0, $0xb8;
	[tilespmem:$0x18100] =	vst v63  }
0xfc: {  	s30 =	simm.s32 $0x8100  }
0xfd: {  	[tilespmem:s30], [sflag:$0x1] =	stream.indirect_vreg.gather [hbm4b:s4+s3], $0x80, v3, vm0, $0xb8;
	[tilespmem:$0x18100] =	vst v63  }
0xfe: {  	s31 =	simm.s32 $0x8900  }
0xff: {  	[tilespmem:s31], [sflag:$0x1] =	stream.indirect_vreg.gather [hbm4b:s5+s3], $0x80, v3, vm0, $0xb8;
	[tilespmem:$0x18100] =	vst v63  }
0x100: {  	v3 =	vld [tilespmem:$0x30];
	_ =	sdelay $0x4  }
0x101: {  	v43 =	vshrl.u32 v3, $0x3  }
0x102: {  	v4 =	vmul.u32 $0x30, v43  }
0x103: {  	v3 =	vand.u32 $0x7, v3  }
0x104: {  	v3 =	vor.u32 v3, v4  }
0x105: {  	v4 =	vperm.xlane v3, v0;
	_ =	sdelay $0x1  }
0x106: {  	v4 =	vadd.s32 v1, v4;
	_ =	sdelay $0x3  }
0x107: {  	s15 =	simm.s32 $0x9100;
	v3 =	vperm.xlane v3, v2  }
0x108: {  	[tilespmem:s15], [sflag:$0x1] =	stream.indirect_vreg.gather [hbm4b:s1+s3], $0x80, v4, vm0, $0xb8;
	[tilespmem:$0x18100] =	vst v63  }
0x109: {  	s31 =	simm.s32 $0x9900;
	v3 =	vadd.s32 v1, v3  }
0x10a: {  	[tilespmem:s31], [sflag:$0x1] =	stream.indirect_vreg.gather [hbm4b:s4+s3], $0x80, v4, vm0, $0xb8;
	[tilespmem:$0x18100] =	vst v63  }
0x10b: {  	s13 =	simm.s32 $0xA100  }
0x10c: {  	[tilespmem:s13], [sflag:$0x1] =	stream.indirect_vreg.gather [hbm4b:s5+s3], $0x80, v4, vm0, $0xb8;
	[tilespmem:$0x18100] =	vst v63  }
0x10d: {  	s14 =	simm.s32 $0xA900  }
0x10e: {  	[tilespmem:s14], [sflag:$0x1] =	stream.indirect_vreg.gather [hbm4b:s1+s3], $0x80, v3, vm0, $0xb8;
	[tilespmem:$0x18100] =	vst v63  }
0x10f: {  	s16 =	simm.s32 $0xB100  }
0x110: {  	[tilespmem:s16], [sflag:$0x1] =	stream.indirect_vreg.gather [hbm4b:s4+s3], $0x80, v3, vm0, $0xb8;
	[tilespmem:$0x18100] =	vst v63  }
0x111: {  	s17 =	simm.s32 $0xB900  }
0x112: {  	[tilespmem:s17], [sflag:$0x1] =	stream.indirect_vreg.gather [hbm4b:s5+s3], $0x80, v3, vm0, $0xb8;
	[tilespmem:$0x18100] =	vst v63  }
0x113: {  	_ =	swait.ge [sflag:s11], $0xC000  }
0x114: {  	[sflag:s11] =	ssyncset.done $0x0  }
0x115: {  	s0 =	rddreg [dreg:$0x7];
	[sflag:s11] =	ssyncadd.s32 $0xFFFF4000  }
0x116: {  	[hbm4b:s0+s3] =	stream.linear.scatter [tilespmem:s9], [sflag:$0x3], $0xC000, $0x38;
	[tilespmem:$0x18100] =	vst v63  }
0x117: {  	_ =	swait.ge [sflag:s7], $0xC000  }
0x118: {  	[sflag:s7] =	ssyncset.done $0x0  }
0x119: {  	s0 =	simm.s32 $0x80;
	s12 =	rddreg [dreg:$0x8];
	[sflag:s7] =	ssyncadd.s32 $0xFFFF4000  }
0x11a: {  	[tilespmem:s0], [sflag:$0x3] =	stream.linear.gather [hbm4b:s12+s3], $0x40, $0x38;
	[tilespmem:$0x18100] =	vst v63  }
0x11b: {  	_ =	swait.ge [sflag:s7], $0x40  }
0x11c: {  	[sflag:s7] =	ssyncset.done $0x0  }
0x11d: {  	[sflag:s7] =	ssyncadd.s32 $0xFFFFFFC0  }
0x11e: {  	v3 =	vld [tilespmem:$0x80];
	_ =	sdelay $0x4  }
0x11f: {  	v44 =	vshrl.u32 v3, $0x3  }
0x120: {  	v4 =	vmul.u32 $0x30, v44  }
0x121: {  	v3 =	vand.u32 $0x7, v3  }
0x122: {  	v3 =	vor.u32 v3, v4  }
0x123: {  	v4 =	vperm.xlane v3, v0;
	_ =	sdelay $0x1  }
0x124: {  	v4 =	vadd.s32 v1, v4;
	_ =	sdelay $0x3  }
0x125: {  	v3 =	vperm.xlane v3, v2  }
0x126: {  	[tilespmem:s9], [sflag:$0x2] =	stream.indirect_vreg.gather [hbm4b:s1+s3], $0x80, v4, vm0, $0xb8;
	[tilespmem:$0x18100] =	vst v63  }
0x127: {  	s12 =	simm.s32 $0xC900;
	v3 =	vadd.s32 v1, v3  }
0x128: {  	[tilespmem:s12], [sflag:$0x2] =	stream.indirect_vreg.gather [hbm4b:s4+s3], $0x80, v4, vm0, $0xb8;
	[tilespmem:$0x18100] =	vst v63  }
0x129: {  	s12 =	simm.s32 $0xD100  }
0x12a: {  	[tilespmem:s12], [sflag:$0x2] =	stream.indirect_vreg.gather [hbm4b:s5+s3], $0x80, v4, vm0, $0xb8;
	[tilespmem:$0x18100] =	vst v63  }
0x12b: {  	s12 =	simm.s32 $0xD900  }
0x12c: {  	[tilespmem:s12], [sflag:$0x2] =	stream.indirect_vreg.gather [hbm4b:s1+s3], $0x80, v3, vm0, $0xb8;
	[tilespmem:$0x18100] =	vst v63  }
0x12d: {  	s12 =	simm.s32 $0xE100  }
0x12e: {  	[tilespmem:s12], [sflag:$0x2] =	stream.indirect_vreg.gather [hbm4b:s4+s3], $0x80, v3, vm0, $0xb8;
	[tilespmem:$0x18100] =	vst v63  }
0x12f: {  	s19 =	simm.s32 $0xE900  }
0x130: {  	[tilespmem:s19], [sflag:$0x2] =	stream.indirect_vreg.gather [hbm4b:s5+s3], $0x80, v3, vm0, $0xb8;
	[tilespmem:$0x18100] =	vst v63  }
0x131: {  	v3 =	vld [tilespmem:$0x90];
	_ =	sdelay $0x4  }
0x132: {  	v45 =	vshrl.u32 v3, $0x3  }
0x133: {  	v4 =	vmul.u32 $0x30, v45  }
0x134: {  	v3 =	vand.u32 $0x7, v3  }
0x135: {  	v3 =	vor.u32 v3, v4  }
0x136: {  	v4 =	vperm.xlane v3, v0;
	_ =	sdelay $0x1  }
0x137: {  	v4 =	vadd.s32 v1, v4;
	_ =	sdelay $0x3  }
0x138: {  	s19 =	simm.s32 $0xF100;
	v3 =	vperm.xlane v3, v2  }
0x139: {  	[tilespmem:s19], [sflag:$0x2] =	stream.indirect_vreg.gather [hbm4b:s1+s3], $0x80, v4, vm0, $0xb8;
	[tilespmem:$0x18100] =	vst v63  }
0x13a: {  	v3 =	vadd.s32 v1, v3;
	s19 =	simm.s32 $0xF900  }
0x13b: {  	[tilespmem:s19], [sflag:$0x2] =	stream.indirect_vreg.gather [hbm4b:s4+s3], $0x80, v4, vm0, $0xb8;
	[tilespmem:$0x18100] =	vst v63  }
0x13c: {  	s19 =	simm.s32 $0x10100  }
0x13d: {  	[tilespmem:s19], [sflag:$0x2] =	stream.indirect_vreg.gather [hbm4b:s5+s3], $0x80, v4, vm0, $0xb8;
	[tilespmem:$0x18100] =	vst v63  }
0x13e: {  	s19 =	simm.s32 $0x10900  }
0x13f: {  	[tilespmem:s19], [sflag:$0x2] =	stream.indirect_vreg.gather [hbm4b:s1+s3], $0x80, v3, vm0, $0xb8;
	[tilespmem:$0x18100] =	vst v63  }
0x140: {  	s19 =	simm.s32 $0x11100  }
0x141: {  	[tilespmem:s19], [sflag:$0x2] =	stream.indirect_vreg.gather [hbm4b:s4+s3], $0x80, v3, vm0, $0xb8;
	[tilespmem:$0x18100] =	vst v63  }
0x142: {  	s19 =	simm.s32 $0x11900  }
0x143: {  	[tilespmem:s19], [sflag:$0x2] =	stream.indirect_vreg.gather [hbm4b:s5+s3], $0x80, v3, vm0, $0xb8;
	[tilespmem:$0x18100] =	vst v63  }
0x144: {  	v3 =	vld [tilespmem:$0xA0];
	_ =	sdelay $0x4  }
0x145: {  	v46 =	vshrl.u32 v3, $0x3  }
0x146: {  	v4 =	vmul.u32 $0x30, v46  }
0x147: {  	v3 =	vand.u32 $0x7, v3  }
0x148: {  	v3 =	vor.u32 v3, v4  }
0x149: {  	v4 =	vperm.xlane v3, v0;
	_ =	sdelay $0x1  }
0x14a: {  	v4 =	vadd.s32 v1, v4;
	_ =	sdelay $0x3  }
0x14b: {  	s19 =	simm.s32 $0x12100;
	v3 =	vperm.xlane v3, v2  }
0x14c: {  	[tilespmem:s19], [sflag:$0x2] =	stream.indirect_vreg.gather [hbm4b:s1+s3], $0x80, v4, vm0, $0xb8;
	[tilespmem:$0x18100] =	vst v63  }
0x14d: {  	v3 =	vadd.s32 v1, v3;
	s19 =	simm.s32 $0x12900  }
0x14e: {  	[tilespmem:s19], [sflag:$0x2] =	stream.indirect_vreg.gather [hbm4b:s4+s3], $0x80, v4, vm0, $0xb8;
	[tilespmem:$0x18100] =	vst v63  }
0x14f: {  	s19 =	simm.s32 $0x13100  }
0x150: {  	[tilespmem:s19], [sflag:$0x2] =	stream.indirect_vreg.gather [hbm4b:s5+s3], $0x80, v4, vm0, $0xb8;
	[tilespmem:$0x18100] =	vst v63  }
0x151: {  	s19 =	simm.s32 $0x13900  }
0x152: {  	[tilespmem:s19], [sflag:$0x2] =	stream.indirect_vreg.gather [hbm4b:s1+s3], $0x80, v3, vm0, $0xb8;
	[tilespmem:$0x18100] =	vst v63  }
0x153: {  	s19 =	simm.s32 $0x14100  }
0x154: {  	[tilespmem:s19], [sflag:$0x2] =	stream.indirect_vreg.gather [hbm4b:s4+s3], $0x80, v3, vm0, $0xb8;
	[tilespmem:$0x18100] =	vst v63  }
0x155: {  	s19 =	simm.s32 $0x14900  }
0x156: {  	[tilespmem:s19], [sflag:$0x2] =	stream.indirect_vreg.gather [hbm4b:s5+s3], $0x80, v3, vm0, $0xb8;
	[tilespmem:$0x18100] =	vst v63  }
0x157: {  	v3 =	vld [tilespmem:$0xB0];
	_ =	sdelay $0x4  }
0x158: {  	v47 =	vshrl.u32 v3, $0x3  }
0x159: {  	v4 =	vmul.u32 $0x30, v47  }
0x15a: {  	v3 =	vand.u32 $0x7, v3  }
0x15b: {  	v3 =	vor.u32 v3, v4  }
0x15c: {  	v4 =	vperm.xlane v3, v0;
	_ =	sdelay $0x1  }
0x15d: {  	v4 =	vadd.s32 v1, v4;
	_ =	sdelay $0x3  }
0x15e: {  	s19 =	simm.s32 $0x15100;
	v3 =	vperm.xlane v3, v2  }
0x15f: {  	[tilespmem:s19], [sflag:$0x2] =	stream.indirect_vreg.gather [hbm4b:s1+s3], $0x80, v4, vm0, $0xb8;
	[tilespmem:$0x18100] =	vst v63  }
0x160: {  	v3 =	vadd.s32 v1, v3;
	s19 =	simm.s32 $0x15900  }
0x161: {  	[tilespmem:s19], [sflag:$0x2] =	stream.indirect_vreg.gather [hbm4b:s4+s3], $0x80, v4, vm0, $0xb8;
	[tilespmem:$0x18100] =	vst v63  }
0x162: {  	s19 =	simm.s32 $0x16100  }
0x163: {  	[tilespmem:s19], [sflag:$0x2] =	stream.indirect_vreg.gather [hbm4b:s5+s3], $0x80, v4, vm0, $0xb8;
	[tilespmem:$0x18100] =	vst v63  }
0x164: {  	s19 =	simm.s32 $0x16900  }
0x165: {  	[tilespmem:s19], [sflag:$0x2] =	stream.indirect_vreg.gather [hbm4b:s1+s3], $0x80, v3, vm0, $0xb8;
	[tilespmem:$0x18100] =	vst v63  }
0x166: {  	s19 =	simm.s32 $0x17100  }
0x167: {  	[tilespmem:s19], [sflag:$0x2] =	stream.indirect_vreg.gather [hbm4b:s4+s3], $0x80, v3, vm0, $0xb8;
	[tilespmem:$0x18100] =	vst v63  }
0x168: {  	s19 =	simm.s32 $0x17900  }
0x169: {  	[tilespmem:s19], [sflag:$0x2] =	stream.indirect_vreg.gather [hbm4b:s5+s3], $0x80, v3, vm0, $0xb8;
	[tilespmem:$0x18100] =	vst v63  }
0x16a: {  	_ =	swait.ge [sflag:s10], $0xC000  }
0x16b: {  	[sflag:s10] =	ssyncset.done $0x0  }
0x16c: {  	s19 =	rddreg [dreg:$0x9];
	[sflag:s10] =	ssyncadd.s32 $0xFFFF4000  }
0x16d: {  	[hbm4b:s19+s3] =	stream.linear.scatter [tilespmem:s18], [sflag:$0x3], $0xC000, $0x38;
	[tilespmem:$0x18100] =	vst v63  }
0x16e: {  	_ =	swait.ge [sflag:s7], $0xC000  }
0x16f: {  	[sflag:s7] =	ssyncset.done $0x0  }
0x170: {  	s19 =	rddreg [dreg:$0xa];
	[sflag:s7] =	ssyncadd.s32 $0xFFFF4000  }
0x171: {  	[tilespmem:s3], [sflag:$0x3] =	stream.linear.gather [hbm4b:s19+s3], $0x40, $0x38;
	[tilespmem:$0x18100] =	vst v63  }
0x172: {  	_ =	swait.ge [sflag:s7], $0x40  }
0x173: {  	[sflag:s7] =	ssyncset.done $0x0  }
0x174: {  	[sflag:s7] =	ssyncadd.s32 $0xFFFFFFC0  }
0x175: {  	v3 =	vld [tilespmem:$0x0];
	_ =	sdelay $0x4  }
0x176: {  	v48 =	vshrl.u32 v3, $0x3  }
0x177: {  	v4 =	vmul.u32 $0x30, v48  }
0x178: {  	v3 =	vand.u32 $0x7, v3  }
0x179: {  	v3 =	vor.u32 v3, v4  }
0x17a: {  	v4 =	vperm.xlane v3, v0;
	_ =	sdelay $0x1  }
0x17b: {  	v4 =	vadd.s32 v1, v4;
	_ =	sdelay $0x3  }
0x17c: {  	v3 =	vperm.xlane v3, v2  }
0x17d: {  	[tilespmem:s18], [sflag:$0x1] =	stream.indirect_vreg.gather [hbm4b:s1+s3], $0x80, v4, vm0, $0xb8;
	[tilespmem:$0x18100] =	vst v63  }
0x17e: {  	v3 =	vadd.s32 v1, v3  }
0x17f: {  	[tilespmem:s2], [sflag:$0x1] =	stream.indirect_vreg.gather [hbm4b:s4+s3], $0x80, v4, vm0, $0xb8;
	[tilespmem:$0x18100] =	vst v63  }
0x180: {  	_ = 	snop  }
0x181: {  	[tilespmem:s8], [sflag:$0x1] =	stream.indirect_vreg.gather [hbm4b:s5+s3], $0x80, v4, vm0, $0xb8;
	[tilespmem:$0x18100] =	vst v63  }
0x182: {  	_ = 	snop  }
0x183: {  	[tilespmem:s20], [sflag:$0x1] =	stream.indirect_vreg.gather [hbm4b:s1+s3], $0x80, v3, vm0, $0xb8;
	[tilespmem:$0x18100] =	vst v63  }
0x184: {  	_ = 	snop  }
0x185: {  	[tilespmem:s21], [sflag:$0x1] =	stream.indirect_vreg.gather [hbm4b:s4+s3], $0x80, v3, vm0, $0xb8;
	[tilespmem:$0x18100] =	vst v63  }
0x186: {  	s21 =	simm.s32 $0x2900  }
0x187: {  	[tilespmem:s21], [sflag:$0x1] =	stream.indirect_vreg.gather [hbm4b:s5+s3], $0x80, v3, vm0, $0xb8;
	[tilespmem:$0x18100] =	vst v63  }
0x188: {  	v3 =	vld [tilespmem:$0x10];
	_ =	sdelay $0x4  }
0x189: {  	v49 =	vshrl.u32 v3, $0x3  }
0x18a: {  	v4 =	vmul.u32 $0x30, v49  }
0x18b: {  	v3 =	vand.u32 $0x7, v3  }
0x18c: {  	v3 =	vor.u32 v3, v4  }
0x18d: {  	v4 =	vperm.xlane v3, v0;
	_ =	sdelay $0x1  }
0x18e: {  	v4 =	vadd.s32 v1, v4;
	_ =	sdelay $0x3  }
0x18f: {  	s21 =	simm.s32 $0x3100;
	v3 =	vperm.xlane v3, v2  }
0x190: {  	[tilespmem:s21], [sflag:$0x1] =	stream.indirect_vreg.gather [hbm4b:s1+s3], $0x80, v4, vm0, $0xb8;
	[tilespmem:$0x18100] =	vst v63  }
0x191: {  	v3 =	vadd.s32 v1, v3  }
0x192: {  	[tilespmem:s22], [sflag:$0x1] =	stream.indirect_vreg.gather [hbm4b:s4+s3], $0x80, v4, vm0, $0xb8;
	[tilespmem:$0x18100] =	vst v63  }
0x193: {  	_ = 	snop  }
0x194: {  	[tilespmem:s23], [sflag:$0x1] =	stream.indirect_vreg.gather [hbm4b:s5+s3], $0x80, v4, vm0, $0xb8;
	[tilespmem:$0x18100] =	vst v63  }
0x195: {  	_ = 	snop  }
0x196: {  	[tilespmem:s24], [sflag:$0x1] =	stream.indirect_vreg.gather [hbm4b:s1+s3], $0x80, v3, vm0, $0xb8;
	[tilespmem:$0x18100] =	vst v63  }
0x197: {  	_ = 	snop  }
0x198: {  	[tilespmem:s25], [sflag:$0x1] =	stream.indirect_vreg.gather [hbm4b:s4+s3], $0x80, v3, vm0, $0xb8;
	[tilespmem:$0x18100] =	vst v63  }
0x199: {  	s25 =	simm.s32 $0x5900  }
0x19a: {  	[tilespmem:s25], [sflag:$0x1] =	stream.indirect_vreg.gather [hbm4b:s5+s3], $0x80, v3, vm0, $0xb8;
	[tilespmem:$0x18100] =	vst v63  }
0x19b: {  	v3 =	vld [tilespmem:$0x20];
	_ =	sdelay $0x4  }
0x19c: {  	v50 =	vshrl.u32 v3, $0x3  }
0x19d: {  	v4 =	vmul.u32 $0x30, v50  }
0x19e: {  	v3 =	vand.u32 $0x7, v3  }
0x19f: {  	v3 =	vor.u32 v3, v4  }
0x1a0: {  	v4 =	vperm.xlane v3, v0;
	_ =	sdelay $0x1  }
0x1a1: {  	v4 =	vadd.s32 v1, v4;
	_ =	sdelay $0x3  }
0x1a2: {  	s25 =	simm.s32 $0x6100;
	v3 =	vperm.xlane v3, v2  }
0x1a3: {  	[tilespmem:s25], [sflag:$0x1] =	stream.indirect_vreg.gather [hbm4b:s1+s3], $0x80, v4, vm0, $0xb8;
	[tilespmem:$0x18100] =	vst v63  }
0x1a4: {  	v3 =	vadd.s32 v1, v3  }
0x1a5: {  	[tilespmem:s26], [sflag:$0x1] =	stream.indirect_vreg.gather [hbm4b:s4+s3], $0x80, v4, vm0, $0xb8;
	[tilespmem:$0x18100] =	vst v63  }
0x1a6: {  	_ = 	snop  }
0x1a7: {  	[tilespmem:s28], [sflag:$0x1] =	stream.indirect_vreg.gather [hbm4b:s5+s3], $0x80, v4, vm0, $0xb8;
	[tilespmem:$0x18100] =	vst v63  }
0x1a8: {  	_ = 	snop  }
0x1a9: {  	[tilespmem:s29], [sflag:$0x1] =	stream.indirect_vreg.gather [hbm4b:s1+s3], $0x80, v3, vm0, $0xb8;
	[tilespmem:$0x18100] =	vst v63  }
0x1aa: {  	_ = 	snop  }
0x1ab: {  	[tilespmem:s30], [sflag:$0x1] =	stream.indirect_vreg.gather [hbm4b:s4+s3], $0x80, v3, vm0, $0xb8;
	[tilespmem:$0x18100] =	vst v63  }
0x1ac: {  	s30 =	simm.s32 $0x8900  }
0x1ad: {  	[tilespmem:s30], [sflag:$0x1] =	stream.indirect_vreg.gather [hbm4b:s5+s3], $0x80, v3, vm0, $0xb8;
	[tilespmem:$0x18100] =	vst v63  }
0x1ae: {  	v3 =	vld [tilespmem:$0x30];
	_ =	sdelay $0x4  }
0x1af: {  	v51 =	vshrl.u32 v3, $0x3  }
0x1b0: {  	v4 =	vmul.u32 $0x30, v51  }
0x1b1: {  	v3 =	vand.u32 $0x7, v3  }
0x1b2: {  	v3 =	vor.u32 v3, v4  }
0x1b3: {  	v4 =	vperm.xlane v3, v0;
	_ =	sdelay $0x1  }
0x1b4: {  	v4 =	vadd.s32 v1, v4;
	_ =	sdelay $0x3  }
0x1b5: {  	v3 =	vperm.xlane v3, v2  }
0x1b6: {  	[tilespmem:s15], [sflag:$0x1] =	stream.indirect_vreg.gather [hbm4b:s1+s3], $0x80, v4, vm0, $0xb8;
	[tilespmem:$0x18100] =	vst v63  }
0x1b7: {  	v3 =	vadd.s32 v1, v3  }
0x1b8: {  	[tilespmem:s31], [sflag:$0x1] =	stream.indirect_vreg.gather [hbm4b:s4+s3], $0x80, v4, vm0, $0xb8;
	[tilespmem:$0x18100] =	vst v63  }
0x1b9: {  	_ = 	snop  }
0x1ba: {  	[tilespmem:s13], [sflag:$0x1] =	stream.indirect_vreg.gather [hbm4b:s5+s3], $0x80, v4, vm0, $0xb8;
	[tilespmem:$0x18100] =	vst v63  }
0x1bb: {  	_ = 	snop  }
0x1bc: {  	[tilespmem:s14], [sflag:$0x1] =	stream.indirect_vreg.gather [hbm4b:s1+s3], $0x80, v3, vm0, $0xb8;
	[tilespmem:$0x18100] =	vst v63  }
0x1bd: {  	_ = 	snop  }
0x1be: {  	[tilespmem:s16], [sflag:$0x1] =	stream.indirect_vreg.gather [hbm4b:s4+s3], $0x80, v3, vm0, $0xb8;
	[tilespmem:$0x18100] =	vst v63  }
0x1bf: {  	_ = 	snop  }
0x1c0: {  	[tilespmem:s17], [sflag:$0x1] =	stream.indirect_vreg.gather [hbm4b:s5+s3], $0x80, v3, vm0, $0xb8;
	[tilespmem:$0x18100] =	vst v63  }
0x1c1: {  	_ =	swait.ge [sflag:s11], $0xC000  }
0x1c2: {  	[sflag:s11] =	ssyncset.done $0x0  }
0x1c3: {  	s31 =	rddreg [dreg:$0xb];
	[sflag:s11] =	ssyncadd.s32 $0xFFFF4000  }
0x1c4: {  	[hbm4b:s31+s3] =	stream.linear.scatter [tilespmem:s9], [sflag:$0x3], $0xC000, $0x38;
	[tilespmem:$0x18100] =	vst v63  }
0x1c5: {  	_ =	swait.ge [sflag:s7], $0xC000  }
0x1c6: {  	[sflag:s7] =	ssyncset.done $0x0  }
0x1c7: {  	s31 =	rddreg [dreg:$0xc];
	[sflag:s7] =	ssyncadd.s32 $0xFFFF4000  }
0x1c8: {  	[tilespmem:s0], [sflag:$0x3] =	stream.linear.gather [hbm4b:s31+s3], $0x40, $0x38;
	[tilespmem:$0x18100] =	vst v63  }
0x1c9: {  	_ =	swait.ge [sflag:s7], $0x40  }
0x1ca: {  	[sflag:s7] =	ssyncset.done $0x0  }
0x1cb: {  	[sflag:s7] =	ssyncadd.s32 $0xFFFFFFC0  }
0x1cc: {  	v3 =	vld [tilespmem:$0x80];
	_ =	sdelay $0x4  }
0x1cd: {  	v52 =	vshrl.u32 v3, $0x3  }
0x1ce: {  	v4 =	vmul.u32 $0x30, v52  }
0x1cf: {  	v3 =	vand.u32 $0x7, v3  }
0x1d0: {  	v3 =	vor.u32 v3, v4  }
0x1d1: {  	v4 =	vperm.xlane v3, v0;
	_ =	sdelay $0x1  }
0x1d2: {  	v4 =	vadd.s32 v1, v4;
	_ =	sdelay $0x3  }
0x1d3: {  	v3 =	vperm.xlane v3, v2  }
0x1d4: {  	[tilespmem:s9], [sflag:$0x2] =	stream.indirect_vreg.gather [hbm4b:s1+s3], $0x80, v4, vm0, $0xb8;
	[tilespmem:$0x18100] =	vst v63  }
0x1d5: {  	s31 =	simm.s32 $0xC900;
	v3 =	vadd.s32 v1, v3  }
0x1d6: {  	[tilespmem:s31], [sflag:$0x2] =	stream.indirect_vreg.gather [hbm4b:s4+s3], $0x80, v4, vm0, $0xb8;
	[tilespmem:$0x18100] =	vst v63  }
0x1d7: {  	s31 =	simm.s32 $0xD100  }
0x1d8: {  	[tilespmem:s31], [sflag:$0x2] =	stream.indirect_vreg.gather [hbm4b:s5+s3], $0x80, v4, vm0, $0xb8;
	[tilespmem:$0x18100] =	vst v63  }
0x1d9: {  	s12 =	simm.s32 $0xD900  }
0x1da: {  	[tilespmem:s12], [sflag:$0x2] =	stream.indirect_vreg.gather [hbm4b:s1+s3], $0x80, v3, vm0, $0xb8;
	[tilespmem:$0x18100] =	vst v63  }
0x1db: {  	s12 =	simm.s32 $0xE100  }
0x1dc: {  	[tilespmem:s12], [sflag:$0x2] =	stream.indirect_vreg.gather [hbm4b:s4+s3], $0x80, v3, vm0, $0xb8;
	[tilespmem:$0x18100] =	vst v63  }
0x1dd: {  	s12 =	simm.s32 $0xE900  }
0x1de: {  	[tilespmem:s12], [sflag:$0x2] =	stream.indirect_vreg.gather [hbm4b:s5+s3], $0x80, v3, vm0, $0xb8;
	[tilespmem:$0x18100] =	vst v63  }
0x1df: {  	v3 =	vld [tilespmem:$0x90];
	_ =	sdelay $0x4  }
0x1e0: {  	v53 =	vshrl.u32 v3, $0x3  }
0x1e1: {  	v4 =	vmul.u32 $0x30, v53  }
0x1e2: {  	v3 =	vand.u32 $0x7, v3  }
0x1e3: {  	v3 =	vor.u32 v3, v4  }
0x1e4: {  	v4 =	vperm.xlane v3, v0;
	_ =	sdelay $0x1  }
0x1e5: {  	v4 =	vadd.s32 v1, v4;
	_ =	sdelay $0x3  }
0x1e6: {  	s12 =	simm.s32 $0xF100;
	v3 =	vperm.xlane v3, v2  }
0x1e7: {  	[tilespmem:s12], [sflag:$0x2] =	stream.indirect_vreg.gather [hbm4b:s1+s3], $0x80, v4, vm0, $0xb8;
	[tilespmem:$0x18100] =	vst v63  }
0x1e8: {  	v3 =	vadd.s32 v1, v3;
	s12 =	simm.s32 $0xF900  }
0x1e9: {  	[tilespmem:s12], [sflag:$0x2] =	stream.indirect_vreg.gather [hbm4b:s4+s3], $0x80, v4, vm0, $0xb8;
	[tilespmem:$0x18100] =	vst v63  }
0x1ea: {  	s12 =	simm.s32 $0x10100  }
0x1eb: {  	[tilespmem:s12], [sflag:$0x2] =	stream.indirect_vreg.gather [hbm4b:s5+s3], $0x80, v4, vm0, $0xb8;
	[tilespmem:$0x18100] =	vst v63  }
0x1ec: {  	s12 =	simm.s32 $0x10900  }
0x1ed: {  	[tilespmem:s12], [sflag:$0x2] =	stream.indirect_vreg.gather [hbm4b:s1+s3], $0x80, v3, vm0, $0xb8;
	[tilespmem:$0x18100] =	vst v63  }
0x1ee: {  	s12 =	simm.s32 $0x11100  }
0x1ef: {  	[tilespmem:s12], [sflag:$0x2] =	stream.indirect_vreg.gather [hbm4b:s4+s3], $0x80, v3, vm0, $0xb8;
	[tilespmem:$0x18100] =	vst v63  }
0x1f0: {  	s12 =	simm.s32 $0x11900  }
0x1f1: {  	[tilespmem:s12], [sflag:$0x2] =	stream.indirect_vreg.gather [hbm4b:s5+s3], $0x80, v3, vm0, $0xb8;
	[tilespmem:$0x18100] =	vst v63  }
0x1f2: {  	v3 =	vld [tilespmem:$0xA0];
	_ =	sdelay $0x4  }
0x1f3: {  	v54 =	vshrl.u32 v3, $0x3  }
0x1f4: {  	v4 =	vmul.u32 $0x30, v54  }
0x1f5: {  	v3 =	vand.u32 $0x7, v3  }
0x1f6: {  	v3 =	vor.u32 v3, v4  }
0x1f7: {  	v4 =	vperm.xlane v3, v0;
	_ =	sdelay $0x1  }
0x1f8: {  	v4 =	vadd.s32 v1, v4;
	_ =	sdelay $0x3  }
0x1f9: {  	s12 =	simm.s32 $0x12100;
	v3 =	vperm.xlane v3, v2  }
0x1fa: {  	[tilespmem:s12], [sflag:$0x2] =	stream.indirect_vreg.gather [hbm4b:s1+s3], $0x80, v4, vm0, $0xb8;
	[tilespmem:$0x18100] =	vst v63  }
0x1fb: {  	v3 =	vadd.s32 v1, v3;
	s12 =	simm.s32 $0x12900  }
0x1fc: {  	[tilespmem:s12], [sflag:$0x2] =	stream.indirect_vreg.gather [hbm4b:s4+s3], $0x80, v4, vm0, $0xb8;
	[tilespmem:$0x18100] =	vst v63  }
0x1fd: {  	s12 =	simm.s32 $0x13100  }
0x1fe: {  	[tilespmem:s12], [sflag:$0x2] =	stream.indirect_vreg.gather [hbm4b:s5+s3], $0x80, v4, vm0, $0xb8;
	[tilespmem:$0x18100] =	vst v63  }
0x1ff: {  	s12 =	simm.s32 $0x13900  }
0x200: {  	[tilespmem:s12], [sflag:$0x2] =	stream.indirect_vreg.gather [hbm4b:s1+s3], $0x80, v3, vm0, $0xb8;
	[tilespmem:$0x18100] =	vst v63  }
0x201: {  	s12 =	simm.s32 $0x14100  }
0x202: {  	[tilespmem:s12], [sflag:$0x2] =	stream.indirect_vreg.gather [hbm4b:s4+s3], $0x80, v3, vm0, $0xb8;
	[tilespmem:$0x18100] =	vst v63  }
0x203: {  	s12 =	simm.s32 $0x14900  }
0x204: {  	[tilespmem:s12], [sflag:$0x2] =	stream.indirect_vreg.gather [hbm4b:s5+s3], $0x80, v3, vm0, $0xb8;
	[tilespmem:$0x18100] =	vst v63  }
0x205: {  	v3 =	vld [tilespmem:$0xB0];
	_ =	sdelay $0x4  }
0x206: {  	v55 =	vshrl.u32 v3, $0x3  }
0x207: {  	v4 =	vmul.u32 $0x30, v55  }
0x208: {  	v3 =	vand.u32 $0x7, v3  }
0x209: {  	v3 =	vor.u32 v3, v4  }
0x20a: {  	v4 =	vperm.xlane v3, v0;
	_ =	sdelay $0x1  }
0x20b: {  	v4 =	vadd.s32 v1, v4;
	_ =	sdelay $0x3  }
0x20c: {  	s12 =	simm.s32 $0x15100;
	v3 =	vperm.xlane v3, v2  }
0x20d: {  	[tilespmem:s12], [sflag:$0x2] =	stream.indirect_vreg.gather [hbm4b:s1+s3], $0x80, v4, vm0, $0xb8;
	[tilespmem:$0x18100] =	vst v63  }
0x20e: {  	v3 =	vadd.s32 v1, v3;
	s12 =	simm.s32 $0x15900  }
0x20f: {  	[tilespmem:s12], [sflag:$0x2] =	stream.indirect_vreg.gather [hbm4b:s4+s3], $0x80, v4, vm0, $0xb8;
	[tilespmem:$0x18100] =	vst v63  }
0x210: {  	s12 =	simm.s32 $0x16100  }
0x211: {  	[tilespmem:s12], [sflag:$0x2] =	stream.indirect_vreg.gather [hbm4b:s5+s3], $0x80, v4, vm0, $0xb8;
	[tilespmem:$0x18100] =	vst v63  }
0x212: {  	s12 =	simm.s32 $0x16900  }
0x213: {  	[tilespmem:s12], [sflag:$0x2] =	stream.indirect_vreg.gather [hbm4b:s1+s3], $0x80, v3, vm0, $0xb8;
	[tilespmem:$0x18100] =	vst v63  }
0x214: {  	s12 =	simm.s32 $0x17100  }
0x215: {  	[tilespmem:s12], [sflag:$0x2] =	stream.indirect_vreg.gather [hbm4b:s4+s3], $0x80, v3, vm0, $0xb8;
	[tilespmem:$0x18100] =	vst v63  }
0x216: {  	s12 =	simm.s32 $0x17900  }
0x217: {  	[tilespmem:s12], [sflag:$0x2] =	stream.indirect_vreg.gather [hbm4b:s5+s3], $0x80, v3, vm0, $0xb8;
	[tilespmem:$0x18100] =	vst v63  }
0x218: {  	_ =	swait.ge [sflag:s10], $0xC000  }
0x219: {  	[sflag:s10] =	ssyncset.done $0x0  }
0x21a: {  	s12 =	rddreg [dreg:$0xd];
	[sflag:s10] =	ssyncadd.s32 $0xFFFF4000  }
0x21b: {  	[hbm4b:s12+s3] =	stream.linear.scatter [tilespmem:s18], [sflag:$0x3], $0xC000, $0x38;
	[tilespmem:$0x18100] =	vst v63  }
0x21c: {  	_ =	swait.ge [sflag:s7], $0xC000  }
0x21d: {  	[sflag:s7] =	ssyncset.done $0x0  }
0x21e: {  	s12 =	rddreg [dreg:$0xe];
	[sflag:s7] =	ssyncadd.s32 $0xFFFF4000  }
0x21f: {  	[tilespmem:s3], [sflag:$0x3] =	stream.linear.gather [hbm4b:s12+s3], $0x40, $0x38;
	[tilespmem:$0x18100] =	vst v63  }
0x220: {  	_ =	swait.ge [sflag:s7], $0x40  }
0x221: {  	[sflag:s7] =	ssyncset.done $0x0  }
0x222: {  	[sflag:s7] =	ssyncadd.s32 $0xFFFFFFC0  }
0x223: {  	v3 =	vld [tilespmem:$0x0];
	_ =	sdelay $0x4  }
0x224: {  	v56 =	vshrl.u32 v3, $0x3  }
0x225: {  	v4 =	vmul.u32 $0x30, v56  }
0x226: {  	v3 =	vand.u32 $0x7, v3  }
0x227: {  	v3 =	vor.u32 v3, v4  }
0x228: {  	v4 =	vperm.xlane v3, v0;
	_ =	sdelay $0x1  }
0x229: {  	v4 =	vadd.s32 v1, v4;
	_ =	sdelay $0x3  }
0x22a: {  	v3 =	vperm.xlane v3, v2  }
0x22b: {  	[tilespmem:s18], [sflag:$0x1] =	stream.indirect_vreg.gather [hbm4b:s1+s3], $0x80, v4, vm0, $0xb8;
	[tilespmem:$0x18100] =	vst v63  }
0x22c: {  	s2 =	simm.s32 $0x900;
	v3 =	vadd.s32 v1, v3  }
0x22d: {  	[tilespmem:s2], [sflag:$0x1] =	stream.indirect_vreg.gather [hbm4b:s4+s3], $0x80, v4, vm0, $0xb8;
	[tilespmem:$0x18100] =	vst v63  }
0x22e: {  	s8 =	simm.s32 $0x1100  }
0x22f: {  	[tilespmem:s8], [sflag:$0x1] =	stream.indirect_vreg.gather [hbm4b:s5+s3], $0x80, v4, vm0, $0xb8;
	[tilespmem:$0x18100] =	vst v63  }
0x230: {  	s19 =	simm.s32 $0x1900  }
0x231: {  	[tilespmem:s19], [sflag:$0x1] =	stream.indirect_vreg.gather [hbm4b:s1+s3], $0x80, v3, vm0, $0xb8;
	[tilespmem:$0x18100] =	vst v63  }
0x232: {  	s20 =	simm.s32 $0x2100  }
0x233: {  	[tilespmem:s20], [sflag:$0x1] =	stream.indirect_vreg.gather [hbm4b:s4+s3], $0x80, v3, vm0, $0xb8;
	[tilespmem:$0x18100] =	vst v63  }
0x234: {  	s19 =	simm.s32 $0x2900  }
0x235: {  	[tilespmem:s19], [sflag:$0x1] =	stream.indirect_vreg.gather [hbm4b:s5+s3], $0x80, v3, vm0, $0xb8;
	[tilespmem:$0x18100] =	vst v63  }
0x236: {  	v3 =	vld [tilespmem:$0x10];
	_ =	sdelay $0x4  }
0x237: {  	v57 =	vshrl.u32 v3, $0x3  }
0x238: {  	v4 =	vmul.u32 $0x30, v57  }
0x239: {  	v3 =	vand.u32 $0x7, v3  }
0x23a: {  	v3 =	vor.u32 v3, v4  }
0x23b: {  	v4 =	vperm.xlane v3, v0;
	_ =	sdelay $0x1  }
0x23c: {  	v4 =	vadd.s32 v1, v4;
	_ =	sdelay $0x3  }
0x23d: {  	s20 =	simm.s32 $0x3100;
	v3 =	vperm.xlane v3, v2  }
0x23e: {  	[tilespmem:s20], [sflag:$0x1] =	stream.indirect_vreg.gather [hbm4b:s1+s3], $0x80, v4, vm0, $0xb8;
	[tilespmem:$0x18100] =	vst v63  }
0x23f: {  	s21 =	simm.s32 $0x3900;
	v3 =	vadd.s32 v1, v3  }
0x240: {  	[tilespmem:s21], [sflag:$0x1] =	stream.indirect_vreg.gather [hbm4b:s4+s3], $0x80, v4, vm0, $0xb8;
	[tilespmem:$0x18100] =	vst v63  }
0x241: {  	s22 =	simm.s32 $0x4100  }
0x242: {  	[tilespmem:s22], [sflag:$0x1] =	stream.indirect_vreg.gather [hbm4b:s5+s3], $0x80, v4, vm0, $0xb8;
	[tilespmem:$0x18100] =	vst v63  }
0x243: {  	s23 =	simm.s32 $0x4900  }
0x244: {  	[tilespmem:s23], [sflag:$0x1] =	stream.indirect_vreg.gather [hbm4b:s1+s3], $0x80, v3, vm0, $0xb8;
	[tilespmem:$0x18100] =	vst v63  }
0x245: {  	s24 =	simm.s32 $0x5100  }
0x246: {  	[tilespmem:s24], [sflag:$0x1] =	stream.indirect_vreg.gather [hbm4b:s4+s3], $0x80, v3, vm0, $0xb8;
	[tilespmem:$0x18100] =	vst v63  }
0x247: {  	s22 =	simm.s32 $0x5900  }
0x248: {  	[tilespmem:s22], [sflag:$0x1] =	stream.indirect_vreg.gather [hbm4b:s5+s3], $0x80, v3, vm0, $0xb8;
	[tilespmem:$0x18100] =	vst v63  }
0x249: {  	v3 =	vld [tilespmem:$0x20];
	_ =	sdelay $0x4  }
0x24a: {  	v58 =	vshrl.u32 v3, $0x3  }
0x24b: {  	v4 =	vmul.u32 $0x30, v58  }
0x24c: {  	v3 =	vand.u32 $0x7, v3  }
0x24d: {  	v3 =	vor.u32 v3, v4  }
0x24e: {  	v4 =	vperm.xlane v3, v0;
	_ =	sdelay $0x1  }
0x24f: {  	v4 =	vadd.s32 v1, v4;
	_ =	sdelay $0x3  }
0x250: {  	s23 =	simm.s32 $0x6100;
	v3 =	vperm.xlane v3, v2  }
0x251: {  	[tilespmem:s23], [sflag:$0x1] =	stream.indirect_vreg.gather [hbm4b:s1+s3], $0x80, v4, vm0, $0xb8;
	[tilespmem:$0x18100] =	vst v63  }
0x252: {  	s25 =	simm.s32 $0x6900;
	v3 =	vadd.s32 v1, v3  }
0x253: {  	[tilespmem:s25], [sflag:$0x1] =	stream.indirect_vreg.gather [hbm4b:s4+s3], $0x80, v4, vm0, $0xb8;
	[tilespmem:$0x18100] =	vst v63  }
0x254: {  	s26 =	simm.s32 $0x7100  }
0x255: {  	[tilespmem:s26], [sflag:$0x1] =	stream.indirect_vreg.gather [hbm4b:s5+s3], $0x80, v4, vm0, $0xb8;
	[tilespmem:$0x18100] =	vst v63  }
0x256: {  	s28 =	simm.s32 $0x7900  }
0x257: {  	[tilespmem:s28], [sflag:$0x1] =	stream.indirect_vreg.gather [hbm4b:s1+s3], $0x80, v3, vm0, $0xb8;
	[tilespmem:$0x18100] =	vst v63  }
0x258: {  	s29 =	simm.s32 $0x8100  }
0x259: {  	[tilespmem:s29], [sflag:$0x1] =	stream.indirect_vreg.gather [hbm4b:s4+s3], $0x80, v3, vm0, $0xb8;
	[tilespmem:$0x18100] =	vst v63  }
0x25a: {  	s24 =	simm.s32 $0x8900  }
0x25b: {  	[tilespmem:s24], [sflag:$0x1] =	stream.indirect_vreg.gather [hbm4b:s5+s3], $0x80, v3, vm0, $0xb8;
	[tilespmem:$0x18100] =	vst v63  }
0x25c: {  	v3 =	vld [tilespmem:$0x30];
	_ =	sdelay $0x4  }
0x25d: {  	v59 =	vshrl.u32 v3, $0x3  }
0x25e: {  	v4 =	vmul.u32 $0x30, v59  }
0x25f: {  	v3 =	vand.u32 $0x7, v3  }
0x260: {  	v3 =	vor.u32 v3, v4  }
0x261: {  	v4 =	vperm.xlane v3, v0;
	_ =	sdelay $0x1  }
0x262: {  	v4 =	vadd.s32 v1, v4;
	_ =	sdelay $0x3  }
0x263: {  	s15 =	simm.s32 $0x9100;
	v3 =	vperm.xlane v3, v2  }
0x264: {  	[tilespmem:s15], [sflag:$0x1] =	stream.indirect_vreg.gather [hbm4b:s1+s3], $0x80, v4, vm0, $0xb8;
	[tilespmem:$0x18100] =	vst v63  }
0x265: {  	s30 =	simm.s32 $0x9900;
	v3 =	vadd.s32 v1, v3  }
0x266: {  	[tilespmem:s30], [sflag:$0x1] =	stream.indirect_vreg.gather [hbm4b:s4+s3], $0x80, v4, vm0, $0xb8;
	[tilespmem:$0x18100] =	vst v63  }
0x267: {  	s13 =	simm.s32 $0xA100  }
0x268: {  	[tilespmem:s13], [sflag:$0x1] =	stream.indirect_vreg.gather [hbm4b:s5+s3], $0x80, v4, vm0, $0xb8;
	[tilespmem:$0x18100] =	vst v63  }
0x269: {  	s14 =	simm.s32 $0xA900  }
0x26a: {  	[tilespmem:s14], [sflag:$0x1] =	stream.indirect_vreg.gather [hbm4b:s1+s3], $0x80, v3, vm0, $0xb8;
	[tilespmem:$0x18100] =	vst v63  }
0x26b: {  	s16 =	simm.s32 $0xB100  }
0x26c: {  	[tilespmem:s16], [sflag:$0x1] =	stream.indirect_vreg.gather [hbm4b:s4+s3], $0x80, v3, vm0, $0xb8;
	[tilespmem:$0x18100] =	vst v63  }
0x26d: {  	s17 =	simm.s32 $0xB900  }
0x26e: {  	[tilespmem:s17], [sflag:$0x1] =	stream.indirect_vreg.gather [hbm4b:s5+s3], $0x80, v3, vm0, $0xb8;
	[tilespmem:$0x18100] =	vst v63  }
0x26f: {  	_ =	swait.ge [sflag:s11], $0xC000  }
0x270: {  	[sflag:s11] =	ssyncset.done $0x0  }
0x271: {  	s25 =	rddreg [dreg:$0xf];
	[sflag:s11] =	ssyncadd.s32 $0xFFFF4000  }
0x272: {  	[hbm4b:s25+s3] =	stream.linear.scatter [tilespmem:s9], [sflag:$0x3], $0xC000, $0x38;
	[tilespmem:$0x18100] =	vst v63  }
0x273: {  	_ =	swait.ge [sflag:s7], $0xC000  }
0x274: {  	[sflag:s7] =	ssyncset.done $0x0  }
0x275: {  	s0 =	simm.s32 $0x80;
	s26 =	rddreg [dreg:$0x10];
	[sflag:s7] =	ssyncadd.s32 $0xFFFF4000  }
0x276: {  	[tilespmem:s0], [sflag:$0x3] =	stream.linear.gather [hbm4b:s26+s3], $0x40, $0x38;
	[tilespmem:$0x18100] =	vst v63  }
0x277: {  	_ =	swait.ge [sflag:s7], $0x40  }
0x278: {  	[sflag:s7] =	ssyncset.done $0x0  }
0x279: {  	[sflag:s7] =	ssyncadd.s32 $0xFFFFFFC0  }
0x27a: {  	v3 =	vld [tilespmem:$0x80];
	_ =	sdelay $0x4  }
0x27b: {  	v60 =	vshrl.u32 v3, $0x3  }
0x27c: {  	v4 =	vmul.u32 $0x30, v60  }
0x27d: {  	v3 =	vand.u32 $0x7, v3  }
0x27e: {  	v3 =	vor.u32 v3, v4  }
0x27f: {  	v4 =	vperm.xlane v3, v0;
	_ =	sdelay $0x1  }
0x280: {  	v4 =	vadd.s32 v1, v4;
	_ =	sdelay $0x3  }
0x281: {  	v3 =	vperm.xlane v3, v2  }
0x282: {  	[tilespmem:s9], [sflag:$0x2] =	stream.indirect_vreg.gather [hbm4b:s1+s3], $0x80, v4, vm0, $0xb8;
	[tilespmem:$0x18100] =	vst v63  }
0x283: {  	s28 =	simm.s32 $0xC900;
	v3 =	vadd.s32 v1, v3  }
0x284: {  	[tilespmem:s28], [sflag:$0x2] =	stream.indirect_vreg.gather [hbm4b:s4+s3], $0x80, v4, vm0, $0xb8;
	[tilespmem:$0x18100] =	vst v63  }
0x285: {  	s31 =	simm.s32 $0xD100  }
0x286: {  	[tilespmem:s31], [sflag:$0x2] =	stream.indirect_vreg.gather [hbm4b:s5+s3], $0x80, v4, vm0, $0xb8;
	[tilespmem:$0x18100] =	vst v63  }
0x287: {  	s29 =	simm.s32 $0xD900  }
0x288: {  	[tilespmem:s29], [sflag:$0x2] =	stream.indirect_vreg.gather [hbm4b:s1+s3], $0x80, v3, vm0, $0xb8;
	[tilespmem:$0x18100] =	vst v63  }
0x289: {  	s30 =	simm.s32 $0xE100  }
0x28a: {  	[tilespmem:s30], [sflag:$0x2] =	stream.indirect_vreg.gather [hbm4b:s4+s3], $0x80, v3, vm0, $0xb8;
	[tilespmem:$0x18100] =	vst v63  }
0x28b: {  	s31 =	simm.s32 $0xE900  }
0x28c: {  	[tilespmem:s31], [sflag:$0x2] =	stream.indirect_vreg.gather [hbm4b:s5+s3], $0x80, v3, vm0, $0xb8;
	[tilespmem:$0x18100] =	vst v63  }
0x28d: {  	v3 =	vld [tilespmem:$0x90];
	_ =	sdelay $0x4  }
0x28e: {  	v61 =	vshrl.u32 v3, $0x3  }
0x28f: {  	v4 =	vmul.u32 $0x30, v61  }
0x290: {  	v3 =	vand.u32 $0x7, v3  }
0x291: {  	v3 =	vor.u32 v3, v4  }
0x292: {  	v4 =	vperm.xlane v3, v0;
	_ =	sdelay $0x1  }
0x293: {  	v4 =	vadd.s32 v1, v4;
	_ =	sdelay $0x3  }
0x294: {  	s2 =	simm.s32 $0xF100;
	v3 =	vperm.xlane v3, v2  }
0x295: {  	[tilespmem:s2], [sflag:$0x2] =	stream.indirect_vreg.gather [hbm4b:s1+s3], $0x80, v4, vm0, $0xb8;
	[tilespmem:$0x18100] =	vst v63  }
0x296: {  	s8 =	simm.s32 $0xF900;
	v3 =	vadd.s32 v1, v3  }
0x297: {  	[tilespmem:s8], [sflag:$0x2] =	stream.indirect_vreg.gather [hbm4b:s4+s3], $0x80, v4, vm0, $0xb8;
	[tilespmem:$0x18100] =	vst v63  }
0x298: {  	s12 =	simm.s32 $0x10100  }
0x299: {  	[tilespmem:s12], [sflag:$0x2] =	stream.indirect_vreg.gather [hbm4b:s5+s3], $0x80, v4, vm0, $0xb8;
	[tilespmem:$0x18100] =	vst v63  }
0x29a: {  	s13 =	simm.s32 $0x10900  }
0x29b: {  	[tilespmem:s13], [sflag:$0x2] =	stream.indirect_vreg.gather [hbm4b:s1+s3], $0x80, v3, vm0, $0xb8;
	[tilespmem:$0x18100] =	vst v63  }
0x29c: {  	s14 =	simm.s32 $0x11100  }
0x29d: {  	[tilespmem:s14], [sflag:$0x2] =	stream.indirect_vreg.gather [hbm4b:s4+s3], $0x80, v3, vm0, $0xb8;
	[tilespmem:$0x18100] =	vst v63  }
0x29e: {  	s15 =	simm.s32 $0x11900  }
0x29f: {  	[tilespmem:s15], [sflag:$0x2] =	stream.indirect_vreg.gather [hbm4b:s5+s3], $0x80, v3, vm0, $0xb8;
	[tilespmem:$0x18100] =	vst v63  }
0x2a0: {  	v3 =	vld [tilespmem:$0xA0];
	_ =	sdelay $0x4  }
0x2a1: {  	v62 =	vshrl.u32 v3, $0x3  }
0x2a2: {  	v4 =	vmul.u32 $0x30, v62  }
0x2a3: {  	v3 =	vand.u32 $0x7, v3  }
0x2a4: {  	v3 =	vor.u32 v3, v4  }
0x2a5: {  	v4 =	vperm.xlane v3, v0;
	_ =	sdelay $0x1  }
0x2a6: {  	v4 =	vadd.s32 v1, v4;
	_ =	sdelay $0x3  }
0x2a7: {  	s16 =	simm.s32 $0x12100;
	v3 =	vperm.xlane v3, v2  }
0x2a8: {  	[tilespmem:s16], [sflag:$0x2] =	stream.indirect_vreg.gather [hbm4b:s1+s3], $0x80, v4, vm0, $0xb8;
	[tilespmem:$0x18100] =	vst v63  }
0x2a9: {  	s17 =	simm.s32 $0x12900;
	v3 =	vadd.s32 v1, v3  }
0x2aa: {  	[tilespmem:s17], [sflag:$0x2] =	stream.indirect_vreg.gather [hbm4b:s4+s3], $0x80, v4, vm0, $0xb8;
	[tilespmem:$0x18100] =	vst v63  }
0x2ab: {  	s19 =	simm.s32 $0x13100  }
0x2ac: {  	[tilespmem:s19], [sflag:$0x2] =	stream.indirect_vreg.gather [hbm4b:s5+s3], $0x80, v4, vm0, $0xb8;
	[tilespmem:$0x18100] =	vst v63  }
0x2ad: {  	s20 =	simm.s32 $0x13900  }
0x2ae: {  	[tilespmem:s20], [sflag:$0x2] =	stream.indirect_vreg.gather [hbm4b:s1+s3], $0x80, v3, vm0, $0xb8;
	[tilespmem:$0x18100] =	vst v63  }
0x2af: {  	s21 =	simm.s32 $0x14100  }
0x2b0: {  	[tilespmem:s21], [sflag:$0x2] =	stream.indirect_vreg.gather [hbm4b:s4+s3], $0x80, v3, vm0, $0xb8;
	[tilespmem:$0x18100] =	vst v63  }
0x2b1: {  	s22 =	simm.s32 $0x14900  }
0x2b2: {  	[tilespmem:s22], [sflag:$0x2] =	stream.indirect_vreg.gather [hbm4b:s5+s3], $0x80, v3, vm0, $0xb8;
	[tilespmem:$0x18100] =	vst v63  }
0x2b3: {  	v3 =	vld [tilespmem:$0xB0];
	_ =	sdelay $0x4  }
0x2b4: {  	v63 =	vshrl.u32 v3, $0x3  }
0x2b5: {  	v4 =	vmul.u32 $0x30, v63  }
0x2b6: {  	v3 =	vand.u32 $0x7, v3  }
0x2b7: {  	v3 =	vor.u32 v3, v4  }
0x2b8: {  	v4 =	vperm.xlane v3, v0;
	_ =	sdelay $0x1  }
0x2b9: {  	v4 =	vadd.s32 v1, v4;
	_ =	sdelay $0x3  }
0x2ba: {  	s23 =	simm.s32 $0x15100;
	v3 =	vperm.xlane v3, v2  }
0x2bb: {  	[tilespmem:s23], [sflag:$0x2] =	stream.indirect_vreg.gather [hbm4b:s1+s3], $0x80, v4, vm0, $0xb8;
	[tilespmem:$0x18100] =	vst v63  }
0x2bc: {  	s24 =	simm.s32 $0x15900;
	v3 =	vadd.s32 v1, v3  }
0x2bd: {  	[tilespmem:s24], [sflag:$0x2] =	stream.indirect_vreg.gather [hbm4b:s4+s3], $0x80, v4, vm0, $0xb8;
	[tilespmem:$0x18100] =	vst v63  }
0x2be: {  	s25 =	simm.s32 $0x16100  }
0x2bf: {  	[tilespmem:s25], [sflag:$0x2] =	stream.indirect_vreg.gather [hbm4b:s5+s3], $0x80, v4, vm0, $0xb8;
	[tilespmem:$0x18100] =	vst v63  }
0x2c0: {  	s26 =	simm.s32 $0x16900  }
0x2c1: {  	[tilespmem:s26], [sflag:$0x2] =	stream.indirect_vreg.gather [hbm4b:s1+s3], $0x80, v3, vm0, $0xb8;
	[tilespmem:$0x18100] =	vst v63  }
0x2c2: {  	s28 =	simm.s32 $0x17100  }
0x2c3: {  	[tilespmem:s28], [sflag:$0x2] =	stream.indirect_vreg.gather [hbm4b:s4+s3], $0x80, v3, vm0, $0xb8;
	[tilespmem:$0x18100] =	vst v63  }
0x2c4: {  	s29 =	simm.s32 $0x17900  }
0x2c5: {  	[tilespmem:s29], [sflag:$0x2] =	stream.indirect_vreg.gather [hbm4b:s5+s3], $0x80, v3, vm0, $0xb8;
	[tilespmem:$0x18100] =	vst v63  }
0x2c6: {  	_ =	swait.ge [sflag:s10], $0xC000  }
0x2c7: {  	[sflag:s10] =	ssyncset.done $0x0  }
0x2c8: {  	s30 =	rddreg [dreg:$0x11];
	[sflag:s10] =	ssyncadd.s32 $0xFFFF4000  }
0x2c9: {  	[hbm4b:s30+s3] =	stream.linear.scatter [tilespmem:s18], [sflag:$0x3], $0xC000, $0x38;
	[tilespmem:$0x18100] =	vst v63  }
0x2ca: {  	_ =	swait.ge [sflag:s7], $0xC000  }
0x2cb: {  	[sflag:s7] =	ssyncset.done $0x0  }
0x2cc: {  	[sflag:s7] =	ssyncadd.s32 $0xFFFF4000  }
0x2cd: {  	_ =	swait.ge [sflag:s11], $0xC000  }
0x2ce: {  	p0 =	sne.s32 s6, $0x1;
	[sflag:s11] =	ssyncset.done $0x0  }
.Ltmp0:
0x2cf: {  	s31 =	rddreg [dreg:$0x12];
	[sflag:s11] =	ssyncadd.s32 $0xFFFF4000;
	(pc) =	sbr.rel @p0 .LBB2_1-.Ltmp0, $4  }
0x2d0: {  	[hbm4b:s31+s3] =	stream.linear.scatter [tilespmem:s9], [sflag:$0x3], $0xC000, $0x38;
	[tilespmem:$0x18100] =	vst v63  }
0x2d1: {  	_ =	swait.ge [sflag:s7], $0xC000  }
0x2d2: {  	[sflag:s7] =	ssyncset.done $0x0  }
0x2d3: {  	s6 =	sadd.s32 $0xFFFFFFFF, s6;
	[sflag:s7] =	ssyncadd.s32 $0xFFFF4000  }
0x2d4: {  	_ =	sfence.sel $0x180000  }
0x2d5: {  	[bflag:$0x0] =	sbarrier.arrive $0xFFFF  }
0x2d6: {  	_ =	strace $0x90000050  }
0x2d7: {  	s0 =	stileid.u32;
	[bflag:$0x2] =	sbarrier.arrive $0xFFFF  }
0x2d8: {  	p0 =	sne.s32 s0, $0x0;
	s0 =	rddreg [dreg:$0x2]  }
0x2d9: {  	s0 =	sadd.s32 @!p0 $0x100000, s0  }
0x2da: {  	[sflag:s0] =	ssyncadd.tile.s32 @!p0 $0x1;
	_ =	shalt  }
.Lfunc_end2:
_tile_overlayer_lowered:
.L_overlay_start_2:
0x2db: {  	(tag) =	ssettag $0x2  }
0x2dc: {  	s0 =	rddreg [dreg:$0x0];
	s2 =	stileid.u32  }
0x2dd: {  	s1 =	rddreg [dreg:$0x1];
	p0 =	sne.s32 s2, $0x0  }
0x2de: {  	s3 =	rddreg [dreg:$0x2];
	[bflag:$0x3] =	sbarrier.arrive $0xFFFF;
	s2 =	simm.s32 @!p0 $0x1C03  }
0x2df: {  	[timem:s3], [sflag:s2] =	dma.local @!p0 [hbm:s0], s1  }
0x2e0: {  	s0 =	simm.s32 @!p0 $0x3  }
0x2e1: {  	_ =	swait.ge @!p0 [sflag:s0], s1  }
0x2e2: {  	s1 =	ssub.s32 @!p0 $0x0, s1;
	[sflag:s0] =	ssyncset.done @!p0 $0x0  }
0x2e3: {  	[sflag:s0] =	ssyncadd.s32 @!p0 s1  }
0x2e4: {  	[bflag:$0x3] =	sbarrier.arrive $0xFFFF  }
0x2e5: {  	_ =	shalt  }

// kernel: scatter_offload_async_start.1
scs
__scs_entry_jumppad:
0x0: {  	(pc) =	sbr.rel $0x88, $3  }
0x1: {  	(tag) =	ssettag $0x0;
	lr =	simm.s32 $0x1  }
0x2: {  	[smem:$0x3F92] =	sst lr;
	_ =	strace $0xD0000000  }
0x3: {  	_ = 	snop  }
0x4: {  	_ = 	snop  }
0x5: {  	_ = 	snop  }
0x6: {  	_ = 	snop  }
0x7: {  	_ = 	snop  }
__scs_overlays_trampoline_lowered:
0x8: {  	[smem:$0x3FA1] =	sst s0  }
0x9: {  	[smem:$0x3FA2] =	sst s1  }
0xa: {  	[smem:$0x3FA3] =	sst s2  }
0xb: {  	[smem:$0x3FA4] =	sst s3  }
0xc: {  	[smem:$0x3FA5] =	sst s4  }
0xd: {  	[smem:$0x3FA6] =	sst s5  }
0xe: {  	[smem:$0x3FA7] =	sst s6  }
0xf: {  	[smem:$0x3FA8] =	sst s7  }
0x10: {  	[smem:$0x3FA9] =	sst s8  }
0x11: {  	[smem:$0x3FAA] =	sst s9;
	s0 =	simm.s32 @!p0 $0x0  }
0x12: {  	s1 =	sld [smem:$0x3F90];
	s0 =	simm.s32 @p0 $0x1  }
0x13: {  	[smem:$0x3FAB] =	sst s0;
	s0 =	simm.s32 @!p1 $0x0  }
0x14: {  	s2 =	sld [smem:$0x3F8F];
	s0 =	simm.s32 @p1 $0x1  }
0x15: {  	[smem:$0x3FAC] =	sst s0;
	s0 =	simm.s32 @!p2 $0x0  }
0x16: {  	s3 =	sld [smem:$0x3FDB];
	s0 =	simm.s32 @p2 $0x1  }
0x17: {  	s4 =	simm.s32 $0x1BF5;
	[smem:$0x3FAE] =	sst s0  }
0x18: {  	s0 =	sld [smem:$0x3F91];
	_ =	swait.ge [sflag:s4], $0x0  }
0x19: {  	s7 =	sld [smem:$0x3F92]  }
0x1a: {  	s8 =	sadd.s32 $0xFFFFE003, lr  }
0x1b: {  	s9 =	sadd.s32 $0xFFFFFEF7, lr;
	s5 =	simm.s32 $0xFFFFFFFF;
	p2 =	slt.u32 s8, $0xFFFFF086  }
0x1c: {  	p1 =	slt.u32 s9, $0xF7A;
	s5 =	simm.s32 @!p2 $0x0  }
0x1d: {  	s5 =	simm.s32 @p1 $0x1;
	p0 =	seq.s32 s7, s2  }
0x1e: {  	s7 =	smul.u32 @!p0 $0xF7A, s2;
	p2 =	seq.s32 @!p0 s5, $0x0  }
0x1f: {  	s9 =	smul.u32 $0xF7A, s1;
	s8 =	simm.s32 @!p0 $0x1BF5;
	p2 =	por !p2, p0  }
0x20: {  	[sflag:s8] =	ssyncset.s32 @!p0 $0xFFFFF086;
	s6 =	sadd.s32 @!p0 s3, s7;
	s7 =	simm.s32 @!p0 $0x108  }
0x21: {  	s3 =	sadd.s32 s3, s9;
	s6 =	sadd.s32 @!p0 $0x88, s6;
	s7 =	simm.s32 @p2 $0x1082  }
0x22: {  	[simem:s7], [sflag:s8] =	dma.local @!p0 [hbm:s6], $0xF7A  }
0x23: {  	s9 =	sor.u32 $0xD0000000, s2;
	s6 =	simm.s32 $0x108;
	_ =	swait.ge @!p0 [sflag:s8], $0x0  }
0x24: {  	s3 =	sadd.s32 $0x88, s3;
	s6 =	simm.s32 @!p1 $0x1082;
	[sflag:s4] =	ssyncset.s32 $0xFFFFF086  }
0x25: {  	[simem:s6], [sflag:s4] =	dma.local [hbm:s3], $0xF7A  }
0x26: {  	[smem:$0x3F92] =	sst s1;
	(tag) =	ssettag s2;
	_ =	strace s9  }
0x27: {  	s1 =	sld [smem:$0x3FA2]  }
0x28: {  	s2 =	sld [smem:$0x3FA3]  }
0x29: {  	s4 =	sld [smem:$0x3FA5]  }
0x2a: {  	p0 =	seq.s32 s5, $0x0;
	s5 =	sld [smem:$0x3FA6]  }
0x2b: {  	s6 =	sld [smem:$0x3FA7]  }
0x2c: {  	s7 =	sld [smem:$0x3FA8]  }
0x2d: {  	s3 =	simm.s32 $0x108;
	s8 =	sld [smem:$0x3FA9]  }
0x2e: {  	s3 =	simm.s32 @!p0 $0x1082;
	s9 =	sld [smem:$0x3FAA]  }
0x2f: {  	lr =	sadd.s32 s0, s3;
	s0 =	sld [smem:$0x3FA1]  }
0x30: {  	s3 =	sld [smem:$0x3FA4]  }
0x31: {  	[smem:$0x3FAD] =	sst s10  }
0x32: {  	s10 =	sld [smem:$0x3FAB];
	_ =	sdelay $0x3  }
0x33: {  	p0 =	seq.s32 s10, $0x1;
	s10 =	sld [smem:$0x3FAD];
	_ =	sdelay $0x3  }
0x34: {  	[smem:$0x3FAD] =	sst s10  }
0x35: {  	s10 =	sld [smem:$0x3FAC];
	_ =	sdelay $0x3  }
0x36: {  	p1 =	seq.s32 s10, $0x1;
	s10 =	sld [smem:$0x3FAD];
	_ =	sdelay $0x3  }
0x37: {  	[smem:$0x3FAD] =	sst s10  }
0x38: {  	s10 =	sld [smem:$0x3FAE]  }
0x39: {  	_ = 	snop;
	(pc) =	sbr.ind lr, $3  }
0x3a: {  	_ = 	snop  }
0x3b: {  	_ = 	snop  }
0x3c: {  	p2 =	seq.s32 s10, $0x1;
	s10 =	sld [smem:$0x3FAD]  }
0x3d: {  	_ =	shalt  }
0x3e: {  	_ =	shalt  }
0x3f: {  	_ =	shalt  }
0x40: {  	_ =	shalt  }
0x41: {  	_ =	shalt  }
0x42: {  	_ =	shalt  }
0x43: {  	_ =	shalt  }
0x44: {  	_ =	shalt  }
0x45: {  	_ =	shalt  }
0x46: {  	_ =	shalt  }
0x47: {  	_ =	shalt  }
0x48: {  	_ =	shalt  }
0x49: {  	_ =	shalt  }
0x4a: {  	_ =	shalt  }
0x4b: {  	_ =	shalt  }
0x4c: {  	_ =	shalt  }
0x4d: {  	_ =	shalt  }
0x4e: {  	_ =	shalt  }
0x4f: {  	_ =	shalt  }
0x50: {  	_ =	shalt  }
0x51: {  	_ =	shalt  }
0x52: {  	_ =	shalt  }
0x53: {  	_ =	shalt  }
0x54: {  	_ =	shalt  }
0x55: {  	_ =	shalt  }
0x56: {  	_ =	shalt  }
0x57: {  	_ =	shalt  }
0x58: {  	_ =	shalt  }
0x59: {  	_ =	shalt  }
0x5a: {  	_ =	shalt  }
0x5b: {  	_ =	shalt  }
0x5c: {  	_ =	shalt  }
0x5d: {  	_ =	shalt  }
0x5e: {  	_ =	shalt  }
0x5f: {  	_ =	shalt  }
0x60: {  	_ =	shalt  }
0x61: {  	_ =	shalt  }
0x62: {  	_ =	shalt  }
0x63: {  	_ =	shalt  }
0x64: {  	_ =	shalt  }
0x65: {  	_ =	shalt  }
0x66: {  	_ =	shalt  }
0x67: {  	_ =	shalt  }
0x68: {  	_ =	shalt  }
0x69: {  	_ =	shalt  }
0x6a: {  	_ =	shalt  }
0x6b: {  	_ =	shalt  }
0x6c: {  	_ =	shalt  }
0x6d: {  	_ =	shalt  }
0x6e: {  	_ =	shalt  }
0x6f: {  	_ =	shalt  }
0x70: {  	_ =	shalt  }
0x71: {  	_ =	shalt  }
0x72: {  	_ =	shalt  }
0x73: {  	_ =	shalt  }
0x74: {  	_ =	shalt  }
0x75: {  	_ =	shalt  }
0x76: {  	_ =	shalt  }
0x77: {  	_ =	shalt  }
0x78: {  	_ =	shalt  }
0x79: {  	_ =	shalt  }
0x7a: {  	_ =	shalt  }
0x7b: {  	_ =	shalt  }
0x7c: {  	_ =	shalt  }
0x7d: {  	_ =	shalt  }
0x7e: {  	_ =	shalt  }
0x7f: {  	_ =	shalt  }
0x80: {  	_ =	shalt  }
0x81: {  	_ =	shalt  }
0x82: {  	_ =	shalt  }
0x83: {  	_ =	shalt  }
0x84: {  	_ =	shalt  }
0x85: {  	_ =	shalt  }
0x86: {  	_ =	shalt  }
0x87: {  	_ =	shalt  }
.Lfunc_end0:
.L_simem_size_0:
called_computation.1_lowered:
.L_overlay_start_0:
0x88: {  	s0 =	sld [smem:$0x3FD9]  }
0x89: {  	s1 =	sld [smem:$0x3FFE];
	_ =	sdelay $0x3  }
0x8a: {  	s0 =	sadd.s32 s1, s0  }
0x8b: {  	[smem:$0x3FB9] =	sst s0  }
0x8c: {  	_ = 	snop  }
0x8d: {  	(tm) =	ssettm $0x1  }
0x8e: {  	s15 =	sld [smem:$0x3FFB];
	_ =	sdelay $0x3  }
0x8f: {  	_ =	strace s15  }
0x90: {  	s0 =	sld [smem:$0x3FFC];
	_ =	sdelay $0x3  }
0x91: {  	_ =	strace s0  }
0x92: {  	s0 =	sld [smem:$0x3FFD];
	_ =	sdelay $0x3  }
0x93: {  	_ =	strace s0  }
0x94: {  	_ =	strace $0x8FFFFFFF  }
0x95: {  	s16 =	sld [smem:$0x3FDB];
	_ =	sdelay $0x1  }
0x96: {  	s17 =	simm.s32 $_scs_section_size  }
0x97: {  	s2 =	simm.s32 $_size__tile_overlayer_lowered;
	s3 =	simm.s32 $_tile_overlayer_lowered  }
0x98: {  	s20 =	simm.s32 $0x1BFF;
	s19 =	sshll.u32 s3, $0x1;
	s0 =	sadd.s32 s17, s16  }
0x99: {  	s4 =	simm.s32 $0x0;
	s18 =	sshll.u32 s2, $0x1;
	s2 =	sadd.s32 s19, s0  }
0x9a: {  	[timem:s4], [sflag:s20] =	dma.local [hbm:s2], s18  }
0x9b: {  	_ =	swait.ge [sflag:s20], s18  }
0x9c: {  	s1 =	ssub.s32 $0x0, s18;
	[sflag:s20] =	ssyncset.done $0x0  }
0x9d: {  	[sflag:s20] =	ssyncadd.s32 s1;
	_ =	sdelay $0x1  }
0x9e: {  	s21 =	simm.s32 $0x1B8B  }
0x9f: {  	_ =	swait.ge [sflag:s21], $0x1  }
0xa0: {  	[sflag:s21] =	ssyncset.done $0x0  }
0xa1: {  	s23 =	simm.s32 $0x1B8E;
	s22 =	sld [smem:$0x3FFE];
	[sflag:s21] =	ssyncadd.s32 $0xFFFFFFFF  }
0xa2: {  	s24 =	simm.s32 $execute0_lowered;
	[smem:$0x3FD2] =	sst s23  }
0xa3: {  	s2 =	sshll.u32 s24, $0x1;
	_ =	strace $0x8000004C;
	[dreg:$0x1] =	wrdreg $0xFFFFFFFF  }
0xa4: {  	s25 =	simm.s32 $_size_execute0_lowered;
	s0 =	sadd.s32 s0, s2;
	[dreg:$0x0] =	wrdreg $0x0  }
0xa5: {  	s2 =	sshll.u32 s25, $0x1;
	[dreg:$0x2] =	wrdreg s0  }
0xa6: {  	[dreg:$0x3] =	wrdreg s2  }
0xa7: {  	[dreg:$0x4] =	wrdreg $0xC0  }
0xa8: {  	_ =	task [dreg:s4], $0x5FFFF  }
0xa9: {  	[dreg:$0x1] =	wrdreg $0xFFFFFFFF  }
0xaa: {  	[dreg:$0x0] =	wrdreg $0x60  }
0xab: {  	[dreg:$0x2] =	wrdreg s22  }
0xac: {  	[dreg:$0x3] =	wrdreg $0x9  }
0xad: {  	_ =	task.clear_ibuf [dreg:s4], $0x4FFFF;
	_ =	strace $0x9000004C  }
0xae: {  	s26 =	simm.s32 $0x9;
	_ =	strace $0x8000004E  }
0xaf: {  	_ =	swait.ge [sflag:s26], $0x1  }
0xb0: {  	[sflag:s26] =	ssyncadd.s32 $0xFFFFFFFF  }
0xb1: {  	_ =	strace $0x9000004E  }
0xb2: {  	_ =	sfence  }
0xb3: {  	s28 =	sld [smem:$0x0];
	_ =	sdelay $0x1  }
0xb4: {  	s29 =	srdreg.scid  }
0xb5: {  	s30 =	sshll.u32 s29, $0xD;
	s31 =	sshrl.u32 s29, $0x2  }
0xb6: {  	s1 =	sand.u32 $0x1, s29;
	s2 =	sand.u32 $0x4000, s30;
	s0 =	sadd.s32 s31, s28  }
0xb7: {  	s1 =	sor.u32 s2, s1;
	s0 =	sshll.u32 s0, $0x11  }
0xb8: {  	s0 =	sor.u32 s0, s1  }
0xb9: {  	s0 =	sadd.s32 $0x8F2B, s0  }
0xba: {  	[sflag:s0] =	ssyncadd.remote.s32 $0x1  }
0xbb: {  	_ =	sfence.sel $0xFFFF  }
0xbc: {  	[dreg:$0x0] =	wrdreg $0xFFFFFFFF;
	(pc) =	sbr.abs _section_cstart, $3  }
0xbd: {  	[dreg:$0x1] =	wrdreg $0xFFFFFFFF  }
0xbe: {  	_ =	task.clear_ibuf [dreg:s4], $0x2FFFF;
	_ =	strace $0x9FFFFFFF  }
0xbf: {  	(tm) =	ssettm $0x7FFFFFFF  }
tec
execute0_lowered:
.L_overlay_start_1:
0x0: {  	(tag) =	ssettag $0x1  }
0x1: {  	s4 =	rddreg [dreg:$0x0]  }
0x2: {  	s0 =	rddreg [dreg:$0x1];
	_ =	strace $0x8000004D;
	s3 =	stileid.u32  }
0x3: {  	s6 =	simm.s32 $0x3E;
	s1 =	sadd.s32 $0x1A00, s4;
	p0 =	sne.s32 s3, $0x0  }
0x4: {  	[sflag:s6] =	ssyncpa.u1 $0x0;
	s31 =	smin.u32 s3, $0x4;
	p1 =	slt.u32 s3, $0x4  }
0x5: {  	s3 =	simm.s32 $0x10;
	s5 =	simm.s32 @!p0 $0x1C3E;
	s2 =	simm.s32 @!p0 $0x0  }
0x6: {  	[spmem:s2], [sflag:s5] =	dma.local @!p0 [hbm:s1], $0x10  }
0x7: {  	s3 =	simm.s32 @!p1 $0x0;
	s5 =	sshll.u32 s31, $0x4  }
0x8: {  	s3 =	sadd.s32 s3, s5  }
0x9: {  	s9 =	smin.u32 s3, $0x40  }
0xa: {  	s8 =	ssub.s32 s9, s5  }
0xb: {  	p1 =	sgt.s32 s8, $0x0  }
0xc: {  	s7 =	simm.s32 @!p0 $0x3E;
	s8 =	simm.s32 @!p1 $0x0  }
0xd: {  	_ =	swait.ge @!p0 [sflag:s7], $0x10;
	s10 =	sshrl.u32 s8, $0x4  }
0xe: {  	[sflag:s7] =	ssyncset.done @!p0 $0x0;
	s11 =	sadd.s32 $0x1, s10  }
0xf: {  	p3 =	por $0x0, $0x0;
	[sflag:s7] =	ssyncadd.s32 @!p0 $0xFFFFFFF0;
	p1 =	sne.s32 s11, $0x1  }
.Ltmp0:
0x10: {  	s3 =	simm.s32 $0x1;
	[bflag:$0x0] =	sbarrier.arrive $0xFFFF;
	(pc) =	sbr.rel @!p1 .LBB2_1-.Ltmp0, $4  }
0x11: {  	s7 =	sadd.s32 $0x1800, s4;
	[sflag:s6] =	ssyncpa.u1 $0x1;
	s6 =	sadd.s32 $0x1C00, s4  }
0x12: {  	s4 =	simm.s32 $0x2;
	s8 =	simm.s32 $0x0;
	p2 =	sle.u32 s10, $0x0  }
0x13: {  	[sflag:s3] =	ssyncpa.u1 $0x0;
	(ifvalue) =	ssetifvalue $0x80;
	s12 =	sxor.u32 @!p2 $0xFFFFFFFF, s8  }
0x14: {  	[sflag:s4] =	ssyncpa.u1 $0x0;
	s15 =	sshrl.u32 @!p2 s5, $0x3;
	s16 =	sand.u32 @!p2 $0x10, s12  }
0x15: {  	s12 =	sadd.s32 @!p2 s7, s15  }
0x16: {  	s13 =	sor.u32 @!p2 $0x8, s16;
	s14 =	sand.u32 @!p2 $0x7, s5;
	p1 =	por $0x1, $0x1  }
0x17: {  	[tilespmem:s13], [sflag:$0x2] =	stream.linear.gather @!p2 [hbm4b:s12+s14], $0x10, $0x38;
	[tilespmem:$0x48] =	vst v63  }
0x18: {  	s15 =	sadd.s32 @!p2 s6, s15;
	s12 =	sor.u32 @!p2 $0x28, s16;
	s13 =	simm.s32 @!p1 $0x2  }
0x19: {  	[tilespmem:s12], [sflag:$0x2] =	stream.linear.gather @!p2 [hbm4b:s15+s14], $0x10, $0x38;
	[tilespmem:$0x48] =	vst v63  }
0x1a: {  	_ =	swait.ge @!p1 [sflag:s13], $0x20  }
0x1b: {  	s8 =	sand.u32 @!p1 $0x10, s8;
	[sflag:s13] =	ssyncset.done @!p1 $0x0  }
0x1c: {  	s12 =	sor.u32 @!p1 $0x8, s8;
	[sflag:s13] =	ssyncadd.s32 @!p1 $0xFFFFFFE0  }
0x1d: {  	v0 =	vld.msk @!p1 [tilespmem:s12+$0x0 ss:$0x1], $0xffff;
	_ =	sdelay $0x3  }
0x1e: {  	p4 =	sne.s32 s11, $0x2  }
.Ltmp1:
0x1f: {  	s18 =	simm.s32 @!p1 $0x0;
	s17 =	simm.s32 @!p1 $0x1;
	v0 =	vmin.u32 @!p1 v0, $0x80;
	(pc) =	sbr.rel @!p4 .LBB2_3-.Ltmp1, $4  }
0x20: {  	s15 =	sadd.s32 $0x10, s5;
	p2 =	sle.u32 s10, $0x1;
	s14 =	smov.u32 s5  }
0x21: {  	p3 =	slt.s32 s15, s9;
	s13 =	sor.u32 @!p1 $0x28, s8;
	s8 =	simm.s32 $0x10  }
0x22: {  	s14 =	smov.u32 @p3 s15;
	p3 =	por $0x1, $0x1;
	s16 =	sxor.u32 @!p2 $0xFFFFFFFF, s8  }
0x23: {  	vm0 =	vmmov @!p1 $0xffff;
	s15 =	sshrl.u32 @!p2 s14, $0x3;
	s12 =	simm.s32 $0x2;
	s16 =	sand.u32 @!p2 $0x10, s16  }
.LBB2_4:
0x24: {  	[spmem:s18] =	stream.indirect_vreg.scatter.add.s32 @!p1 [tilespmem:s13], [sflag:$0x1], $0x1, v0, vm0, $0x4038;
	[tilespmem:$0x48] =	vst v63  }
0x25: {  	s13 =	sadd.s32 @!p2 s7, s15;
	s18 =	sor.u32 @!p2 $0x8, s16;
	_ =	swait.ge @!p1 [sflag:s17], $0x10  }
0x26: {  	s19 =	smov.u32 s12;
	s12 =	sadd.s32 $0x1, s12;
	[sflag:s17] =	ssyncset.done @!p1 $0x0  }
0x27: {  	s20 =	sand.u32 @!p2 $0x7, s14;
	[sflag:s17] =	ssyncadd.s32 @!p1 $0xFFFFFFF0;
	p1 =	seq.s32 s8, $0x0  }
0x28: {  	[tilespmem:s18], [sflag:$0x2] =	stream.linear.gather @!p2 [hbm4b:s13+s20], $0x10, $0x38;
	[tilespmem:$0x48] =	vst v63  }
0x29: {  	s16 =	sor.u32 @!p2 $0x28, s16;
	s17 =	simm.s32 @!p1 $0x2;
	s13 =	sand.u32 @!p1 $0x10, s8  }
0x2a: {  	s15 =	sadd.s32 @!p2 s6, s15;
	s18 =	sor.u32 @!p1 $0x8, s13;
	s13 =	sor.u32 @!p1 $0x28, s13  }
0x2b: {  	[tilespmem:s16], [sflag:$0x2] =	stream.linear.gather @!p2 [hbm4b:s15+s20], $0x10, $0x38;
	[tilespmem:$0x48] =	vst v63  }
0x2c: {  	p4 =	sne.s32 s11, s12;
	_ =	swait.ge @!p1 [sflag:s17], $0x20  }
0x2d: {  	[sflag:s17] =	ssyncset.done @!p1 $0x0  }
0x2e: {  	[sflag:s17] =	ssyncadd.s32 @!p1 $0xFFFFFFE0  }
0x2f: {  	v0 =	vld.msk @!p1 [tilespmem:s18+$0x0 ss:$0x1], $0xffff;
	_ =	sdelay $0x5  }
.Ltmp2:
0x30: {  	s8 =	sadd.s32 $0x10, s8;
	v0 =	vmin.u32 @!p1 v0, $0x80;
	(pc) =	sbr.rel @p4 .LBB2_4-.Ltmp2, $4  }
0x31: {  	vm0 =	vmmov @!p1 $0xffff;
	s15 =	sadd.s32 $0x10, s14;
	p2 =	sge.u32 s19, s10;
	s18 =	simm.s32 @!p1 $0x0  }
0x32: {  	s14 =	smov.u32 s5;
	p5 =	slt.s32 s15, s9;
	s17 =	simm.s32 @!p1 $0x1  }
0x33: {  	s16 =	sxor.u32 @!p2 $0xFFFFFFFF, s8;
	s14 =	smov.u32 @p5 s15  }
0x34: {  	s16 =	sand.u32 @!p2 $0x10, s16;
	s15 =	sshrl.u32 @!p2 s14, $0x3  }
0x35: {  	s5 =	smov.u32 s14  }
.LBB2_6:
0x36: {  	_ =	sdelay $0x2  }
0x37: {  	p3 =	por p1, !p3  }
0x38: {  	[spmem:s18] =	stream.indirect_vreg.scatter.add.s32 @!p3 [tilespmem:s13], [sflag:$0x1], $0x1, v0, vm0, $0x4038;
	[tilespmem:$0x48] =	vst v63  }
0x39: {  	_ =	swait.ge @!p3 [sflag:s17], $0x10  }
0x3a: {  	s7 =	sadd.s32 @!p2 s7, s15;
	s9 =	sor.u32 @!p2 $0x8, s16;
	[sflag:s17] =	ssyncset.done @!p3 $0x0  }
0x3b: {  	s5 =	sand.u32 @!p2 $0x7, s5;
	p1 =	seq.s32 s8, $0x0;
	[sflag:s17] =	ssyncadd.s32 @!p3 $0xFFFFFFF0  }
0x3c: {  	[tilespmem:s9], [sflag:$0x2] =	stream.linear.gather @!p2 [hbm4b:s7+s5], $0x10, $0x38;
	[tilespmem:$0x48] =	vst v63  }
0x3d: {  	s6 =	sadd.s32 @!p2 s6, s15;
	s7 =	sor.u32 @!p2 $0x28, s16;
	s9 =	simm.s32 @!p1 $0x2  }
0x3e: {  	[tilespmem:s7], [sflag:$0x2] =	stream.linear.gather @!p2 [hbm4b:s6+s5], $0x10, $0x38;
	[tilespmem:$0x48] =	vst v63  }
0x3f: {  	_ =	swait.ge @!p1 [sflag:s9], $0x20  }
0x40: {  	s5 =	sand.u32 @!p1 $0x10, s8;
	[sflag:s9] =	ssyncset.done @!p1 $0x0  }
0x41: {  	s6 =	sor.u32 @!p1 $0x8, s5;
	[sflag:s9] =	ssyncadd.s32 @!p1 $0xFFFFFFE0  }
0x42: {  	v0 =	vld.msk @!p1 [tilespmem:s6+$0x0 ss:$0x1], $0xffff;
	_ =	sdelay $0x4  }
0x43: {  	v0 =	vmin.u32 @!p1 v0, $0x80;
	_ =	sdelay $0x3  }
0x44: {  	vm0 =	vmmov @!p1 $0xffff;
	s7 =	simm.s32 @!p1 $0x1;
	s5 =	sor.u32 @!p1 $0x28, s5;
	s6 =	simm.s32 @!p1 $0x0  }
0x45: {  	[spmem:s6] =	stream.indirect_vreg.scatter.add.s32 @!p1 [tilespmem:s5], [sflag:$0x1], $0x1, v0, vm0, $0x4038;
	[tilespmem:$0x48] =	vst v63  }
0x46: {  	_ =	swait.ge @!p1 [sflag:s7], $0x10  }
0x47: {  	[sflag:s7] =	ssyncset.done @!p1 $0x0  }
0x48: {  	[sflag:s7] =	ssyncadd.s32 @!p1 $0xFFFFFFF0  }
0x49: {  	_ =	sfence.sel $0x180000  }
0x4a: {  	[bflag:$0x0] =	sbarrier.arrive $0xFFFF  }
0x4b: {  	[sflag:s4] =	ssyncpa.u1 $0x1  }
0x4c: {  	[sflag:s3] =	ssyncpa.u1 $0x1  }
0x4d: {  	_ =	sfence.stream.spmem  }
0x4e: {  	s31 =	simm.s32 $0x3D;
	[bflag:$0x0] =	sbarrier.arrive $0xFFFF  }
0x4f: {  	s3 =	simm.s32 @p0 $0x3D;
	[sflag:s31] =	ssyncpa.u1 $0x0  }
0x50: {  	[sflag:s3] =	ssyncpa.u1 @p0 $0x1  }
0x51: {  	[bflag:$0x0] =	sbarrier.arrive @p0 $0xFFFF  }
0x52: {  	_ =	strace @p0 $0x9000004D  }
0x53: {  	s3 =	simm.s32 @!p0 $0x1C3D;
	[bflag:$0x2] =	sbarrier.arrive @p0 $0xFFFF  }
0x54: {  	[hbm:s1], [sflag:s3] =	dma.local @!p0 [spmem:s2], $0x10  }
0x55: {  	s1 =	simm.s32 @!p0 $0x3D  }
0x56: {  	_ =	swait.ge @!p0 [sflag:s1], $0x10  }
0x57: {  	[sflag:s1] =	ssyncset.done @!p0 $0x0  }
0x58: {  	[sflag:s1] =	ssyncadd.s32 @!p0 $0xFFFFFFF0  }
0x59: {  	[sflag:s1] =	ssyncpa.u1 @!p0 $0x1  }
0x5a: {  	[bflag:$0x0] =	sbarrier.arrive @!p0 $0xFFFF  }
0x5b: {  	_ =	strace @!p0 $0x9000004D  }
0x5c: {  	s0 =	sadd.s32 @!p0 $0x100000, s0;
	[bflag:$0x2] =	sbarrier.arrive @!p0 $0xFFFF  }
0x5d: {  	[sflag:s0] =	ssyncadd.tile.s32 @!p0 $0x1;
	_ =	shalt  }
.LBB2_1:
.Ltmp3:
0x5e: {  	(pc) =	sbr.rel .LBB2_6-.Ltmp3, $2  }
0x5f: {  	_ =	sdelay $0x2  }
0x60: {  	_ = 	snop  }
.LBB2_3:
.Ltmp4:
0x61: {  	(pc) =	sbr.rel .LBB2_6-.Ltmp4, $2  }
0x62: {  	_ =	sdelay $0x2  }
0x63: {  	s5 =	smov.u32 s14  }
.Lfunc_end2:
_tile_overlayer_lowered:
.L_overlay_start_2:
0x64: {  	(tag) =	ssettag $0x2  }
0x65: {  	s0 =	rddreg [dreg:$0x0];
	s2 =	stileid.u32  }
0x66: {  	s1 =	rddreg [dreg:$0x1];
	p0 =	sne.s32 s2, $0x0  }
0x67: {  	s3 =	rddreg [dreg:$0x2];
	[bflag:$0x3] =	sbarrier.arrive $0xFFFF;
	s2 =	simm.s32 @!p0 $0x1C01  }
0x68: {  	[timem:s3], [sflag:s2] =	dma.local @!p0 [hbm:s0], s1  }
0x69: {  	s0 =	simm.s32 @!p0 $0x1  }
0x6a: {  	_ =	swait.ge @!p0 [sflag:s0], s1  }
0x6b: {  	s1 =	ssub.s32 @!p0 $0x0, s1;
	[sflag:s0] =	ssyncset.done @!p0 $0x0  }
0x6c: {  	[sflag:s0] =	ssyncadd.s32 @!p0 s1  }
0x6d: {  	[bflag:$0x3] =	sbarrier.arrive $0xFFFF  }
0x6e: {  	_ =	shalt  }

// kernel: scatter_offload_async_start
scs
__scs_entry_jumppad:
0x0: {  	(pc) =	sbr.rel $0x88, $3  }
0x1: {  	(tag) =	ssettag $0x0;
	lr =	simm.s32 $0x1  }
0x2: {  	[smem:$0x3F92] =	sst lr;
	_ =	strace $0xD0000000  }
0x3: {  	_ = 	snop  }
0x4: {  	_ = 	snop  }
0x5: {  	_ = 	snop  }
0x6: {  	_ = 	snop  }
0x7: {  	_ = 	snop  }
__scs_overlays_trampoline_lowered:
0x8: {  	[smem:$0x3FA1] =	sst s0  }
0x9: {  	[smem:$0x3FA2] =	sst s1  }
0xa: {  	[smem:$0x3FA3] =	sst s2  }
0xb: {  	[smem:$0x3FA4] =	sst s3  }
0xc: {  	[smem:$0x3FA5] =	sst s4  }
0xd: {  	[smem:$0x3FA6] =	sst s5  }
0xe: {  	[smem:$0x3FA7] =	sst s6  }
0xf: {  	[smem:$0x3FA8] =	sst s7  }
0x10: {  	[smem:$0x3FA9] =	sst s8  }
0x11: {  	[smem:$0x3FAA] =	sst s9;
	s0 =	simm.s32 @!p0 $0x0  }
0x12: {  	s1 =	sld [smem:$0x3F90];
	s0 =	simm.s32 @p0 $0x1  }
0x13: {  	[smem:$0x3FAB] =	sst s0;
	s0 =	simm.s32 @!p1 $0x0  }
0x14: {  	s2 =	sld [smem:$0x3F8F];
	s0 =	simm.s32 @p1 $0x1  }
0x15: {  	[smem:$0x3FAC] =	sst s0;
	s0 =	simm.s32 @!p2 $0x0  }
0x16: {  	s3 =	sld [smem:$0x3FDB];
	s0 =	simm.s32 @p2 $0x1  }
0x17: {  	s4 =	simm.s32 $0x1BF5;
	[smem:$0x3FAE] =	sst s0  }
0x18: {  	s0 =	sld [smem:$0x3F91];
	_ =	swait.ge [sflag:s4], $0x0  }
0x19: {  	s7 =	sld [smem:$0x3F92]  }
0x1a: {  	s8 =	sadd.s32 $0xFFFFE003, lr  }
0x1b: {  	s9 =	sadd.s32 $0xFFFFFEF7, lr;
	s5 =	simm.s32 $0xFFFFFFFF;
	p2 =	slt.u32 s8, $0xFFFFF086  }
0x1c: {  	p1 =	slt.u32 s9, $0xF7A;
	s5 =	simm.s32 @!p2 $0x0  }
0x1d: {  	s5 =	simm.s32 @p1 $0x1;
	p0 =	seq.s32 s7, s2  }
0x1e: {  	s7 =	smul.u32 @!p0 $0xF7A, s2;
	p2 =	seq.s32 @!p0 s5, $0x0  }
0x1f: {  	s9 =	smul.u32 $0xF7A, s1;
	s8 =	simm.s32 @!p0 $0x1BF5;
	p2 =	por !p2, p0  }
0x20: {  	[sflag:s8] =	ssyncset.s32 @!p0 $0xFFFFF086;
	s6 =	sadd.s32 @!p0 s3, s7;
	s7 =	simm.s32 @!p0 $0x108  }
0x21: {  	s3 =	sadd.s32 s3, s9;
	s6 =	sadd.s32 @!p0 $0x88, s6;
	s7 =	simm.s32 @p2 $0x1082  }
0x22: {  	[simem:s7], [sflag:s8] =	dma.local @!p0 [hbm:s6], $0xF7A  }
0x23: {  	s9 =	sor.u32 $0xD0000000, s2;
	s6 =	simm.s32 $0x108;
	_ =	swait.ge @!p0 [sflag:s8], $0x0  }
0x24: {  	s3 =	sadd.s32 $0x88, s3;
	s6 =	simm.s32 @!p1 $0x1082;
	[sflag:s4] =	ssyncset.s32 $0xFFFFF086  }
0x25: {  	[simem:s6], [sflag:s4] =	dma.local [hbm:s3], $0xF7A  }
0x26: {  	[smem:$0x3F92] =	sst s1;
	(tag) =	ssettag s2;
	_ =	strace s9  }
0x27: {  	s1 =	sld [smem:$0x3FA2]  }
0x28: {  	s2 =	sld [smem:$0x3FA3]  }
0x29: {  	s4 =	sld [smem:$0x3FA5]  }
0x2a: {  	p0 =	seq.s32 s5, $0x0;
	s5 =	sld [smem:$0x3FA6]  }
0x2b: {  	s6 =	sld [smem:$0x3FA7]  }
0x2c: {  	s7 =	sld [smem:$0x3FA8]  }
0x2d: {  	s3 =	simm.s32 $0x108;
	s8 =	sld [smem:$0x3FA9]  }
0x2e: {  	s3 =	simm.s32 @!p0 $0x1082;
	s9 =	sld [smem:$0x3FAA]  }
0x2f: {  	lr =	sadd.s32 s0, s3;
	s0 =	sld [smem:$0x3FA1]  }
0x30: {  	s3 =	sld [smem:$0x3FA4]  }
0x31: {  	[smem:$0x3FAD] =	sst s10  }
0x32: {  	s10 =	sld [smem:$0x3FAB];
	_ =	sdelay $0x3  }
0x33: {  	p0 =	seq.s32 s10, $0x1;
	s10 =	sld [smem:$0x3FAD];
	_ =	sdelay $0x3  }
0x34: {  	[smem:$0x3FAD] =	sst s10  }
0x35: {  	s10 =	sld [smem:$0x3FAC];
	_ =	sdelay $0x3  }
0x36: {  	p1 =	seq.s32 s10, $0x1;
	s10 =	sld [smem:$0x3FAD];
	_ =	sdelay $0x3  }
0x37: {  	[smem:$0x3FAD] =	sst s10  }
0x38: {  	s10 =	sld [smem:$0x3FAE]  }
0x39: {  	_ = 	snop;
	(pc) =	sbr.ind lr, $3  }
0x3a: {  	_ = 	snop  }
0x3b: {  	_ = 	snop  }
0x3c: {  	p2 =	seq.s32 s10, $0x1;
	s10 =	sld [smem:$0x3FAD]  }
0x3d: {  	_ =	shalt  }
0x3e: {  	_ =	shalt  }
0x3f: {  	_ =	shalt  }
0x40: {  	_ =	shalt  }
0x41: {  	_ =	shalt  }
0x42: {  	_ =	shalt  }
0x43: {  	_ =	shalt  }
0x44: {  	_ =	shalt  }
0x45: {  	_ =	shalt  }
0x46: {  	_ =	shalt  }
0x47: {  	_ =	shalt  }
0x48: {  	_ =	shalt  }
0x49: {  	_ =	shalt  }
0x4a: {  	_ =	shalt  }
0x4b: {  	_ =	shalt  }
0x4c: {  	_ =	shalt  }
0x4d: {  	_ =	shalt  }
0x4e: {  	_ =	shalt  }
0x4f: {  	_ =	shalt  }
0x50: {  	_ =	shalt  }
0x51: {  	_ =	shalt  }
0x52: {  	_ =	shalt  }
0x53: {  	_ =	shalt  }
0x54: {  	_ =	shalt  }
0x55: {  	_ =	shalt  }
0x56: {  	_ =	shalt  }
0x57: {  	_ =	shalt  }
0x58: {  	_ =	shalt  }
0x59: {  	_ =	shalt  }
0x5a: {  	_ =	shalt  }
0x5b: {  	_ =	shalt  }
0x5c: {  	_ =	shalt  }
0x5d: {  	_ =	shalt  }
0x5e: {  	_ =	shalt  }
0x5f: {  	_ =	shalt  }
0x60: {  	_ =	shalt  }
0x61: {  	_ =	shalt  }
0x62: {  	_ =	shalt  }
0x63: {  	_ =	shalt  }
0x64: {  	_ =	shalt  }
0x65: {  	_ =	shalt  }
0x66: {  	_ =	shalt  }
0x67: {  	_ =	shalt  }
0x68: {  	_ =	shalt  }
0x69: {  	_ =	shalt  }
0x6a: {  	_ =	shalt  }
0x6b: {  	_ =	shalt  }
0x6c: {  	_ =	shalt  }
0x6d: {  	_ =	shalt  }
0x6e: {  	_ =	shalt  }
0x6f: {  	_ =	shalt  }
0x70: {  	_ =	shalt  }
0x71: {  	_ =	shalt  }
0x72: {  	_ =	shalt  }
0x73: {  	_ =	shalt  }
0x74: {  	_ =	shalt  }
0x75: {  	_ =	shalt  }
0x76: {  	_ =	shalt  }
0x77: {  	_ =	shalt  }
0x78: {  	_ =	shalt  }
0x79: {  	_ =	shalt  }
0x7a: {  	_ =	shalt  }
0x7b: {  	_ =	shalt  }
0x7c: {  	_ =	shalt  }
0x7d: {  	_ =	shalt  }
0x7e: {  	_ =	shalt  }
0x7f: {  	_ =	shalt  }
0x80: {  	_ =	shalt  }
0x81: {  	_ =	shalt  }
0x82: {  	_ =	shalt  }
0x83: {  	_ =	shalt  }
0x84: {  	_ =	shalt  }
0x85: {  	_ =	shalt  }
0x86: {  	_ =	shalt  }
0x87: {  	_ =	shalt  }
.Lfunc_end0:
.L_simem_size_0:
called_computation_lowered:
.L_overlay_start_0:
0x88: {  	s0 =	sld [smem:$0x3FD9]  }
0x89: {  	s1 =	sld [smem:$0x3FFE];
	_ =	sdelay $0x3  }
0x8a: {  	s0 =	sadd.s32 s1, s0  }
0x8b: {  	[smem:$0x3FB9] =	sst s0  }
0x8c: {  	_ = 	snop  }
0x8d: {  	s0 =	sld [smem:$0x3FD0];
	(tm) =	ssettm $0x1  }
0x8e: {  	s16 =	sld [smem:$0x3FFB];
	_ =	sdelay $0x3  }
0x8f: {  	_ =	strace s16  }
0x90: {  	s1 =	sld [smem:$0x3FFC];
	_ =	sdelay $0x3  }
0x91: {  	_ =	strace s1  }
0x92: {  	s1 =	sld [smem:$0x3FFD];
	_ =	sdelay $0x3  }
0x93: {  	_ =	strace s1  }
0x94: {  	_ =	strace $0x8FFFFFFF  }
0x95: {  	s17 =	sld [smem:$0x3FDB];
	_ =	sdelay $0x1  }
0x96: {  	s2 =	simm.s32 $_scs_section_size  }
0x97: {  	s3 =	simm.s32 $_size__tile_overlayer_lowered;
	s4 =	simm.s32 $_tile_overlayer_lowered  }
0x98: {  	s20 =	simm.s32 $0x1BFF;
	s19 =	sshll.u32 s4, $0x1;
	s1 =	sadd.s32 s2, s17  }
0x99: {  	s5 =	simm.s32 $0x0;
	s18 =	sshll.u32 s3, $0x1;
	s3 =	sadd.s32 s19, s1  }
0x9a: {  	[timem:s5], [sflag:s20] =	dma.local [hbm:s3], s18  }
0x9b: {  	_ =	swait.ge [sflag:s20], s18  }
0x9c: {  	s2 =	ssub.s32 $0x0, s18;
	[sflag:s20] =	ssyncset.done $0x0  }
0x9d: {  	[sflag:s20] =	ssyncadd.s32 s2;
	_ =	sdelay $0x1  }
0x9e: {  	s21 =	simm.s32 $0x1B8B  }
0x9f: {  	_ =	swait.ge [sflag:s21], $0x1  }
0xa0: {  	[sflag:s21] =	ssyncset.done $0x0  }
0xa1: {  	s23 =	simm.s32 $0x1B8E;
	s22 =	sld [smem:$0x3FFE];
	[sflag:s21] =	ssyncadd.s32 $0xFFFFFFFF  }
0xa2: {  	s24 =	simm.s32 $execute0_lowered;
	[smem:$0x3FD2] =	sst s23  }
0xa3: {  	s3 =	sshll.u32 s24, $0x1;
	_ =	strace $0x80000046;
	[dreg:$0x1] =	wrdreg $0xFFFFFFFF  }
0xa4: {  	s25 =	simm.s32 $_size_execute0_lowered;
	s1 =	sadd.s32 s1, s3;
	[dreg:$0x0] =	wrdreg $0x0  }
0xa5: {  	s3 =	sshll.u32 s25, $0x1;
	[dreg:$0x2] =	wrdreg s1  }
0xa6: {  	[dreg:$0x3] =	wrdreg s3  }
0xa7: {  	[dreg:$0x4] =	wrdreg $0xC0  }
0xa8: {  	_ =	task [dreg:s5], $0x5FFFF  }
0xa9: {  	[dreg:$0x1] =	wrdreg $0xFFFFFFFF  }
0xaa: {  	[dreg:$0x0] =	wrdreg $0x60  }
0xab: {  	[dreg:$0x2] =	wrdreg s22  }
0xac: {  	[dreg:$0x3] =	wrdreg s0  }
0xad: {  	[dreg:$0x4] =	wrdreg $0x9  }
0xae: {  	_ =	task.clear_ibuf [dreg:s5], $0x5FFFF;
	_ =	strace $0x90000046  }
0xaf: {  	s26 =	simm.s32 $0x9;
	_ =	strace $0x80000048  }
0xb0: {  	_ =	swait.ge [sflag:s26], $0x1  }
0xb1: {  	[sflag:s26] =	ssyncadd.s32 $0xFFFFFFFF  }
0xb2: {  	_ =	strace $0x90000048  }
0xb3: {  	_ =	sfence  }
0xb4: {  	s28 =	sld [smem:$0x0];
	_ =	sdelay $0x1  }
0xb5: {  	s29 =	srdreg.scid  }
0xb6: {  	s30 =	sshll.u32 s29, $0xD;
	s31 =	sshrl.u32 s29, $0x2  }
0xb7: {  	s2 =	sand.u32 $0x4000, s30;
	s1 =	sand.u32 $0x1, s29;
	s0 =	sadd.s32 s31, s28  }
0xb8: {  	s1 =	sor.u32 s2, s1;
	s0 =	sshll.u32 s0, $0x11  }
0xb9: {  	s0 =	sor.u32 s0, s1  }
0xba: {  	s0 =	sadd.s32 $0x8F2B, s0  }
0xbb: {  	[sflag:s0] =	ssyncadd.remote.s32 $0x1  }
0xbc: {  	_ =	sfence.sel $0xFFFF  }
0xbd: {  	[dreg:$0x0] =	wrdreg $0xFFFFFFFF;
	(pc) =	sbr.abs _section_cstart, $3  }
0xbe: {  	[dreg:$0x1] =	wrdreg $0xFFFFFFFF  }
0xbf: {  	_ =	task.clear_ibuf [dreg:s5], $0x2FFFF;
	_ =	strace $0x9FFFFFFF  }
0xc0: {  	(tm) =	ssettm $0x7FFFFFFF  }
0xc1: {  	_ =	shalt  }
tec
execute0_lowered:
.L_overlay_start_1:
0x0: {  	(tag) =	ssettag $0x1  }
0x1: {  	s2 =	rddreg [dreg:$0x0]  }
0x2: {  	s3 =	rddreg [dreg:$0x1]  }
0x3: {  	s0 =	rddreg [dreg:$0x2];
	_ =	strace $0x80000047;
	s4 =	stileid.u32  }
0x4: {  	s5 =	simm.s32 $0x3E;
	s1 =	sadd.s32 $0x2000, s2;
	p0 =	sne.s32 s4, $0x0  }
0x5: {  	[sflag:s5] =	ssyncpa.u1 $0x0;
	s6 =	simm.s32 @!p0 $0x1C3E;
	s7 =	simm.s32 @!p0 $0x0  }
0x6: {  	[spmem:s7], [sflag:s6] =	dma.local @!p0 [hbm:s1], $0x10  }
0x7: {  	s6 =	simm.s32 @!p0 $0x3E  }
0x8: {  	_ =	swait.ge @!p0 [sflag:s6], $0x10  }
0x9: {  	[sflag:s6] =	ssyncset.done @!p0 $0x0  }
0xa: {  	[sflag:s6] =	ssyncadd.s32 @!p0 $0xFFFFFFF0  }
0xb: {  	s28 =	simm.s32 $0x1;
	s29 =	simm.s32 $0x2;
	[bflag:$0x0] =	sbarrier.arrive $0xFFFF  }
0xc: {  	s31 =	simm.s32 $0x408;
	s30 =	sadd.s32 $0x1800, s2;
	[sflag:s5] =	ssyncpa.u1 $0x1  }
0xd: {  	s4 =	sshll.u32 s4, $0x7;
	s2 =	simm.s32 $0x0;
	[sflag:s28] =	ssyncpa.u1 $0x0  }
0xe: {  	s3 =	sadd.s32 s3, s4;
	(ifvalue) =	ssetifvalue $0x80;
	[sflag:s29] =	ssyncpa.u1 $0x0  }
0xf: {  	[tilespmem:s31], [sflag:$0x2] =	stream.linear.gather [hbm4b:s3+s2], $0x400, $0x38;
	[tilespmem:$0x1008] =	vst v63  }
0x10: {  	s4 =	sadd.s32 s30, s4;
	s3 =	simm.s32 $0xC08  }
0x11: {  	[tilespmem:s3], [sflag:$0x2] =	stream.linear.gather [hbm4b:s4+s2], $0x400, $0x38;
	[tilespmem:$0x1008] =	vst v63  }
0x12: {  	_ =	swait.ge [sflag:s29], $0x800  }
0x13: {  	[sflag:s29] =	ssyncset.done $0x0  }
0x14: {  	[sflag:s29] =	ssyncadd.s32 $0xFFFFF800  }
0x15: {  	v0 =	vld.msk [tilespmem:s31+$0x0 ss:$0x1], $0xffff;
	_ =	sdelay $0x4  }
0x16: {  	v0 =	vmin.u32 v0, $0x80;
	_ =	sdelay $0x3  }
0x17: {  	vm0 =	vmmov $0xffff;
	s5 =	simm.s32 $0x418;
	s4 =	simm.s32 $0x0  }
0x18: {  	[spmem:s2] =	stream.indirect_vreg.scatter.add.s32 [tilespmem:s3], [sflag:$0x1], $0x1, v0, vm0, $0x4038;
	[tilespmem:$0x1008] =	vst v63  }
.LBB2_1:
0x19: {  	v0 =	vld.msk [tilespmem:s5+$0x0 ss:$0x1], $0xffff;
	s4 =	sadd.s32 $0x10, s4  }
0x1a: {  	p1 =	slt.u32 s4, $0x3F0;
	_ =	sdelay $0x4  }
0x1b: {  	v0 =	vmin.u32 v0, $0x80  }
.Ltmp0:
0x1c: {  	(pc) =	sbr.rel @p1 .LBB2_1-.Ltmp0, $3  }
0x1d: {  	_ =	sdelay $0x1  }
0x1e: {  	s5 =	sadd.s32 $0x10, s5;
	s3 =	sadd.s32 $0x10, s3  }
0x1f: {  	[spmem:s2] =	stream.indirect_vreg.scatter.add.s32 [tilespmem:s3], [sflag:$0x1], $0x1, v0, vm0, $0x4038;
	[tilespmem:$0x1008] =	vst v63  }
0x20: {  	s2 =	simm.s32 $0x1  }
0x21: {  	_ =	swait.ge [sflag:s2], $0x400  }
0x22: {  	[sflag:s2] =	ssyncset.done $0x0  }
0x23: {  	[sflag:s2] =	ssyncadd.s32 $0xFFFFFC00  }
0x24: {  	_ =	sfence.sel $0x180000  }
0x25: {  	s3 =	simm.s32 $0x2;
	[bflag:$0x0] =	sbarrier.arrive $0xFFFF  }
0x26: {  	[sflag:s3] =	ssyncpa.u1 $0x1  }
0x27: {  	[sflag:s2] =	ssyncpa.u1 $0x1  }
0x28: {  	_ =	sfence.stream.spmem  }
0x29: {  	s31 =	simm.s32 $0x3D;
	[bflag:$0x0] =	sbarrier.arrive $0xFFFF  }
0x2a: {  	s2 =	simm.s32 @p0 $0x3D;
	[sflag:s31] =	ssyncpa.u1 $0x0  }
0x2b: {  	[sflag:s2] =	ssyncpa.u1 @p0 $0x1  }
0x2c: {  	[bflag:$0x0] =	sbarrier.arrive @p0 $0xFFFF  }
0x2d: {  	_ =	strace @p0 $0x90000047  }
0x2e: {  	s3 =	simm.s32 @!p0 $0x1C3D;
	s2 =	simm.s32 @!p0 $0x0;
	[bflag:$0x2] =	sbarrier.arrive @p0 $0xFFFF  }
0x2f: {  	[hbm:s1], [sflag:s3] =	dma.local @!p0 [spmem:s2], $0x10  }
0x30: {  	s1 =	simm.s32 @!p0 $0x3D  }
0x31: {  	_ =	swait.ge @!p0 [sflag:s1], $0x10  }
0x32: {  	[sflag:s1] =	ssyncset.done @!p0 $0x0  }
0x33: {  	[sflag:s1] =	ssyncadd.s32 @!p0 $0xFFFFFFF0  }
0x34: {  	[sflag:s1] =	ssyncpa.u1 @!p0 $0x1  }
0x35: {  	[bflag:$0x0] =	sbarrier.arrive @!p0 $0xFFFF  }
0x36: {  	_ =	strace @!p0 $0x90000047  }
0x37: {  	s0 =	sadd.s32 @!p0 $0x100000, s0;
	[bflag:$0x2] =	sbarrier.arrive @!p0 $0xFFFF  }
0x38: {  	[sflag:s0] =	ssyncadd.tile.s32 @!p0 $0x1;
	_ =	shalt  }
.Lfunc_end2:
_tile_overlayer_lowered:
.L_overlay_start_2:
0x39: {  	(tag) =	ssettag $0x2  }
0x3a: {  	s0 =	rddreg [dreg:$0x0];
	s2 =	stileid.u32  }
0x3b: {  	s1 =	rddreg [dreg:$0x1];
	p0 =	sne.s32 s2, $0x0  }
0x3c: {  	s3 =	rddreg [dreg:$0x2];
	[bflag:$0x3] =	sbarrier.arrive $0xFFFF;
	s2 =	simm.s32 @!p0 $0x1C01  }
0x3d: {  	[timem:s3], [sflag:s2] =	dma.local @!p0 [hbm:s0], s1  }
0x3e: {  	s0 =	simm.s32 @!p0 $0x1  }
0x3f: {  	_ =	swait.ge @!p0 [sflag:s0], s1  }
0x40: {  	s1 =	ssub.s32 @!p0 $0x0, s1;
	[sflag:s0] =	ssyncset.done @!p0 $0x0  }
0x41: {  	[sflag:s0] =	ssyncadd.s32 @!p0 s1  }
0x42: {  	[bflag:$0x3] =	sbarrier.arrive $0xFFFF  }
0x43: {  	_ =	shalt  }

</sc_bundles>
